<compile_context>
chip_gen: v7x
topology: tpu7x:2x2x1
jax: 0.10.2.dev20260603
libtpu: 0.0.44.dev20260713+nightly
codegen_flags: <defaults>
</compile_context>

<pallas_src>
import functools

import jax
import jax.numpy as jnp
from jax import lax
from jax.experimental import pallas as pl
from jax.experimental.pallas import tpu as pltpu
from jax.experimental.pallas import tpu_sc as plsc

B = 2
N = 16384
D = 512
H = 8
P = 8
DH = 64
HS = 128
LQ = 2 * H * P


MA = 512


def _geom_body(q_ref, ref_ref, woff_ref, boff_ref, wattn2_ref, battn2_ref,
               p0_ref, p1_ref):
    q = q_ref[...]
    lo = jnp.dot(q, woff_ref[...], preferred_element_type=jnp.float32) + boff_ref[...]
    la = jnp.dot(q, wattn2_ref[...], preferred_element_type=jnp.float32) + battn2_ref[...]
    m = jnp.max(la, axis=-1, keepdims=True)
    e = jnp.exp(la - m)
    r128 = lax.broadcasted_iota(jnp.int32, (LQ, LQ), 0) // 16
    c128 = lax.broadcasted_iota(jnp.int32, (LQ, LQ), 1) // 16
    S = jnp.where(r128 == c128, 0.5, 0.0).astype(jnp.float32)
    attn = e / jnp.dot(e, S, preferred_element_type=jnp.float32)

    lane = lax.broadcasted_iota(jnp.int32, (MA, LQ), 1)
    is_x = (lane % 2) == 0
    refsel = jnp.where(is_x, ref_ref[:, 0:1], ref_ref[:, 1:2])
    loc = jnp.clip(refsel + lo * (1.0 / HS), 0.0, 1.0)
    g = loc * HS - 0.5
    f = jnp.floor(g)
    t = g - f
    fi = f.astype(jnp.int32)
    c0 = jnp.maximum(fi, 0)
    c1 = jnp.minimum(fi + 1, HS - 1)
    wt0 = jnp.where(fi >= 0, 1.0 - t, 0.0)
    wt1 = jnp.where(fi + 1 <= HS - 1, t, 0.0)

    X = jnp.where(is_x, c0, jnp.roll(c1, 1, axis=1))
    Xw = jnp.where(is_x, wt0, jnp.roll(wt1, 1, axis=1))
    for a, (yc, yw), p_ref in (
        (0, (c0, wt0), p0_ref),
        (1, (c1, wt1), p1_ref),
    ):
        Y = jnp.where(is_x, jnp.roll(yc, -1, axis=1), yc)
        Yw = jnp.where(is_x, jnp.roll(yw, -1, axis=1), yw)
        wu = lax.bitcast_convert_type(
            (attn * Xw * Yw).astype(jnp.bfloat16), jnp.uint16)
        p_ref[...] = (Y * HS + X) | (wu.astype(jnp.int32) << 16)


def _geometry(query2d, ref2d, W_off, b_off, W_attn2, b_attn2):
    grid = (B * N // MA,)
    return pl.pallas_call(
        _geom_body,
        grid=grid,
        in_specs=[
            pl.BlockSpec((MA, D), lambda i: (i, 0)),
            pl.BlockSpec((MA, 2), lambda i: (i, 0)),
            pl.BlockSpec((D, LQ), lambda i: (0, 0)),
            pl.BlockSpec((1, LQ), lambda i: (0, 0)),
            pl.BlockSpec((D, LQ), lambda i: (0, 0)),
            pl.BlockSpec((1, LQ), lambda i: (0, 0)),
        ],
        out_specs=[
            pl.BlockSpec((MA, LQ), lambda i: (i, 0)),
            pl.BlockSpec((MA, LQ), lambda i: (i, 0)),
        ],
        out_shape=[
            jax.ShapeDtypeStruct((B * N, LQ), jnp.int32),
            jax.ShapeDtypeStruct((B * N, LQ), jnp.int32),
        ],
    )(query2d, ref2d, W_off, b_off, W_attn2, b_attn2)



MB = 512



NC = 2
NS = 16
NW = NC * NS
QPW = B * N // NW
CHUNK = 64
NCH = QPW // CHUNK
RING = 4


def _sc_body(table, p0, p1, out,
             p0_v, p1_v, idx0_v, idx1_v, w0_v, w1_v, base_v, rows, out_v,
             *sems):
    wid = lax.axis_index("s") * NC + lax.axis_index("c")
    qbase_w = wid * QPW
    b = qbase_w // N
    for hh in range(H):
        base_v[pl.ds(hh * 16, 16)] = jnp.full(
            (16,), b * N * H + hh, jnp.int32)

    def copies(sl, ql):
        return (
            pltpu.make_async_copy(table.at[idx0_v.at[ql]],
                                  rows.at[sl, pl.ds(0, LQ)], sems[sl]),
            pltpu.make_async_copy(table.at[idx1_v.at[ql]],
                                  rows.at[sl, pl.ds(LQ, LQ)], sems[sl]),
        )

    def chunk_body(ci, _):
        qb = qbase_w + ci * CHUNK
        pltpu.sync_copy(p0.at[pl.ds(qb, CHUNK)], p0_v)
        pltpu.sync_copy(p1.at[pl.ds(qb, CHUNK)], p1_v)

        def prep_body(qi, _):
            for pv, iv, wv in ((p0_v, idx0_v, w0_v), (p1_v, idx1_v, w1_v)):
                for g in range(LQ // 16):
                    v = pv[qi, pl.ds(g * 16, 16)]
                    iv[qi, pl.ds(g * 16, 16)] = (
                        ((v & jnp.int32(0x3FFF)) << 3)
                        + base_v[pl.ds(g * 16, 16)])
                    wv[pl.ds(qi * LQ + g * 16, 16)] = plsc.bitcast(
                        v & jnp.int32(-65536), jnp.float32)
            return 0

        lax.fori_loop(0, CHUNK, prep_body, 0)

        for sl in range(3):
            for c in copies(sl, sl):
                c.start()

        def group_body(g, _):
            for sl in range(RING):
                ql = g * RING + sl

                @pl.when(ql + 3 < CHUNK)
                def _():
                    for c in copies((sl + 3) % RING, ql + 3):
                        c.start()

                for c in copies(sl, ql):
                    c.wait()

                def head_body(h, _):
                    prods = [[], []]
                    for a, wref in ((0, w0_v), (1, w1_v)):
                        wv16 = wref[pl.ds(ql * LQ + h * 16, 16)]
                        for l in range(16):
                            r = a * LQ + h * 16 + l
                            wf = jnp.full((16,), wv16[l], dtype=jnp.float32)
                            wb = plsc.pack(wf, wf,
                                           format=plsc.PackFormat.INTERLEAVED)
                            for j in range(2):
                                v = plsc.bitcast(
                                    rows[sl, r, pl.ds(j * 16, 16)],
                                    jnp.bfloat16)
                                prods[j].append(wb * v)
                    for j in range(2):
                        t = prods[j]
                        while len(t) > 1:
                            t = [t[i] + t[i + 1] for i in range(0, len(t), 2)]
                        out_v[ql, pl.ds(h * DH + j * 32, 32)] = t[0]
                    return 0

                lax.fori_loop(0, H, head_body, 0)
            return 0

        lax.fori_loop(0, CHUNK // RING, group_body, 0)
        pltpu.sync_copy(out_v, out.at[pl.ds(qb, CHUNK)])
        return 0

    lax.fori_loop(0, NCH, chunk_body, 0)


def _sc_gather(table, p0, p1):
    mesh = plsc.VectorSubcoreMesh(core_axis_name="c", subcore_axis_name="s")
    fn = functools.partial(
        pl.kernel,
        mesh=mesh,
        out_type=jax.ShapeDtypeStruct((B * N, D), jnp.bfloat16),
        scratch_types=[
            pltpu.VMEM((CHUNK, LQ), jnp.int32),
            pltpu.VMEM((CHUNK, LQ), jnp.int32),
            pltpu.VMEM((CHUNK, LQ), jnp.int32),
            pltpu.VMEM((CHUNK, LQ), jnp.int32),
            pltpu.VMEM((CHUNK * LQ,), jnp.float32),
            pltpu.VMEM((CHUNK * LQ,), jnp.float32),
            pltpu.VMEM((LQ,), jnp.int32),
            pltpu.VMEM((RING, 2 * LQ, DH // 2), jnp.int32),
            pltpu.VMEM((CHUNK, D), jnp.bfloat16),
        ] + [pltpu.SemaphoreType.DMA] * RING,
        compiler_params=pltpu.CompilerParams(use_tc_tiling_on_sc=False,
                                             needs_layout_passes=False),
    )(_sc_body)
    return fn(table, p0, p1)



def _wout_perm():
    perm = []
    for h in range(H):
        for j in range(2):
            for t in range(16):
                for s in range(2):
                    perm.append(h * DH + 16 * j + t + 32 * s)
    return jnp.asarray(perm, dtype=jnp.int32)


def _oproj_body(s_ref, w_ref, b_ref, out_ref):
    out_ref[...] = jnp.dot(s_ref[...], w_ref[...],
                           preferred_element_type=jnp.float32) + b_ref[...]


def _vproj_body(v_ref, wl_ref, wh_ref, bl_ref, bh_ref, out_ref):
    v = v_ref[...]
    lo = (jnp.dot(v, wl_ref[...], preferred_element_type=jnp.float32)
          + bl_ref[...])
    hi = (jnp.dot(v, wh_ref[...], preferred_element_type=jnp.float32)
          + bh_ref[...])

    def bits16(x):
        return lax.bitcast_convert_type(
            x.astype(jnp.bfloat16), jnp.uint16).astype(jnp.int32)

    out_ref[...] = bits16(lo) | (bits16(hi) << 16)


def _vproj(value2d, W_lo, W_hi, b_lo, b_hi):
    nb = B * N // MB
    return pl.pallas_call(
        _vproj_body,
        grid=(nb,),
        in_specs=[
            pl.BlockSpec((MB, D), lambda i: (i, 0)),
            pl.BlockSpec((D, D // 2), lambda i: (0, 0)),
            pl.BlockSpec((D, D // 2), lambda i: (0, 0)),
            pl.BlockSpec((1, D // 2), lambda i: (0, 0)),
            pl.BlockSpec((1, D // 2), lambda i: (0, 0)),
        ],
        out_specs=pl.BlockSpec((MB, D // 2), lambda i: (i, 0)),
        out_shape=jax.ShapeDtypeStruct((B * N, D // 2), jnp.int32),
    )(value2d, W_lo, W_hi, b_lo, b_hi)


def _oproj(sampled2d, W_out, b_out):
    nb = B * N // MB
    return pl.pallas_call(
        _oproj_body,
        grid=(nb,),
        in_specs=[
            pl.BlockSpec((MB, D), lambda i: (i, 0)),
            pl.BlockSpec((D, D), lambda i: (0, 0)),
            pl.BlockSpec((1, D), lambda i: (0, 0)),
        ],
        out_specs=pl.BlockSpec((MB, D), lambda i: (i, 0)),
        out_shape=jax.ShapeDtypeStruct((B * N, D), jnp.float32),
    )(sampled2d, W_out, b_out)



def kernel(query, value, reference_points, W_off, b_off, W_attn, b_attn,
           W_v, b_v, W_out, b_out):
    query2d = query.reshape(B * N, D)
    value2d = value.reshape(B * N, D)
    ref2d = reference_points.reshape(B * N, 2)
    W_attn2 = jnp.repeat(W_attn, 2, axis=1)
    b_attn2 = jnp.repeat(b_attn, 2)[None]
    p0, p1 = _geometry(query2d, ref2d, W_off, b_off[None], W_attn2, b_attn2)
    mcols = jnp.arange(D // 2, dtype=jnp.int32)
    lo_cols = (mcols // 32) * DH + mcols % 32
    hi_cols = lo_cols + 32
    table = _vproj(value2d, W_v[:, lo_cols], W_v[:, hi_cols],
                   b_v[lo_cols][None], b_v[hi_cols][None])
    table = table.reshape(B * N * H, DH // 2)
    sampled = _sc_gather(table, p0, p1)
    out = _oproj(sampled, W_out.astype(jnp.bfloat16)[_wout_perm()],
                 b_out[None])
    return out.reshape(B, N, D)

# --- scband reference (transcript-rebuilt; emitter-appended) ---
"""Pipeline reference for scband-deformable-attention-75909251990032 (READ-ONLY COPY).

The authoritative reference and input builder live on the scoring server;
editing this copy changes nothing except your own understanding.
"""

import jax, jax.numpy as jnp
import numpy as np
import math

B = 2
N = 16384
D_MODEL = 512
N_HEADS = 8
N_POINTS = 8


def _make_offset_bias():
    thetas = np.arange(N_HEADS, dtype=np.float32) * (2.0 * math.pi / N_HEADS)
    grid_init = np.stack([np.cos(thetas), np.sin(thetas)], -1)
    grid_init = grid_init / np.abs(grid_init).max(-1, keepdims=True)
    grid_init = np.tile(grid_init.reshape(N_HEADS, 1, 2), (1, N_POINTS, 1))
    for i in range(N_POINTS):
        grid_init[:, i, :] *= i + 1
    return jnp.asarray(grid_init.reshape(-1), dtype=jnp.float32)


def setup_inputs(seed: int = 0):
    key = jax.random.key(seed)
    ks = jax.random.split(key, 8)
    query = jax.random.normal(ks[0], (B, N, D_MODEL), dtype=jnp.float32)
    value = jax.random.normal(ks[1], (B, N, D_MODEL), dtype=jnp.float32)
    reference_points = jax.random.uniform(ks[2], (B, N, 2), dtype=jnp.float32)
    W_off = jax.random.normal(ks[3], (D_MODEL, N_HEADS * N_POINTS * 2), dtype=jnp.float32) * 0.01
    b_off = _make_offset_bias()
    W_attn = jax.random.normal(ks[4], (D_MODEL, N_HEADS * N_POINTS), dtype=jnp.float32) * 0.02
    b_attn = jnp.zeros((N_HEADS * N_POINTS,), dtype=jnp.float32)
    lim = math.sqrt(6.0 / (D_MODEL + D_MODEL))
    W_v = jax.random.uniform(ks[5], (D_MODEL, D_MODEL), dtype=jnp.float32, minval=-lim, maxval=lim)
    b_v = jnp.zeros((D_MODEL,), dtype=jnp.float32)
    W_out = jax.random.uniform(ks[6], (D_MODEL, D_MODEL), dtype=jnp.float32, minval=-lim, maxval=lim)
    b_out = jnp.zeros((D_MODEL,), dtype=jnp.float32)
    return {"query": query, "value": value, "reference_points": reference_points,
            "W_off": W_off, "b_off": b_off, "W_attn": W_attn, "b_attn": b_attn,
            "W_v": W_v, "b_v": b_v, "W_out": W_out, "b_out": b_out}


def _grid_sample_bilinear(img, grid):
    # img: (B, C, H, W); grid: (B, Ho, Wo, 2) in [-1, 1]
    # mode='bilinear', align_corners=False, padding_mode='zeros' (PyTorch semantics)
    Bq, C, Hs, Ws = img.shape
    gx = (grid[..., 0] + 1.0) * Ws / 2.0 - 0.5
    gy = (grid[..., 1] + 1.0) * Hs / 2.0 - 0.5
    x0 = jnp.floor(gx)
    y0 = jnp.floor(gy)
    x1 = x0 + 1.0
    y1 = y0 + 1.0
    wx1 = gx - x0
    wx0 = 1.0 - wx1
    wy1 = gy - y0
    wy0 = 1.0 - wy1
    img_flat = img.reshape(Bq, C, Hs * Ws)
    out_sp = gx.shape[1:]

    def gather(ix, iy):
        valid = ((ix >= 0) & (ix < Ws) & (iy >= 0) & (iy < Hs)).astype(img.dtype)
        ixc = jnp.clip(ix, 0, Ws - 1).astype(jnp.int32)
        iyc = jnp.clip(iy, 0, Hs - 1).astype(jnp.int32)
        idx = (iyc * Ws + ixc).reshape(Bq, -1)
        g = jnp.take_along_axis(img_flat, idx[:, None, :], axis=2)
        g = g.reshape((Bq, C) + out_sp)
        return g * valid[:, None]

    out = (gather(x0, y0) * (wx0 * wy0)[:, None]
           + gather(x1, y0) * (wx1 * wy0)[:, None]
           + gather(x0, y1) * (wx0 * wy1)[:, None]
           + gather(x1, y1) * (wx1 * wy1)[:, None])
    return out


def reference(query, value, reference_points, W_off, b_off, W_attn, b_attn, W_v, b_v, W_out, b_out):
    Bq, Nq, C = query.shape
    Hs = int(math.sqrt(Nq))
    Ws = Hs
    h = N_HEADS
    p = N_POINTS
    d = C // h
    sampling_offsets = (query @ W_off + b_off).reshape(Bq, Nq, h, p, 2)
    attn = jax.nn.softmax((query @ W_attn + b_attn).reshape(Bq, Nq, h, p), axis=-1)
    loc = jnp.clip(reference_points[:, :, None, None, :] + sampling_offsets / Hs, 0.0, 1.0)
    val = (value @ W_v + b_v).reshape(Bq, Hs, Ws, h, d).transpose(0, 3, 1, 2, 4)  # (B, h, H, W, d)
    sampled_list = []
    for head in range(h):
        head_locs = loc[:, :, head, :, :].reshape(Bq, Hs, Ws, p, 2)
        grid = (head_locs * 2.0 - 1.0).reshape(Bq, Hs * Ws * p, 1, 2)
        head_value = val[:, head].transpose(0, 3, 1, 2)  # (B, d, H, W)
        s = _grid_sample_bilinear(head_value, grid)  # (B, d, H*W*p, 1)
        s = s.reshape(Bq, d, Hs, Ws, p).transpose(0, 2, 3, 4, 1)  # (B, H, W, p, d)
        sampled_list.append(s)
    sampled = jnp.stack(sampled_list, axis=3).reshape(Bq, Nq, h, p, d)
    out = (sampled * attn[..., None]).sum(axis=3).reshape(Bq, Nq, C)
    return out @ W_out + b_out

if __name__ == "__main__":
    import jax
    _d = setup_inputs()
    print(jax.jit(kernel)(*tuple(_d.values())))

</pallas_src>

<mosaic_0001>
#map = affine_map<(d0, d1) -> (0, 0)>
module attributes {stable_mosaic.version = 14 : i64} {
  func.func @_sc_body(%arg0: i32, %arg1: i32, %arg2: memref<262144x32xi32, #tpu.memory_space<hbm>>, %arg3: memref<32768x128xi32, #tpu.memory_space<hbm>>, %arg4: memref<32768x128xi32, #tpu.memory_space<hbm>>, %arg5: memref<32768x512xbf16, #tpu.memory_space<hbm>>, %arg6: memref<64x128xi32, #tpu.memory_space<vmem>>, %arg7: memref<64x128xi32, #tpu.memory_space<vmem>>, %arg8: memref<64x128xi32, #tpu.memory_space<vmem>>, %arg9: memref<64x128xi32, #tpu.memory_space<vmem>>, %arg10: memref<8192xf32, #tpu.memory_space<vmem>>, %arg11: memref<8192xf32, #tpu.memory_space<vmem>>, %arg12: memref<128xi32, #tpu.memory_space<vmem>>, %arg13: memref<4x256x32xi32, #tpu.memory_space<vmem>>, %arg14: memref<64x512xbf16, #tpu.memory_space<vmem>>, %arg15: memref<!tpu.dma_semaphore, #tpu.memory_space<semaphore_mem>>, %arg16: memref<!tpu.dma_semaphore, #tpu.memory_space<semaphore_mem>>, %arg17: memref<!tpu.dma_semaphore, #tpu.memory_space<semaphore_mem>>, %arg18: memref<!tpu.dma_semaphore, #tpu.memory_space<semaphore_mem>>) attributes {dimension_semantics = [#tpu.dimension_semantics<core_parallel>, #tpu.dimension_semantics<subcore_parallel>], iteration_bounds = array<i64: 2, 16>, scalar_prefetch = 0 : i64, scratch_operands = 13 : i64, tpu.core_type = #tpu.core_type<sc_vector_subcore>, window_params = [{transform_indices = #map}, {transform_indices = #map}, {transform_indices = #map}, {transform_indices = #map}]} {
    %mul3A = arith.constant 2 : i32
    %mul3A_0 = arith.muli %arg1, %mul3A : i32
    %add3A = arith.addi %mul3A_0, %arg0 : i32
    %mul3A_1 = arith.constant 1024 : i32
    %mul3A_2 = arith.muli %add3A, %mul3A_1 : i32
    %jit3A = arith.constant 16384 : i32
    %div3A = arith.divsi %mul3A_2, %jit3A : i32
    %sign3A = arith.constant 0 : i32
    %sign3A_3 = arith.cmpi sgt, %mul3A_2, %sign3A : i32
    %sign3A_4 = arith.extui %sign3A_3 : i1 to i32
    %sign3A_5 = arith.constant 0 : i32
    %sign3A_6 = arith.cmpi slt, %mul3A_2, %sign3A_5 : i32
    %sign3A_7 = arith.extui %sign3A_6 : i1 to i32
    %sign3A_8 = arith.subi %sign3A_4, %sign3A_7 : i32
    %sign3A_9 = arith.constant 0 : i32
    %sign3A_10 = arith.cmpi sgt, %jit3A, %sign3A_9 : i32
    %sign3A_11 = arith.extui %sign3A_10 : i1 to i32
    %sign3A_12 = arith.constant 0 : i32
    %sign3A_13 = arith.cmpi slt, %jit3A, %sign3A_12 : i32
    %sign3A_14 = arith.extui %sign3A_13 : i1 to i32
    %sign3A_15 = arith.subi %sign3A_11, %sign3A_14 : i32
    %ne3A = arith.cmpi ne, %sign3A_8, %sign3A_15 : i32
    %rem3A = arith.remsi %mul3A_2, %jit3A : i32
    %ne3A_16 = arith.constant 0 : i32
    %ne3A_17 = arith.cmpi ne, %rem3A, %ne3A_16 : i32
    %and3A = arith.andi %ne3A, %ne3A_17 : i1
    %sub3A = arith.constant 1 : i32
    %sub3A_18 = arith.subi %div3A, %sub3A : i32
    %select_n3A = arith.select %and3A, %sub3A_18, %div3A : i32
    %mul3A_19 = arith.constant 16384 : i32
    %mul3A_20 = arith.muli %select_n3A, %mul3A_19 : i32
    %mul3A_21 = arith.constant 8 : i32
    %mul3A_22 = arith.muli %mul3A_20, %mul3A_21 : i32
    %add3A_23 = arith.constant 0 : i32
    %add3A_24 = arith.addi %mul3A_22, %add3A_23 : i32
    %broadcast_in_dim3A = vector.broadcast %add3A_24 : i32 to vector<16xi32>
    %swap3A = arith.constant 0 : index
    %swap3A_25 = tpu.vector_load %arg12[%swap3A] {strides = array<i32>} : memref<128xi32, #tpu.memory_space<vmem>>, vector<16xi32>,
    tpu.vector_store %arg12[%swap3A], %broadcast_in_dim3A {strides = array<i32>} : memref<128xi32, #tpu.memory_space<vmem>>, vector<16xi32>,
    %mul3A_26 = arith.constant 16384 : i32
    %mul3A_27 = arith.muli %select_n3A, %mul3A_26 : i32
    %mul3A_28 = arith.constant 8 : i32
    %mul3A_29 = arith.muli %mul3A_27, %mul3A_28 : i32
    %add3A_30 = arith.constant 1 : i32
    %add3A_31 = arith.addi %mul3A_29, %add3A_30 : i32
    %broadcast_in_dim3A_32 = vector.broadcast %add3A_31 : i32 to vector<16xi32>
    %swap3A_33 = arith.constant 16 : index
    %swap3A_34 = tpu.vector_load %arg12[%swap3A_33] {strides = array<i32>} : memref<128xi32, #tpu.memory_space<vmem>>, vector<16xi32>,
    tpu.vector_store %arg12[%swap3A_33], %broadcast_in_dim3A_32 {strides = array<i32>} : memref<128xi32, #tpu.memory_space<vmem>>, vector<16xi32>,
    %mul3A_35 = arith.constant 16384 : i32
    %mul3A_36 = arith.muli %select_n3A, %mul3A_35 : i32
    %mul3A_37 = arith.constant 8 : i32
    %mul3A_38 = arith.muli %mul3A_36, %mul3A_37 : i32
    %add3A_39 = arith.constant 2 : i32
    %add3A_40 = arith.addi %mul3A_38, %add3A_39 : i32
    %broadcast_in_dim3A_41 = vector.broadcast %add3A_40 : i32 to vector<16xi32>
    %swap3A_42 = arith.constant 32 : index
    %swap3A_43 = tpu.vector_load %arg12[%swap3A_42] {strides = array<i32>} : memref<128xi32, #tpu.memory_space<vmem>>, vector<16xi32>,
    tpu.vector_store %arg12[%swap3A_42], %broadcast_in_dim3A_41 {strides = array<i32>} : memref<128xi32, #tpu.memory_space<vmem>>, vector<16xi32>,
    %mul3A_44 = arith.constant 16384 : i32
    %mul3A_45 = arith.muli %select_n3A, %mul3A_44 : i32
    %mul3A_46 = arith.constant 8 : i32
    %mul3A_47 = arith.muli %mul3A_45, %mul3A_46 : i32
    %add3A_48 = arith.constant 3 : i32
    %add3A_49 = arith.addi %mul3A_47, %add3A_48 : i32
    %broadcast_in_dim3A_50 = vector.broadcast %add3A_49 : i32 to vector<16xi32>
    %swap3A_51 = arith.constant 48 : index
    %swap3A_52 = tpu.vector_load %arg12[%swap3A_51] {strides = array<i32>} : memref<128xi32, #tpu.memory_space<vmem>>, vector<16xi32>,
    tpu.vector_store %arg12[%swap3A_51], %broadcast_in_dim3A_50 {strides = array<i32>} : memref<128xi32, #tpu.memory_space<vmem>>, vector<16xi32>,
    %mul3A_53 = arith.constant 16384 : i32
    %mul3A_54 = arith.muli %select_n3A, %mul3A_53 : i32
    %mul3A_55 = arith.constant 8 : i32
    %mul3A_56 = arith.muli %mul3A_54, %mul3A_55 : i32
    %add3A_57 = arith.constant 4 : i32
    %add3A_58 = arith.addi %mul3A_56, %add3A_57 : i32
    %broadcast_in_dim3A_59 = vector.broadcast %add3A_58 : i32 to vector<16xi32>
    %swap3A_60 = arith.constant 64 : index
    %swap3A_61 = tpu.vector_load %arg12[%swap3A_60] {strides = array<i32>} : memref<128xi32, #tpu.memory_space<vmem>>, vector<16xi32>,
    tpu.vector_store %arg12[%swap3A_60], %broadcast_in_dim3A_59 {strides = array<i32>} : memref<128xi32, #tpu.memory_space<vmem>>, vector<16xi32>,
    %mul3A_62 = arith.constant 16384 : i32
    %mul3A_63 = arith.muli %select_n3A, %mul3A_62 : i32
    %mul3A_64 = arith.constant 8 : i32
    %mul3A_65 = arith.muli %mul3A_63, %mul3A_64 : i32
    %add3A_66 = arith.constant 5 : i32
    %add3A_67 = arith.addi %mul3A_65, %add3A_66 : i32
    %broadcast_in_dim3A_68 = vector.broadcast %add3A_67 : i32 to vector<16xi32>
    %swap3A_69 = arith.constant 80 : index
    %swap3A_70 = tpu.vector_load %arg12[%swap3A_69] {strides = array<i32>} : memref<128xi32, #tpu.memory_space<vmem>>, vector<16xi32>,
    tpu.vector_store %arg12[%swap3A_69], %broadcast_in_dim3A_68 {strides = array<i32>} : memref<128xi32, #tpu.memory_space<vmem>>, vector<16xi32>,
    %mul3A_71 = arith.constant 16384 : i32
    %mul3A_72 = arith.muli %select_n3A, %mul3A_71 : i32
    %mul3A_73 = arith.constant 8 : i32
    %mul3A_74 = arith.muli %mul3A_72, %mul3A_73 : i32
    %add3A_75 = arith.constant 6 : i32
    %add3A_76 = arith.addi %mul3A_74, %add3A_75 : i32
    %broadcast_in_dim3A_77 = vector.broadcast %add3A_76 : i32 to vector<16xi32>
    %swap3A_78 = arith.constant 96 : index
    %swap3A_79 = tpu.vector_load %arg12[%swap3A_78] {strides = array<i32>} : memref<128xi32, #tpu.memory_space<vmem>>, vector<16xi32>,
    tpu.vector_store %arg12[%swap3A_78], %broadcast_in_dim3A_77 {strides = array<i32>} : memref<128xi32, #tpu.memory_space<vmem>>, vector<16xi32>,
    %mul3A_80 = arith.constant 16384 : i32
    %mul3A_81 = arith.muli %select_n3A, %mul3A_80 : i32
    %mul3A_82 = arith.constant 8 : i32
    %mul3A_83 = arith.muli %mul3A_81, %mul3A_82 : i32
    %add3A_84 = arith.constant 7 : i32
    %add3A_85 = arith.addi %mul3A_83, %add3A_84 : i32
    %broadcast_in_dim3A_86 = vector.broadcast %add3A_85 : i32 to vector<16xi32>
    %swap3A_87 = arith.constant 112 : index
    %swap3A_88 = tpu.vector_load %arg12[%swap3A_87] {strides = array<i32>} : memref<128xi32, #tpu.memory_space<vmem>>, vector<16xi32>,
    tpu.vector_store %arg12[%swap3A_87], %broadcast_in_dim3A_86 {strides = array<i32>} : memref<128xi32, #tpu.memory_space<vmem>>, vector<16xi32>,
    %scan3A = arith.constant 0 : i32
    %scan3A_89 = arith.constant 0 : i32
    %scan3A_90 = arith.constant 16 : i32
    %scan3A_91 = arith.addi %scan3A_89, %scan3A_90 : i32
    %scan3A_92 = arith.constant 1 : i32
    %scan3A_93 = scf.for %scan3A_95 = %scan3A_89 to %scan3A_91 step %scan3A_92 iter_args(%scan3A_96 = %scan3A) -> (i32)  : i32 {
      %mul3A_97 = arith.constant 64 : i32
      %mul3A_98 = arith.muli %scan3A_95, %mul3A_97 : i32
      %add3A_99 = arith.addi %mul3A_2, %mul3A_98 : i32
      "tpu.region"() ({
        %run_scoped3A = tpu.sem_alloc : memref<!tpu.dma_semaphore, #tpu.memory_space<semaphore_mem>>
        %dma_start3A_186 = arith.constant 0 : i32
        %dma_start3A_187 = tpu.memref_slice %arg3[%add3A_99, %dma_start3A_186] : memref<32768x128xi32, #tpu.memory_space<hbm>> -> memref<64x128xi32, #tpu.memory_space<hbm>>
        %dma_start3A_188 = arith.constant 0 : i32
        %dma_start3A_189 = tpu.memref_slice %arg3[%add3A_99, %dma_start3A_188] : memref<32768x128xi32, #tpu.memory_space<hbm>> -> memref<64x128xi32, #tpu.memory_space<hbm>>
        tpu.enqueue_dma source(%dma_start3A_189 : memref<64x128xi32, #tpu.memory_space<hbm>>) target(%arg6 : memref<64x128xi32, #tpu.memory_space<vmem>>) target_semaphore(%run_scoped3A : memref<!tpu.dma_semaphore, #tpu.memory_space<semaphore_mem>>)
        %dma_wait3A = arith.constant 0 : i32
        %dma_wait3A_190 = tpu.memref_slice %arg3[%add3A_99, %dma_wait3A] : memref<32768x128xi32, #tpu.memory_space<hbm>> -> memref<64x128xi32, #tpu.memory_space<hbm>>
        %dma_wait3A_191 = arith.constant 0 : i32
        %dma_wait3A_192 = tpu.memref_slice %arg3[%add3A_99, %dma_wait3A_191] : memref<32768x128xi32, #tpu.memory_space<hbm>> -> memref<64x128xi32, #tpu.memory_space<hbm>>
        tpu.wait_dma2 semaphore(%run_scoped3A : memref<!tpu.dma_semaphore, #tpu.memory_space<semaphore_mem>>) src(%dma_wait3A_192 : memref<64x128xi32, #tpu.memory_space<hbm>>) dst(%arg6 : memref<64x128xi32, #tpu.memory_space<vmem>>)
        tpu.yield
      }) : () -> ()
      "tpu.region"() ({
        %run_scoped3A = tpu.sem_alloc : memref<!tpu.dma_semaphore, #tpu.memory_space<semaphore_mem>>
        %dma_start3A_186 = arith.constant 0 : i32
        %dma_start3A_187 = tpu.memref_slice %arg4[%add3A_99, %dma_start3A_186] : memref<32768x128xi32, #tpu.memory_space<hbm>> -> memref<64x128xi32, #tpu.memory_space<hbm>>
        %dma_start3A_188 = arith.constant 0 : i32
        %dma_start3A_189 = tpu.memref_slice %arg4[%add3A_99, %dma_start3A_188] : memref<32768x128xi32, #tpu.memory_space<hbm>> -> memref<64x128xi32, #tpu.memory_space<hbm>>
        tpu.enqueue_dma source(%dma_start3A_189 : memref<64x128xi32, #tpu.memory_space<hbm>>) target(%arg7 : memref<64x128xi32, #tpu.memory_space<vmem>>) target_semaphore(%run_scoped3A : memref<!tpu.dma_semaphore, #tpu.memory_space<semaphore_mem>>)
        %dma_wait3A = arith.constant 0 : i32
        %dma_wait3A_190 = tpu.memref_slice %arg4[%add3A_99, %dma_wait3A] : memref<32768x128xi32, #tpu.memory_space<hbm>> -> memref<64x128xi32, #tpu.memory_space<hbm>>
        %dma_wait3A_191 = arith.constant 0 : i32
        %dma_wait3A_192 = tpu.memref_slice %arg4[%add3A_99, %dma_wait3A_191] : memref<32768x128xi32, #tpu.memory_space<hbm>> -> memref<64x128xi32, #tpu.memory_space<hbm>>
        tpu.wait_dma2 semaphore(%run_scoped3A : memref<!tpu.dma_semaphore, #tpu.memory_space<semaphore_mem>>) src(%dma_wait3A_192 : memref<64x128xi32, #tpu.memory_space<hbm>>) dst(%arg7 : memref<64x128xi32, #tpu.memory_space<vmem>>)
        tpu.yield
      }) : () -> ()
      %scan3A_100 = arith.constant 0 : i32
      %scan3A_101 = arith.constant 0 : i32
      %scan3A_102 = arith.constant 64 : i32
      %scan3A_103 = arith.addi %scan3A_101, %scan3A_102 : i32
      %scan3A_104 = arith.constant 1 : i32
      %scan3A_105 = scf.for %scan3A_186 = %scan3A_101 to %scan3A_103 step %scan3A_104 iter_args(%scan3A_187 = %scan3A_100) -> (i32)  : i32 {
        %get3A = arith.index_cast %scan3A_186 : i32 to index
        %get3A_188 = arith.constant 0 : index
        %get3A_189 = tpu.vector_load %arg6[%get3A, %get3A_188] {strides = array<i32>} : memref<64x128xi32, #tpu.memory_space<vmem>>, vector<16xi32>,
        %and3A_190 = arith.constant 16383 : i32
        %and3A_191 = vector.broadcast %and3A_190 : i32 to vector<16xi32>
        %and3A_192 = arith.andi %get3A_189, %and3A_191 : vector<16xi32>
        %shift_left3A = arith.constant 3 : i32
        %shift_left3A_193 = vector.broadcast %shift_left3A : i32 to vector<16xi32>
        %shift_left3A_194 = arith.shli %and3A_192, %shift_left3A_193 : vector<16xi32>
        %get3A_195 = arith.constant 0 : index
        %get3A_196 = tpu.vector_load %arg12[%get3A_195] {strides = array<i32>} : memref<128xi32, #tpu.memory_space<vmem>>, vector<16xi32>,
        %add3A_197 = arith.addi %shift_left3A_194, %get3A_196 : vector<16xi32>
        %swap3A_198 = arith.index_cast %scan3A_186 : i32 to index
        %swap3A_199 = arith.constant 0 : index
        %swap3A_200 = tpu.vector_load %arg8[%swap3A_198, %swap3A_199] {strides = array<i32>} : memref<64x128xi32, #tpu.memory_space<vmem>>, vector<16xi32>,
        tpu.vector_store %arg8[%swap3A_198, %swap3A_199], %add3A_197 {strides = array<i32>} : memref<64x128xi32, #tpu.memory_space<vmem>>, vector<16xi32>,
        %and3A_201 = arith.constant -65536 : i32
        %and3A_202 = vector.broadcast %and3A_201 : i32 to vector<16xi32>
        %and3A_203 = arith.andi %get3A_189, %and3A_202 : vector<16xi32>
        %bitcast3A = vector.bitcast %and3A_203 : vector<16xi32> to vector<16xf32>
        %mul3A_204 = arith.constant 128 : i32
        %mul3A_205 = arith.muli %scan3A_186, %mul3A_204 : i32
        %add3A_206 = arith.constant 0 : i32
        %add3A_207 = arith.addi %mul3A_205, %add3A_206 : i32
        %swap3A_208 = arith.index_cast %add3A_207 : i32 to index
        %swap3A_209 = tpu.vector_load %arg10[%swap3A_208] {strides = array<i32>} : memref<8192xf32, #tpu.memory_space<vmem>>, vector<16xf32>,
        tpu.vector_store %arg10[%swap3A_208], %bitcast3A {strides = array<i32>} : memref<8192xf32, #tpu.memory_space<vmem>>, vector<16xf32>,
        %get3A_210 = arith.index_cast %scan3A_186 : i32 to index
        %get3A_211 = arith.constant 16 : index
        %get3A_212 = tpu.vector_load %arg6[%get3A_210, %get3A_211] {strides = array<i32>} : memref<64x128xi32, #tpu.memory_space<vmem>>, vector<16xi32>,
        %and3A_213 = arith.constant 16383 : i32
        %and3A_214 = vector.broadcast %and3A_213 : i32 to vector<16xi32>
        %and3A_215 = arith.andi %get3A_212, %and3A_214 : vector<16xi32>
        %shift_left3A_216 = arith.constant 3 : i32
        %shift_left3A_217 = vector.broadcast %shift_left3A_216 : i32 to vector<16xi32>
        %shift_left3A_218 = arith.shli %and3A_215, %shift_left3A_217 : vector<16xi32>
        %get3A_219 = arith.constant 16 : index
        %get3A_220 = tpu.vector_load %arg12[%get3A_219] {strides = array<i32>} : memref<128xi32, #tpu.memory_space<vmem>>, vector<16xi32>,
        %add3A_221 = arith.addi %shift_left3A_218, %get3A_220 : vector<16xi32>
        %swap3A_222 = arith.index_cast %scan3A_186 : i32 to index
        %swap3A_223 = arith.constant 16 : index
        %swap3A_224 = tpu.vector_load %arg8[%swap3A_222, %swap3A_223] {strides = array<i32>} : memref<64x128xi32, #tpu.memory_space<vmem>>, vector<16xi32>,
        tpu.vector_store %arg8[%swap3A_222, %swap3A_223], %add3A_221 {strides = array<i32>} : memref<64x128xi32, #tpu.memory_space<vmem>>, vector<16xi32>,
        %and3A_225 = arith.constant -65536 : i32
        %and3A_226 = vector.broadcast %and3A_225 : i32 to vector<16xi32>
        %and3A_227 = arith.andi %get3A_212, %and3A_226 : vector<16xi32>
        %bitcast3A_228 = vector.bitcast %and3A_227 : vector<16xi32> to vector<16xf32>
        %mul3A_229 = arith.constant 128 : i32
        %mul3A_230 = arith.muli %scan3A_186, %mul3A_229 : i32
        %add3A_231 = arith.constant 16 : i32
        %add3A_232 = arith.addi %mul3A_230, %add3A_231 : i32
        %swap3A_233 = arith.index_cast %add3A_232 : i32 to index
        %swap3A_234 = tpu.vector_load %arg10[%swap3A_233] {strides = array<i32>} : memref<8192xf32, #tpu.memory_space<vmem>>, vector<16xf32>,
        tpu.vector_store %arg10[%swap3A_233], %bitcast3A_228 {strides = array<i32>} : memref<8192xf32, #tpu.memory_space<vmem>>, vector<16xf32>,
        %get3A_235 = arith.index_cast %scan3A_186 : i32 to index
        %get3A_236 = arith.constant 32 : index
        %get3A_237 = tpu.vector_load %arg6[%get3A_235, %get3A_236] {strides = array<i32>} : memref<64x128xi32, #tpu.memory_space<vmem>>, vector<16xi32>,
        %and3A_238 = arith.constant 16383 : i32
        %and3A_239 = vector.broadcast %and3A_238 : i32 to vector<16xi32>
        %and3A_240 = arith.andi %get3A_237, %and3A_239 : vector<16xi32>
        %shift_left3A_241 = arith.constant 3 : i32
        %shift_left3A_242 = vector.broadcast %shift_left3A_241 : i32 to vector<16xi32>
        %shift_left3A_243 = arith.shli %and3A_240, %shift_left3A_242 : vector<16xi32>
        %get3A_244 = arith.constant 32 : index
        %get3A_245 = tpu.vector_load %arg12[%get3A_244] {strides = array<i32>} : memref<128xi32, #tpu.memory_space<vmem>>, vector<16xi32>,
        %add3A_246 = arith.addi %shift_left3A_243, %get3A_245 : vector<16xi32>
        %swap3A_247 = arith.index_cast %scan3A_186 : i32 to index
        %swap3A_248 = arith.constant 32 : index
        %swap3A_249 = tpu.vector_load %arg8[%swap3A_247, %swap3A_248] {strides = array<i32>} : memref<64x128xi32, #tpu.memory_space<vmem>>, vector<16xi32>,
        tpu.vector_store %arg8[%swap3A_247, %swap3A_248], %add3A_246 {strides = array<i32>} : memref<64x128xi32, #tpu.memory_space<vmem>>, vector<16xi32>,
        %and3A_250 = arith.constant -65536 : i32
        %and3A_251 = vector.broadcast %and3A_250 : i32 to vector<16xi32>
        %and3A_252 = arith.andi %get3A_237, %and3A_251 : vector<16xi32>
        %bitcast3A_253 = vector.bitcast %and3A_252 : vector<16xi32> to vector<16xf32>
        %mul3A_254 = arith.constant 128 : i32
        %mul3A_255 = arith.muli %scan3A_186, %mul3A_254 : i32
        %add3A_256 = arith.constant 32 : i32
        %add3A_257 = arith.addi %mul3A_255, %add3A_256 : i32
        %swap3A_258 = arith.index_cast %add3A_257 : i32 to index
        %swap3A_259 = tpu.vector_load %arg10[%swap3A_258] {strides = array<i32>} : memref<8192xf32, #tpu.memory_space<vmem>>, vector<16xf32>,
        tpu.vector_store %arg10[%swap3A_258], %bitcast3A_253 {strides = array<i32>} : memref<8192xf32, #tpu.memory_space<vmem>>, vector<16xf32>,
        %get3A_260 = arith.index_cast %scan3A_186 : i32 to index
        %get3A_261 = arith.constant 48 : index
        %get3A_262 = tpu.vector_load %arg6[%get3A_260, %get3A_261] {strides = array<i32>} : memref<64x128xi32, #tpu.memory_space<vmem>>, vector<16xi32>,
        %and3A_263 = arith.constant 16383 : i32
        %and3A_264 = vector.broadcast %and3A_263 : i32 to vector<16xi32>
        %and3A_265 = arith.andi %get3A_262, %and3A_264 : vector<16xi32>
        %shift_left3A_266 = arith.constant 3 : i32
        %shift_left3A_267 = vector.broadcast %shift_left3A_266 : i32 to vector<16xi32>
        %shift_left3A_268 = arith.shli %and3A_265, %shift_left3A_267 : vector<16xi32>
        %get3A_269 = arith.constant 48 : index
        %get3A_270 = tpu.vector_load %arg12[%get3A_269] {strides = array<i32>} : memref<128xi32, #tpu.memory_space<vmem>>, vector<16xi32>,
        %add3A_271 = arith.addi %shift_left3A_268, %get3A_270 : vector<16xi32>
        %swap3A_272 = arith.index_cast %scan3A_186 : i32 to index
        %swap3A_273 = arith.constant 48 : index
        %swap3A_274 = tpu.vector_load %arg8[%swap3A_272, %swap3A_273] {strides = array<i32>} : memref<64x128xi32, #tpu.memory_space<vmem>>, vector<16xi32>,
        tpu.vector_store %arg8[%swap3A_272, %swap3A_273], %add3A_271 {strides = array<i32>} : memref<64x128xi32, #tpu.memory_space<vmem>>, vector<16xi32>,
        %and3A_275 = arith.constant -65536 : i32
        %and3A_276 = vector.broadcast %and3A_275 : i32 to vector<16xi32>
        %and3A_277 = arith.andi %get3A_262, %and3A_276 : vector<16xi32>
        %bitcast3A_278 = vector.bitcast %and3A_277 : vector<16xi32> to vector<16xf32>
        %mul3A_279 = arith.constant 128 : i32
        %mul3A_280 = arith.muli %scan3A_186, %mul3A_279 : i32
        %add3A_281 = arith.constant 48 : i32
        %add3A_282 = arith.addi %mul3A_280, %add3A_281 : i32
        %swap3A_283 = arith.index_cast %add3A_282 : i32 to index
        %swap3A_284 = tpu.vector_load %arg10[%swap3A_283] {strides = array<i32>} : memref<8192xf32, #tpu.memory_space<vmem>>, vector<16xf32>,
        tpu.vector_store %arg10[%swap3A_283], %bitcast3A_278 {strides = array<i32>} : memref<8192xf32, #tpu.memory_space<vmem>>, vector<16xf32>,
        %get3A_285 = arith.index_cast %scan3A_186 : i32 to index
        %get3A_286 = arith.constant 64 : index
        %get3A_287 = tpu.vector_load %arg6[%get3A_285, %get3A_286] {strides = array<i32>} : memref<64x128xi32, #tpu.memory_space<vmem>>, vector<16xi32>,
        %and3A_288 = arith.constant 16383 : i32
        %and3A_289 = vector.broadcast %and3A_288 : i32 to vector<16xi32>
        %and3A_290 = arith.andi %get3A_287, %and3A_289 : vector<16xi32>
        %shift_left3A_291 = arith.constant 3 : i32
        %shift_left3A_292 = vector.broadcast %shift_left3A_291 : i32 to vector<16xi32>
        %shift_left3A_293 = arith.shli %and3A_290, %shift_left3A_292 : vector<16xi32>
        %get3A_294 = arith.constant 64 : index
        %get3A_295 = tpu.vector_load %arg12[%get3A_294] {strides = array<i32>} : memref<128xi32, #tpu.memory_space<vmem>>, vector<16xi32>,
        %add3A_296 = arith.addi %shift_left3A_293, %get3A_295 : vector<16xi32>
        %swap3A_297 = arith.index_cast %scan3A_186 : i32 to index
        %swap3A_298 = arith.constant 64 : index
        %swap3A_299 = tpu.vector_load %arg8[%swap3A_297, %swap3A_298] {strides = array<i32>} : memref<64x128xi32, #tpu.memory_space<vmem>>, vector<16xi32>,
        tpu.vector_store %arg8[%swap3A_297, %swap3A_298], %add3A_296 {strides = array<i32>} : memref<64x128xi32, #tpu.memory_space<vmem>>, vector<16xi32>,
        %and3A_300 = arith.constant -65536 : i32
        %and3A_301 = vector.broadcast %and3A_300 : i32 to vector<16xi32>
        %and3A_302 = arith.andi %get3A_287, %and3A_301 : vector<16xi32>
        %bitcast3A_303 = vector.bitcast %and3A_302 : vector<16xi32> to vector<16xf32>
        %mul3A_304 = arith.constant 128 : i32
        %mul3A_305 = arith.muli %scan3A_186, %mul3A_304 : i32
        %add3A_306 = arith.constant 64 : i32
        %add3A_307 = arith.addi %mul3A_305, %add3A_306 : i32
        %swap3A_308 = arith.index_cast %add3A_307 : i32 to index
        %swap3A_309 = tpu.vector_load %arg10[%swap3A_308] {strides = array<i32>} : memref<8192xf32, #tpu.memory_space<vmem>>, vector<16xf32>,
        tpu.vector_store %arg10[%swap3A_308], %bitcast3A_303 {strides = array<i32>} : memref<8192xf32, #tpu.memory_space<vmem>>, vector<16xf32>,
        %get3A_310 = arith.index_cast %scan3A_186 : i32 to index
        %get3A_311 = arith.constant 80 : index
        %get3A_312 = tpu.vector_load %arg6[%get3A_310, %get3A_311] {strides = array<i32>} : memref<64x128xi32, #tpu.memory_space<vmem>>, vector<16xi32>,
        %and3A_313 = arith.constant 16383 : i32
        %and3A_314 = vector.broadcast %and3A_313 : i32 to vector<16xi32>
        %and3A_315 = arith.andi %get3A_312, %and3A_314 : vector<16xi32>
        %shift_left3A_316 = arith.constant 3 : i32
        %shift_left3A_317 = vector.broadcast %shift_left3A_316 : i32 to vector<16xi32>
        %shift_left3A_318 = arith.shli %and3A_315, %shift_left3A_317 : vector<16xi32>
        %get3A_319 = arith.constant 80 : index
        %get3A_320 = tpu.vector_load %arg12[%get3A_319] {strides = array<i32>} : memref<128xi32, #tpu.memory_space<vmem>>, vector<16xi32>,
        %add3A_321 = arith.addi %shift_left3A_318, %get3A_320 : vector<16xi32>
        %swap3A_322 = arith.index_cast %scan3A_186 : i32 to index
        %swap3A_323 = arith.constant 80 : index
        %swap3A_324 = tpu.vector_load %arg8[%swap3A_322, %swap3A_323] {strides = array<i32>} : memref<64x128xi32, #tpu.memory_space<vmem>>, vector<16xi32>,
        tpu.vector_store %arg8[%swap3A_322, %swap3A_323], %add3A_321 {strides = array<i32>} : memref<64x128xi32, #tpu.memory_space<vmem>>, vector<16xi32>,
        %and3A_325 = arith.constant -65536 : i32
        %and3A_326 = vector.broadcast %and3A_325 : i32 to vector<16xi32>
        %and3A_327 = arith.andi %get3A_312, %and3A_326 : vector<16xi32>
        %bitcast3A_328 = vector.bitcast %and3A_327 : vector<16xi32> to vector<16xf32>
        %mul3A_329 = arith.constant 128 : i32
        %mul3A_330 = arith.muli %scan3A_186, %mul3A_329 : i32
        %add3A_331 = arith.constant 80 : i32
        %add3A_332 = arith.addi %mul3A_330, %add3A_331 : i32
        %swap3A_333 = arith.index_cast %add3A_332 : i32 to index
        %swap3A_334 = tpu.vector_load %arg10[%swap3A_333] {strides = array<i32>} : memref<8192xf32, #tpu.memory_space<vmem>>, vector<16xf32>,
        tpu.vector_store %arg10[%swap3A_333], %bitcast3A_328 {strides = array<i32>} : memref<8192xf32, #tpu.memory_space<vmem>>, vector<16xf32>,
        %get3A_335 = arith.index_cast %scan3A_186 : i32 to index
        %get3A_336 = arith.constant 96 : index
        %get3A_337 = tpu.vector_load %arg6[%get3A_335, %get3A_336] {strides = array<i32>} : memref<64x128xi32, #tpu.memory_space<vmem>>, vector<16xi32>,
        %and3A_338 = arith.constant 16383 : i32
        %and3A_339 = vector.broadcast %and3A_338 : i32 to vector<16xi32>
        %and3A_340 = arith.andi %get3A_337, %and3A_339 : vector<16xi32>
        %shift_left3A_341 = arith.constant 3 : i32
        %shift_left3A_342 = vector.broadcast %shift_left3A_341 : i32 to vector<16xi32>
        %shift_left3A_343 = arith.shli %and3A_340, %shift_left3A_342 : vector<16xi32>
        %get3A_344 = arith.constant 96 : index
        %get3A_345 = tpu.vector_load %arg12[%get3A_344] {strides = array<i32>} : memref<128xi32, #tpu.memory_space<vmem>>, vector<16xi32>,
        %add3A_346 = arith.addi %shift_left3A_343, %get3A_345 : vector<16xi32>
        %swap3A_347 = arith.index_cast %scan3A_186 : i32 to index
        %swap3A_348 = arith.constant 96 : index
        %swap3A_349 = tpu.vector_load %arg8[%swap3A_347, %swap3A_348] {strides = array<i32>} : memref<64x128xi32, #tpu.memory_space<vmem>>, vector<16xi32>,
        tpu.vector_store %arg8[%swap3A_347, %swap3A_348], %add3A_346 {strides = array<i32>} : memref<64x128xi32, #tpu.memory_space<vmem>>, vector<16xi32>,
        %and3A_350 = arith.constant -65536 : i32
        %and3A_351 = vector.broadcast %and3A_350 : i32 to vector<16xi32>
        %and3A_352 = arith.andi %get3A_337, %and3A_351 : vector<16xi32>
        %bitcast3A_353 = vector.bitcast %and3A_352 : vector<16xi32> to vector<16xf32>
        %mul3A_354 = arith.constant 128 : i32
        %mul3A_355 = arith.muli %scan3A_186, %mul3A_354 : i32
        %add3A_356 = arith.constant 96 : i32
        %add3A_357 = arith.addi %mul3A_355, %add3A_356 : i32
        %swap3A_358 = arith.index_cast %add3A_357 : i32 to index
        %swap3A_359 = tpu.vector_load %arg10[%swap3A_358] {strides = array<i32>} : memref<8192xf32, #tpu.memory_space<vmem>>, vector<16xf32>,
        tpu.vector_store %arg10[%swap3A_358], %bitcast3A_353 {strides = array<i32>} : memref<8192xf32, #tpu.memory_space<vmem>>, vector<16xf32>,
        %get3A_360 = arith.index_cast %scan3A_186 : i32 to index
        %get3A_361 = arith.constant 112 : index
        %get3A_362 = tpu.vector_load %arg6[%get3A_360, %get3A_361] {strides = array<i32>} : memref<64x128xi32, #tpu.memory_space<vmem>>, vector<16xi32>,
        %and3A_363 = arith.constant 16383 : i32
        %and3A_364 = vector.broadcast %and3A_363 : i32 to vector<16xi32>
        %and3A_365 = arith.andi %get3A_362, %and3A_364 : vector<16xi32>
        %shift_left3A_366 = arith.constant 3 : i32
        %shift_left3A_367 = vector.broadcast %shift_left3A_366 : i32 to vector<16xi32>
        %shift_left3A_368 = arith.shli %and3A_365, %shift_left3A_367 : vector<16xi32>
        %get3A_369 = arith.constant 112 : index
        %get3A_370 = tpu.vector_load %arg12[%get3A_369] {strides = array<i32>} : memref<128xi32, #tpu.memory_space<vmem>>, vector<16xi32>,
        %add3A_371 = arith.addi %shift_left3A_368, %get3A_370 : vector<16xi32>
        %swap3A_372 = arith.index_cast %scan3A_186 : i32 to index
        %swap3A_373 = arith.constant 112 : index
        %swap3A_374 = tpu.vector_load %arg8[%swap3A_372, %swap3A_373] {strides = array<i32>} : memref<64x128xi32, #tpu.memory_space<vmem>>, vector<16xi32>,
        tpu.vector_store %arg8[%swap3A_372, %swap3A_373], %add3A_371 {strides = array<i32>} : memref<64x128xi32, #tpu.memory_space<vmem>>, vector<16xi32>,
        %and3A_375 = arith.constant -65536 : i32
        %and3A_376 = vector.broadcast %and3A_375 : i32 to vector<16xi32>
        %and3A_377 = arith.andi %get3A_362, %and3A_376 : vector<16xi32>
        %bitcast3A_378 = vector.bitcast %and3A_377 : vector<16xi32> to vector<16xf32>
        %mul3A_379 = arith.constant 128 : i32
        %mul3A_380 = arith.muli %scan3A_186, %mul3A_379 : i32
        %add3A_381 = arith.constant 112 : i32
        %add3A_382 = arith.addi %mul3A_380, %add3A_381 : i32
        %swap3A_383 = arith.index_cast %add3A_382 : i32 to index
        %swap3A_384 = tpu.vector_load %arg10[%swap3A_383] {strides = array<i32>} : memref<8192xf32, #tpu.memory_space<vmem>>, vector<16xf32>,
        tpu.vector_store %arg10[%swap3A_383], %bitcast3A_378 {strides = array<i32>} : memref<8192xf32, #tpu.memory_space<vmem>>, vector<16xf32>,
        %get3A_385 = arith.index_cast %scan3A_186 : i32 to index
        %get3A_386 = arith.constant 0 : index
        %get3A_387 = tpu.vector_load %arg7[%get3A_385, %get3A_386] {strides = array<i32>} : memref<64x128xi32, #tpu.memory_space<vmem>>, vector<16xi32>,
        %and3A_388 = arith.constant 16383 : i32
        %and3A_389 = vector.broadcast %and3A_388 : i32 to vector<16xi32>
        %and3A_390 = arith.andi %get3A_387, %and3A_389 : vector<16xi32>
        %shift_left3A_391 = arith.constant 3 : i32
        %shift_left3A_392 = vector.broadcast %shift_left3A_391 : i32 to vector<16xi32>
        %shift_left3A_393 = arith.shli %and3A_390, %shift_left3A_392 : vector<16xi32>
        %get3A_394 = arith.constant 0 : index
        %get3A_395 = tpu.vector_load %arg12[%get3A_394] {strides = array<i32>} : memref<128xi32, #tpu.memory_space<vmem>>, vector<16xi32>,
        %add3A_396 = arith.addi %shift_left3A_393, %get3A_395 : vector<16xi32>
        %swap3A_397 = arith.index_cast %scan3A_186 : i32 to index
        %swap3A_398 = arith.constant 0 : index
        %swap3A_399 = tpu.vector_load %arg9[%swap3A_397, %swap3A_398] {strides = array<i32>} : memref<64x128xi32, #tpu.memory_space<vmem>>, vector<16xi32>,
        tpu.vector_store %arg9[%swap3A_397, %swap3A_398], %add3A_396 {strides = array<i32>} : memref<64x128xi32, #tpu.memory_space<vmem>>, vector<16xi32>,
        %and3A_400 = arith.constant -65536 : i32
        %and3A_401 = vector.broadcast %and3A_400 : i32 to vector<16xi32>
        %and3A_402 = arith.andi %get3A_387, %and3A_401 : vector<16xi32>
        %bitcast3A_403 = vector.bitcast %and3A_402 : vector<16xi32> to vector<16xf32>
        %mul3A_404 = arith.constant 128 : i32
        %mul3A_405 = arith.muli %scan3A_186, %mul3A_404 : i32
        %add3A_406 = arith.constant 0 : i32
        %add3A_407 = arith.addi %mul3A_405, %add3A_406 : i32
        %swap3A_408 = arith.index_cast %add3A_407 : i32 to index
        %swap3A_409 = tpu.vector_load %arg11[%swap3A_408] {strides = array<i32>} : memref<8192xf32, #tpu.memory_space<vmem>>, vector<16xf32>,
        tpu.vector_store %arg11[%swap3A_408], %bitcast3A_403 {strides = array<i32>} : memref<8192xf32, #tpu.memory_space<vmem>>, vector<16xf32>,
        %get3A_410 = arith.index_cast %scan3A_186 : i32 to index
        %get3A_411 = arith.constant 16 : index
        %get3A_412 = tpu.vector_load %arg7[%get3A_410, %get3A_411] {strides = array<i32>} : memref<64x128xi32, #tpu.memory_space<vmem>>, vector<16xi32>,
        %and3A_413 = arith.constant 16383 : i32
        %and3A_414 = vector.broadcast %and3A_413 : i32 to vector<16xi32>
        %and3A_415 = arith.andi %get3A_412, %and3A_414 : vector<16xi32>
        %shift_left3A_416 = arith.constant 3 : i32
        %shift_left3A_417 = vector.broadcast %shift_left3A_416 : i32 to vector<16xi32>
        %shift_left3A_418 = arith.shli %and3A_415, %shift_left3A_417 : vector<16xi32>
        %get3A_419 = arith.constant 16 : index
        %get3A_420 = tpu.vector_load %arg12[%get3A_419] {strides = array<i32>} : memref<128xi32, #tpu.memory_space<vmem>>, vector<16xi32>,
        %add3A_421 = arith.addi %shift_left3A_418, %get3A_420 : vector<16xi32>
        %swap3A_422 = arith.index_cast %scan3A_186 : i32 to index
        %swap3A_423 = arith.constant 16 : index
        %swap3A_424 = tpu.vector_load %arg9[%swap3A_422, %swap3A_423] {strides = array<i32>} : memref<64x128xi32, #tpu.memory_space<vmem>>, vector<16xi32>,
        tpu.vector_store %arg9[%swap3A_422, %swap3A_423], %add3A_421 {strides = array<i32>} : memref<64x128xi32, #tpu.memory_space<vmem>>, vector<16xi32>,
        %and3A_425 = arith.constant -65536 : i32
        %and3A_426 = vector.broadcast %and3A_425 : i32 to vector<16xi32>
        %and3A_427 = arith.andi %get3A_412, %and3A_426 : vector<16xi32>
        %bitcast3A_428 = vector.bitcast %and3A_427 : vector<16xi32> to vector<16xf32>
        %mul3A_429 = arith.constant 128 : i32
        %mul3A_430 = arith.muli %scan3A_186, %mul3A_429 : i32
        %add3A_431 = arith.constant 16 : i32
        %add3A_432 = arith.addi %mul3A_430, %add3A_431 : i32
        %swap3A_433 = arith.index_cast %add3A_432 : i32 to index
        %swap3A_434 = tpu.vector_load %arg11[%swap3A_433] {strides = array<i32>} : memref<8192xf32, #tpu.memory_space<vmem>>, vector<16xf32>,
        tpu.vector_store %arg11[%swap3A_433], %bitcast3A_428 {strides = array<i32>} : memref<8192xf32, #tpu.memory_space<vmem>>, vector<16xf32>,
        %get3A_435 = arith.index_cast %scan3A_186 : i32 to index
        %get3A_436 = arith.constant 32 : index
        %get3A_437 = tpu.vector_load %arg7[%get3A_435, %get3A_436] {strides = array<i32>} : memref<64x128xi32, #tpu.memory_space<vmem>>, vector<16xi32>,
        %and3A_438 = arith.constant 16383 : i32
        %and3A_439 = vector.broadcast %and3A_438 : i32 to vector<16xi32>
        %and3A_440 = arith.andi %get3A_437, %and3A_439 : vector<16xi32>
        %shift_left3A_441 = arith.constant 3 : i32
        %shift_left3A_442 = vector.broadcast %shift_left3A_441 : i32 to vector<16xi32>
        %shift_left3A_443 = arith.shli %and3A_440, %shift_left3A_442 : vector<16xi32>
        %get3A_444 = arith.constant 32 : index
        %get3A_445 = tpu.vector_load %arg12[%get3A_444] {strides = array<i32>} : memref<128xi32, #tpu.memory_space<vmem>>, vector<16xi32>,
        %add3A_446 = arith.addi %shift_left3A_443, %get3A_445 : vector<16xi32>
        %swap3A_447 = arith.index_cast %scan3A_186 : i32 to index
        %swap3A_448 = arith.constant 32 : index
        %swap3A_449 = tpu.vector_load %arg9[%swap3A_447, %swap3A_448] {strides = array<i32>} : memref<64x128xi32, #tpu.memory_space<vmem>>, vector<16xi32>,
        tpu.vector_store %arg9[%swap3A_447, %swap3A_448], %add3A_446 {strides = array<i32>} : memref<64x128xi32, #tpu.memory_space<vmem>>, vector<16xi32>,
        %and3A_450 = arith.constant -65536 : i32
        %and3A_451 = vector.broadcast %and3A_450 : i32 to vector<16xi32>
        %and3A_452 = arith.andi %get3A_437, %and3A_451 : vector<16xi32>
        %bitcast3A_453 = vector.bitcast %and3A_452 : vector<16xi32> to vector<16xf32>
        %mul3A_454 = arith.constant 128 : i32
        %mul3A_455 = arith.muli %scan3A_186, %mul3A_454 : i32
        %add3A_456 = arith.constant 32 : i32
        %add3A_457 = arith.addi %mul3A_455, %add3A_456 : i32
        %swap3A_458 = arith.index_cast %add3A_457 : i32 to index
        %swap3A_459 = tpu.vector_load %arg11[%swap3A_458] {strides = array<i32>} : memref<8192xf32, #tpu.memory_space<vmem>>, vector<16xf32>,
        tpu.vector_store %arg11[%swap3A_458], %bitcast3A_453 {strides = array<i32>} : memref<8192xf32, #tpu.memory_space<vmem>>, vector<16xf32>,
        %get3A_460 = arith.index_cast %scan3A_186 : i32 to index
        %get3A_461 = arith.constant 48 : index
        %get3A_462 = tpu.vector_load %arg7[%get3A_460, %get3A_461] {strides = array<i32>} : memref<64x128xi32, #tpu.memory_space<vmem>>, vector<16xi32>,
        %and3A_463 = arith.constant 16383 : i32
        %and3A_464 = vector.broadcast %and3A_463 : i32 to vector<16xi32>
        %and3A_465 = arith.andi %get3A_462, %and3A_464 : vector<16xi32>
        %shift_left3A_466 = arith.constant 3 : i32
        %shift_left3A_467 = vector.broadcast %shift_left3A_466 : i32 to vector<16xi32>
        %shift_left3A_468 = arith.shli %and3A_465, %shift_left3A_467 : vector<16xi32>
        %get3A_469 = arith.constant 48 : index
        %get3A_470 = tpu.vector_load %arg12[%get3A_469] {strides = array<i32>} : memref<128xi32, #tpu.memory_space<vmem>>, vector<16xi32>,
        %add3A_471 = arith.addi %shift_left3A_468, %get3A_470 : vector<16xi32>
        %swap3A_472 = arith.index_cast %scan3A_186 : i32 to index
        %swap3A_473 = arith.constant 48 : index
        %swap3A_474 = tpu.vector_load %arg9[%swap3A_472, %swap3A_473] {strides = array<i32>} : memref<64x128xi32, #tpu.memory_space<vmem>>, vector<16xi32>,
        tpu.vector_store %arg9[%swap3A_472, %swap3A_473], %add3A_471 {strides = array<i32>} : memref<64x128xi32, #tpu.memory_space<vmem>>, vector<16xi32>,
        %and3A_475 = arith.constant -65536 : i32
        %and3A_476 = vector.broadcast %and3A_475 : i32 to vector<16xi32>
        %and3A_477 = arith.andi %get3A_462, %and3A_476 : vector<16xi32>
        %bitcast3A_478 = vector.bitcast %and3A_477 : vector<16xi32> to vector<16xf32>
        %mul3A_479 = arith.constant 128 : i32
        %mul3A_480 = arith.muli %scan3A_186, %mul3A_479 : i32
        %add3A_481 = arith.constant 48 : i32
        %add3A_482 = arith.addi %mul3A_480, %add3A_481 : i32
        %swap3A_483 = arith.index_cast %add3A_482 : i32 to index
        %swap3A_484 = tpu.vector_load %arg11[%swap3A_483] {strides = array<i32>} : memref<8192xf32, #tpu.memory_space<vmem>>, vector<16xf32>,
        tpu.vector_store %arg11[%swap3A_483], %bitcast3A_478 {strides = array<i32>} : memref<8192xf32, #tpu.memory_space<vmem>>, vector<16xf32>,
        %get3A_485 = arith.index_cast %scan3A_186 : i32 to index
        %get3A_486 = arith.constant 64 : index
        %get3A_487 = tpu.vector_load %arg7[%get3A_485, %get3A_486] {strides = array<i32>} : memref<64x128xi32, #tpu.memory_space<vmem>>, vector<16xi32>,
        %and3A_488 = arith.constant 16383 : i32
        %and3A_489 = vector.broadcast %and3A_488 : i32 to vector<16xi32>
        %and3A_490 = arith.andi %get3A_487, %and3A_489 : vector<16xi32>
        %shift_left3A_491 = arith.constant 3 : i32
        %shift_left3A_492 = vector.broadcast %shift_left3A_491 : i32 to vector<16xi32>
        %shift_left3A_493 = arith.shli %and3A_490, %shift_left3A_492 : vector<16xi32>
        %get3A_494 = arith.constant 64 : index
        %get3A_495 = tpu.vector_load %arg12[%get3A_494] {strides = array<i32>} : memref<128xi32, #tpu.memory_space<vmem>>, vector<16xi32>,
        %add3A_496 = arith.addi %shift_left3A_493, %get3A_495 : vector<16xi32>
        %swap3A_497 = arith.index_cast %scan3A_186 : i32 to index
        %swap3A_498 = arith.constant 64 : index
        %swap3A_499 = tpu.vector_load %arg9[%swap3A_497, %swap3A_498] {strides = array<i32>} : memref<64x128xi32, #tpu.memory_space<vmem>>, vector<16xi32>,
        tpu.vector_store %arg9[%swap3A_497, %swap3A_498], %add3A_496 {strides = array<i32>} : memref<64x128xi32, #tpu.memory_space<vmem>>, vector<16xi32>,
        %and3A_500 = arith.constant -65536 : i32
        %and3A_501 = vector.broadcast %and3A_500 : i32 to vector<16xi32>
        %and3A_502 = arith.andi %get3A_487, %and3A_501 : vector<16xi32>
        %bitcast3A_503 = vector.bitcast %and3A_502 : vector<16xi32> to vector<16xf32>
        %mul3A_504 = arith.constant 128 : i32
        %mul3A_505 = arith.muli %scan3A_186, %mul3A_504 : i32
        %add3A_506 = arith.constant 64 : i32
        %add3A_507 = arith.addi %mul3A_505, %add3A_506 : i32
        %swap3A_508 = arith.index_cast %add3A_507 : i32 to index
        %swap3A_509 = tpu.vector_load %arg11[%swap3A_508] {strides = array<i32>} : memref<8192xf32, #tpu.memory_space<vmem>>, vector<16xf32>,
        tpu.vector_store %arg11[%swap3A_508], %bitcast3A_503 {strides = array<i32>} : memref<8192xf32, #tpu.memory_space<vmem>>, vector<16xf32>,
        %get3A_510 = arith.index_cast %scan3A_186 : i32 to index
        %get3A_511 = arith.constant 80 : index
        %get3A_512 = tpu.vector_load %arg7[%get3A_510, %get3A_511] {strides = array<i32>} : memref<64x128xi32, #tpu.memory_space<vmem>>, vector<16xi32>,
        %and3A_513 = arith.constant 16383 : i32
        %and3A_514 = vector.broadcast %and3A_513 : i32 to vector<16xi32>
        %and3A_515 = arith.andi %get3A_512, %and3A_514 : vector<16xi32>
        %shift_left3A_516 = arith.constant 3 : i32
        %shift_left3A_517 = vector.broadcast %shift_left3A_516 : i32 to vector<16xi32>
        %shift_left3A_518 = arith.shli %and3A_515, %shift_left3A_517 : vector<16xi32>
        %get3A_519 = arith.constant 80 : index
        %get3A_520 = tpu.vector_load %arg12[%get3A_519] {strides = array<i32>} : memref<128xi32, #tpu.memory_space<vmem>>, vector<16xi32>,
        %add3A_521 = arith.addi %shift_left3A_518, %get3A_520 : vector<16xi32>
        %swap3A_522 = arith.index_cast %scan3A_186 : i32 to index
        %swap3A_523 = arith.constant 80 : index
        %swap3A_524 = tpu.vector_load %arg9[%swap3A_522, %swap3A_523] {strides = array<i32>} : memref<64x128xi32, #tpu.memory_space<vmem>>, vector<16xi32>,
        tpu.vector_store %arg9[%swap3A_522, %swap3A_523], %add3A_521 {strides = array<i32>} : memref<64x128xi32, #tpu.memory_space<vmem>>, vector<16xi32>,
        %and3A_525 = arith.constant -65536 : i32
        %and3A_526 = vector.broadcast %and3A_525 : i32 to vector<16xi32>
        %and3A_527 = arith.andi %get3A_512, %and3A_526 : vector<16xi32>
        %bitcast3A_528 = vector.bitcast %and3A_527 : vector<16xi32> to vector<16xf32>
        %mul3A_529 = arith.constant 128 : i32
        %mul3A_530 = arith.muli %scan3A_186, %mul3A_529 : i32
        %add3A_531 = arith.constant 80 : i32
        %add3A_532 = arith.addi %mul3A_530, %add3A_531 : i32
        %swap3A_533 = arith.index_cast %add3A_532 : i32 to index
        %swap3A_534 = tpu.vector_load %arg11[%swap3A_533] {strides = array<i32>} : memref<8192xf32, #tpu.memory_space<vmem>>, vector<16xf32>,
        tpu.vector_store %arg11[%swap3A_533], %bitcast3A_528 {strides = array<i32>} : memref<8192xf32, #tpu.memory_space<vmem>>, vector<16xf32>,
        %get3A_535 = arith.index_cast %scan3A_186 : i32 to index
        %get3A_536 = arith.constant 96 : index
        %get3A_537 = tpu.vector_load %arg7[%get3A_535, %get3A_536] {strides = array<i32>} : memref<64x128xi32, #tpu.memory_space<vmem>>, vector<16xi32>,
        %and3A_538 = arith.constant 16383 : i32
        %and3A_539 = vector.broadcast %and3A_538 : i32 to vector<16xi32>
        %and3A_540 = arith.andi %get3A_537, %and3A_539 : vector<16xi32>
        %shift_left3A_541 = arith.constant 3 : i32
        %shift_left3A_542 = vector.broadcast %shift_left3A_541 : i32 to vector<16xi32>
        %shift_left3A_543 = arith.shli %and3A_540, %shift_left3A_542 : vector<16xi32>
        %get3A_544 = arith.constant 96 : index
        %get3A_545 = tpu.vector_load %arg12[%get3A_544] {strides = array<i32>} : memref<128xi32, #tpu.memory_space<vmem>>, vector<16xi32>,
        %add3A_546 = arith.addi %shift_left3A_543, %get3A_545 : vector<16xi32>
        %swap3A_547 = arith.index_cast %scan3A_186 : i32 to index
        %swap3A_548 = arith.constant 96 : index
        %swap3A_549 = tpu.vector_load %arg9[%swap3A_547, %swap3A_548] {strides = array<i32>} : memref<64x128xi32, #tpu.memory_space<vmem>>, vector<16xi32>,
        tpu.vector_store %arg9[%swap3A_547, %swap3A_548], %add3A_546 {strides = array<i32>} : memref<64x128xi32, #tpu.memory_space<vmem>>, vector<16xi32>,
        %and3A_550 = arith.constant -65536 : i32
        %and3A_551 = vector.broadcast %and3A_550 : i32 to vector<16xi32>
        %and3A_552 = arith.andi %get3A_537, %and3A_551 : vector<16xi32>
        %bitcast3A_553 = vector.bitcast %and3A_552 : vector<16xi32> to vector<16xf32>
        %mul3A_554 = arith.constant 128 : i32
        %mul3A_555 = arith.muli %scan3A_186, %mul3A_554 : i32
        %add3A_556 = arith.constant 96 : i32
        %add3A_557 = arith.addi %mul3A_555, %add3A_556 : i32
        %swap3A_558 = arith.index_cast %add3A_557 : i32 to index
        %swap3A_559 = tpu.vector_load %arg11[%swap3A_558] {strides = array<i32>} : memref<8192xf32, #tpu.memory_space<vmem>>, vector<16xf32>,
        tpu.vector_store %arg11[%swap3A_558], %bitcast3A_553 {strides = array<i32>} : memref<8192xf32, #tpu.memory_space<vmem>>, vector<16xf32>,
        %get3A_560 = arith.index_cast %scan3A_186 : i32 to index
        %get3A_561 = arith.constant 112 : index
        %get3A_562 = tpu.vector_load %arg7[%get3A_560, %get3A_561] {strides = array<i32>} : memref<64x128xi32, #tpu.memory_space<vmem>>, vector<16xi32>,
        %and3A_563 = arith.constant 16383 : i32
        %and3A_564 = vector.broadcast %and3A_563 : i32 to vector<16xi32>
        %and3A_565 = arith.andi %get3A_562, %and3A_564 : vector<16xi32>
        %shift_left3A_566 = arith.constant 3 : i32
        %shift_left3A_567 = vector.broadcast %shift_left3A_566 : i32 to vector<16xi32>
        %shift_left3A_568 = arith.shli %and3A_565, %shift_left3A_567 : vector<16xi32>
        %get3A_569 = arith.constant 112 : index
        %get3A_570 = tpu.vector_load %arg12[%get3A_569] {strides = array<i32>} : memref<128xi32, #tpu.memory_space<vmem>>, vector<16xi32>,
        %add3A_571 = arith.addi %shift_left3A_568, %get3A_570 : vector<16xi32>
        %swap3A_572 = arith.index_cast %scan3A_186 : i32 to index
        %swap3A_573 = arith.constant 112 : index
        %swap3A_574 = tpu.vector_load %arg9[%swap3A_572, %swap3A_573] {strides = array<i32>} : memref<64x128xi32, #tpu.memory_space<vmem>>, vector<16xi32>,
        tpu.vector_store %arg9[%swap3A_572, %swap3A_573], %add3A_571 {strides = array<i32>} : memref<64x128xi32, #tpu.memory_space<vmem>>, vector<16xi32>,
        %and3A_575 = arith.constant -65536 : i32
        %and3A_576 = vector.broadcast %and3A_575 : i32 to vector<16xi32>
        %and3A_577 = arith.andi %get3A_562, %and3A_576 : vector<16xi32>
        %bitcast3A_578 = vector.bitcast %and3A_577 : vector<16xi32> to vector<16xf32>
        %mul3A_579 = arith.constant 128 : i32
        %mul3A_580 = arith.muli %scan3A_186, %mul3A_579 : i32
        %add3A_581 = arith.constant 112 : i32
        %add3A_582 = arith.addi %mul3A_580, %add3A_581 : i32
        %swap3A_583 = arith.index_cast %add3A_582 : i32 to index
        %swap3A_584 = tpu.vector_load %arg11[%swap3A_583] {strides = array<i32>} : memref<8192xf32, #tpu.memory_space<vmem>>, vector<16xf32>,
        tpu.vector_store %arg11[%swap3A_583], %bitcast3A_578 {strides = array<i32>} : memref<8192xf32, #tpu.memory_space<vmem>>, vector<16xf32>,
        %scan3A_585 = arith.constant 0 : i32
        scf.yield %scan3A_585 : i32
      }
      %scan3A_106 = arith.constant 64 : i32
      %dma_start3A = arith.constant 0 : i32
      %dma_start3A_107 = arith.constant 0 : i32
      %dma_start3A_108 = arith.constant 0 : i32
      %dma_start3A_109 = arith.constant 0 : i32
      %dma_start3A_110 = tpu.memref_slice %arg13[%dma_start3A_107, %dma_start3A_108, %dma_start3A_109] : memref<4x256x32xi32, #tpu.memory_space<vmem>> -> memref<1x128x32xi32, #tpu.memory_space<vmem>>
      %dma_start3A_111 = tpu.memref_squeeze %dma_start3A_110 : memref<1x128x32xi32, #tpu.memory_space<vmem>> -> memref<128x32xi32, #tpu.memory_space<vmem>>
      %dma_start3A_112 = arith.constant 0 : i32
      %dma_start3A_113 = tpu.memref_slice %arg8[%dma_start3A, %dma_start3A_112] : memref<64x128xi32, #tpu.memory_space<vmem>> -> memref<1x128xi32, #tpu.memory_space<vmem>>
      %dma_start3A_114 = tpu.memref_squeeze %dma_start3A_113 : memref<1x128xi32, #tpu.memory_space<vmem>> -> memref<128xi32, #tpu.memory_space<vmem>>
      %dma_start3A_115 = arith.constant 0 : i32
      %dma_start3A_116 = arith.constant 0 : i32
      %dma_start3A_117 = tpu.memref_slice %arg2[%dma_start3A_115, %dma_start3A_116] : memref<262144x32xi32, #tpu.memory_space<hbm>> -> memref<262144x32xi32, #tpu.memory_space<hbm>>
      tpu.enqueue_indirect_dma source(%dma_start3A_117 : memref<262144x32xi32, #tpu.memory_space<hbm>>) target(%dma_start3A_111 : memref<128x32xi32, #tpu.memory_space<vmem>>) offsets(%dma_start3A_114 : memref<128xi32, #tpu.memory_space<vmem>>) semaphore(%arg15 : memref<!tpu.dma_semaphore, #tpu.memory_space<semaphore_mem>>)
      %dma_start3A_118 = arith.constant 0 : i32
      %dma_start3A_119 = arith.constant 0 : i32
      %dma_start3A_120 = arith.constant 128 : i32
      %dma_start3A_121 = arith.constant 0 : i32
      %dma_start3A_122 = tpu.memref_slice %arg13[%dma_start3A_119, %dma_start3A_120, %dma_start3A_121] : memref<4x256x32xi32, #tpu.memory_space<vmem>> -> memref<1x128x32xi32, #tpu.memory_space<vmem>>
      %dma_start3A_123 = tpu.memref_squeeze %dma_start3A_122 : memref<1x128x32xi32, #tpu.memory_space<vmem>> -> memref<128x32xi32, #tpu.memory_space<vmem>>
      %dma_start3A_124 = arith.constant 0 : i32
      %dma_start3A_125 = tpu.memref_slice %arg9[%dma_start3A_118, %dma_start3A_124] : memref<64x128xi32, #tpu.memory_space<vmem>> -> memref<1x128xi32, #tpu.memory_space<vmem>>
      %dma_start3A_126 = tpu.memref_squeeze %dma_start3A_125 : memref<1x128xi32, #tpu.memory_space<vmem>> -> memref<128xi32, #tpu.memory_space<vmem>>
      %dma_start3A_127 = arith.constant 0 : i32
      %dma_start3A_128 = arith.constant 0 : i32
      %dma_start3A_129 = tpu.memref_slice %arg2[%dma_start3A_127, %dma_start3A_128] : memref<262144x32xi32, #tpu.memory_space<hbm>> -> memref<262144x32xi32, #tpu.memory_space<hbm>>
      tpu.enqueue_indirect_dma source(%dma_start3A_129 : memref<262144x32xi32, #tpu.memory_space<hbm>>) target(%dma_start3A_123 : memref<128x32xi32, #tpu.memory_space<vmem>>) offsets(%dma_start3A_126 : memref<128xi32, #tpu.memory_space<vmem>>) semaphore(%arg15 : memref<!tpu.dma_semaphore, #tpu.memory_space<semaphore_mem>>)
      %dma_start3A_130 = arith.constant 1 : i32
      %dma_start3A_131 = arith.constant 1 : i32
      %dma_start3A_132 = arith.constant 0 : i32
      %dma_start3A_133 = arith.constant 0 : i32
      %dma_start3A_134 = tpu.memref_slice %arg13[%dma_start3A_131, %dma_start3A_132, %dma_start3A_133] : memref<4x256x32xi32, #tpu.memory_space<vmem>> -> memref<1x128x32xi32, #tpu.memory_space<vmem>>
      %dma_start3A_135 = tpu.memref_squeeze %dma_start3A_134 : memref<1x128x32xi32, #tpu.memory_space<vmem>> -> memref<128x32xi32, #tpu.memory_space<vmem>>
      %dma_start3A_136 = arith.constant 0 : i32
      %dma_start3A_137 = tpu.memref_slice %arg8[%dma_start3A_130, %dma_start3A_136] : memref<64x128xi32, #tpu.memory_space<vmem>> -> memref<1x128xi32, #tpu.memory_space<vmem>>
      %dma_start3A_138 = tpu.memref_squeeze %dma_start3A_137 : memref<1x128xi32, #tpu.memory_space<vmem>> -> memref<128xi32, #tpu.memory_space<vmem>>
      %dma_start3A_139 = arith.constant 0 : i32
      %dma_start3A_140 = arith.constant 0 : i32
      %dma_start3A_141 = tpu.memref_slice %arg2[%dma_start3A_139, %dma_start3A_140] : memref<262144x32xi32, #tpu.memory_space<hbm>> -> memref<262144x32xi32, #tpu.memory_space<hbm>>
      tpu.enqueue_indirect_dma source(%dma_start3A_141 : memref<262144x32xi32, #tpu.memory_space<hbm>>) target(%dma_start3A_135 : memref<128x32xi32, #tpu.memory_space<vmem>>) offsets(%dma_start3A_138 : memref<128xi32, #tpu.memory_space<vmem>>) semaphore(%arg16 : memref<!tpu.dma_semaphore, #tpu.memory_space<semaphore_mem>>)
      %dma_start3A_142 = arith.constant 1 : i32
      %dma_start3A_143 = arith.constant 1 : i32
      %dma_start3A_144 = arith.constant 128 : i32
      %dma_start3A_145 = arith.constant 0 : i32
      %dma_start3A_146 = tpu.memref_slice %arg13[%dma_start3A_143, %dma_start3A_144, %dma_start3A_145] : memref<4x256x32xi32, #tpu.memory_space<vmem>> -> memref<1x128x32xi32, #tpu.memory_space<vmem>>
      %dma_start3A_147 = tpu.memref_squeeze %dma_start3A_146 : memref<1x128x32xi32, #tpu.memory_space<vmem>> -> memref<128x32xi32, #tpu.memory_space<vmem>>
      %dma_start3A_148 = arith.constant 0 : i32
      %dma_start3A_149 = tpu.memref_slice %arg9[%dma_start3A_142, %dma_start3A_148] : memref<64x128xi32, #tpu.memory_space<vmem>> -> memref<1x128xi32, #tpu.memory_space<vmem>>
      %dma_start3A_150 = tpu.memref_squeeze %dma_start3A_149 : memref<1x128xi32, #tpu.memory_space<vmem>> -> memref<128xi32, #tpu.memory_space<vmem>>
      %dma_start3A_151 = arith.constant 0 : i32
      %dma_start3A_152 = arith.constant 0 : i32
      %dma_start3A_153 = tpu.memref_slice %arg2[%dma_start3A_151, %dma_start3A_152] : memref<262144x32xi32, #tpu.memory_space<hbm>> -> memref<262144x32xi32, #tpu.memory_space<hbm>>
      tpu.enqueue_indirect_dma source(%dma_start3A_153 : memref<262144x32xi32, #tpu.memory_space<hbm>>) target(%dma_start3A_147 : memref<128x32xi32, #tpu.memory_space<vmem>>) offsets(%dma_start3A_150 : memref<128xi32, #tpu.memory_space<vmem>>) semaphore(%arg16 : memref<!tpu.dma_semaphore, #tpu.memory_space<semaphore_mem>>)
      %dma_start3A_154 = arith.constant 2 : i32
      %dma_start3A_155 = arith.constant 2 : i32
      %dma_start3A_156 = arith.constant 0 : i32
      %dma_start3A_157 = arith.constant 0 : i32
      %dma_start3A_158 = tpu.memref_slice %arg13[%dma_start3A_155, %dma_start3A_156, %dma_start3A_157] : memref<4x256x32xi32, #tpu.memory_space<vmem>> -> memref<1x128x32xi32, #tpu.memory_space<vmem>>
      %dma_start3A_159 = tpu.memref_squeeze %dma_start3A_158 : memref<1x128x32xi32, #tpu.memory_space<vmem>> -> memref<128x32xi32, #tpu.memory_space<vmem>>
      %dma_start3A_160 = arith.constant 0 : i32
      %dma_start3A_161 = tpu.memref_slice %arg8[%dma_start3A_154, %dma_start3A_160] : memref<64x128xi32, #tpu.memory_space<vmem>> -> memref<1x128xi32, #tpu.memory_space<vmem>>
      %dma_start3A_162 = tpu.memref_squeeze %dma_start3A_161 : memref<1x128xi32, #tpu.memory_space<vmem>> -> memref<128xi32, #tpu.memory_space<vmem>>
      %dma_start3A_163 = arith.constant 0 : i32
      %dma_start3A_164 = arith.constant 0 : i32
      %dma_start3A_165 = tpu.memref_slice %arg2[%dma_start3A_163, %dma_start3A_164] : memref<262144x32xi32, #tpu.memory_space<hbm>> -> memref<262144x32xi32, #tpu.memory_space<hbm>>
      tpu.enqueue_indirect_dma source(%dma_start3A_165 : memref<262144x32xi32, #tpu.memory_space<hbm>>) target(%dma_start3A_159 : memref<128x32xi32, #tpu.memory_space<vmem>>) offsets(%dma_start3A_162 : memref<128xi32, #tpu.memory_space<vmem>>) semaphore(%arg17 : memref<!tpu.dma_semaphore, #tpu.memory_space<semaphore_mem>>)
      %dma_start3A_166 = arith.constant 2 : i32
      %dma_start3A_167 = arith.constant 2 : i32
      %dma_start3A_168 = arith.constant 128 : i32
      %dma_start3A_169 = arith.constant 0 : i32
      %dma_start3A_170 = tpu.memref_slice %arg13[%dma_start3A_167, %dma_start3A_168, %dma_start3A_169] : memref<4x256x32xi32, #tpu.memory_space<vmem>> -> memref<1x128x32xi32, #tpu.memory_space<vmem>>
      %dma_start3A_171 = tpu.memref_squeeze %dma_start3A_170 : memref<1x128x32xi32, #tpu.memory_space<vmem>> -> memref<128x32xi32, #tpu.memory_space<vmem>>
      %dma_start3A_172 = arith.constant 0 : i32
      %dma_start3A_173 = tpu.memref_slice %arg9[%dma_start3A_166, %dma_start3A_172] : memref<64x128xi32, #tpu.memory_space<vmem>> -> memref<1x128xi32, #tpu.memory_space<vmem>>
      %dma_start3A_174 = tpu.memref_squeeze %dma_start3A_173 : memref<1x128xi32, #tpu.memory_space<vmem>> -> memref<128xi32, #tpu.memory_space<vmem>>
      %dma_start3A_175 = arith.constant 0 : i32
      %dma_start3A_176 = arith.constant 0 : i32
      %dma_start3A_177 = tpu.memref_slice %arg2[%dma_start3A_175, %dma_start3A_176] : memref<262144x32xi32, #tpu.memory_space<hbm>> -> memref<262144x32xi32, #tpu.memory_space<hbm>>
      tpu.enqueue_indirect_dma source(%dma_start3A_177 : memref<262144x32xi32, #tpu.memory_space<hbm>>) target(%dma_start3A_171 : memref<128x32xi32, #tpu.memory_space<vmem>>) offsets(%dma_start3A_174 : memref<128xi32, #tpu.memory_space<vmem>>) semaphore(%arg17 : memref<!tpu.dma_semaphore, #tpu.memory_space<semaphore_mem>>)
      %scan3A_178 = arith.constant 0 : i32
      %scan3A_179 = arith.constant 0 : i32
      %scan3A_180 = arith.constant 16 : i32
      %scan3A_181 = arith.addi %scan3A_179, %scan3A_180 : i32
      %scan3A_182 = arith.constant 1 : i32
      %scan3A_183 = scf.for %scan3A_186 = %scan3A_179 to %scan3A_181 step %scan3A_182 iter_args(%scan3A_187 = %scan3A_178) -> (i32)  : i32 {
        %mul3A_188 = arith.constant 4 : i32
        %mul3A_189 = arith.muli %scan3A_186, %mul3A_188 : i32
        %add3A_190 = arith.constant 0 : i32
        %add3A_191 = arith.addi %mul3A_189, %add3A_190 : i32
        %add3A_192 = arith.constant 3 : i32
        %add3A_193 = arith.addi %add3A_191, %add3A_192 : i32
        %lt3A = arith.constant 64 : i32
        %lt3A_194 = arith.cmpi slt, %add3A_193, %lt3A : i32
        %convert_element_type3A = arith.extui %lt3A_194 : i1 to i32
        %cond3A = arith.constant 0 : i32
        %cond3A_195 = arith.cmpi ne, %convert_element_type3A, %cond3A : i32
        scf.if %cond3A_195 {
          %add3A_345 = arith.constant 3 : i32
          %add3A_346 = arith.addi %add3A_191, %add3A_345 : i32
          %dma_start3A_347 = arith.constant 3 : i32
          %dma_start3A_348 = arith.constant 0 : i32
          %dma_start3A_349 = arith.constant 0 : i32
          %dma_start3A_350 = tpu.memref_slice %arg13[%dma_start3A_347, %dma_start3A_348, %dma_start3A_349] : memref<4x256x32xi32, #tpu.memory_space<vmem>> -> memref<1x128x32xi32, #tpu.memory_space<vmem>>
          %dma_start3A_351 = tpu.memref_squeeze %dma_start3A_350 : memref<1x128x32xi32, #tpu.memory_space<vmem>> -> memref<128x32xi32, #tpu.memory_space<vmem>>
          %dma_start3A_352 = arith.constant 0 : i32
          %dma_start3A_353 = tpu.memref_slice %arg8[%add3A_346, %dma_start3A_352] : memref<64x128xi32, #tpu.memory_space<vmem>> -> memref<1x128xi32, #tpu.memory_space<vmem>>
          %dma_start3A_354 = tpu.memref_squeeze %dma_start3A_353 : memref<1x128xi32, #tpu.memory_space<vmem>> -> memref<128xi32, #tpu.memory_space<vmem>>
          %dma_start3A_355 = arith.constant 0 : i32
          %dma_start3A_356 = arith.constant 0 : i32
          %dma_start3A_357 = tpu.memref_slice %arg2[%dma_start3A_355, %dma_start3A_356] : memref<262144x32xi32, #tpu.memory_space<hbm>> -> memref<262144x32xi32, #tpu.memory_space<hbm>>
          tpu.enqueue_indirect_dma source(%dma_start3A_357 : memref<262144x32xi32, #tpu.memory_space<hbm>>) target(%dma_start3A_351 : memref<128x32xi32, #tpu.memory_space<vmem>>) offsets(%dma_start3A_354 : memref<128xi32, #tpu.memory_space<vmem>>) semaphore(%arg18 : memref<!tpu.dma_semaphore, #tpu.memory_space<semaphore_mem>>)
          %dma_start3A_358 = arith.constant 3 : i32
          %dma_start3A_359 = arith.constant 128 : i32
          %dma_start3A_360 = arith.constant 0 : i32
          %dma_start3A_361 = tpu.memref_slice %arg13[%dma_start3A_358, %dma_start3A_359, %dma_start3A_360] : memref<4x256x32xi32, #tpu.memory_space<vmem>> -> memref<1x128x32xi32, #tpu.memory_space<vmem>>
          %dma_start3A_362 = tpu.memref_squeeze %dma_start3A_361 : memref<1x128x32xi32, #tpu.memory_space<vmem>> -> memref<128x32xi32, #tpu.memory_space<vmem>>
          %dma_start3A_363 = arith.constant 0 : i32
          %dma_start3A_364 = tpu.memref_slice %arg9[%add3A_346, %dma_start3A_363] : memref<64x128xi32, #tpu.memory_space<vmem>> -> memref<1x128xi32, #tpu.memory_space<vmem>>
          %dma_start3A_365 = tpu.memref_squeeze %dma_start3A_364 : memref<1x128xi32, #tpu.memory_space<vmem>> -> memref<128xi32, #tpu.memory_space<vmem>>
          %dma_start3A_366 = arith.constant 0 : i32
          %dma_start3A_367 = arith.constant 0 : i32
          %dma_start3A_368 = tpu.memref_slice %arg2[%dma_start3A_366, %dma_start3A_367] : memref<262144x32xi32, #tpu.memory_space<hbm>> -> memref<262144x32xi32, #tpu.memory_space<hbm>>
          tpu.enqueue_indirect_dma source(%dma_start3A_368 : memref<262144x32xi32, #tpu.memory_space<hbm>>) target(%dma_start3A_362 : memref<128x32xi32, #tpu.memory_space<vmem>>) offsets(%dma_start3A_365 : memref<128xi32, #tpu.memory_space<vmem>>) semaphore(%arg18 : memref<!tpu.dma_semaphore, #tpu.memory_space<semaphore_mem>>)
        } else {
        }
        %dma_wait3A = arith.constant 0 : i32
        %dma_wait3A_196 = arith.constant 0 : i32
        %dma_wait3A_197 = arith.constant 0 : i32
        %dma_wait3A_198 = tpu.memref_slice %arg13[%dma_wait3A, %dma_wait3A_196, %dma_wait3A_197] : memref<4x256x32xi32, #tpu.memory_space<vmem>> -> memref<1x128x32xi32, #tpu.memory_space<vmem>>
        %dma_wait3A_199 = tpu.memref_squeeze %dma_wait3A_198 : memref<1x128x32xi32, #tpu.memory_space<vmem>> -> memref<128x32xi32, #tpu.memory_space<vmem>>
        %dma_wait3A_200 = arith.constant 0 : i32
        %dma_wait3A_201 = tpu.memref_slice %arg8[%add3A_191, %dma_wait3A_200] : memref<64x128xi32, #tpu.memory_space<vmem>> -> memref<1x128xi32, #tpu.memory_space<vmem>>
        %dma_wait3A_202 = tpu.memref_squeeze %dma_wait3A_201 : memref<1x128xi32, #tpu.memory_space<vmem>> -> memref<128xi32, #tpu.memory_space<vmem>>
        %dma_wait3A_203 = arith.constant 0 : i32
        %dma_wait3A_204 = arith.constant 0 : i32
        %dma_wait3A_205 = tpu.memref_slice %arg2[%dma_wait3A_203, %dma_wait3A_204] : memref<262144x32xi32, #tpu.memory_space<hbm>> -> memref<262144x32xi32, #tpu.memory_space<hbm>>
        tpu.wait_indirect_dma semaphore(%arg15 : memref<!tpu.dma_semaphore, #tpu.memory_space<semaphore_mem>>) src(%dma_wait3A_205 : memref<262144x32xi32, #tpu.memory_space<hbm>>) dst(%dma_wait3A_199 : memref<128x32xi32, #tpu.memory_space<vmem>>)
        %dma_wait3A_206 = arith.constant 0 : i32
        %dma_wait3A_207 = arith.constant 128 : i32
        %dma_wait3A_208 = arith.constant 0 : i32
        %dma_wait3A_209 = tpu.memref_slice %arg13[%dma_wait3A_206, %dma_wait3A_207, %dma_wait3A_208] : memref<4x256x32xi32, #tpu.memory_space<vmem>> -> memref<1x128x32xi32, #tpu.memory_space<vmem>>
        %dma_wait3A_210 = tpu.memref_squeeze %dma_wait3A_209 : memref<1x128x32xi32, #tpu.memory_space<vmem>> -> memref<128x32xi32, #tpu.memory_space<vmem>>
        %dma_wait3A_211 = arith.constant 0 : i32
        %dma_wait3A_212 = tpu.memref_slice %arg9[%add3A_191, %dma_wait3A_211] : memref<64x128xi32, #tpu.memory_space<vmem>> -> memref<1x128xi32, #tpu.memory_space<vmem>>
        %dma_wait3A_213 = tpu.memref_squeeze %dma_wait3A_212 : memref<1x128xi32, #tpu.memory_space<vmem>> -> memref<128xi32, #tpu.memory_space<vmem>>
        %dma_wait3A_214 = arith.constant 0 : i32
        %dma_wait3A_215 = arith.constant 0 : i32
        %dma_wait3A_216 = tpu.memref_slice %arg2[%dma_wait3A_214, %dma_wait3A_215] : memref<262144x32xi32, #tpu.memory_space<hbm>> -> memref<262144x32xi32, #tpu.memory_space<hbm>>
        tpu.wait_indirect_dma semaphore(%arg15 : memref<!tpu.dma_semaphore, #tpu.memory_space<semaphore_mem>>) src(%dma_wait3A_216 : memref<262144x32xi32, #tpu.memory_space<hbm>>) dst(%dma_wait3A_210 : memref<128x32xi32, #tpu.memory_space<vmem>>)
        %scan3A_217 = arith.constant 0 : i32
        %scan3A_218 = arith.constant 0 : i32
        %scan3A_219 = arith.constant 8 : i32
        %scan3A_220 = arith.addi %scan3A_218, %scan3A_219 : i32
        %scan3A_221 = arith.constant 1 : i32
        %scan3A_222 = scf.for %scan3A_345 = %scan3A_218 to %scan3A_220 step %scan3A_221 iter_args(%scan3A_346 = %scan3A_217) -> (i32)  : i32 {
          %mul3A_347 = arith.constant 128 : i32
          %mul3A_348 = arith.muli %add3A_191, %mul3A_347 : i32
          %mul3A_349 = arith.constant 16 : i32
          %mul3A_350 = arith.muli %scan3A_345, %mul3A_349 : i32
          %add3A_351 = arith.addi %mul3A_348, %mul3A_350 : i32
          %get3A = arith.index_cast %add3A_351 : i32 to index
          %get3A_352 = tpu.vector_load %arg10[%get3A] {strides = array<i32>} : memref<8192xf32, #tpu.memory_space<vmem>>, vector<16xf32>,
          %mul3A_353 = arith.constant 16 : i32
          %mul3A_354 = arith.muli %scan3A_345, %mul3A_353 : i32
          %add3A_355 = arith.constant 0 : i32
          %add3A_356 = arith.addi %add3A_355, %mul3A_354 : i32
          %add3A_357 = arith.constant 0 : i32
          %add3A_358 = arith.addi %add3A_356, %add3A_357 : i32
          %slice3A = vector.extract_strided_slice %get3A_352 {offsets = [0], sizes = [1], strides = [1]} : vector<16xf32> to vector<1xf32>
          %squeeze3A = vector.extract %slice3A[0] : f32 from vector<1xf32>
          %broadcast_in_dim3A_359 = vector.broadcast %squeeze3A : f32 to vector<16xf32>
          %pack3A = tpu.pack_subelements %broadcast_in_dim3A_359, %broadcast_in_dim3A_359 {pack_format = #tpu.pack_format<interleaved>, positions = array<i32: 0, 1>} : vector<16xf32>, vector<16xf32> -> vector<32xbf16>
          %get3A_360 = arith.constant 0 : i32
          %get3A_361 = arith.index_cast %get3A_360 : i32 to index
          %get3A_362 = arith.index_cast %add3A_358 : i32 to index
          %get3A_363 = arith.constant 0 : index
          %get3A_364 = tpu.vector_load %arg13[%get3A_361, %get3A_362, %get3A_363] {strides = array<i32>} : memref<4x256x32xi32, #tpu.memory_space<vmem>>, vector<16xi32>,
          %bitcast3A = vector.bitcast %get3A_364 : vector<16xi32> to vector<32xbf16>
          %mul3A_365 = arith.mulf %pack3A, %bitcast3A : vector<32xbf16>
          %get3A_366 = arith.constant 0 : i32
          %get3A_367 = arith.index_cast %get3A_366 : i32 to index
          %get3A_368 = arith.index_cast %add3A_358 : i32 to index
          %get3A_369 = arith.constant 16 : index
          %get3A_370 = tpu.vector_load %arg13[%get3A_367, %get3A_368, %get3A_369] {strides = array<i32>} : memref<4x256x32xi32, #tpu.memory_space<vmem>>, vector<16xi32>,
          %bitcast3A_371 = vector.bitcast %get3A_370 : vector<16xi32> to vector<32xbf16>
          %mul3A_372 = arith.mulf %pack3A, %bitcast3A_371 : vector<32xbf16>
          %mul3A_373 = arith.constant 16 : i32
          %mul3A_374 = arith.muli %scan3A_345, %mul3A_373 : i32
          %add3A_375 = arith.constant 0 : i32
          %add3A_376 = arith.addi %add3A_375, %mul3A_374 : i32
          %add3A_377 = arith.constant 1 : i32
          %add3A_378 = arith.addi %add3A_376, %add3A_377 : i32
          %slice3A_379 = vector.extract_strided_slice %get3A_352 {offsets = [1], sizes = [1], strides = [1]} : vector<16xf32> to vector<1xf32>
          %squeeze3A_380 = vector.extract %slice3A_379[0] : f32 from vector<1xf32>
          %broadcast_in_dim3A_381 = vector.broadcast %squeeze3A_380 : f32 to vector<16xf32>
          %pack3A_382 = tpu.pack_subelements %broadcast_in_dim3A_381, %broadcast_in_dim3A_381 {pack_format = #tpu.pack_format<interleaved>, positions = array<i32: 0, 1>} : vector<16xf32>, vector<16xf32> -> vector<32xbf16>
          %get3A_383 = arith.constant 0 : i32
          %get3A_384 = arith.index_cast %get3A_383 : i32 to index
          %get3A_385 = arith.index_cast %add3A_378 : i32 to index
          %get3A_386 = arith.constant 0 : index
          %get3A_387 = tpu.vector_load %arg13[%get3A_384, %get3A_385, %get3A_386] {strides = array<i32>} : memref<4x256x32xi32, #tpu.memory_space<vmem>>, vector<16xi32>,
          %bitcast3A_388 = vector.bitcast %get3A_387 : vector<16xi32> to vector<32xbf16>
          %mul3A_389 = arith.mulf %pack3A_382, %bitcast3A_388 : vector<32xbf16>
          %get3A_390 = arith.constant 0 : i32
          %get3A_391 = arith.index_cast %get3A_390 : i32 to index
          %get3A_392 = arith.index_cast %add3A_378 : i32 to index
          %get3A_393 = arith.constant 16 : index
          %get3A_394 = tpu.vector_load %arg13[%get3A_391, %get3A_392, %get3A_393] {strides = array<i32>} : memref<4x256x32xi32, #tpu.memory_space<vmem>>, vector<16xi32>,
          %bitcast3A_395 = vector.bitcast %get3A_394 : vector<16xi32> to vector<32xbf16>
          %mul3A_396 = arith.mulf %pack3A_382, %bitcast3A_395 : vector<32xbf16>
          %mul3A_397 = arith.constant 16 : i32
          %mul3A_398 = arith.muli %scan3A_345, %mul3A_397 : i32
          %add3A_399 = arith.constant 0 : i32
          %add3A_400 = arith.addi %add3A_399, %mul3A_398 : i32
          %add3A_401 = arith.constant 2 : i32
          %add3A_402 = arith.addi %add3A_400, %add3A_401 : i32
          %slice3A_403 = vector.extract_strided_slice %get3A_352 {offsets = [2], sizes = [1], strides = [1]} : vector<16xf32> to vector<1xf32>
          %squeeze3A_404 = vector.extract %slice3A_403[0] : f32 from vector<1xf32>
          %broadcast_in_dim3A_405 = vector.broadcast %squeeze3A_404 : f32 to vector<16xf32>
          %pack3A_406 = tpu.pack_subelements %broadcast_in_dim3A_405, %broadcast_in_dim3A_405 {pack_format = #tpu.pack_format<interleaved>, positions = array<i32: 0, 1>} : vector<16xf32>, vector<16xf32> -> vector<32xbf16>
          %get3A_407 = arith.constant 0 : i32
          %get3A_408 = arith.index_cast %get3A_407 : i32 to index
          %get3A_409 = arith.index_cast %add3A_402 : i32 to index
          %get3A_410 = arith.constant 0 : index
          %get3A_411 = tpu.vector_load %arg13[%get3A_408, %get3A_409, %get3A_410] {strides = array<i32>} : memref<4x256x32xi32, #tpu.memory_space<vmem>>, vector<16xi32>,
          %bitcast3A_412 = vector.bitcast %get3A_411 : vector<16xi32> to vector<32xbf16>
          %mul3A_413 = arith.mulf %pack3A_406, %bitcast3A_412 : vector<32xbf16>
          %get3A_414 = arith.constant 0 : i32
          %get3A_415 = arith.index_cast %get3A_414 : i32 to index
          %get3A_416 = arith.index_cast %add3A_402 : i32 to index
          %get3A_417 = arith.constant 16 : index
          %get3A_418 = tpu.vector_load %arg13[%get3A_415, %get3A_416, %get3A_417] {strides = array<i32>} : memref<4x256x32xi32, #tpu.memory_space<vmem>>, vector<16xi32>,
          %bitcast3A_419 = vector.bitcast %get3A_418 : vector<16xi32> to vector<32xbf16>
          %mul3A_420 = arith.mulf %pack3A_406, %bitcast3A_419 : vector<32xbf16>
          %mul3A_421 = arith.constant 16 : i32
          %mul3A_422 = arith.muli %scan3A_345, %mul3A_421 : i32
          %add3A_423 = arith.constant 0 : i32
          %add3A_424 = arith.addi %add3A_423, %mul3A_422 : i32
          %add3A_425 = arith.constant 3 : i32
          %add3A_426 = arith.addi %add3A_424, %add3A_425 : i32
          %slice3A_427 = vector.extract_strided_slice %get3A_352 {offsets = [3], sizes = [1], strides = [1]} : vector<16xf32> to vector<1xf32>
          %squeeze3A_428 = vector.extract %slice3A_427[0] : f32 from vector<1xf32>
          %broadcast_in_dim3A_429 = vector.broadcast %squeeze3A_428 : f32 to vector<16xf32>
          %pack3A_430 = tpu.pack_subelements %broadcast_in_dim3A_429, %broadcast_in_dim3A_429 {pack_format = #tpu.pack_format<interleaved>, positions = array<i32: 0, 1>} : vector<16xf32>, vector<16xf32> -> vector<32xbf16>
          %get3A_431 = arith.constant 0 : i32
          %get3A_432 = arith.index_cast %get3A_431 : i32 to index
          %get3A_433 = arith.index_cast %add3A_426 : i32 to index
          %get3A_434 = arith.constant 0 : index
          %get3A_435 = tpu.vector_load %arg13[%get3A_432, %get3A_433, %get3A_434] {strides = array<i32>} : memref<4x256x32xi32, #tpu.memory_space<vmem>>, vector<16xi32>,
          %bitcast3A_436 = vector.bitcast %get3A_435 : vector<16xi32> to vector<32xbf16>
          %mul3A_437 = arith.mulf %pack3A_430, %bitcast3A_436 : vector<32xbf16>
          %get3A_438 = arith.constant 0 : i32
          %get3A_439 = arith.index_cast %get3A_438 : i32 to index
          %get3A_440 = arith.index_cast %add3A_426 : i32 to index
          %get3A_441 = arith.constant 16 : index
          %get3A_442 = tpu.vector_load %arg13[%get3A_439, %get3A_440, %get3A_441] {strides = array<i32>} : memref<4x256x32xi32, #tpu.memory_space<vmem>>, vector<16xi32>,
          %bitcast3A_443 = vector.bitcast %get3A_442 : vector<16xi32> to vector<32xbf16>
          %mul3A_444 = arith.mulf %pack3A_430, %bitcast3A_443 : vector<32xbf16>
          %mul3A_445 = arith.constant 16 : i32
          %mul3A_446 = arith.muli %scan3A_345, %mul3A_445 : i32
          %add3A_447 = arith.constant 0 : i32
          %add3A_448 = arith.addi %add3A_447, %mul3A_446 : i32
          %add3A_449 = arith.constant 4 : i32
          %add3A_450 = arith.addi %add3A_448, %add3A_449 : i32
          %slice3A_451 = vector.extract_strided_slice %get3A_352 {offsets = [4], sizes = [1], strides = [1]} : vector<16xf32> to vector<1xf32>
          %squeeze3A_452 = vector.extract %slice3A_451[0] : f32 from vector<1xf32>
          %broadcast_in_dim3A_453 = vector.broadcast %squeeze3A_452 : f32 to vector<16xf32>
          %pack3A_454 = tpu.pack_subelements %broadcast_in_dim3A_453, %broadcast_in_dim3A_453 {pack_format = #tpu.pack_format<interleaved>, positions = array<i32: 0, 1>} : vector<16xf32>, vector<16xf32> -> vector<32xbf16>
          %get3A_455 = arith.constant 0 : i32
          %get3A_456 = arith.index_cast %get3A_455 : i32 to index
          %get3A_457 = arith.index_cast %add3A_450 : i32 to index
          %get3A_458 = arith.constant 0 : index
          %get3A_459 = tpu.vector_load %arg13[%get3A_456, %get3A_457, %get3A_458] {strides = array<i32>} : memref<4x256x32xi32, #tpu.memory_space<vmem>>, vector<16xi32>,
          %bitcast3A_460 = vector.bitcast %get3A_459 : vector<16xi32> to vector<32xbf16>
          %mul3A_461 = arith.mulf %pack3A_454, %bitcast3A_460 : vector<32xbf16>
          %get3A_462 = arith.constant 0 : i32
          %get3A_463 = arith.index_cast %get3A_462 : i32 to index
          %get3A_464 = arith.index_cast %add3A_450 : i32 to index
          %get3A_465 = arith.constant 16 : index
          %get3A_466 = tpu.vector_load %arg13[%get3A_463, %get3A_464, %get3A_465] {strides = array<i32>} : memref<4x256x32xi32, #tpu.memory_space<vmem>>, vector<16xi32>,
          %bitcast3A_467 = vector.bitcast %get3A_466 : vector<16xi32> to vector<32xbf16>
          %mul3A_468 = arith.mulf %pack3A_454, %bitcast3A_467 : vector<32xbf16>
          %mul3A_469 = arith.constant 16 : i32
          %mul3A_470 = arith.muli %scan3A_345, %mul3A_469 : i32
          %add3A_471 = arith.constant 0 : i32
          %add3A_472 = arith.addi %add3A_471, %mul3A_470 : i32
          %add3A_473 = arith.constant 5 : i32
          %add3A_474 = arith.addi %add3A_472, %add3A_473 : i32
          %slice3A_475 = vector.extract_strided_slice %get3A_352 {offsets = [5], sizes = [1], strides = [1]} : vector<16xf32> to vector<1xf32>
          %squeeze3A_476 = vector.extract %slice3A_475[0] : f32 from vector<1xf32>
          %broadcast_in_dim3A_477 = vector.broadcast %squeeze3A_476 : f32 to vector<16xf32>
          %pack3A_478 = tpu.pack_subelements %broadcast_in_dim3A_477, %broadcast_in_dim3A_477 {pack_format = #tpu.pack_format<interleaved>, positions = array<i32: 0, 1>} : vector<16xf32>, vector<16xf32> -> vector<32xbf16>
          %get3A_479 = arith.constant 0 : i32
          %get3A_480 = arith.index_cast %get3A_479 : i32 to index
          %get3A_481 = arith.index_cast %add3A_474 : i32 to index
          %get3A_482 = arith.constant 0 : index
          %get3A_483 = tpu.vector_load %arg13[%get3A_480, %get3A_481, %get3A_482] {strides = array<i32>} : memref<4x256x32xi32, #tpu.memory_space<vmem>>, vector<16xi32>,
          %bitcast3A_484 = vector.bitcast %get3A_483 : vector<16xi32> to vector<32xbf16>
          %mul3A_485 = arith.mulf %pack3A_478, %bitcast3A_484 : vector<32xbf16>
          %get3A_486 = arith.constant 0 : i32
          %get3A_487 = arith.index_cast %get3A_486 : i32 to index
          %get3A_488 = arith.index_cast %add3A_474 : i32 to index
          %get3A_489 = arith.constant 16 : index
          %get3A_490 = tpu.vector_load %arg13[%get3A_487, %get3A_488, %get3A_489] {strides = array<i32>} : memref<4x256x32xi32, #tpu.memory_space<vmem>>, vector<16xi32>,
          %bitcast3A_491 = vector.bitcast %get3A_490 : vector<16xi32> to vector<32xbf16>
          %mul3A_492 = arith.mulf %pack3A_478, %bitcast3A_491 : vector<32xbf16>
          %mul3A_493 = arith.constant 16 : i32
          %mul3A_494 = arith.muli %scan3A_345, %mul3A_493 : i32
          %add3A_495 = arith.constant 0 : i32
          %add3A_496 = arith.addi %add3A_495, %mul3A_494 : i32
          %add3A_497 = arith.constant 6 : i32
          %add3A_498 = arith.addi %add3A_496, %add3A_497 : i32
          %slice3A_499 = vector.extract_strided_slice %get3A_352 {offsets = [6], sizes = [1], strides = [1]} : vector<16xf32> to vector<1xf32>
          %squeeze3A_500 = vector.extract %slice3A_499[0] : f32 from vector<1xf32>
          %broadcast_in_dim3A_501 = vector.broadcast %squeeze3A_500 : f32 to vector<16xf32>
          %pack3A_502 = tpu.pack_subelements %broadcast_in_dim3A_501, %broadcast_in_dim3A_501 {pack_format = #tpu.pack_format<interleaved>, positions = array<i32: 0, 1>} : vector<16xf32>, vector<16xf32> -> vector<32xbf16>
          %get3A_503 = arith.constant 0 : i32
          %get3A_504 = arith.index_cast %get3A_503 : i32 to index
          %get3A_505 = arith.index_cast %add3A_498 : i32 to index
          %get3A_506 = arith.constant 0 : index
          %get3A_507 = tpu.vector_load %arg13[%get3A_504, %get3A_505, %get3A_506] {strides = array<i32>} : memref<4x256x32xi32, #tpu.memory_space<vmem>>, vector<16xi32>,
          %bitcast3A_508 = vector.bitcast %get3A_507 : vector<16xi32> to vector<32xbf16>
          %mul3A_509 = arith.mulf %pack3A_502, %bitcast3A_508 : vector<32xbf16>
          %get3A_510 = arith.constant 0 : i32
          %get3A_511 = arith.index_cast %get3A_510 : i32 to index
          %get3A_512 = arith.index_cast %add3A_498 : i32 to index
          %get3A_513 = arith.constant 16 : index
          %get3A_514 = tpu.vector_load %arg13[%get3A_511, %get3A_512, %get3A_513] {strides = array<i32>} : memref<4x256x32xi32, #tpu.memory_space<vmem>>, vector<16xi32>,
          %bitcast3A_515 = vector.bitcast %get3A_514 : vector<16xi32> to vector<32xbf16>
          %mul3A_516 = arith.mulf %pack3A_502, %bitcast3A_515 : vector<32xbf16>
          %mul3A_517 = arith.constant 16 : i32
          %mul3A_518 = arith.muli %scan3A_345, %mul3A_517 : i32
          %add3A_519 = arith.constant 0 : i32
          %add3A_520 = arith.addi %add3A_519, %mul3A_518 : i32
          %add3A_521 = arith.constant 7 : i32
          %add3A_522 = arith.addi %add3A_520, %add3A_521 : i32
          %slice3A_523 = vector.extract_strided_slice %get3A_352 {offsets = [7], sizes = [1], strides = [1]} : vector<16xf32> to vector<1xf32>
          %squeeze3A_524 = vector.extract %slice3A_523[0] : f32 from vector<1xf32>
          %broadcast_in_dim3A_525 = vector.broadcast %squeeze3A_524 : f32 to vector<16xf32>
          %pack3A_526 = tpu.pack_subelements %broadcast_in_dim3A_525, %broadcast_in_dim3A_525 {pack_format = #tpu.pack_format<interleaved>, positions = array<i32: 0, 1>} : vector<16xf32>, vector<16xf32> -> vector<32xbf16>
          %get3A_527 = arith.constant 0 : i32
          %get3A_528 = arith.index_cast %get3A_527 : i32 to index
          %get3A_529 = arith.index_cast %add3A_522 : i32 to index
          %get3A_530 = arith.constant 0 : index
          %get3A_531 = tpu.vector_load %arg13[%get3A_528, %get3A_529, %get3A_530] {strides = array<i32>} : memref<4x256x32xi32, #tpu.memory_space<vmem>>, vector<16xi32>,
          %bitcast3A_532 = vector.bitcast %get3A_531 : vector<16xi32> to vector<32xbf16>
          %mul3A_533 = arith.mulf %pack3A_526, %bitcast3A_532 : vector<32xbf16>
          %get3A_534 = arith.constant 0 : i32
          %get3A_535 = arith.index_cast %get3A_534 : i32 to index
          %get3A_536 = arith.index_cast %add3A_522 : i32 to index
          %get3A_537 = arith.constant 16 : index
          %get3A_538 = tpu.vector_load %arg13[%get3A_535, %get3A_536, %get3A_537] {strides = array<i32>} : memref<4x256x32xi32, #tpu.memory_space<vmem>>, vector<16xi32>,
          %bitcast3A_539 = vector.bitcast %get3A_538 : vector<16xi32> to vector<32xbf16>
          %mul3A_540 = arith.mulf %pack3A_526, %bitcast3A_539 : vector<32xbf16>
          %mul3A_541 = arith.constant 16 : i32
          %mul3A_542 = arith.muli %scan3A_345, %mul3A_541 : i32
          %add3A_543 = arith.constant 0 : i32
          %add3A_544 = arith.addi %add3A_543, %mul3A_542 : i32
          %add3A_545 = arith.constant 8 : i32
          %add3A_546 = arith.addi %add3A_544, %add3A_545 : i32
          %slice3A_547 = vector.extract_strided_slice %get3A_352 {offsets = [8], sizes = [1], strides = [1]} : vector<16xf32> to vector<1xf32>
          %squeeze3A_548 = vector.extract %slice3A_547[0] : f32 from vector<1xf32>
          %broadcast_in_dim3A_549 = vector.broadcast %squeeze3A_548 : f32 to vector<16xf32>
          %pack3A_550 = tpu.pack_subelements %broadcast_in_dim3A_549, %broadcast_in_dim3A_549 {pack_format = #tpu.pack_format<interleaved>, positions = array<i32: 0, 1>} : vector<16xf32>, vector<16xf32> -> vector<32xbf16>
          %get3A_551 = arith.constant 0 : i32
          %get3A_552 = arith.index_cast %get3A_551 : i32 to index
          %get3A_553 = arith.index_cast %add3A_546 : i32 to index
          %get3A_554 = arith.constant 0 : index
          %get3A_555 = tpu.vector_load %arg13[%get3A_552, %get3A_553, %get3A_554] {strides = array<i32>} : memref<4x256x32xi32, #tpu.memory_space<vmem>>, vector<16xi32>,
          %bitcast3A_556 = vector.bitcast %get3A_555 : vector<16xi32> to vector<32xbf16>
          %mul3A_557 = arith.mulf %pack3A_550, %bitcast3A_556 : vector<32xbf16>
          %get3A_558 = arith.constant 0 : i32
          %get3A_559 = arith.index_cast %get3A_558 : i32 to index
          %get3A_560 = arith.index_cast %add3A_546 : i32 to index
          %get3A_561 = arith.constant 16 : index
          %get3A_562 = tpu.vector_load %arg13[%get3A_559, %get3A_560, %get3A_561] {strides = array<i32>} : memref<4x256x32xi32, #tpu.memory_space<vmem>>, vector<16xi32>,
          %bitcast3A_563 = vector.bitcast %get3A_562 : vector<16xi32> to vector<32xbf16>
          %mul3A_564 = arith.mulf %pack3A_550, %bitcast3A_563 : vector<32xbf16>
          %mul3A_565 = arith.constant 16 : i32
          %mul3A_566 = arith.muli %scan3A_345, %mul3A_565 : i32
          %add3A_567 = arith.constant 0 : i32
          %add3A_568 = arith.addi %add3A_567, %mul3A_566 : i32
          %add3A_569 = arith.constant 9 : i32
          %add3A_570 = arith.addi %add3A_568, %add3A_569 : i32
          %slice3A_571 = vector.extract_strided_slice %get3A_352 {offsets = [9], sizes = [1], strides = [1]} : vector<16xf32> to vector<1xf32>
          %squeeze3A_572 = vector.extract %slice3A_571[0] : f32 from vector<1xf32>
          %broadcast_in_dim3A_573 = vector.broadcast %squeeze3A_572 : f32 to vector<16xf32>
          %pack3A_574 = tpu.pack_subelements %broadcast_in_dim3A_573, %broadcast_in_dim3A_573 {pack_format = #tpu.pack_format<interleaved>, positions = array<i32: 0, 1>} : vector<16xf32>, vector<16xf32> -> vector<32xbf16>
          %get3A_575 = arith.constant 0 : i32
          %get3A_576 = arith.index_cast %get3A_575 : i32 to index
          %get3A_577 = arith.index_cast %add3A_570 : i32 to index
          %get3A_578 = arith.constant 0 : index
          %get3A_579 = tpu.vector_load %arg13[%get3A_576, %get3A_577, %get3A_578] {strides = array<i32>} : memref<4x256x32xi32, #tpu.memory_space<vmem>>, vector<16xi32>,
          %bitcast3A_580 = vector.bitcast %get3A_579 : vector<16xi32> to vector<32xbf16>
          %mul3A_581 = arith.mulf %pack3A_574, %bitcast3A_580 : vector<32xbf16>
          %get3A_582 = arith.constant 0 : i32
          %get3A_583 = arith.index_cast %get3A_582 : i32 to index
          %get3A_584 = arith.index_cast %add3A_570 : i32 to index
          %get3A_585 = arith.constant 16 : index
          %get3A_586 = tpu.vector_load %arg13[%get3A_583, %get3A_584, %get3A_585] {strides = array<i32>} : memref<4x256x32xi32, #tpu.memory_space<vmem>>, vector<16xi32>,
          %bitcast3A_587 = vector.bitcast %get3A_586 : vector<16xi32> to vector<32xbf16>
          %mul3A_588 = arith.mulf %pack3A_574, %bitcast3A_587 : vector<32xbf16>
          %mul3A_589 = arith.constant 16 : i32
          %mul3A_590 = arith.muli %scan3A_345, %mul3A_589 : i32
          %add3A_591 = arith.constant 0 : i32
          %add3A_592 = arith.addi %add3A_591, %mul3A_590 : i32
          %add3A_593 = arith.constant 10 : i32
          %add3A_594 = arith.addi %add3A_592, %add3A_593 : i32
          %slice3A_595 = vector.extract_strided_slice %get3A_352 {offsets = [10], sizes = [1], strides = [1]} : vector<16xf32> to vector<1xf32>
          %squeeze3A_596 = vector.extract %slice3A_595[0] : f32 from vector<1xf32>
          %broadcast_in_dim3A_597 = vector.broadcast %squeeze3A_596 : f32 to vector<16xf32>
          %pack3A_598 = tpu.pack_subelements %broadcast_in_dim3A_597, %broadcast_in_dim3A_597 {pack_format = #tpu.pack_format<interleaved>, positions = array<i32: 0, 1>} : vector<16xf32>, vector<16xf32> -> vector<32xbf16>
          %get3A_599 = arith.constant 0 : i32
          %get3A_600 = arith.index_cast %get3A_599 : i32 to index
          %get3A_601 = arith.index_cast %add3A_594 : i32 to index
          %get3A_602 = arith.constant 0 : index
          %get3A_603 = tpu.vector_load %arg13[%get3A_600, %get3A_601, %get3A_602] {strides = array<i32>} : memref<4x256x32xi32, #tpu.memory_space<vmem>>, vector<16xi32>,
          %bitcast3A_604 = vector.bitcast %get3A_603 : vector<16xi32> to vector<32xbf16>
          %mul3A_605 = arith.mulf %pack3A_598, %bitcast3A_604 : vector<32xbf16>
          %get3A_606 = arith.constant 0 : i32
          %get3A_607 = arith.index_cast %get3A_606 : i32 to index
          %get3A_608 = arith.index_cast %add3A_594 : i32 to index
          %get3A_609 = arith.constant 16 : index
          %get3A_610 = tpu.vector_load %arg13[%get3A_607, %get3A_608, %get3A_609] {strides = array<i32>} : memref<4x256x32xi32, #tpu.memory_space<vmem>>, vector<16xi32>,
          %bitcast3A_611 = vector.bitcast %get3A_610 : vector<16xi32> to vector<32xbf16>
          %mul3A_612 = arith.mulf %pack3A_598, %bitcast3A_611 : vector<32xbf16>
          %mul3A_613 = arith.constant 16 : i32
          %mul3A_614 = arith.muli %scan3A_345, %mul3A_613 : i32
          %add3A_615 = arith.constant 0 : i32
          %add3A_616 = arith.addi %add3A_615, %mul3A_614 : i32
          %add3A_617 = arith.constant 11 : i32
          %add3A_618 = arith.addi %add3A_616, %add3A_617 : i32
          %slice3A_619 = vector.extract_strided_slice %get3A_352 {offsets = [11], sizes = [1], strides = [1]} : vector<16xf32> to vector<1xf32>
          %squeeze3A_620 = vector.extract %slice3A_619[0] : f32 from vector<1xf32>
          %broadcast_in_dim3A_621 = vector.broadcast %squeeze3A_620 : f32 to vector<16xf32>
          %pack3A_622 = tpu.pack_subelements %broadcast_in_dim3A_621, %broadcast_in_dim3A_621 {pack_format = #tpu.pack_format<interleaved>, positions = array<i32: 0, 1>} : vector<16xf32>, vector<16xf32> -> vector<32xbf16>
          %get3A_623 = arith.constant 0 : i32
          %get3A_624 = arith.index_cast %get3A_623 : i32 to index
          %get3A_625 = arith.index_cast %add3A_618 : i32 to index
          %get3A_626 = arith.constant 0 : index
          %get3A_627 = tpu.vector_load %arg13[%get3A_624, %get3A_625, %get3A_626] {strides = array<i32>} : memref<4x256x32xi32, #tpu.memory_space<vmem>>, vector<16xi32>,
          %bitcast3A_628 = vector.bitcast %get3A_627 : vector<16xi32> to vector<32xbf16>
          %mul3A_629 = arith.mulf %pack3A_622, %bitcast3A_628 : vector<32xbf16>
          %get3A_630 = arith.constant 0 : i32
          %get3A_631 = arith.index_cast %get3A_630 : i32 to index
          %get3A_632 = arith.index_cast %add3A_618 : i32 to index
          %get3A_633 = arith.constant 16 : index
          %get3A_634 = tpu.vector_load %arg13[%get3A_631, %get3A_632, %get3A_633] {strides = array<i32>} : memref<4x256x32xi32, #tpu.memory_space<vmem>>, vector<16xi32>,
          %bitcast3A_635 = vector.bitcast %get3A_634 : vector<16xi32> to vector<32xbf16>
          %mul3A_636 = arith.mulf %pack3A_622, %bitcast3A_635 : vector<32xbf16>
          %mul3A_637 = arith.constant 16 : i32
          %mul3A_638 = arith.muli %scan3A_345, %mul3A_637 : i32
          %add3A_639 = arith.constant 0 : i32
          %add3A_640 = arith.addi %add3A_639, %mul3A_638 : i32
          %add3A_641 = arith.constant 12 : i32
          %add3A_642 = arith.addi %add3A_640, %add3A_641 : i32
          %slice3A_643 = vector.extract_strided_slice %get3A_352 {offsets = [12], sizes = [1], strides = [1]} : vector<16xf32> to vector<1xf32>
          %squeeze3A_644 = vector.extract %slice3A_643[0] : f32 from vector<1xf32>
          %broadcast_in_dim3A_645 = vector.broadcast %squeeze3A_644 : f32 to vector<16xf32>
          %pack3A_646 = tpu.pack_subelements %broadcast_in_dim3A_645, %broadcast_in_dim3A_645 {pack_format = #tpu.pack_format<interleaved>, positions = array<i32: 0, 1>} : vector<16xf32>, vector<16xf32> -> vector<32xbf16>
          %get3A_647 = arith.constant 0 : i32
          %get3A_648 = arith.index_cast %get3A_647 : i32 to index
          %get3A_649 = arith.index_cast %add3A_642 : i32 to index
          %get3A_650 = arith.constant 0 : index
          %get3A_651 = tpu.vector_load %arg13[%get3A_648, %get3A_649, %get3A_650] {strides = array<i32>} : memref<4x256x32xi32, #tpu.memory_space<vmem>>, vector<16xi32>,
          %bitcast3A_652 = vector.bitcast %get3A_651 : vector<16xi32> to vector<32xbf16>
          %mul3A_653 = arith.mulf %pack3A_646, %bitcast3A_652 : vector<32xbf16>
          %get3A_654 = arith.constant 0 : i32
          %get3A_655 = arith.index_cast %get3A_654 : i32 to index
          %get3A_656 = arith.index_cast %add3A_642 : i32 to index
          %get3A_657 = arith.constant 16 : index
          %get3A_658 = tpu.vector_load %arg13[%get3A_655, %get3A_656, %get3A_657] {strides = array<i32>} : memref<4x256x32xi32, #tpu.memory_space<vmem>>, vector<16xi32>,
          %bitcast3A_659 = vector.bitcast %get3A_658 : vector<16xi32> to vector<32xbf16>
          %mul3A_660 = arith.mulf %pack3A_646, %bitcast3A_659 : vector<32xbf16>
          %mul3A_661 = arith.constant 16 : i32
          %mul3A_662 = arith.muli %scan3A_345, %mul3A_661 : i32
          %add3A_663 = arith.constant 0 : i32
          %add3A_664 = arith.addi %add3A_663, %mul3A_662 : i32
          %add3A_665 = arith.constant 13 : i32
          %add3A_666 = arith.addi %add3A_664, %add3A_665 : i32
          %slice3A_667 = vector.extract_strided_slice %get3A_352 {offsets = [13], sizes = [1], strides = [1]} : vector<16xf32> to vector<1xf32>
          %squeeze3A_668 = vector.extract %slice3A_667[0] : f32 from vector<1xf32>
          %broadcast_in_dim3A_669 = vector.broadcast %squeeze3A_668 : f32 to vector<16xf32>
          %pack3A_670 = tpu.pack_subelements %broadcast_in_dim3A_669, %broadcast_in_dim3A_669 {pack_format = #tpu.pack_format<interleaved>, positions = array<i32: 0, 1>} : vector<16xf32>, vector<16xf32> -> vector<32xbf16>
          %get3A_671 = arith.constant 0 : i32
          %get3A_672 = arith.index_cast %get3A_671 : i32 to index
          %get3A_673 = arith.index_cast %add3A_666 : i32 to index
          %get3A_674 = arith.constant 0 : index
          %get3A_675 = tpu.vector_load %arg13[%get3A_672, %get3A_673, %get3A_674] {strides = array<i32>} : memref<4x256x32xi32, #tpu.memory_space<vmem>>, vector<16xi32>,
          %bitcast3A_676 = vector.bitcast %get3A_675 : vector<16xi32> to vector<32xbf16>
          %mul3A_677 = arith.mulf %pack3A_670, %bitcast3A_676 : vector<32xbf16>
          %get3A_678 = arith.constant 0 : i32
          %get3A_679 = arith.index_cast %get3A_678 : i32 to index
          %get3A_680 = arith.index_cast %add3A_666 : i32 to index
          %get3A_681 = arith.constant 16 : index
          %get3A_682 = tpu.vector_load %arg13[%get3A_679, %get3A_680, %get3A_681] {strides = array<i32>} : memref<4x256x32xi32, #tpu.memory_space<vmem>>, vector<16xi32>,
          %bitcast3A_683 = vector.bitcast %get3A_682 : vector<16xi32> to vector<32xbf16>
          %mul3A_684 = arith.mulf %pack3A_670, %bitcast3A_683 : vector<32xbf16>
          %mul3A_685 = arith.constant 16 : i32
          %mul3A_686 = arith.muli %scan3A_345, %mul3A_685 : i32
          %add3A_687 = arith.constant 0 : i32
          %add3A_688 = arith.addi %add3A_687, %mul3A_686 : i32
          %add3A_689 = arith.constant 14 : i32
          %add3A_690 = arith.addi %add3A_688, %add3A_689 : i32
          %slice3A_691 = vector.extract_strided_slice %get3A_352 {offsets = [14], sizes = [1], strides = [1]} : vector<16xf32> to vector<1xf32>
          %squeeze3A_692 = vector.extract %slice3A_691[0] : f32 from vector<1xf32>
          %broadcast_in_dim3A_693 = vector.broadcast %squeeze3A_692 : f32 to vector<16xf32>
          %pack3A_694 = tpu.pack_subelements %broadcast_in_dim3A_693, %broadcast_in_dim3A_693 {pack_format = #tpu.pack_format<interleaved>, positions = array<i32: 0, 1>} : vector<16xf32>, vector<16xf32> -> vector<32xbf16>
          %get3A_695 = arith.constant 0 : i32
          %get3A_696 = arith.index_cast %get3A_695 : i32 to index
          %get3A_697 = arith.index_cast %add3A_690 : i32 to index
          %get3A_698 = arith.constant 0 : index
          %get3A_699 = tpu.vector_load %arg13[%get3A_696, %get3A_697, %get3A_698] {strides = array<i32>} : memref<4x256x32xi32, #tpu.memory_space<vmem>>, vector<16xi32>,
          %bitcast3A_700 = vector.bitcast %get3A_699 : vector<16xi32> to vector<32xbf16>
          %mul3A_701 = arith.mulf %pack3A_694, %bitcast3A_700 : vector<32xbf16>
          %get3A_702 = arith.constant 0 : i32
          %get3A_703 = arith.index_cast %get3A_702 : i32 to index
          %get3A_704 = arith.index_cast %add3A_690 : i32 to index
          %get3A_705 = arith.constant 16 : index
          %get3A_706 = tpu.vector_load %arg13[%get3A_703, %get3A_704, %get3A_705] {strides = array<i32>} : memref<4x256x32xi32, #tpu.memory_space<vmem>>, vector<16xi32>,
          %bitcast3A_707 = vector.bitcast %get3A_706 : vector<16xi32> to vector<32xbf16>
          %mul3A_708 = arith.mulf %pack3A_694, %bitcast3A_707 : vector<32xbf16>
          %mul3A_709 = arith.constant 16 : i32
          %mul3A_710 = arith.muli %scan3A_345, %mul3A_709 : i32
          %add3A_711 = arith.constant 0 : i32
          %add3A_712 = arith.addi %add3A_711, %mul3A_710 : i32
          %add3A_713 = arith.constant 15 : i32
          %add3A_714 = arith.addi %add3A_712, %add3A_713 : i32
          %slice3A_715 = vector.extract_strided_slice %get3A_352 {offsets = [15], sizes = [1], strides = [1]} : vector<16xf32> to vector<1xf32>
          %squeeze3A_716 = vector.extract %slice3A_715[0] : f32 from vector<1xf32>
          %broadcast_in_dim3A_717 = vector.broadcast %squeeze3A_716 : f32 to vector<16xf32>
          %pack3A_718 = tpu.pack_subelements %broadcast_in_dim3A_717, %broadcast_in_dim3A_717 {pack_format = #tpu.pack_format<interleaved>, positions = array<i32: 0, 1>} : vector<16xf32>, vector<16xf32> -> vector<32xbf16>
          %get3A_719 = arith.constant 0 : i32
          %get3A_720 = arith.index_cast %get3A_719 : i32 to index
          %get3A_721 = arith.index_cast %add3A_714 : i32 to index
          %get3A_722 = arith.constant 0 : index
          %get3A_723 = tpu.vector_load %arg13[%get3A_720, %get3A_721, %get3A_722] {strides = array<i32>} : memref<4x256x32xi32, #tpu.memory_space<vmem>>, vector<16xi32>,
          %bitcast3A_724 = vector.bitcast %get3A_723 : vector<16xi32> to vector<32xbf16>
          %mul3A_725 = arith.mulf %pack3A_718, %bitcast3A_724 : vector<32xbf16>
          %get3A_726 = arith.constant 0 : i32
          %get3A_727 = arith.index_cast %get3A_726 : i32 to index
          %get3A_728 = arith.index_cast %add3A_714 : i32 to index
          %get3A_729 = arith.constant 16 : index
          %get3A_730 = tpu.vector_load %arg13[%get3A_727, %get3A_728, %get3A_729] {strides = array<i32>} : memref<4x256x32xi32, #tpu.memory_space<vmem>>, vector<16xi32>,
          %bitcast3A_731 = vector.bitcast %get3A_730 : vector<16xi32> to vector<32xbf16>
          %mul3A_732 = arith.mulf %pack3A_718, %bitcast3A_731 : vector<32xbf16>
          %mul3A_733 = arith.constant 128 : i32
          %mul3A_734 = arith.muli %add3A_191, %mul3A_733 : i32
          %mul3A_735 = arith.constant 16 : i32
          %mul3A_736 = arith.muli %scan3A_345, %mul3A_735 : i32
          %add3A_737 = arith.addi %mul3A_734, %mul3A_736 : i32
          %get3A_738 = arith.index_cast %add3A_737 : i32 to index
          %get3A_739 = tpu.vector_load %arg11[%get3A_738] {strides = array<i32>} : memref<8192xf32, #tpu.memory_space<vmem>>, vector<16xf32>,
          %mul3A_740 = arith.constant 16 : i32
          %mul3A_741 = arith.muli %scan3A_345, %mul3A_740 : i32
          %add3A_742 = arith.constant 128 : i32
          %add3A_743 = arith.addi %add3A_742, %mul3A_741 : i32
          %add3A_744 = arith.constant 0 : i32
          %add3A_745 = arith.addi %add3A_743, %add3A_744 : i32
          %slice3A_746 = vector.extract_strided_slice %get3A_739 {offsets = [0], sizes = [1], strides = [1]} : vector<16xf32> to vector<1xf32>
          %squeeze3A_747 = vector.extract %slice3A_746[0] : f32 from vector<1xf32>
          %broadcast_in_dim3A_748 = vector.broadcast %squeeze3A_747 : f32 to vector<16xf32>
          %pack3A_749 = tpu.pack_subelements %broadcast_in_dim3A_748, %broadcast_in_dim3A_748 {pack_format = #tpu.pack_format<interleaved>, positions = array<i32: 0, 1>} : vector<16xf32>, vector<16xf32> -> vector<32xbf16>
          %get3A_750 = arith.constant 0 : i32
          %get3A_751 = arith.index_cast %get3A_750 : i32 to index
          %get3A_752 = arith.index_cast %add3A_745 : i32 to index
          %get3A_753 = arith.constant 0 : index
          %get3A_754 = tpu.vector_load %arg13[%get3A_751, %get3A_752, %get3A_753] {strides = array<i32>} : memref<4x256x32xi32, #tpu.memory_space<vmem>>, vector<16xi32>,
          %bitcast3A_755 = vector.bitcast %get3A_754 : vector<16xi32> to vector<32xbf16>
          %mul3A_756 = arith.mulf %pack3A_749, %bitcast3A_755 : vector<32xbf16>
          %get3A_757 = arith.constant 0 : i32
          %get3A_758 = arith.index_cast %get3A_757 : i32 to index
          %get3A_759 = arith.index_cast %add3A_745 : i32 to index
          %get3A_760 = arith.constant 16 : index
          %get3A_761 = tpu.vector_load %arg13[%get3A_758, %get3A_759, %get3A_760] {strides = array<i32>} : memref<4x256x32xi32, #tpu.memory_space<vmem>>, vector<16xi32>,
          %bitcast3A_762 = vector.bitcast %get3A_761 : vector<16xi32> to vector<32xbf16>
          %mul3A_763 = arith.mulf %pack3A_749, %bitcast3A_762 : vector<32xbf16>
          %mul3A_764 = arith.constant 16 : i32
          %mul3A_765 = arith.muli %scan3A_345, %mul3A_764 : i32
          %add3A_766 = arith.constant 128 : i32
          %add3A_767 = arith.addi %add3A_766, %mul3A_765 : i32
          %add3A_768 = arith.constant 1 : i32
          %add3A_769 = arith.addi %add3A_767, %add3A_768 : i32
          %slice3A_770 = vector.extract_strided_slice %get3A_739 {offsets = [1], sizes = [1], strides = [1]} : vector<16xf32> to vector<1xf32>
          %squeeze3A_771 = vector.extract %slice3A_770[0] : f32 from vector<1xf32>
          %broadcast_in_dim3A_772 = vector.broadcast %squeeze3A_771 : f32 to vector<16xf32>
          %pack3A_773 = tpu.pack_subelements %broadcast_in_dim3A_772, %broadcast_in_dim3A_772 {pack_format = #tpu.pack_format<interleaved>, positions = array<i32: 0, 1>} : vector<16xf32>, vector<16xf32> -> vector<32xbf16>
          %get3A_774 = arith.constant 0 : i32
          %get3A_775 = arith.index_cast %get3A_774 : i32 to index
          %get3A_776 = arith.index_cast %add3A_769 : i32 to index
          %get3A_777 = arith.constant 0 : index
          %get3A_778 = tpu.vector_load %arg13[%get3A_775, %get3A_776, %get3A_777] {strides = array<i32>} : memref<4x256x32xi32, #tpu.memory_space<vmem>>, vector<16xi32>,
          %bitcast3A_779 = vector.bitcast %get3A_778 : vector<16xi32> to vector<32xbf16>
          %mul3A_780 = arith.mulf %pack3A_773, %bitcast3A_779 : vector<32xbf16>
          %get3A_781 = arith.constant 0 : i32
          %get3A_782 = arith.index_cast %get3A_781 : i32 to index
          %get3A_783 = arith.index_cast %add3A_769 : i32 to index
          %get3A_784 = arith.constant 16 : index
          %get3A_785 = tpu.vector_load %arg13[%get3A_782, %get3A_783, %get3A_784] {strides = array<i32>} : memref<4x256x32xi32, #tpu.memory_space<vmem>>, vector<16xi32>,
          %bitcast3A_786 = vector.bitcast %get3A_785 : vector<16xi32> to vector<32xbf16>
          %mul3A_787 = arith.mulf %pack3A_773, %bitcast3A_786 : vector<32xbf16>
          %mul3A_788 = arith.constant 16 : i32
          %mul3A_789 = arith.muli %scan3A_345, %mul3A_788 : i32
          %add3A_790 = arith.constant 128 : i32
          %add3A_791 = arith.addi %add3A_790, %mul3A_789 : i32
          %add3A_792 = arith.constant 2 : i32
          %add3A_793 = arith.addi %add3A_791, %add3A_792 : i32
          %slice3A_794 = vector.extract_strided_slice %get3A_739 {offsets = [2], sizes = [1], strides = [1]} : vector<16xf32> to vector<1xf32>
          %squeeze3A_795 = vector.extract %slice3A_794[0] : f32 from vector<1xf32>
          %broadcast_in_dim3A_796 = vector.broadcast %squeeze3A_795 : f32 to vector<16xf32>
          %pack3A_797 = tpu.pack_subelements %broadcast_in_dim3A_796, %broadcast_in_dim3A_796 {pack_format = #tpu.pack_format<interleaved>, positions = array<i32: 0, 1>} : vector<16xf32>, vector<16xf32> -> vector<32xbf16>
          %get3A_798 = arith.constant 0 : i32
          %get3A_799 = arith.index_cast %get3A_798 : i32 to index
          %get3A_800 = arith.index_cast %add3A_793 : i32 to index
          %get3A_801 = arith.constant 0 : index
          %get3A_802 = tpu.vector_load %arg13[%get3A_799, %get3A_800, %get3A_801] {strides = array<i32>} : memref<4x256x32xi32, #tpu.memory_space<vmem>>, vector<16xi32>,
          %bitcast3A_803 = vector.bitcast %get3A_802 : vector<16xi32> to vector<32xbf16>
          %mul3A_804 = arith.mulf %pack3A_797, %bitcast3A_803 : vector<32xbf16>
          %get3A_805 = arith.constant 0 : i32
          %get3A_806 = arith.index_cast %get3A_805 : i32 to index
          %get3A_807 = arith.index_cast %add3A_793 : i32 to index
          %get3A_808 = arith.constant 16 : index
          %get3A_809 = tpu.vector_load %arg13[%get3A_806, %get3A_807, %get3A_808] {strides = array<i32>} : memref<4x256x32xi32, #tpu.memory_space<vmem>>, vector<16xi32>,
          %bitcast3A_810 = vector.bitcast %get3A_809 : vector<16xi32> to vector<32xbf16>
          %mul3A_811 = arith.mulf %pack3A_797, %bitcast3A_810 : vector<32xbf16>
          %mul3A_812 = arith.constant 16 : i32
          %mul3A_813 = arith.muli %scan3A_345, %mul3A_812 : i32
          %add3A_814 = arith.constant 128 : i32
          %add3A_815 = arith.addi %add3A_814, %mul3A_813 : i32
          %add3A_816 = arith.constant 3 : i32
          %add3A_817 = arith.addi %add3A_815, %add3A_816 : i32
          %slice3A_818 = vector.extract_strided_slice %get3A_739 {offsets = [3], sizes = [1], strides = [1]} : vector<16xf32> to vector<1xf32>
          %squeeze3A_819 = vector.extract %slice3A_818[0] : f32 from vector<1xf32>
          %broadcast_in_dim3A_820 = vector.broadcast %squeeze3A_819 : f32 to vector<16xf32>
          %pack3A_821 = tpu.pack_subelements %broadcast_in_dim3A_820, %broadcast_in_dim3A_820 {pack_format = #tpu.pack_format<interleaved>, positions = array<i32: 0, 1>} : vector<16xf32>, vector<16xf32> -> vector<32xbf16>
          %get3A_822 = arith.constant 0 : i32
          %get3A_823 = arith.index_cast %get3A_822 : i32 to index
          %get3A_824 = arith.index_cast %add3A_817 : i32 to index
          %get3A_825 = arith.constant 0 : index
          %get3A_826 = tpu.vector_load %arg13[%get3A_823, %get3A_824, %get3A_825] {strides = array<i32>} : memref<4x256x32xi32, #tpu.memory_space<vmem>>, vector<16xi32>,
          %bitcast3A_827 = vector.bitcast %get3A_826 : vector<16xi32> to vector<32xbf16>
          %mul3A_828 = arith.mulf %pack3A_821, %bitcast3A_827 : vector<32xbf16>
          %get3A_829 = arith.constant 0 : i32
          %get3A_830 = arith.index_cast %get3A_829 : i32 to index
          %get3A_831 = arith.index_cast %add3A_817 : i32 to index
          %get3A_832 = arith.constant 16 : index
          %get3A_833 = tpu.vector_load %arg13[%get3A_830, %get3A_831, %get3A_832] {strides = array<i32>} : memref<4x256x32xi32, #tpu.memory_space<vmem>>, vector<16xi32>,
          %bitcast3A_834 = vector.bitcast %get3A_833 : vector<16xi32> to vector<32xbf16>
          %mul3A_835 = arith.mulf %pack3A_821, %bitcast3A_834 : vector<32xbf16>
          %mul3A_836 = arith.constant 16 : i32
          %mul3A_837 = arith.muli %scan3A_345, %mul3A_836 : i32
          %add3A_838 = arith.constant 128 : i32
          %add3A_839 = arith.addi %add3A_838, %mul3A_837 : i32
          %add3A_840 = arith.constant 4 : i32
          %add3A_841 = arith.addi %add3A_839, %add3A_840 : i32
          %slice3A_842 = vector.extract_strided_slice %get3A_739 {offsets = [4], sizes = [1], strides = [1]} : vector<16xf32> to vector<1xf32>
          %squeeze3A_843 = vector.extract %slice3A_842[0] : f32 from vector<1xf32>
          %broadcast_in_dim3A_844 = vector.broadcast %squeeze3A_843 : f32 to vector<16xf32>
          %pack3A_845 = tpu.pack_subelements %broadcast_in_dim3A_844, %broadcast_in_dim3A_844 {pack_format = #tpu.pack_format<interleaved>, positions = array<i32: 0, 1>} : vector<16xf32>, vector<16xf32> -> vector<32xbf16>
          %get3A_846 = arith.constant 0 : i32
          %get3A_847 = arith.index_cast %get3A_846 : i32 to index
          %get3A_848 = arith.index_cast %add3A_841 : i32 to index
          %get3A_849 = arith.constant 0 : index
          %get3A_850 = tpu.vector_load %arg13[%get3A_847, %get3A_848, %get3A_849] {strides = array<i32>} : memref<4x256x32xi32, #tpu.memory_space<vmem>>, vector<16xi32>,
          %bitcast3A_851 = vector.bitcast %get3A_850 : vector<16xi32> to vector<32xbf16>
          %mul3A_852 = arith.mulf %pack3A_845, %bitcast3A_851 : vector<32xbf16>
          %get3A_853 = arith.constant 0 : i32
          %get3A_854 = arith.index_cast %get3A_853 : i32 to index
          %get3A_855 = arith.index_cast %add3A_841 : i32 to index
          %get3A_856 = arith.constant 16 : index
          %get3A_857 = tpu.vector_load %arg13[%get3A_854, %get3A_855, %get3A_856] {strides = array<i32>} : memref<4x256x32xi32, #tpu.memory_space<vmem>>, vector<16xi32>,
          %bitcast3A_858 = vector.bitcast %get3A_857 : vector<16xi32> to vector<32xbf16>
          %mul3A_859 = arith.mulf %pack3A_845, %bitcast3A_858 : vector<32xbf16>
          %mul3A_860 = arith.constant 16 : i32
          %mul3A_861 = arith.muli %scan3A_345, %mul3A_860 : i32
          %add3A_862 = arith.constant 128 : i32
          %add3A_863 = arith.addi %add3A_862, %mul3A_861 : i32
          %add3A_864 = arith.constant 5 : i32
          %add3A_865 = arith.addi %add3A_863, %add3A_864 : i32
          %slice3A_866 = vector.extract_strided_slice %get3A_739 {offsets = [5], sizes = [1], strides = [1]} : vector<16xf32> to vector<1xf32>
          %squeeze3A_867 = vector.extract %slice3A_866[0] : f32 from vector<1xf32>
          %broadcast_in_dim3A_868 = vector.broadcast %squeeze3A_867 : f32 to vector<16xf32>
          %pack3A_869 = tpu.pack_subelements %broadcast_in_dim3A_868, %broadcast_in_dim3A_868 {pack_format = #tpu.pack_format<interleaved>, positions = array<i32: 0, 1>} : vector<16xf32>, vector<16xf32> -> vector<32xbf16>
          %get3A_870 = arith.constant 0 : i32
          %get3A_871 = arith.index_cast %get3A_870 : i32 to index
          %get3A_872 = arith.index_cast %add3A_865 : i32 to index
          %get3A_873 = arith.constant 0 : index
          %get3A_874 = tpu.vector_load %arg13[%get3A_871, %get3A_872, %get3A_873] {strides = array<i32>} : memref<4x256x32xi32, #tpu.memory_space<vmem>>, vector<16xi32>,
          %bitcast3A_875 = vector.bitcast %get3A_874 : vector<16xi32> to vector<32xbf16>
          %mul3A_876 = arith.mulf %pack3A_869, %bitcast3A_875 : vector<32xbf16>
          %get3A_877 = arith.constant 0 : i32
          %get3A_878 = arith.index_cast %get3A_877 : i32 to index
          %get3A_879 = arith.index_cast %add3A_865 : i32 to index
          %get3A_880 = arith.constant 16 : index
          %get3A_881 = tpu.vector_load %arg13[%get3A_878, %get3A_879, %get3A_880] {strides = array<i32>} : memref<4x256x32xi32, #tpu.memory_space<vmem>>, vector<16xi32>,
          %bitcast3A_882 = vector.bitcast %get3A_881 : vector<16xi32> to vector<32xbf16>
          %mul3A_883 = arith.mulf %pack3A_869, %bitcast3A_882 : vector<32xbf16>
          %mul3A_884 = arith.constant 16 : i32
          %mul3A_885 = arith.muli %scan3A_345, %mul3A_884 : i32
          %add3A_886 = arith.constant 128 : i32
          %add3A_887 = arith.addi %add3A_886, %mul3A_885 : i32
          %add3A_888 = arith.constant 6 : i32
          %add3A_889 = arith.addi %add3A_887, %add3A_888 : i32
          %slice3A_890 = vector.extract_strided_slice %get3A_739 {offsets = [6], sizes = [1], strides = [1]} : vector<16xf32> to vector<1xf32>
          %squeeze3A_891 = vector.extract %slice3A_890[0] : f32 from vector<1xf32>
          %broadcast_in_dim3A_892 = vector.broadcast %squeeze3A_891 : f32 to vector<16xf32>
          %pack3A_893 = tpu.pack_subelements %broadcast_in_dim3A_892, %broadcast_in_dim3A_892 {pack_format = #tpu.pack_format<interleaved>, positions = array<i32: 0, 1>} : vector<16xf32>, vector<16xf32> -> vector<32xbf16>
          %get3A_894 = arith.constant 0 : i32
          %get3A_895 = arith.index_cast %get3A_894 : i32 to index
          %get3A_896 = arith.index_cast %add3A_889 : i32 to index
          %get3A_897 = arith.constant 0 : index
          %get3A_898 = tpu.vector_load %arg13[%get3A_895, %get3A_896, %get3A_897] {strides = array<i32>} : memref<4x256x32xi32, #tpu.memory_space<vmem>>, vector<16xi32>,
          %bitcast3A_899 = vector.bitcast %get3A_898 : vector<16xi32> to vector<32xbf16>
          %mul3A_900 = arith.mulf %pack3A_893, %bitcast3A_899 : vector<32xbf16>
          %get3A_901 = arith.constant 0 : i32
          %get3A_902 = arith.index_cast %get3A_901 : i32 to index
          %get3A_903 = arith.index_cast %add3A_889 : i32 to index
          %get3A_904 = arith.constant 16 : index
          %get3A_905 = tpu.vector_load %arg13[%get3A_902, %get3A_903, %get3A_904] {strides = array<i32>} : memref<4x256x32xi32, #tpu.memory_space<vmem>>, vector<16xi32>,
          %bitcast3A_906 = vector.bitcast %get3A_905 : vector<16xi32> to vector<32xbf16>
          %mul3A_907 = arith.mulf %pack3A_893, %bitcast3A_906 : vector<32xbf16>
          %mul3A_908 = arith.constant 16 : i32
          %mul3A_909 = arith.muli %scan3A_345, %mul3A_908 : i32
          %add3A_910 = arith.constant 128 : i32
          %add3A_911 = arith.addi %add3A_910, %mul3A_909 : i32
          %add3A_912 = arith.constant 7 : i32
          %add3A_913 = arith.addi %add3A_911, %add3A_912 : i32
          %slice3A_914 = vector.extract_strided_slice %get3A_739 {offsets = [7], sizes = [1], strides = [1]} : vector<16xf32> to vector<1xf32>
          %squeeze3A_915 = vector.extract %slice3A_914[0] : f32 from vector<1xf32>
          %broadcast_in_dim3A_916 = vector.broadcast %squeeze3A_915 : f32 to vector<16xf32>
          %pack3A_917 = tpu.pack_subelements %broadcast_in_dim3A_916, %broadcast_in_dim3A_916 {pack_format = #tpu.pack_format<interleaved>, positions = array<i32: 0, 1>} : vector<16xf32>, vector<16xf32> -> vector<32xbf16>
          %get3A_918 = arith.constant 0 : i32
          %get3A_919 = arith.index_cast %get3A_918 : i32 to index
          %get3A_920 = arith.index_cast %add3A_913 : i32 to index
          %get3A_921 = arith.constant 0 : index
          %get3A_922 = tpu.vector_load %arg13[%get3A_919, %get3A_920, %get3A_921] {strides = array<i32>} : memref<4x256x32xi32, #tpu.memory_space<vmem>>, vector<16xi32>,
          %bitcast3A_923 = vector.bitcast %get3A_922 : vector<16xi32> to vector<32xbf16>
          %mul3A_924 = arith.mulf %pack3A_917, %bitcast3A_923 : vector<32xbf16>
          %get3A_925 = arith.constant 0 : i32
          %get3A_926 = arith.index_cast %get3A_925 : i32 to index
          %get3A_927 = arith.index_cast %add3A_913 : i32 to index
          %get3A_928 = arith.constant 16 : index
          %get3A_929 = tpu.vector_load %arg13[%get3A_926, %get3A_927, %get3A_928] {strides = array<i32>} : memref<4x256x32xi32, #tpu.memory_space<vmem>>, vector<16xi32>,
          %bitcast3A_930 = vector.bitcast %get3A_929 : vector<16xi32> to vector<32xbf16>
          %mul3A_931 = arith.mulf %pack3A_917, %bitcast3A_930 : vector<32xbf16>
          %mul3A_932 = arith.constant 16 : i32
          %mul3A_933 = arith.muli %scan3A_345, %mul3A_932 : i32
          %add3A_934 = arith.constant 128 : i32
          %add3A_935 = arith.addi %add3A_934, %mul3A_933 : i32
          %add3A_936 = arith.constant 8 : i32
          %add3A_937 = arith.addi %add3A_935, %add3A_936 : i32
          %slice3A_938 = vector.extract_strided_slice %get3A_739 {offsets = [8], sizes = [1], strides = [1]} : vector<16xf32> to vector<1xf32>
          %squeeze3A_939 = vector.extract %slice3A_938[0] : f32 from vector<1xf32>
          %broadcast_in_dim3A_940 = vector.broadcast %squeeze3A_939 : f32 to vector<16xf32>
          %pack3A_941 = tpu.pack_subelements %broadcast_in_dim3A_940, %broadcast_in_dim3A_940 {pack_format = #tpu.pack_format<interleaved>, positions = array<i32: 0, 1>} : vector<16xf32>, vector<16xf32> -> vector<32xbf16>
          %get3A_942 = arith.constant 0 : i32
          %get3A_943 = arith.index_cast %get3A_942 : i32 to index
          %get3A_944 = arith.index_cast %add3A_937 : i32 to index
          %get3A_945 = arith.constant 0 : index
          %get3A_946 = tpu.vector_load %arg13[%get3A_943, %get3A_944, %get3A_945] {strides = array<i32>} : memref<4x256x32xi32, #tpu.memory_space<vmem>>, vector<16xi32>,
          %bitcast3A_947 = vector.bitcast %get3A_946 : vector<16xi32> to vector<32xbf16>
          %mul3A_948 = arith.mulf %pack3A_941, %bitcast3A_947 : vector<32xbf16>
          %get3A_949 = arith.constant 0 : i32
          %get3A_950 = arith.index_cast %get3A_949 : i32 to index
          %get3A_951 = arith.index_cast %add3A_937 : i32 to index
          %get3A_952 = arith.constant 16 : index
          %get3A_953 = tpu.vector_load %arg13[%get3A_950, %get3A_951, %get3A_952] {strides = array<i32>} : memref<4x256x32xi32, #tpu.memory_space<vmem>>, vector<16xi32>,
          %bitcast3A_954 = vector.bitcast %get3A_953 : vector<16xi32> to vector<32xbf16>
          %mul3A_955 = arith.mulf %pack3A_941, %bitcast3A_954 : vector<32xbf16>
          %mul3A_956 = arith.constant 16 : i32
          %mul3A_957 = arith.muli %scan3A_345, %mul3A_956 : i32
          %add3A_958 = arith.constant 128 : i32
          %add3A_959 = arith.addi %add3A_958, %mul3A_957 : i32
          %add3A_960 = arith.constant 9 : i32
          %add3A_961 = arith.addi %add3A_959, %add3A_960 : i32
          %slice3A_962 = vector.extract_strided_slice %get3A_739 {offsets = [9], sizes = [1], strides = [1]} : vector<16xf32> to vector<1xf32>
          %squeeze3A_963 = vector.extract %slice3A_962[0] : f32 from vector<1xf32>
          %broadcast_in_dim3A_964 = vector.broadcast %squeeze3A_963 : f32 to vector<16xf32>
          %pack3A_965 = tpu.pack_subelements %broadcast_in_dim3A_964, %broadcast_in_dim3A_964 {pack_format = #tpu.pack_format<interleaved>, positions = array<i32: 0, 1>} : vector<16xf32>, vector<16xf32> -> vector<32xbf16>
          %get3A_966 = arith.constant 0 : i32
          %get3A_967 = arith.index_cast %get3A_966 : i32 to index
          %get3A_968 = arith.index_cast %add3A_961 : i32 to index
          %get3A_969 = arith.constant 0 : index
          %get3A_970 = tpu.vector_load %arg13[%get3A_967, %get3A_968, %get3A_969] {strides = array<i32>} : memref<4x256x32xi32, #tpu.memory_space<vmem>>, vector<16xi32>,
          %bitcast3A_971 = vector.bitcast %get3A_970 : vector<16xi32> to vector<32xbf16>
          %mul3A_972 = arith.mulf %pack3A_965, %bitcast3A_971 : vector<32xbf16>
          %get3A_973 = arith.constant 0 : i32
          %get3A_974 = arith.index_cast %get3A_973 : i32 to index
          %get3A_975 = arith.index_cast %add3A_961 : i32 to index
          %get3A_976 = arith.constant 16 : index
          %get3A_977 = tpu.vector_load %arg13[%get3A_974, %get3A_975, %get3A_976] {strides = array<i32>} : memref<4x256x32xi32, #tpu.memory_space<vmem>>, vector<16xi32>,
          %bitcast3A_978 = vector.bitcast %get3A_977 : vector<16xi32> to vector<32xbf16>
          %mul3A_979 = arith.mulf %pack3A_965, %bitcast3A_978 : vector<32xbf16>
          %mul3A_980 = arith.constant 16 : i32
          %mul3A_981 = arith.muli %scan3A_345, %mul3A_980 : i32
          %add3A_982 = arith.constant 128 : i32
          %add3A_983 = arith.addi %add3A_982, %mul3A_981 : i32
          %add3A_984 = arith.constant 10 : i32
          %add3A_985 = arith.addi %add3A_983, %add3A_984 : i32
          %slice3A_986 = vector.extract_strided_slice %get3A_739 {offsets = [10], sizes = [1], strides = [1]} : vector<16xf32> to vector<1xf32>
          %squeeze3A_987 = vector.extract %slice3A_986[0] : f32 from vector<1xf32>
          %broadcast_in_dim3A_988 = vector.broadcast %squeeze3A_987 : f32 to vector<16xf32>
          %pack3A_989 = tpu.pack_subelements %broadcast_in_dim3A_988, %broadcast_in_dim3A_988 {pack_format = #tpu.pack_format<interleaved>, positions = array<i32: 0, 1>} : vector<16xf32>, vector<16xf32> -> vector<32xbf16>
          %get3A_990 = arith.constant 0 : i32
          %get3A_991 = arith.index_cast %get3A_990 : i32 to index
          %get3A_992 = arith.index_cast %add3A_985 : i32 to index
          %get3A_993 = arith.constant 0 : index
          %get3A_994 = tpu.vector_load %arg13[%get3A_991, %get3A_992, %get3A_993] {strides = array<i32>} : memref<4x256x32xi32, #tpu.memory_space<vmem>>, vector<16xi32>,
          %bitcast3A_995 = vector.bitcast %get3A_994 : vector<16xi32> to vector<32xbf16>
          %mul3A_996 = arith.mulf %pack3A_989, %bitcast3A_995 : vector<32xbf16>
          %get3A_997 = arith.constant 0 : i32
          %get3A_998 = arith.index_cast %get3A_997 : i32 to index
          %get3A_999 = arith.index_cast %add3A_985 : i32 to index
          %get3A_1000 = arith.constant 16 : index
          %get3A_1001 = tpu.vector_load %arg13[%get3A_998, %get3A_999, %get3A_1000] {strides = array<i32>} : memref<4x256x32xi32, #tpu.memory_space<vmem>>, vector<16xi32>,
          %bitcast3A_1002 = vector.bitcast %get3A_1001 : vector<16xi32> to vector<32xbf16>
          %mul3A_1003 = arith.mulf %pack3A_989, %bitcast3A_1002 : vector<32xbf16>
          %mul3A_1004 = arith.constant 16 : i32
          %mul3A_1005 = arith.muli %scan3A_345, %mul3A_1004 : i32
          %add3A_1006 = arith.constant 128 : i32
          %add3A_1007 = arith.addi %add3A_1006, %mul3A_1005 : i32
          %add3A_1008 = arith.constant 11 : i32
          %add3A_1009 = arith.addi %add3A_1007, %add3A_1008 : i32
          %slice3A_1010 = vector.extract_strided_slice %get3A_739 {offsets = [11], sizes = [1], strides = [1]} : vector<16xf32> to vector<1xf32>
          %squeeze3A_1011 = vector.extract %slice3A_1010[0] : f32 from vector<1xf32>
          %broadcast_in_dim3A_1012 = vector.broadcast %squeeze3A_1011 : f32 to vector<16xf32>
          %pack3A_1013 = tpu.pack_subelements %broadcast_in_dim3A_1012, %broadcast_in_dim3A_1012 {pack_format = #tpu.pack_format<interleaved>, positions = array<i32: 0, 1>} : vector<16xf32>, vector<16xf32> -> vector<32xbf16>
          %get3A_1014 = arith.constant 0 : i32
          %get3A_1015 = arith.index_cast %get3A_1014 : i32 to index
          %get3A_1016 = arith.index_cast %add3A_1009 : i32 to index
          %get3A_1017 = arith.constant 0 : index
          %get3A_1018 = tpu.vector_load %arg13[%get3A_1015, %get3A_1016, %get3A_1017] {strides = array<i32>} : memref<4x256x32xi32, #tpu.memory_space<vmem>>, vector<16xi32>,
          %bitcast3A_1019 = vector.bitcast %get3A_1018 : vector<16xi32> to vector<32xbf16>
          %mul3A_1020 = arith.mulf %pack3A_1013, %bitcast3A_1019 : vector<32xbf16>
          %get3A_1021 = arith.constant 0 : i32
          %get3A_1022 = arith.index_cast %get3A_1021 : i32 to index
          %get3A_1023 = arith.index_cast %add3A_1009 : i32 to index
          %get3A_1024 = arith.constant 16 : index
          %get3A_1025 = tpu.vector_load %arg13[%get3A_1022, %get3A_1023, %get3A_1024] {strides = array<i32>} : memref<4x256x32xi32, #tpu.memory_space<vmem>>, vector<16xi32>,
          %bitcast3A_1026 = vector.bitcast %get3A_1025 : vector<16xi32> to vector<32xbf16>
          %mul3A_1027 = arith.mulf %pack3A_1013, %bitcast3A_1026 : vector<32xbf16>
          %mul3A_1028 = arith.constant 16 : i32
          %mul3A_1029 = arith.muli %scan3A_345, %mul3A_1028 : i32
          %add3A_1030 = arith.constant 128 : i32
          %add3A_1031 = arith.addi %add3A_1030, %mul3A_1029 : i32
          %add3A_1032 = arith.constant 12 : i32
          %add3A_1033 = arith.addi %add3A_1031, %add3A_1032 : i32
          %slice3A_1034 = vector.extract_strided_slice %get3A_739 {offsets = [12], sizes = [1], strides = [1]} : vector<16xf32> to vector<1xf32>
          %squeeze3A_1035 = vector.extract %slice3A_1034[0] : f32 from vector<1xf32>
          %broadcast_in_dim3A_1036 = vector.broadcast %squeeze3A_1035 : f32 to vector<16xf32>
          %pack3A_1037 = tpu.pack_subelements %broadcast_in_dim3A_1036, %broadcast_in_dim3A_1036 {pack_format = #tpu.pack_format<interleaved>, positions = array<i32: 0, 1>} : vector<16xf32>, vector<16xf32> -> vector<32xbf16>
          %get3A_1038 = arith.constant 0 : i32
          %get3A_1039 = arith.index_cast %get3A_1038 : i32 to index
          %get3A_1040 = arith.index_cast %add3A_1033 : i32 to index
          %get3A_1041 = arith.constant 0 : index
          %get3A_1042 = tpu.vector_load %arg13[%get3A_1039, %get3A_1040, %get3A_1041] {strides = array<i32>} : memref<4x256x32xi32, #tpu.memory_space<vmem>>, vector<16xi32>,
          %bitcast3A_1043 = vector.bitcast %get3A_1042 : vector<16xi32> to vector<32xbf16>
          %mul3A_1044 = arith.mulf %pack3A_1037, %bitcast3A_1043 : vector<32xbf16>
          %get3A_1045 = arith.constant 0 : i32
          %get3A_1046 = arith.index_cast %get3A_1045 : i32 to index
          %get3A_1047 = arith.index_cast %add3A_1033 : i32 to index
          %get3A_1048 = arith.constant 16 : index
          %get3A_1049 = tpu.vector_load %arg13[%get3A_1046, %get3A_1047, %get3A_1048] {strides = array<i32>} : memref<4x256x32xi32, #tpu.memory_space<vmem>>, vector<16xi32>,
          %bitcast3A_1050 = vector.bitcast %get3A_1049 : vector<16xi32> to vector<32xbf16>
          %mul3A_1051 = arith.mulf %pack3A_1037, %bitcast3A_1050 : vector<32xbf16>
          %mul3A_1052 = arith.constant 16 : i32
          %mul3A_1053 = arith.muli %scan3A_345, %mul3A_1052 : i32
          %add3A_1054 = arith.constant 128 : i32
          %add3A_1055 = arith.addi %add3A_1054, %mul3A_1053 : i32
          %add3A_1056 = arith.constant 13 : i32
          %add3A_1057 = arith.addi %add3A_1055, %add3A_1056 : i32
          %slice3A_1058 = vector.extract_strided_slice %get3A_739 {offsets = [13], sizes = [1], strides = [1]} : vector<16xf32> to vector<1xf32>
          %squeeze3A_1059 = vector.extract %slice3A_1058[0] : f32 from vector<1xf32>
          %broadcast_in_dim3A_1060 = vector.broadcast %squeeze3A_1059 : f32 to vector<16xf32>
          %pack3A_1061 = tpu.pack_subelements %broadcast_in_dim3A_1060, %broadcast_in_dim3A_1060 {pack_format = #tpu.pack_format<interleaved>, positions = array<i32: 0, 1>} : vector<16xf32>, vector<16xf32> -> vector<32xbf16>
          %get3A_1062 = arith.constant 0 : i32
          %get3A_1063 = arith.index_cast %get3A_1062 : i32 to index
          %get3A_1064 = arith.index_cast %add3A_1057 : i32 to index
          %get3A_1065 = arith.constant 0 : index
          %get3A_1066 = tpu.vector_load %arg13[%get3A_1063, %get3A_1064, %get3A_1065] {strides = array<i32>} : memref<4x256x32xi32, #tpu.memory_space<vmem>>, vector<16xi32>,
          %bitcast3A_1067 = vector.bitcast %get3A_1066 : vector<16xi32> to vector<32xbf16>
          %mul3A_1068 = arith.mulf %pack3A_1061, %bitcast3A_1067 : vector<32xbf16>
          %get3A_1069 = arith.constant 0 : i32
          %get3A_1070 = arith.index_cast %get3A_1069 : i32 to index
          %get3A_1071 = arith.index_cast %add3A_1057 : i32 to index
          %get3A_1072 = arith.constant 16 : index
          %get3A_1073 = tpu.vector_load %arg13[%get3A_1070, %get3A_1071, %get3A_1072] {strides = array<i32>} : memref<4x256x32xi32, #tpu.memory_space<vmem>>, vector<16xi32>,
          %bitcast3A_1074 = vector.bitcast %get3A_1073 : vector<16xi32> to vector<32xbf16>
          %mul3A_1075 = arith.mulf %pack3A_1061, %bitcast3A_1074 : vector<32xbf16>
          %mul3A_1076 = arith.constant 16 : i32
          %mul3A_1077 = arith.muli %scan3A_345, %mul3A_1076 : i32
          %add3A_1078 = arith.constant 128 : i32
          %add3A_1079 = arith.addi %add3A_1078, %mul3A_1077 : i32
          %add3A_1080 = arith.constant 14 : i32
          %add3A_1081 = arith.addi %add3A_1079, %add3A_1080 : i32
          %slice3A_1082 = vector.extract_strided_slice %get3A_739 {offsets = [14], sizes = [1], strides = [1]} : vector<16xf32> to vector<1xf32>
          %squeeze3A_1083 = vector.extract %slice3A_1082[0] : f32 from vector<1xf32>
          %broadcast_in_dim3A_1084 = vector.broadcast %squeeze3A_1083 : f32 to vector<16xf32>
          %pack3A_1085 = tpu.pack_subelements %broadcast_in_dim3A_1084, %broadcast_in_dim3A_1084 {pack_format = #tpu.pack_format<interleaved>, positions = array<i32: 0, 1>} : vector<16xf32>, vector<16xf32> -> vector<32xbf16>
          %get3A_1086 = arith.constant 0 : i32
          %get3A_1087 = arith.index_cast %get3A_1086 : i32 to index
          %get3A_1088 = arith.index_cast %add3A_1081 : i32 to index
          %get3A_1089 = arith.constant 0 : index
          %get3A_1090 = tpu.vector_load %arg13[%get3A_1087, %get3A_1088, %get3A_1089] {strides = array<i32>} : memref<4x256x32xi32, #tpu.memory_space<vmem>>, vector<16xi32>,
          %bitcast3A_1091 = vector.bitcast %get3A_1090 : vector<16xi32> to vector<32xbf16>
          %mul3A_1092 = arith.mulf %pack3A_1085, %bitcast3A_1091 : vector<32xbf16>
          %get3A_1093 = arith.constant 0 : i32
          %get3A_1094 = arith.index_cast %get3A_1093 : i32 to index
          %get3A_1095 = arith.index_cast %add3A_1081 : i32 to index
          %get3A_1096 = arith.constant 16 : index
          %get3A_1097 = tpu.vector_load %arg13[%get3A_1094, %get3A_1095, %get3A_1096] {strides = array<i32>} : memref<4x256x32xi32, #tpu.memory_space<vmem>>, vector<16xi32>,
          %bitcast3A_1098 = vector.bitcast %get3A_1097 : vector<16xi32> to vector<32xbf16>
          %mul3A_1099 = arith.mulf %pack3A_1085, %bitcast3A_1098 : vector<32xbf16>
          %mul3A_1100 = arith.constant 16 : i32
          %mul3A_1101 = arith.muli %scan3A_345, %mul3A_1100 : i32
          %add3A_1102 = arith.constant 128 : i32
          %add3A_1103 = arith.addi %add3A_1102, %mul3A_1101 : i32
          %add3A_1104 = arith.constant 15 : i32
          %add3A_1105 = arith.addi %add3A_1103, %add3A_1104 : i32
          %slice3A_1106 = vector.extract_strided_slice %get3A_739 {offsets = [15], sizes = [1], strides = [1]} : vector<16xf32> to vector<1xf32>
          %squeeze3A_1107 = vector.extract %slice3A_1106[0] : f32 from vector<1xf32>
          %broadcast_in_dim3A_1108 = vector.broadcast %squeeze3A_1107 : f32 to vector<16xf32>
          %pack3A_1109 = tpu.pack_subelements %broadcast_in_dim3A_1108, %broadcast_in_dim3A_1108 {pack_format = #tpu.pack_format<interleaved>, positions = array<i32: 0, 1>} : vector<16xf32>, vector<16xf32> -> vector<32xbf16>
          %get3A_1110 = arith.constant 0 : i32
          %get3A_1111 = arith.index_cast %get3A_1110 : i32 to index
          %get3A_1112 = arith.index_cast %add3A_1105 : i32 to index
          %get3A_1113 = arith.constant 0 : index
          %get3A_1114 = tpu.vector_load %arg13[%get3A_1111, %get3A_1112, %get3A_1113] {strides = array<i32>} : memref<4x256x32xi32, #tpu.memory_space<vmem>>, vector<16xi32>,
          %bitcast3A_1115 = vector.bitcast %get3A_1114 : vector<16xi32> to vector<32xbf16>
          %mul3A_1116 = arith.mulf %pack3A_1109, %bitcast3A_1115 : vector<32xbf16>
          %get3A_1117 = arith.constant 0 : i32
          %get3A_1118 = arith.index_cast %get3A_1117 : i32 to index
          %get3A_1119 = arith.index_cast %add3A_1105 : i32 to index
          %get3A_1120 = arith.constant 16 : index
          %get3A_1121 = tpu.vector_load %arg13[%get3A_1118, %get3A_1119, %get3A_1120] {strides = array<i32>} : memref<4x256x32xi32, #tpu.memory_space<vmem>>, vector<16xi32>,
          %bitcast3A_1122 = vector.bitcast %get3A_1121 : vector<16xi32> to vector<32xbf16>
          %mul3A_1123 = arith.mulf %pack3A_1109, %bitcast3A_1122 : vector<32xbf16>
          %add3A_1124 = arith.addf %mul3A_365, %mul3A_389 : vector<32xbf16>
          %add3A_1125 = arith.addf %mul3A_413, %mul3A_437 : vector<32xbf16>
          %add3A_1126 = arith.addf %mul3A_461, %mul3A_485 : vector<32xbf16>
          %add3A_1127 = arith.addf %mul3A_509, %mul3A_533 : vector<32xbf16>
          %add3A_1128 = arith.addf %mul3A_557, %mul3A_581 : vector<32xbf16>
          %add3A_1129 = arith.addf %mul3A_605, %mul3A_629 : vector<32xbf16>
          %add3A_1130 = arith.addf %mul3A_653, %mul3A_677 : vector<32xbf16>
          %add3A_1131 = arith.addf %mul3A_701, %mul3A_725 : vector<32xbf16>
          %add3A_1132 = arith.addf %mul3A_756, %mul3A_780 : vector<32xbf16>
          %add3A_1133 = arith.addf %mul3A_804, %mul3A_828 : vector<32xbf16>
          %add3A_1134 = arith.addf %mul3A_852, %mul3A_876 : vector<32xbf16>
          %add3A_1135 = arith.addf %mul3A_900, %mul3A_924 : vector<32xbf16>
          %add3A_1136 = arith.addf %mul3A_948, %mul3A_972 : vector<32xbf16>
          %add3A_1137 = arith.addf %mul3A_996, %mul3A_1020 : vector<32xbf16>
          %add3A_1138 = arith.addf %mul3A_1044, %mul3A_1068 : vector<32xbf16>
          %add3A_1139 = arith.addf %mul3A_1092, %mul3A_1116 : vector<32xbf16>
          %add3A_1140 = arith.addf %add3A_1124, %add3A_1125 : vector<32xbf16>
          %add3A_1141 = arith.addf %add3A_1126, %add3A_1127 : vector<32xbf16>
          %add3A_1142 = arith.addf %add3A_1128, %add3A_1129 : vector<32xbf16>
          %add3A_1143 = arith.addf %add3A_1130, %add3A_1131 : vector<32xbf16>
          %add3A_1144 = arith.addf %add3A_1132, %add3A_1133 : vector<32xbf16>
          %add3A_1145 = arith.addf %add3A_1134, %add3A_1135 : vector<32xbf16>
          %add3A_1146 = arith.addf %add3A_1136, %add3A_1137 : vector<32xbf16>
          %add3A_1147 = arith.addf %add3A_1138, %add3A_1139 : vector<32xbf16>
          %add3A_1148 = arith.addf %add3A_1140, %add3A_1141 : vector<32xbf16>
          %add3A_1149 = arith.addf %add3A_1142, %add3A_1143 : vector<32xbf16>
          %add3A_1150 = arith.addf %add3A_1144, %add3A_1145 : vector<32xbf16>
          %add3A_1151 = arith.addf %add3A_1146, %add3A_1147 : vector<32xbf16>
          %add3A_1152 = arith.addf %add3A_1148, %add3A_1149 : vector<32xbf16>
          %add3A_1153 = arith.addf %add3A_1150, %add3A_1151 : vector<32xbf16>
          %add3A_1154 = arith.addf %add3A_1152, %add3A_1153 : vector<32xbf16>
          %mul3A_1155 = arith.constant 64 : i32
          %mul3A_1156 = arith.muli %scan3A_345, %mul3A_1155 : i32
          %add3A_1157 = arith.constant 0 : i32
          %add3A_1158 = arith.addi %mul3A_1156, %add3A_1157 : i32
          %swap3A_1159 = arith.index_cast %add3A_191 : i32 to index
          %swap3A_1160 = arith.index_cast %add3A_1158 : i32 to index
          %swap3A_1161 = tpu.vector_load %arg14[%swap3A_1159, %swap3A_1160] {strides = array<i32>} : memref<64x512xbf16, #tpu.memory_space<vmem>>, vector<32xbf16>,
          tpu.vector_store %arg14[%swap3A_1159, %swap3A_1160], %add3A_1154 {strides = array<i32>} : memref<64x512xbf16, #tpu.memory_space<vmem>>, vector<32xbf16>,
          %add3A_1162 = arith.addf %mul3A_372, %mul3A_396 : vector<32xbf16>
          %add3A_1163 = arith.addf %mul3A_420, %mul3A_444 : vector<32xbf16>
          %add3A_1164 = arith.addf %mul3A_468, %mul3A_492 : vector<32xbf16>
          %add3A_1165 = arith.addf %mul3A_516, %mul3A_540 : vector<32xbf16>
          %add3A_1166 = arith.addf %mul3A_564, %mul3A_588 : vector<32xbf16>
          %add3A_1167 = arith.addf %mul3A_612, %mul3A_636 : vector<32xbf16>
          %add3A_1168 = arith.addf %mul3A_660, %mul3A_684 : vector<32xbf16>
          %add3A_1169 = arith.addf %mul3A_708, %mul3A_732 : vector<32xbf16>
          %add3A_1170 = arith.addf %mul3A_763, %mul3A_787 : vector<32xbf16>
          %add3A_1171 = arith.addf %mul3A_811, %mul3A_835 : vector<32xbf16>
          %add3A_1172 = arith.addf %mul3A_859, %mul3A_883 : vector<32xbf16>
          %add3A_1173 = arith.addf %mul3A_907, %mul3A_931 : vector<32xbf16>
          %add3A_1174 = arith.addf %mul3A_955, %mul3A_979 : vector<32xbf16>
          %add3A_1175 = arith.addf %mul3A_1003, %mul3A_1027 : vector<32xbf16>
          %add3A_1176 = arith.addf %mul3A_1051, %mul3A_1075 : vector<32xbf16>
          %add3A_1177 = arith.addf %mul3A_1099, %mul3A_1123 : vector<32xbf16>
          %add3A_1178 = arith.addf %add3A_1162, %add3A_1163 : vector<32xbf16>
          %add3A_1179 = arith.addf %add3A_1164, %add3A_1165 : vector<32xbf16>
          %add3A_1180 = arith.addf %add3A_1166, %add3A_1167 : vector<32xbf16>
          %add3A_1181 = arith.addf %add3A_1168, %add3A_1169 : vector<32xbf16>
          %add3A_1182 = arith.addf %add3A_1170, %add3A_1171 : vector<32xbf16>
          %add3A_1183 = arith.addf %add3A_1172, %add3A_1173 : vector<32xbf16>
          %add3A_1184 = arith.addf %add3A_1174, %add3A_1175 : vector<32xbf16>
          %add3A_1185 = arith.addf %add3A_1176, %add3A_1177 : vector<32xbf16>
          %add3A_1186 = arith.addf %add3A_1178, %add3A_1179 : vector<32xbf16>
          %add3A_1187 = arith.addf %add3A_1180, %add3A_1181 : vector<32xbf16>
          %add3A_1188 = arith.addf %add3A_1182, %add3A_1183 : vector<32xbf16>
          %add3A_1189 = arith.addf %add3A_1184, %add3A_1185 : vector<32xbf16>
          %add3A_1190 = arith.addf %add3A_1186, %add3A_1187 : vector<32xbf16>
          %add3A_1191 = arith.addf %add3A_1188, %add3A_1189 : vector<32xbf16>
          %add3A_1192 = arith.addf %add3A_1190, %add3A_1191 : vector<32xbf16>
          %mul3A_1193 = arith.constant 64 : i32
          %mul3A_1194 = arith.muli %scan3A_345, %mul3A_1193 : i32
          %add3A_1195 = arith.constant 32 : i32
          %add3A_1196 = arith.addi %mul3A_1194, %add3A_1195 : i32
          %swap3A_1197 = arith.index_cast %add3A_191 : i32 to index
          %swap3A_1198 = arith.index_cast %add3A_1196 : i32 to index
          %swap3A_1199 = tpu.vector_load %arg14[%swap3A_1197, %swap3A_1198] {strides = array<i32>} : memref<64x512xbf16, #tpu.memory_space<vmem>>, vector<32xbf16>,
          tpu.vector_store %arg14[%swap3A_1197, %swap3A_1198], %add3A_1192 {strides = array<i32>} : memref<64x512xbf16, #tpu.memory_space<vmem>>, vector<32xbf16>,
          %scan3A_1200 = arith.constant 0 : i32
          scf.yield %scan3A_1200 : i32
        }
        %scan3A_223 = arith.constant 8 : i32
        %mul3A_224 = arith.constant 4 : i32
        %mul3A_225 = arith.muli %scan3A_186, %mul3A_224 : i32
        %add3A_226 = arith.constant 1 : i32
        %add3A_227 = arith.addi %mul3A_225, %add3A_226 : i32
        %add3A_228 = arith.constant 3 : i32
        %add3A_229 = arith.addi %add3A_227, %add3A_228 : i32
        %lt3A_230 = arith.constant 64 : i32
        %lt3A_231 = arith.cmpi slt, %add3A_229, %lt3A_230 : i32
        %convert_element_type3A_232 = arith.extui %lt3A_231 : i1 to i32
        %cond3A_233 = arith.constant 0 : i32
        %cond3A_234 = arith.cmpi ne, %convert_element_type3A_232, %cond3A_233 : i32
        scf.if %cond3A_234 {
          %add3A_345 = arith.constant 3 : i32
          %add3A_346 = arith.addi %add3A_227, %add3A_345 : i32
          %dma_start3A_347 = arith.constant 0 : i32
          %dma_start3A_348 = arith.constant 0 : i32
          %dma_start3A_349 = arith.constant 0 : i32
          %dma_start3A_350 = tpu.memref_slice %arg13[%dma_start3A_347, %dma_start3A_348, %dma_start3A_349] : memref<4x256x32xi32, #tpu.memory_space<vmem>> -> memref<1x128x32xi32, #tpu.memory_space<vmem>>
          %dma_start3A_351 = tpu.memref_squeeze %dma_start3A_350 : memref<1x128x32xi32, #tpu.memory_space<vmem>> -> memref<128x32xi32, #tpu.memory_space<vmem>>
          %dma_start3A_352 = arith.constant 0 : i32
          %dma_start3A_353 = tpu.memref_slice %arg8[%add3A_346, %dma_start3A_352] : memref<64x128xi32, #tpu.memory_space<vmem>> -> memref<1x128xi32, #tpu.memory_space<vmem>>
          %dma_start3A_354 = tpu.memref_squeeze %dma_start3A_353 : memref<1x128xi32, #tpu.memory_space<vmem>> -> memref<128xi32, #tpu.memory_space<vmem>>
          %dma_start3A_355 = arith.constant 0 : i32
          %dma_start3A_356 = arith.constant 0 : i32
          %dma_start3A_357 = tpu.memref_slice %arg2[%dma_start3A_355, %dma_start3A_356] : memref<262144x32xi32, #tpu.memory_space<hbm>> -> memref<262144x32xi32, #tpu.memory_space<hbm>>
          tpu.enqueue_indirect_dma source(%dma_start3A_357 : memref<262144x32xi32, #tpu.memory_space<hbm>>) target(%dma_start3A_351 : memref<128x32xi32, #tpu.memory_space<vmem>>) offsets(%dma_start3A_354 : memref<128xi32, #tpu.memory_space<vmem>>) semaphore(%arg15 : memref<!tpu.dma_semaphore, #tpu.memory_space<semaphore_mem>>)
          %dma_start3A_358 = arith.constant 0 : i32
          %dma_start3A_359 = arith.constant 128 : i32
          %dma_start3A_360 = arith.constant 0 : i32
          %dma_start3A_361 = tpu.memref_slice %arg13[%dma_start3A_358, %dma_start3A_359, %dma_start3A_360] : memref<4x256x32xi32, #tpu.memory_space<vmem>> -> memref<1x128x32xi32, #tpu.memory_space<vmem>>
          %dma_start3A_362 = tpu.memref_squeeze %dma_start3A_361 : memref<1x128x32xi32, #tpu.memory_space<vmem>> -> memref<128x32xi32, #tpu.memory_space<vmem>>
          %dma_start3A_363 = arith.constant 0 : i32
          %dma_start3A_364 = tpu.memref_slice %arg9[%add3A_346, %dma_start3A_363] : memref<64x128xi32, #tpu.memory_space<vmem>> -> memref<1x128xi32, #tpu.memory_space<vmem>>
          %dma_start3A_365 = tpu.memref_squeeze %dma_start3A_364 : memref<1x128xi32, #tpu.memory_space<vmem>> -> memref<128xi32, #tpu.memory_space<vmem>>
          %dma_start3A_366 = arith.constant 0 : i32
          %dma_start3A_367 = arith.constant 0 : i32
          %dma_start3A_368 = tpu.memref_slice %arg2[%dma_start3A_366, %dma_start3A_367] : memref<262144x32xi32, #tpu.memory_space<hbm>> -> memref<262144x32xi32, #tpu.memory_space<hbm>>
          tpu.enqueue_indirect_dma source(%dma_start3A_368 : memref<262144x32xi32, #tpu.memory_space<hbm>>) target(%dma_start3A_362 : memref<128x32xi32, #tpu.memory_space<vmem>>) offsets(%dma_start3A_365 : memref<128xi32, #tpu.memory_space<vmem>>) semaphore(%arg15 : memref<!tpu.dma_semaphore, #tpu.memory_space<semaphore_mem>>)
        } else {
        }
        %dma_wait3A_235 = arith.constant 1 : i32
        %dma_wait3A_236 = arith.constant 0 : i32
        %dma_wait3A_237 = arith.constant 0 : i32
        %dma_wait3A_238 = tpu.memref_slice %arg13[%dma_wait3A_235, %dma_wait3A_236, %dma_wait3A_237] : memref<4x256x32xi32, #tpu.memory_space<vmem>> -> memref<1x128x32xi32, #tpu.memory_space<vmem>>
        %dma_wait3A_239 = tpu.memref_squeeze %dma_wait3A_238 : memref<1x128x32xi32, #tpu.memory_space<vmem>> -> memref<128x32xi32, #tpu.memory_space<vmem>>
        %dma_wait3A_240 = arith.constant 0 : i32
        %dma_wait3A_241 = tpu.memref_slice %arg8[%add3A_227, %dma_wait3A_240] : memref<64x128xi32, #tpu.memory_space<vmem>> -> memref<1x128xi32, #tpu.memory_space<vmem>>
        %dma_wait3A_242 = tpu.memref_squeeze %dma_wait3A_241 : memref<1x128xi32, #tpu.memory_space<vmem>> -> memref<128xi32, #tpu.memory_space<vmem>>
        %dma_wait3A_243 = arith.constant 0 : i32
        %dma_wait3A_244 = arith.constant 0 : i32
        %dma_wait3A_245 = tpu.memref_slice %arg2[%dma_wait3A_243, %dma_wait3A_244] : memref<262144x32xi32, #tpu.memory_space<hbm>> -> memref<262144x32xi32, #tpu.memory_space<hbm>>
        tpu.wait_indirect_dma semaphore(%arg16 : memref<!tpu.dma_semaphore, #tpu.memory_space<semaphore_mem>>) src(%dma_wait3A_245 : memref<262144x32xi32, #tpu.memory_space<hbm>>) dst(%dma_wait3A_239 : memref<128x32xi32, #tpu.memory_space<vmem>>)
        %dma_wait3A_246 = arith.constant 1 : i32
        %dma_wait3A_247 = arith.constant 128 : i32
        %dma_wait3A_248 = arith.constant 0 : i32
        %dma_wait3A_249 = tpu.memref_slice %arg13[%dma_wait3A_246, %dma_wait3A_247, %dma_wait3A_248] : memref<4x256x32xi32, #tpu.memory_space<vmem>> -> memref<1x128x32xi32, #tpu.memory_space<vmem>>
        %dma_wait3A_250 = tpu.memref_squeeze %dma_wait3A_249 : memref<1x128x32xi32, #tpu.memory_space<vmem>> -> memref<128x32xi32, #tpu.memory_space<vmem>>
        %dma_wait3A_251 = arith.constant 0 : i32
        %dma_wait3A_252 = tpu.memref_slice %arg9[%add3A_227, %dma_wait3A_251] : memref<64x128xi32, #tpu.memory_space<vmem>> -> memref<1x128xi32, #tpu.memory_space<vmem>>
        %dma_wait3A_253 = tpu.memref_squeeze %dma_wait3A_252 : memref<1x128xi32, #tpu.memory_space<vmem>> -> memref<128xi32, #tpu.memory_space<vmem>>
        %dma_wait3A_254 = arith.constant 0 : i32
        %dma_wait3A_255 = arith.constant 0 : i32
        %dma_wait3A_256 = tpu.memref_slice %arg2[%dma_wait3A_254, %dma_wait3A_255] : memref<262144x32xi32, #tpu.memory_space<hbm>> -> memref<262144x32xi32, #tpu.memory_space<hbm>>
        tpu.wait_indirect_dma semaphore(%arg16 : memref<!tpu.dma_semaphore, #tpu.memory_space<semaphore_mem>>) src(%dma_wait3A_256 : memref<262144x32xi32, #tpu.memory_space<hbm>>) dst(%dma_wait3A_250 : memref<128x32xi32, #tpu.memory_space<vmem>>)
        %scan3A_257 = arith.constant 0 : i32
        %scan3A_258 = arith.constant 0 : i32
        %scan3A_259 = arith.constant 8 : i32
        %scan3A_260 = arith.addi %scan3A_258, %scan3A_259 : i32
        %scan3A_261 = arith.constant 1 : i32
        %scan3A_262 = scf.for %scan3A_345 = %scan3A_258 to %scan3A_260 step %scan3A_261 iter_args(%scan3A_346 = %scan3A_257) -> (i32)  : i32 {
          %mul3A_347 = arith.constant 128 : i32
          %mul3A_348 = arith.muli %add3A_227, %mul3A_347 : i32
          %mul3A_349 = arith.constant 16 : i32
          %mul3A_350 = arith.muli %scan3A_345, %mul3A_349 : i32
          %add3A_351 = arith.addi %mul3A_348, %mul3A_350 : i32
          %get3A = arith.index_cast %add3A_351 : i32 to index
          %get3A_352 = tpu.vector_load %arg10[%get3A] {strides = array<i32>} : memref<8192xf32, #tpu.memory_space<vmem>>, vector<16xf32>,
          %mul3A_353 = arith.constant 16 : i32
          %mul3A_354 = arith.muli %scan3A_345, %mul3A_353 : i32
          %add3A_355 = arith.constant 0 : i32
          %add3A_356 = arith.addi %add3A_355, %mul3A_354 : i32
          %add3A_357 = arith.constant 0 : i32
          %add3A_358 = arith.addi %add3A_356, %add3A_357 : i32
          %slice3A = vector.extract_strided_slice %get3A_352 {offsets = [0], sizes = [1], strides = [1]} : vector<16xf32> to vector<1xf32>
          %squeeze3A = vector.extract %slice3A[0] : f32 from vector<1xf32>
          %broadcast_in_dim3A_359 = vector.broadcast %squeeze3A : f32 to vector<16xf32>
          %pack3A = tpu.pack_subelements %broadcast_in_dim3A_359, %broadcast_in_dim3A_359 {pack_format = #tpu.pack_format<interleaved>, positions = array<i32: 0, 1>} : vector<16xf32>, vector<16xf32> -> vector<32xbf16>
          %get3A_360 = arith.constant 1 : i32
          %get3A_361 = arith.index_cast %get3A_360 : i32 to index
          %get3A_362 = arith.index_cast %add3A_358 : i32 to index
          %get3A_363 = arith.constant 0 : index
          %get3A_364 = tpu.vector_load %arg13[%get3A_361, %get3A_362, %get3A_363] {strides = array<i32>} : memref<4x256x32xi32, #tpu.memory_space<vmem>>, vector<16xi32>,
          %bitcast3A = vector.bitcast %get3A_364 : vector<16xi32> to vector<32xbf16>
          %mul3A_365 = arith.mulf %pack3A, %bitcast3A : vector<32xbf16>
          %get3A_366 = arith.constant 1 : i32
          %get3A_367 = arith.index_cast %get3A_366 : i32 to index
          %get3A_368 = arith.index_cast %add3A_358 : i32 to index
          %get3A_369 = arith.constant 16 : index
          %get3A_370 = tpu.vector_load %arg13[%get3A_367, %get3A_368, %get3A_369] {strides = array<i32>} : memref<4x256x32xi32, #tpu.memory_space<vmem>>, vector<16xi32>,
          %bitcast3A_371 = vector.bitcast %get3A_370 : vector<16xi32> to vector<32xbf16>
          %mul3A_372 = arith.mulf %pack3A, %bitcast3A_371 : vector<32xbf16>
          %mul3A_373 = arith.constant 16 : i32
          %mul3A_374 = arith.muli %scan3A_345, %mul3A_373 : i32
          %add3A_375 = arith.constant 0 : i32
          %add3A_376 = arith.addi %add3A_375, %mul3A_374 : i32
          %add3A_377 = arith.constant 1 : i32
          %add3A_378 = arith.addi %add3A_376, %add3A_377 : i32
          %slice3A_379 = vector.extract_strided_slice %get3A_352 {offsets = [1], sizes = [1], strides = [1]} : vector<16xf32> to vector<1xf32>
          %squeeze3A_380 = vector.extract %slice3A_379[0] : f32 from vector<1xf32>
          %broadcast_in_dim3A_381 = vector.broadcast %squeeze3A_380 : f32 to vector<16xf32>
          %pack3A_382 = tpu.pack_subelements %broadcast_in_dim3A_381, %broadcast_in_dim3A_381 {pack_format = #tpu.pack_format<interleaved>, positions = array<i32: 0, 1>} : vector<16xf32>, vector<16xf32> -> vector<32xbf16>
          %get3A_383 = arith.constant 1 : i32
          %get3A_384 = arith.index_cast %get3A_383 : i32 to index
          %get3A_385 = arith.index_cast %add3A_378 : i32 to index
          %get3A_386 = arith.constant 0 : index
          %get3A_387 = tpu.vector_load %arg13[%get3A_384, %get3A_385, %get3A_386] {strides = array<i32>} : memref<4x256x32xi32, #tpu.memory_space<vmem>>, vector<16xi32>,
          %bitcast3A_388 = vector.bitcast %get3A_387 : vector<16xi32> to vector<32xbf16>
          %mul3A_389 = arith.mulf %pack3A_382, %bitcast3A_388 : vector<32xbf16>
          %get3A_390 = arith.constant 1 : i32
          %get3A_391 = arith.index_cast %get3A_390 : i32 to index
          %get3A_392 = arith.index_cast %add3A_378 : i32 to index
          %get3A_393 = arith.constant 16 : index
          %get3A_394 = tpu.vector_load %arg13[%get3A_391, %get3A_392, %get3A_393] {strides = array<i32>} : memref<4x256x32xi32, #tpu.memory_space<vmem>>, vector<16xi32>,
          %bitcast3A_395 = vector.bitcast %get3A_394 : vector<16xi32> to vector<32xbf16>
          %mul3A_396 = arith.mulf %pack3A_382, %bitcast3A_395 : vector<32xbf16>
          %mul3A_397 = arith.constant 16 : i32
          %mul3A_398 = arith.muli %scan3A_345, %mul3A_397 : i32
          %add3A_399 = arith.constant 0 : i32
          %add3A_400 = arith.addi %add3A_399, %mul3A_398 : i32
          %add3A_401 = arith.constant 2 : i32
          %add3A_402 = arith.addi %add3A_400, %add3A_401 : i32
          %slice3A_403 = vector.extract_strided_slice %get3A_352 {offsets = [2], sizes = [1], strides = [1]} : vector<16xf32> to vector<1xf32>
          %squeeze3A_404 = vector.extract %slice3A_403[0] : f32 from vector<1xf32>
          %broadcast_in_dim3A_405 = vector.broadcast %squeeze3A_404 : f32 to vector<16xf32>
          %pack3A_406 = tpu.pack_subelements %broadcast_in_dim3A_405, %broadcast_in_dim3A_405 {pack_format = #tpu.pack_format<interleaved>, positions = array<i32: 0, 1>} : vector<16xf32>, vector<16xf32> -> vector<32xbf16>
          %get3A_407 = arith.constant 1 : i32
          %get3A_408 = arith.index_cast %get3A_407 : i32 to index
          %get3A_409 = arith.index_cast %add3A_402 : i32 to index
          %get3A_410 = arith.constant 0 : index
          %get3A_411 = tpu.vector_load %arg13[%get3A_408, %get3A_409, %get3A_410] {strides = array<i32>} : memref<4x256x32xi32, #tpu.memory_space<vmem>>, vector<16xi32>,
          %bitcast3A_412 = vector.bitcast %get3A_411 : vector<16xi32> to vector<32xbf16>
          %mul3A_413 = arith.mulf %pack3A_406, %bitcast3A_412 : vector<32xbf16>
          %get3A_414 = arith.constant 1 : i32
          %get3A_415 = arith.index_cast %get3A_414 : i32 to index
          %get3A_416 = arith.index_cast %add3A_402 : i32 to index
          %get3A_417 = arith.constant 16 : index
          %get3A_418 = tpu.vector_load %arg13[%get3A_415, %get3A_416, %get3A_417] {strides = array<i32>} : memref<4x256x32xi32, #tpu.memory_space<vmem>>, vector<16xi32>,
          %bitcast3A_419 = vector.bitcast %get3A_418 : vector<16xi32> to vector<32xbf16>
          %mul3A_420 = arith.mulf %pack3A_406, %bitcast3A_419 : vector<32xbf16>
          %mul3A_421 = arith.constant 16 : i32
          %mul3A_422 = arith.muli %scan3A_345, %mul3A_421 : i32
          %add3A_423 = arith.constant 0 : i32
          %add3A_424 = arith.addi %add3A_423, %mul3A_422 : i32
          %add3A_425 = arith.constant 3 : i32
          %add3A_426 = arith.addi %add3A_424, %add3A_425 : i32
          %slice3A_427 = vector.extract_strided_slice %get3A_352 {offsets = [3], sizes = [1], strides = [1]} : vector<16xf32> to vector<1xf32>
          %squeeze3A_428 = vector.extract %slice3A_427[0] : f32 from vector<1xf32>
          %broadcast_in_dim3A_429 = vector.broadcast %squeeze3A_428 : f32 to vector<16xf32>
          %pack3A_430 = tpu.pack_subelements %broadcast_in_dim3A_429, %broadcast_in_dim3A_429 {pack_format = #tpu.pack_format<interleaved>, positions = array<i32: 0, 1>} : vector<16xf32>, vector<16xf32> -> vector<32xbf16>
          %get3A_431 = arith.constant 1 : i32
          %get3A_432 = arith.index_cast %get3A_431 : i32 to index
          %get3A_433 = arith.index_cast %add3A_426 : i32 to index
          %get3A_434 = arith.constant 0 : index
          %get3A_435 = tpu.vector_load %arg13[%get3A_432, %get3A_433, %get3A_434] {strides = array<i32>} : memref<4x256x32xi32, #tpu.memory_space<vmem>>, vector<16xi32>,
          %bitcast3A_436 = vector.bitcast %get3A_435 : vector<16xi32> to vector<32xbf16>
          %mul3A_437 = arith.mulf %pack3A_430, %bitcast3A_436 : vector<32xbf16>
          %get3A_438 = arith.constant 1 : i32
          %get3A_439 = arith.index_cast %get3A_438 : i32 to index
          %get3A_440 = arith.index_cast %add3A_426 : i32 to index
          %get3A_441 = arith.constant 16 : index
          %get3A_442 = tpu.vector_load %arg13[%get3A_439, %get3A_440, %get3A_441] {strides = array<i32>} : memref<4x256x32xi32, #tpu.memory_space<vmem>>, vector<16xi32>,
          %bitcast3A_443 = vector.bitcast %get3A_442 : vector<16xi32> to vector<32xbf16>
          %mul3A_444 = arith.mulf %pack3A_430, %bitcast3A_443 : vector<32xbf16>
          %mul3A_445 = arith.constant 16 : i32
          %mul3A_446 = arith.muli %scan3A_345, %mul3A_445 : i32
          %add3A_447 = arith.constant 0 : i32
          %add3A_448 = arith.addi %add3A_447, %mul3A_446 : i32
          %add3A_449 = arith.constant 4 : i32
          %add3A_450 = arith.addi %add3A_448, %add3A_449 : i32
          %slice3A_451 = vector.extract_strided_slice %get3A_352 {offsets = [4], sizes = [1], strides = [1]} : vector<16xf32> to vector<1xf32>
          %squeeze3A_452 = vector.extract %slice3A_451[0] : f32 from vector<1xf32>
          %broadcast_in_dim3A_453 = vector.broadcast %squeeze3A_452 : f32 to vector<16xf32>
          %pack3A_454 = tpu.pack_subelements %broadcast_in_dim3A_453, %broadcast_in_dim3A_453 {pack_format = #tpu.pack_format<interleaved>, positions = array<i32: 0, 1>} : vector<16xf32>, vector<16xf32> -> vector<32xbf16>
          %get3A_455 = arith.constant 1 : i32
          %get3A_456 = arith.index_cast %get3A_455 : i32 to index
          %get3A_457 = arith.index_cast %add3A_450 : i32 to index
          %get3A_458 = arith.constant 0 : index
          %get3A_459 = tpu.vector_load %arg13[%get3A_456, %get3A_457, %get3A_458] {strides = array<i32>} : memref<4x256x32xi32, #tpu.memory_space<vmem>>, vector<16xi32>,
          %bitcast3A_460 = vector.bitcast %get3A_459 : vector<16xi32> to vector<32xbf16>
          %mul3A_461 = arith.mulf %pack3A_454, %bitcast3A_460 : vector<32xbf16>
          %get3A_462 = arith.constant 1 : i32
          %get3A_463 = arith.index_cast %get3A_462 : i32 to index
          %get3A_464 = arith.index_cast %add3A_450 : i32 to index
          %get3A_465 = arith.constant 16 : index
          %get3A_466 = tpu.vector_load %arg13[%get3A_463, %get3A_464, %get3A_465] {strides = array<i32>} : memref<4x256x32xi32, #tpu.memory_space<vmem>>, vector<16xi32>,
          %bitcast3A_467 = vector.bitcast %get3A_466 : vector<16xi32> to vector<32xbf16>
          %mul3A_468 = arith.mulf %pack3A_454, %bitcast3A_467 : vector<32xbf16>
          %mul3A_469 = arith.constant 16 : i32
          %mul3A_470 = arith.muli %scan3A_345, %mul3A_469 : i32
          %add3A_471 = arith.constant 0 : i32
          %add3A_472 = arith.addi %add3A_471, %mul3A_470 : i32
          %add3A_473 = arith.constant 5 : i32
          %add3A_474 = arith.addi %add3A_472, %add3A_473 : i32
          %slice3A_475 = vector.extract_strided_slice %get3A_352 {offsets = [5], sizes = [1], strides = [1]} : vector<16xf32> to vector<1xf32>
          %squeeze3A_476 = vector.extract %slice3A_475[0] : f32 from vector<1xf32>
          %broadcast_in_dim3A_477 = vector.broadcast %squeeze3A_476 : f32 to vector<16xf32>
          %pack3A_478 = tpu.pack_subelements %broadcast_in_dim3A_477, %broadcast_in_dim3A_477 {pack_format = #tpu.pack_format<interleaved>, positions = array<i32: 0, 1>} : vector<16xf32>, vector<16xf32> -> vector<32xbf16>
          %get3A_479 = arith.constant 1 : i32
          %get3A_480 = arith.index_cast %get3A_479 : i32 to index
          %get3A_481 = arith.index_cast %add3A_474 : i32 to index
          %get3A_482 = arith.constant 0 : index
          %get3A_483 = tpu.vector_load %arg13[%get3A_480, %get3A_481, %get3A_482] {strides = array<i32>} : memref<4x256x32xi32, #tpu.memory_space<vmem>>, vector<16xi32>,
          %bitcast3A_484 = vector.bitcast %get3A_483 : vector<16xi32> to vector<32xbf16>
          %mul3A_485 = arith.mulf %pack3A_478, %bitcast3A_484 : vector<32xbf16>
          %get3A_486 = arith.constant 1 : i32
          %get3A_487 = arith.index_cast %get3A_486 : i32 to index
          %get3A_488 = arith.index_cast %add3A_474 : i32 to index
          %get3A_489 = arith.constant 16 : index
          %get3A_490 = tpu.vector_load %arg13[%get3A_487, %get3A_488, %get3A_489] {strides = array<i32>} : memref<4x256x32xi32, #tpu.memory_space<vmem>>, vector<16xi32>,
          %bitcast3A_491 = vector.bitcast %get3A_490 : vector<16xi32> to vector<32xbf16>
          %mul3A_492 = arith.mulf %pack3A_478, %bitcast3A_491 : vector<32xbf16>
          %mul3A_493 = arith.constant 16 : i32
          %mul3A_494 = arith.muli %scan3A_345, %mul3A_493 : i32
          %add3A_495 = arith.constant 0 : i32
          %add3A_496 = arith.addi %add3A_495, %mul3A_494 : i32
          %add3A_497 = arith.constant 6 : i32
          %add3A_498 = arith.addi %add3A_496, %add3A_497 : i32
          %slice3A_499 = vector.extract_strided_slice %get3A_352 {offsets = [6], sizes = [1], strides = [1]} : vector<16xf32> to vector<1xf32>
          %squeeze3A_500 = vector.extract %slice3A_499[0] : f32 from vector<1xf32>
          %broadcast_in_dim3A_501 = vector.broadcast %squeeze3A_500 : f32 to vector<16xf32>
          %pack3A_502 = tpu.pack_subelements %broadcast_in_dim3A_501, %broadcast_in_dim3A_501 {pack_format = #tpu.pack_format<interleaved>, positions = array<i32: 0, 1>} : vector<16xf32>, vector<16xf32> -> vector<32xbf16>
          %get3A_503 = arith.constant 1 : i32
          %get3A_504 = arith.index_cast %get3A_503 : i32 to index
          %get3A_505 = arith.index_cast %add3A_498 : i32 to index
          %get3A_506 = arith.constant 0 : index
          %get3A_507 = tpu.vector_load %arg13[%get3A_504, %get3A_505, %get3A_506] {strides = array<i32>} : memref<4x256x32xi32, #tpu.memory_space<vmem>>, vector<16xi32>,
          %bitcast3A_508 = vector.bitcast %get3A_507 : vector<16xi32> to vector<32xbf16>
          %mul3A_509 = arith.mulf %pack3A_502, %bitcast3A_508 : vector<32xbf16>
          %get3A_510 = arith.constant 1 : i32
          %get3A_511 = arith.index_cast %get3A_510 : i32 to index
          %get3A_512 = arith.index_cast %add3A_498 : i32 to index
          %get3A_513 = arith.constant 16 : index
          %get3A_514 = tpu.vector_load %arg13[%get3A_511, %get3A_512, %get3A_513] {strides = array<i32>} : memref<4x256x32xi32, #tpu.memory_space<vmem>>, vector<16xi32>,
          %bitcast3A_515 = vector.bitcast %get3A_514 : vector<16xi32> to vector<32xbf16>
          %mul3A_516 = arith.mulf %pack3A_502, %bitcast3A_515 : vector<32xbf16>
          %mul3A_517 = arith.constant 16 : i32
          %mul3A_518 = arith.muli %scan3A_345, %mul3A_517 : i32
          %add3A_519 = arith.constant 0 : i32
          %add3A_520 = arith.addi %add3A_519, %mul3A_518 : i32
          %add3A_521 = arith.constant 7 : i32
          %add3A_522 = arith.addi %add3A_520, %add3A_521 : i32
          %slice3A_523 = vector.extract_strided_slice %get3A_352 {offsets = [7], sizes = [1], strides = [1]} : vector<16xf32> to vector<1xf32>
          %squeeze3A_524 = vector.extract %slice3A_523[0] : f32 from vector<1xf32>
          %broadcast_in_dim3A_525 = vector.broadcast %squeeze3A_524 : f32 to vector<16xf32>
          %pack3A_526 = tpu.pack_subelements %broadcast_in_dim3A_525, %broadcast_in_dim3A_525 {pack_format = #tpu.pack_format<interleaved>, positions = array<i32: 0, 1>} : vector<16xf32>, vector<16xf32> -> vector<32xbf16>
          %get3A_527 = arith.constant 1 : i32
          %get3A_528 = arith.index_cast %get3A_527 : i32 to index
          %get3A_529 = arith.index_cast %add3A_522 : i32 to index
          %get3A_530 = arith.constant 0 : index
          %get3A_531 = tpu.vector_load %arg13[%get3A_528, %get3A_529, %get3A_530] {strides = array<i32>} : memref<4x256x32xi32, #tpu.memory_space<vmem>>, vector<16xi32>,
          %bitcast3A_532 = vector.bitcast %get3A_531 : vector<16xi32> to vector<32xbf16>
          %mul3A_533 = arith.mulf %pack3A_526, %bitcast3A_532 : vector<32xbf16>
          %get3A_534 = arith.constant 1 : i32
          %get3A_535 = arith.index_cast %get3A_534 : i32 to index
          %get3A_536 = arith.index_cast %add3A_522 : i32 to index
          %get3A_537 = arith.constant 16 : index
          %get3A_538 = tpu.vector_load %arg13[%get3A_535, %get3A_536, %get3A_537] {strides = array<i32>} : memref<4x256x32xi32, #tpu.memory_space<vmem>>, vector<16xi32>,
          %bitcast3A_539 = vector.bitcast %get3A_538 : vector<16xi32> to vector<32xbf16>
          %mul3A_540 = arith.mulf %pack3A_526, %bitcast3A_539 : vector<32xbf16>
          %mul3A_541 = arith.constant 16 : i32
          %mul3A_542 = arith.muli %scan3A_345, %mul3A_541 : i32
          %add3A_543 = arith.constant 0 : i32
          %add3A_544 = arith.addi %add3A_543, %mul3A_542 : i32
          %add3A_545 = arith.constant 8 : i32
          %add3A_546 = arith.addi %add3A_544, %add3A_545 : i32
          %slice3A_547 = vector.extract_strided_slice %get3A_352 {offsets = [8], sizes = [1], strides = [1]} : vector<16xf32> to vector<1xf32>
          %squeeze3A_548 = vector.extract %slice3A_547[0] : f32 from vector<1xf32>
          %broadcast_in_dim3A_549 = vector.broadcast %squeeze3A_548 : f32 to vector<16xf32>
          %pack3A_550 = tpu.pack_subelements %broadcast_in_dim3A_549, %broadcast_in_dim3A_549 {pack_format = #tpu.pack_format<interleaved>, positions = array<i32: 0, 1>} : vector<16xf32>, vector<16xf32> -> vector<32xbf16>
          %get3A_551 = arith.constant 1 : i32
          %get3A_552 = arith.index_cast %get3A_551 : i32 to index
          %get3A_553 = arith.index_cast %add3A_546 : i32 to index
          %get3A_554 = arith.constant 0 : index
          %get3A_555 = tpu.vector_load %arg13[%get3A_552, %get3A_553, %get3A_554] {strides = array<i32>} : memref<4x256x32xi32, #tpu.memory_space<vmem>>, vector<16xi32>,
          %bitcast3A_556 = vector.bitcast %get3A_555 : vector<16xi32> to vector<32xbf16>
          %mul3A_557 = arith.mulf %pack3A_550, %bitcast3A_556 : vector<32xbf16>
          %get3A_558 = arith.constant 1 : i32
          %get3A_559 = arith.index_cast %get3A_558 : i32 to index
          %get3A_560 = arith.index_cast %add3A_546 : i32 to index
          %get3A_561 = arith.constant 16 : index
          %get3A_562 = tpu.vector_load %arg13[%get3A_559, %get3A_560, %get3A_561] {strides = array<i32>} : memref<4x256x32xi32, #tpu.memory_space<vmem>>, vector<16xi32>,
          %bitcast3A_563 = vector.bitcast %get3A_562 : vector<16xi32> to vector<32xbf16>
          %mul3A_564 = arith.mulf %pack3A_550, %bitcast3A_563 : vector<32xbf16>
          %mul3A_565 = arith.constant 16 : i32
          %mul3A_566 = arith.muli %scan3A_345, %mul3A_565 : i32
          %add3A_567 = arith.constant 0 : i32
          %add3A_568 = arith.addi %add3A_567, %mul3A_566 : i32
          %add3A_569 = arith.constant 9 : i32
          %add3A_570 = arith.addi %add3A_568, %add3A_569 : i32
          %slice3A_571 = vector.extract_strided_slice %get3A_352 {offsets = [9], sizes = [1], strides = [1]} : vector<16xf32> to vector<1xf32>
          %squeeze3A_572 = vector.extract %slice3A_571[0] : f32 from vector<1xf32>
          %broadcast_in_dim3A_573 = vector.broadcast %squeeze3A_572 : f32 to vector<16xf32>
          %pack3A_574 = tpu.pack_subelements %broadcast_in_dim3A_573, %broadcast_in_dim3A_573 {pack_format = #tpu.pack_format<interleaved>, positions = array<i32: 0, 1>} : vector<16xf32>, vector<16xf32> -> vector<32xbf16>
          %get3A_575 = arith.constant 1 : i32
          %get3A_576 = arith.index_cast %get3A_575 : i32 to index
          %get3A_577 = arith.index_cast %add3A_570 : i32 to index
          %get3A_578 = arith.constant 0 : index
          %get3A_579 = tpu.vector_load %arg13[%get3A_576, %get3A_577, %get3A_578] {strides = array<i32>} : memref<4x256x32xi32, #tpu.memory_space<vmem>>, vector<16xi32>,
          %bitcast3A_580 = vector.bitcast %get3A_579 : vector<16xi32> to vector<32xbf16>
          %mul3A_581 = arith.mulf %pack3A_574, %bitcast3A_580 : vector<32xbf16>
          %get3A_582 = arith.constant 1 : i32
          %get3A_583 = arith.index_cast %get3A_582 : i32 to index
          %get3A_584 = arith.index_cast %add3A_570 : i32 to index
          %get3A_585 = arith.constant 16 : index
          %get3A_586 = tpu.vector_load %arg13[%get3A_583, %get3A_584, %get3A_585] {strides = array<i32>} : memref<4x256x32xi32, #tpu.memory_space<vmem>>, vector<16xi32>,
          %bitcast3A_587 = vector.bitcast %get3A_586 : vector<16xi32> to vector<32xbf16>
          %mul3A_588 = arith.mulf %pack3A_574, %bitcast3A_587 : vector<32xbf16>
          %mul3A_589 = arith.constant 16 : i32
          %mul3A_590 = arith.muli %scan3A_345, %mul3A_589 : i32
          %add3A_591 = arith.constant 0 : i32
          %add3A_592 = arith.addi %add3A_591, %mul3A_590 : i32
          %add3A_593 = arith.constant 10 : i32
          %add3A_594 = arith.addi %add3A_592, %add3A_593 : i32
          %slice3A_595 = vector.extract_strided_slice %get3A_352 {offsets = [10], sizes = [1], strides = [1]} : vector<16xf32> to vector<1xf32>
          %squeeze3A_596 = vector.extract %slice3A_595[0] : f32 from vector<1xf32>
          %broadcast_in_dim3A_597 = vector.broadcast %squeeze3A_596 : f32 to vector<16xf32>
          %pack3A_598 = tpu.pack_subelements %broadcast_in_dim3A_597, %broadcast_in_dim3A_597 {pack_format = #tpu.pack_format<interleaved>, positions = array<i32: 0, 1>} : vector<16xf32>, vector<16xf32> -> vector<32xbf16>
          %get3A_599 = arith.constant 1 : i32
          %get3A_600 = arith.index_cast %get3A_599 : i32 to index
          %get3A_601 = arith.index_cast %add3A_594 : i32 to index
          %get3A_602 = arith.constant 0 : index
          %get3A_603 = tpu.vector_load %arg13[%get3A_600, %get3A_601, %get3A_602] {strides = array<i32>} : memref<4x256x32xi32, #tpu.memory_space<vmem>>, vector<16xi32>,
          %bitcast3A_604 = vector.bitcast %get3A_603 : vector<16xi32> to vector<32xbf16>
          %mul3A_605 = arith.mulf %pack3A_598, %bitcast3A_604 : vector<32xbf16>
          %get3A_606 = arith.constant 1 : i32
          %get3A_607 = arith.index_cast %get3A_606 : i32 to index
          %get3A_608 = arith.index_cast %add3A_594 : i32 to index
          %get3A_609 = arith.constant 16 : index
          %get3A_610 = tpu.vector_load %arg13[%get3A_607, %get3A_608, %get3A_609] {strides = array<i32>} : memref<4x256x32xi32, #tpu.memory_space<vmem>>, vector<16xi32>,
          %bitcast3A_611 = vector.bitcast %get3A_610 : vector<16xi32> to vector<32xbf16>
          %mul3A_612 = arith.mulf %pack3A_598, %bitcast3A_611 : vector<32xbf16>
          %mul3A_613 = arith.constant 16 : i32
          %mul3A_614 = arith.muli %scan3A_345, %mul3A_613 : i32
          %add3A_615 = arith.constant 0 : i32
          %add3A_616 = arith.addi %add3A_615, %mul3A_614 : i32
          %add3A_617 = arith.constant 11 : i32
          %add3A_618 = arith.addi %add3A_616, %add3A_617 : i32
          %slice3A_619 = vector.extract_strided_slice %get3A_352 {offsets = [11], sizes = [1], strides = [1]} : vector<16xf32> to vector<1xf32>
          %squeeze3A_620 = vector.extract %slice3A_619[0] : f32 from vector<1xf32>
          %broadcast_in_dim3A_621 = vector.broadcast %squeeze3A_620 : f32 to vector<16xf32>
          %pack3A_622 = tpu.pack_subelements %broadcast_in_dim3A_621, %broadcast_in_dim3A_621 {pack_format = #tpu.pack_format<interleaved>, positions = array<i32: 0, 1>} : vector<16xf32>, vector<16xf32> -> vector<32xbf16>
          %get3A_623 = arith.constant 1 : i32
          %get3A_624 = arith.index_cast %get3A_623 : i32 to index
          %get3A_625 = arith.index_cast %add3A_618 : i32 to index
          %get3A_626 = arith.constant 0 : index
          %get3A_627 = tpu.vector_load %arg13[%get3A_624, %get3A_625, %get3A_626] {strides = array<i32>} : memref<4x256x32xi32, #tpu.memory_space<vmem>>, vector<16xi32>,
          %bitcast3A_628 = vector.bitcast %get3A_627 : vector<16xi32> to vector<32xbf16>
          %mul3A_629 = arith.mulf %pack3A_622, %bitcast3A_628 : vector<32xbf16>
          %get3A_630 = arith.constant 1 : i32
          %get3A_631 = arith.index_cast %get3A_630 : i32 to index
          %get3A_632 = arith.index_cast %add3A_618 : i32 to index
          %get3A_633 = arith.constant 16 : index
          %get3A_634 = tpu.vector_load %arg13[%get3A_631, %get3A_632, %get3A_633] {strides = array<i32>} : memref<4x256x32xi32, #tpu.memory_space<vmem>>, vector<16xi32>,
          %bitcast3A_635 = vector.bitcast %get3A_634 : vector<16xi32> to vector<32xbf16>
          %mul3A_636 = arith.mulf %pack3A_622, %bitcast3A_635 : vector<32xbf16>
          %mul3A_637 = arith.constant 16 : i32
          %mul3A_638 = arith.muli %scan3A_345, %mul3A_637 : i32
          %add3A_639 = arith.constant 0 : i32
          %add3A_640 = arith.addi %add3A_639, %mul3A_638 : i32
          %add3A_641 = arith.constant 12 : i32
          %add3A_642 = arith.addi %add3A_640, %add3A_641 : i32
          %slice3A_643 = vector.extract_strided_slice %get3A_352 {offsets = [12], sizes = [1], strides = [1]} : vector<16xf32> to vector<1xf32>
          %squeeze3A_644 = vector.extract %slice3A_643[0] : f32 from vector<1xf32>
          %broadcast_in_dim3A_645 = vector.broadcast %squeeze3A_644 : f32 to vector<16xf32>
          %pack3A_646 = tpu.pack_subelements %broadcast_in_dim3A_645, %broadcast_in_dim3A_645 {pack_format = #tpu.pack_format<interleaved>, positions = array<i32: 0, 1>} : vector<16xf32>, vector<16xf32> -> vector<32xbf16>
          %get3A_647 = arith.constant 1 : i32
          %get3A_648 = arith.index_cast %get3A_647 : i32 to index
          %get3A_649 = arith.index_cast %add3A_642 : i32 to index
          %get3A_650 = arith.constant 0 : index
          %get3A_651 = tpu.vector_load %arg13[%get3A_648, %get3A_649, %get3A_650] {strides = array<i32>} : memref<4x256x32xi32, #tpu.memory_space<vmem>>, vector<16xi32>,
          %bitcast3A_652 = vector.bitcast %get3A_651 : vector<16xi32> to vector<32xbf16>
          %mul3A_653 = arith.mulf %pack3A_646, %bitcast3A_652 : vector<32xbf16>
          %get3A_654 = arith.constant 1 : i32
          %get3A_655 = arith.index_cast %get3A_654 : i32 to index
          %get3A_656 = arith.index_cast %add3A_642 : i32 to index
          %get3A_657 = arith.constant 16 : index
          %get3A_658 = tpu.vector_load %arg13[%get3A_655, %get3A_656, %get3A_657] {strides = array<i32>} : memref<4x256x32xi32, #tpu.memory_space<vmem>>, vector<16xi32>,
          %bitcast3A_659 = vector.bitcast %get3A_658 : vector<16xi32> to vector<32xbf16>
          %mul3A_660 = arith.mulf %pack3A_646, %bitcast3A_659 : vector<32xbf16>
          %mul3A_661 = arith.constant 16 : i32
          %mul3A_662 = arith.muli %scan3A_345, %mul3A_661 : i32
          %add3A_663 = arith.constant 0 : i32
          %add3A_664 = arith.addi %add3A_663, %mul3A_662 : i32
          %add3A_665 = arith.constant 13 : i32
          %add3A_666 = arith.addi %add3A_664, %add3A_665 : i32
          %slice3A_667 = vector.extract_strided_slice %get3A_352 {offsets = [13], sizes = [1], strides = [1]} : vector<16xf32> to vector<1xf32>
          %squeeze3A_668 = vector.extract %slice3A_667[0] : f32 from vector<1xf32>
          %broadcast_in_dim3A_669 = vector.broadcast %squeeze3A_668 : f32 to vector<16xf32>
          %pack3A_670 = tpu.pack_subelements %broadcast_in_dim3A_669, %broadcast_in_dim3A_669 {pack_format = #tpu.pack_format<interleaved>, positions = array<i32: 0, 1>} : vector<16xf32>, vector<16xf32> -> vector<32xbf16>
          %get3A_671 = arith.constant 1 : i32
          %get3A_672 = arith.index_cast %get3A_671 : i32 to index
          %get3A_673 = arith.index_cast %add3A_666 : i32 to index
          %get3A_674 = arith.constant 0 : index
          %get3A_675 = tpu.vector_load %arg13[%get3A_672, %get3A_673, %get3A_674] {strides = array<i32>} : memref<4x256x32xi32, #tpu.memory_space<vmem>>, vector<16xi32>,
          %bitcast3A_676 = vector.bitcast %get3A_675 : vector<16xi32> to vector<32xbf16>
          %mul3A_677 = arith.mulf %pack3A_670, %bitcast3A_676 : vector<32xbf16>
          %get3A_678 = arith.constant 1 : i32
          %get3A_679 = arith.index_cast %get3A_678 : i32 to index
          %get3A_680 = arith.index_cast %add3A_666 : i32 to index
          %get3A_681 = arith.constant 16 : index
          %get3A_682 = tpu.vector_load %arg13[%get3A_679, %get3A_680, %get3A_681] {strides = array<i32>} : memref<4x256x32xi32, #tpu.memory_space<vmem>>, vector<16xi32>,
          %bitcast3A_683 = vector.bitcast %get3A_682 : vector<16xi32> to vector<32xbf16>
          %mul3A_684 = arith.mulf %pack3A_670, %bitcast3A_683 : vector<32xbf16>
          %mul3A_685 = arith.constant 16 : i32
          %mul3A_686 = arith.muli %scan3A_345, %mul3A_685 : i32
          %add3A_687 = arith.constant 0 : i32
          %add3A_688 = arith.addi %add3A_687, %mul3A_686 : i32
          %add3A_689 = arith.constant 14 : i32
          %add3A_690 = arith.addi %add3A_688, %add3A_689 : i32
          %slice3A_691 = vector.extract_strided_slice %get3A_352 {offsets = [14], sizes = [1], strides = [1]} : vector<16xf32> to vector<1xf32>
          %squeeze3A_692 = vector.extract %slice3A_691[0] : f32 from vector<1xf32>
          %broadcast_in_dim3A_693 = vector.broadcast %squeeze3A_692 : f32 to vector<16xf32>
          %pack3A_694 = tpu.pack_subelements %broadcast_in_dim3A_693, %broadcast_in_dim3A_693 {pack_format = #tpu.pack_format<interleaved>, positions = array<i32: 0, 1>} : vector<16xf32>, vector<16xf32> -> vector<32xbf16>
          %get3A_695 = arith.constant 1 : i32
          %get3A_696 = arith.index_cast %get3A_695 : i32 to index
          %get3A_697 = arith.index_cast %add3A_690 : i32 to index
          %get3A_698 = arith.constant 0 : index
          %get3A_699 = tpu.vector_load %arg13[%get3A_696, %get3A_697, %get3A_698] {strides = array<i32>} : memref<4x256x32xi32, #tpu.memory_space<vmem>>, vector<16xi32>,
          %bitcast3A_700 = vector.bitcast %get3A_699 : vector<16xi32> to vector<32xbf16>
          %mul3A_701 = arith.mulf %pack3A_694, %bitcast3A_700 : vector<32xbf16>
          %get3A_702 = arith.constant 1 : i32
          %get3A_703 = arith.index_cast %get3A_702 : i32 to index
          %get3A_704 = arith.index_cast %add3A_690 : i32 to index
          %get3A_705 = arith.constant 16 : index
          %get3A_706 = tpu.vector_load %arg13[%get3A_703, %get3A_704, %get3A_705] {strides = array<i32>} : memref<4x256x32xi32, #tpu.memory_space<vmem>>, vector<16xi32>,
          %bitcast3A_707 = vector.bitcast %get3A_706 : vector<16xi32> to vector<32xbf16>
          %mul3A_708 = arith.mulf %pack3A_694, %bitcast3A_707 : vector<32xbf16>
          %mul3A_709 = arith.constant 16 : i32
          %mul3A_710 = arith.muli %scan3A_345, %mul3A_709 : i32
          %add3A_711 = arith.constant 0 : i32
          %add3A_712 = arith.addi %add3A_711, %mul3A_710 : i32
          %add3A_713 = arith.constant 15 : i32
          %add3A_714 = arith.addi %add3A_712, %add3A_713 : i32
          %slice3A_715 = vector.extract_strided_slice %get3A_352 {offsets = [15], sizes = [1], strides = [1]} : vector<16xf32> to vector<1xf32>
          %squeeze3A_716 = vector.extract %slice3A_715[0] : f32 from vector<1xf32>
          %broadcast_in_dim3A_717 = vector.broadcast %squeeze3A_716 : f32 to vector<16xf32>
          %pack3A_718 = tpu.pack_subelements %broadcast_in_dim3A_717, %broadcast_in_dim3A_717 {pack_format = #tpu.pack_format<interleaved>, positions = array<i32: 0, 1>} : vector<16xf32>, vector<16xf32> -> vector<32xbf16>
          %get3A_719 = arith.constant 1 : i32
          %get3A_720 = arith.index_cast %get3A_719 : i32 to index
          %get3A_721 = arith.index_cast %add3A_714 : i32 to index
          %get3A_722 = arith.constant 0 : index
          %get3A_723 = tpu.vector_load %arg13[%get3A_720, %get3A_721, %get3A_722] {strides = array<i32>} : memref<4x256x32xi32, #tpu.memory_space<vmem>>, vector<16xi32>,
          %bitcast3A_724 = vector.bitcast %get3A_723 : vector<16xi32> to vector<32xbf16>
          %mul3A_725 = arith.mulf %pack3A_718, %bitcast3A_724 : vector<32xbf16>
          %get3A_726 = arith.constant 1 : i32
          %get3A_727 = arith.index_cast %get3A_726 : i32 to index
          %get3A_728 = arith.index_cast %add3A_714 : i32 to index
          %get3A_729 = arith.constant 16 : index
          %get3A_730 = tpu.vector_load %arg13[%get3A_727, %get3A_728, %get3A_729] {strides = array<i32>} : memref<4x256x32xi32, #tpu.memory_space<vmem>>, vector<16xi32>,
          %bitcast3A_731 = vector.bitcast %get3A_730 : vector<16xi32> to vector<32xbf16>
          %mul3A_732 = arith.mulf %pack3A_718, %bitcast3A_731 : vector<32xbf16>
          %mul3A_733 = arith.constant 128 : i32
          %mul3A_734 = arith.muli %add3A_227, %mul3A_733 : i32
          %mul3A_735 = arith.constant 16 : i32
          %mul3A_736 = arith.muli %scan3A_345, %mul3A_735 : i32
          %add3A_737 = arith.addi %mul3A_734, %mul3A_736 : i32
          %get3A_738 = arith.index_cast %add3A_737 : i32 to index
          %get3A_739 = tpu.vector_load %arg11[%get3A_738] {strides = array<i32>} : memref<8192xf32, #tpu.memory_space<vmem>>, vector<16xf32>,
          %mul3A_740 = arith.constant 16 : i32
          %mul3A_741 = arith.muli %scan3A_345, %mul3A_740 : i32
          %add3A_742 = arith.constant 128 : i32
          %add3A_743 = arith.addi %add3A_742, %mul3A_741 : i32
          %add3A_744 = arith.constant 0 : i32
          %add3A_745 = arith.addi %add3A_743, %add3A_744 : i32
          %slice3A_746 = vector.extract_strided_slice %get3A_739 {offsets = [0], sizes = [1], strides = [1]} : vector<16xf32> to vector<1xf32>
          %squeeze3A_747 = vector.extract %slice3A_746[0] : f32 from vector<1xf32>
          %broadcast_in_dim3A_748 = vector.broadcast %squeeze3A_747 : f32 to vector<16xf32>
          %pack3A_749 = tpu.pack_subelements %broadcast_in_dim3A_748, %broadcast_in_dim3A_748 {pack_format = #tpu.pack_format<interleaved>, positions = array<i32: 0, 1>} : vector<16xf32>, vector<16xf32> -> vector<32xbf16>
          %get3A_750 = arith.constant 1 : i32
          %get3A_751 = arith.index_cast %get3A_750 : i32 to index
          %get3A_752 = arith.index_cast %add3A_745 : i32 to index
          %get3A_753 = arith.constant 0 : index
          %get3A_754 = tpu.vector_load %arg13[%get3A_751, %get3A_752, %get3A_753] {strides = array<i32>} : memref<4x256x32xi32, #tpu.memory_space<vmem>>, vector<16xi32>,
          %bitcast3A_755 = vector.bitcast %get3A_754 : vector<16xi32> to vector<32xbf16>
          %mul3A_756 = arith.mulf %pack3A_749, %bitcast3A_755 : vector<32xbf16>
          %get3A_757 = arith.constant 1 : i32
          %get3A_758 = arith.index_cast %get3A_757 : i32 to index
          %get3A_759 = arith.index_cast %add3A_745 : i32 to index
          %get3A_760 = arith.constant 16 : index
          %get3A_761 = tpu.vector_load %arg13[%get3A_758, %get3A_759, %get3A_760] {strides = array<i32>} : memref<4x256x32xi32, #tpu.memory_space<vmem>>, vector<16xi32>,
          %bitcast3A_762 = vector.bitcast %get3A_761 : vector<16xi32> to vector<32xbf16>
          %mul3A_763 = arith.mulf %pack3A_749, %bitcast3A_762 : vector<32xbf16>
          %mul3A_764 = arith.constant 16 : i32
          %mul3A_765 = arith.muli %scan3A_345, %mul3A_764 : i32
          %add3A_766 = arith.constant 128 : i32
          %add3A_767 = arith.addi %add3A_766, %mul3A_765 : i32
          %add3A_768 = arith.constant 1 : i32
          %add3A_769 = arith.addi %add3A_767, %add3A_768 : i32
          %slice3A_770 = vector.extract_strided_slice %get3A_739 {offsets = [1], sizes = [1], strides = [1]} : vector<16xf32> to vector<1xf32>
          %squeeze3A_771 = vector.extract %slice3A_770[0] : f32 from vector<1xf32>
          %broadcast_in_dim3A_772 = vector.broadcast %squeeze3A_771 : f32 to vector<16xf32>
          %pack3A_773 = tpu.pack_subelements %broadcast_in_dim3A_772, %broadcast_in_dim3A_772 {pack_format = #tpu.pack_format<interleaved>, positions = array<i32: 0, 1>} : vector<16xf32>, vector<16xf32> -> vector<32xbf16>
          %get3A_774 = arith.constant 1 : i32
          %get3A_775 = arith.index_cast %get3A_774 : i32 to index
          %get3A_776 = arith.index_cast %add3A_769 : i32 to index
          %get3A_777 = arith.constant 0 : index
          %get3A_778 = tpu.vector_load %arg13[%get3A_775, %get3A_776, %get3A_777] {strides = array<i32>} : memref<4x256x32xi32, #tpu.memory_space<vmem>>, vector<16xi32>,
          %bitcast3A_779 = vector.bitcast %get3A_778 : vector<16xi32> to vector<32xbf16>
          %mul3A_780 = arith.mulf %pack3A_773, %bitcast3A_779 : vector<32xbf16>
          %get3A_781 = arith.constant 1 : i32
          %get3A_782 = arith.index_cast %get3A_781 : i32 to index
          %get3A_783 = arith.index_cast %add3A_769 : i32 to index
          %get3A_784 = arith.constant 16 : index
          %get3A_785 = tpu.vector_load %arg13[%get3A_782, %get3A_783, %get3A_784] {strides = array<i32>} : memref<4x256x32xi32, #tpu.memory_space<vmem>>, vector<16xi32>,
          %bitcast3A_786 = vector.bitcast %get3A_785 : vector<16xi32> to vector<32xbf16>
          %mul3A_787 = arith.mulf %pack3A_773, %bitcast3A_786 : vector<32xbf16>
          %mul3A_788 = arith.constant 16 : i32
          %mul3A_789 = arith.muli %scan3A_345, %mul3A_788 : i32
          %add3A_790 = arith.constant 128 : i32
          %add3A_791 = arith.addi %add3A_790, %mul3A_789 : i32
          %add3A_792 = arith.constant 2 : i32
          %add3A_793 = arith.addi %add3A_791, %add3A_792 : i32
          %slice3A_794 = vector.extract_strided_slice %get3A_739 {offsets = [2], sizes = [1], strides = [1]} : vector<16xf32> to vector<1xf32>
          %squeeze3A_795 = vector.extract %slice3A_794[0] : f32 from vector<1xf32>
          %broadcast_in_dim3A_796 = vector.broadcast %squeeze3A_795 : f32 to vector<16xf32>
          %pack3A_797 = tpu.pack_subelements %broadcast_in_dim3A_796, %broadcast_in_dim3A_796 {pack_format = #tpu.pack_format<interleaved>, positions = array<i32: 0, 1>} : vector<16xf32>, vector<16xf32> -> vector<32xbf16>
          %get3A_798 = arith.constant 1 : i32
          %get3A_799 = arith.index_cast %get3A_798 : i32 to index
          %get3A_800 = arith.index_cast %add3A_793 : i32 to index
          %get3A_801 = arith.constant 0 : index
          %get3A_802 = tpu.vector_load %arg13[%get3A_799, %get3A_800, %get3A_801] {strides = array<i32>} : memref<4x256x32xi32, #tpu.memory_space<vmem>>, vector<16xi32>,
          %bitcast3A_803 = vector.bitcast %get3A_802 : vector<16xi32> to vector<32xbf16>
          %mul3A_804 = arith.mulf %pack3A_797, %bitcast3A_803 : vector<32xbf16>
          %get3A_805 = arith.constant 1 : i32
          %get3A_806 = arith.index_cast %get3A_805 : i32 to index
          %get3A_807 = arith.index_cast %add3A_793 : i32 to index
          %get3A_808 = arith.constant 16 : index
          %get3A_809 = tpu.vector_load %arg13[%get3A_806, %get3A_807, %get3A_808] {strides = array<i32>} : memref<4x256x32xi32, #tpu.memory_space<vmem>>, vector<16xi32>,
          %bitcast3A_810 = vector.bitcast %get3A_809 : vector<16xi32> to vector<32xbf16>
          %mul3A_811 = arith.mulf %pack3A_797, %bitcast3A_810 : vector<32xbf16>
          %mul3A_812 = arith.constant 16 : i32
          %mul3A_813 = arith.muli %scan3A_345, %mul3A_812 : i32
          %add3A_814 = arith.constant 128 : i32
          %add3A_815 = arith.addi %add3A_814, %mul3A_813 : i32
          %add3A_816 = arith.constant 3 : i32
          %add3A_817 = arith.addi %add3A_815, %add3A_816 : i32
          %slice3A_818 = vector.extract_strided_slice %get3A_739 {offsets = [3], sizes = [1], strides = [1]} : vector<16xf32> to vector<1xf32>
          %squeeze3A_819 = vector.extract %slice3A_818[0] : f32 from vector<1xf32>
          %broadcast_in_dim3A_820 = vector.broadcast %squeeze3A_819 : f32 to vector<16xf32>
          %pack3A_821 = tpu.pack_subelements %broadcast_in_dim3A_820, %broadcast_in_dim3A_820 {pack_format = #tpu.pack_format<interleaved>, positions = array<i32: 0, 1>} : vector<16xf32>, vector<16xf32> -> vector<32xbf16>
          %get3A_822 = arith.constant 1 : i32
          %get3A_823 = arith.index_cast %get3A_822 : i32 to index
          %get3A_824 = arith.index_cast %add3A_817 : i32 to index
          %get3A_825 = arith.constant 0 : index
          %get3A_826 = tpu.vector_load %arg13[%get3A_823, %get3A_824, %get3A_825] {strides = array<i32>} : memref<4x256x32xi32, #tpu.memory_space<vmem>>, vector<16xi32>,
          %bitcast3A_827 = vector.bitcast %get3A_826 : vector<16xi32> to vector<32xbf16>
          %mul3A_828 = arith.mulf %pack3A_821, %bitcast3A_827 : vector<32xbf16>
          %get3A_829 = arith.constant 1 : i32
          %get3A_830 = arith.index_cast %get3A_829 : i32 to index
          %get3A_831 = arith.index_cast %add3A_817 : i32 to index
          %get3A_832 = arith.constant 16 : index
          %get3A_833 = tpu.vector_load %arg13[%get3A_830, %get3A_831, %get3A_832] {strides = array<i32>} : memref<4x256x32xi32, #tpu.memory_space<vmem>>, vector<16xi32>,
          %bitcast3A_834 = vector.bitcast %get3A_833 : vector<16xi32> to vector<32xbf16>
          %mul3A_835 = arith.mulf %pack3A_821, %bitcast3A_834 : vector<32xbf16>
          %mul3A_836 = arith.constant 16 : i32
          %mul3A_837 = arith.muli %scan3A_345, %mul3A_836 : i32
          %add3A_838 = arith.constant 128 : i32
          %add3A_839 = arith.addi %add3A_838, %mul3A_837 : i32
          %add3A_840 = arith.constant 4 : i32
          %add3A_841 = arith.addi %add3A_839, %add3A_840 : i32
          %slice3A_842 = vector.extract_strided_slice %get3A_739 {offsets = [4], sizes = [1], strides = [1]} : vector<16xf32> to vector<1xf32>
          %squeeze3A_843 = vector.extract %slice3A_842[0] : f32 from vector<1xf32>
          %broadcast_in_dim3A_844 = vector.broadcast %squeeze3A_843 : f32 to vector<16xf32>
          %pack3A_845 = tpu.pack_subelements %broadcast_in_dim3A_844, %broadcast_in_dim3A_844 {pack_format = #tpu.pack_format<interleaved>, positions = array<i32: 0, 1>} : vector<16xf32>, vector<16xf32> -> vector<32xbf16>
          %get3A_846 = arith.constant 1 : i32
          %get3A_847 = arith.index_cast %get3A_846 : i32 to index
          %get3A_848 = arith.index_cast %add3A_841 : i32 to index
          %get3A_849 = arith.constant 0 : index
          %get3A_850 = tpu.vector_load %arg13[%get3A_847, %get3A_848, %get3A_849] {strides = array<i32>} : memref<4x256x32xi32, #tpu.memory_space<vmem>>, vector<16xi32>,
          %bitcast3A_851 = vector.bitcast %get3A_850 : vector<16xi32> to vector<32xbf16>
          %mul3A_852 = arith.mulf %pack3A_845, %bitcast3A_851 : vector<32xbf16>
          %get3A_853 = arith.constant 1 : i32
          %get3A_854 = arith.index_cast %get3A_853 : i32 to index
          %get3A_855 = arith.index_cast %add3A_841 : i32 to index
          %get3A_856 = arith.constant 16 : index
          %get3A_857 = tpu.vector_load %arg13[%get3A_854, %get3A_855, %get3A_856] {strides = array<i32>} : memref<4x256x32xi32, #tpu.memory_space<vmem>>, vector<16xi32>,
          %bitcast3A_858 = vector.bitcast %get3A_857 : vector<16xi32> to vector<32xbf16>
          %mul3A_859 = arith.mulf %pack3A_845, %bitcast3A_858 : vector<32xbf16>
          %mul3A_860 = arith.constant 16 : i32
          %mul3A_861 = arith.muli %scan3A_345, %mul3A_860 : i32
          %add3A_862 = arith.constant 128 : i32
          %add3A_863 = arith.addi %add3A_862, %mul3A_861 : i32
          %add3A_864 = arith.constant 5 : i32
          %add3A_865 = arith.addi %add3A_863, %add3A_864 : i32
          %slice3A_866 = vector.extract_strided_slice %get3A_739 {offsets = [5], sizes = [1], strides = [1]} : vector<16xf32> to vector<1xf32>
          %squeeze3A_867 = vector.extract %slice3A_866[0] : f32 from vector<1xf32>
          %broadcast_in_dim3A_868 = vector.broadcast %squeeze3A_867 : f32 to vector<16xf32>
          %pack3A_869 = tpu.pack_subelements %broadcast_in_dim3A_868, %broadcast_in_dim3A_868 {pack_format = #tpu.pack_format<interleaved>, positions = array<i32: 0, 1>} : vector<16xf32>, vector<16xf32> -> vector<32xbf16>
          %get3A_870 = arith.constant 1 : i32
          %get3A_871 = arith.index_cast %get3A_870 : i32 to index
          %get3A_872 = arith.index_cast %add3A_865 : i32 to index
          %get3A_873 = arith.constant 0 : index
          %get3A_874 = tpu.vector_load %arg13[%get3A_871, %get3A_872, %get3A_873] {strides = array<i32>} : memref<4x256x32xi32, #tpu.memory_space<vmem>>, vector<16xi32>,
          %bitcast3A_875 = vector.bitcast %get3A_874 : vector<16xi32> to vector<32xbf16>
          %mul3A_876 = arith.mulf %pack3A_869, %bitcast3A_875 : vector<32xbf16>
          %get3A_877 = arith.constant 1 : i32
          %get3A_878 = arith.index_cast %get3A_877 : i32 to index
          %get3A_879 = arith.index_cast %add3A_865 : i32 to index
          %get3A_880 = arith.constant 16 : index
          %get3A_881 = tpu.vector_load %arg13[%get3A_878, %get3A_879, %get3A_880] {strides = array<i32>} : memref<4x256x32xi32, #tpu.memory_space<vmem>>, vector<16xi32>,
          %bitcast3A_882 = vector.bitcast %get3A_881 : vector<16xi32> to vector<32xbf16>
          %mul3A_883 = arith.mulf %pack3A_869, %bitcast3A_882 : vector<32xbf16>
          %mul3A_884 = arith.constant 16 : i32
          %mul3A_885 = arith.muli %scan3A_345, %mul3A_884 : i32
          %add3A_886 = arith.constant 128 : i32
          %add3A_887 = arith.addi %add3A_886, %mul3A_885 : i32
          %add3A_888 = arith.constant 6 : i32
          %add3A_889 = arith.addi %add3A_887, %add3A_888 : i32
          %slice3A_890 = vector.extract_strided_slice %get3A_739 {offsets = [6], sizes = [1], strides = [1]} : vector<16xf32> to vector<1xf32>
          %squeeze3A_891 = vector.extract %slice3A_890[0] : f32 from vector<1xf32>
          %broadcast_in_dim3A_892 = vector.broadcast %squeeze3A_891 : f32 to vector<16xf32>
          %pack3A_893 = tpu.pack_subelements %broadcast_in_dim3A_892, %broadcast_in_dim3A_892 {pack_format = #tpu.pack_format<interleaved>, positions = array<i32: 0, 1>} : vector<16xf32>, vector<16xf32> -> vector<32xbf16>
          %get3A_894 = arith.constant 1 : i32
          %get3A_895 = arith.index_cast %get3A_894 : i32 to index
          %get3A_896 = arith.index_cast %add3A_889 : i32 to index
          %get3A_897 = arith.constant 0 : index
          %get3A_898 = tpu.vector_load %arg13[%get3A_895, %get3A_896, %get3A_897] {strides = array<i32>} : memref<4x256x32xi32, #tpu.memory_space<vmem>>, vector<16xi32>,
          %bitcast3A_899 = vector.bitcast %get3A_898 : vector<16xi32> to vector<32xbf16>
          %mul3A_900 = arith.mulf %pack3A_893, %bitcast3A_899 : vector<32xbf16>
          %get3A_901 = arith.constant 1 : i32
          %get3A_902 = arith.index_cast %get3A_901 : i32 to index
          %get3A_903 = arith.index_cast %add3A_889 : i32 to index
          %get3A_904 = arith.constant 16 : index
          %get3A_905 = tpu.vector_load %arg13[%get3A_902, %get3A_903, %get3A_904] {strides = array<i32>} : memref<4x256x32xi32, #tpu.memory_space<vmem>>, vector<16xi32>,
          %bitcast3A_906 = vector.bitcast %get3A_905 : vector<16xi32> to vector<32xbf16>
          %mul3A_907 = arith.mulf %pack3A_893, %bitcast3A_906 : vector<32xbf16>
          %mul3A_908 = arith.constant 16 : i32
          %mul3A_909 = arith.muli %scan3A_345, %mul3A_908 : i32
          %add3A_910 = arith.constant 128 : i32
          %add3A_911 = arith.addi %add3A_910, %mul3A_909 : i32
          %add3A_912 = arith.constant 7 : i32
          %add3A_913 = arith.addi %add3A_911, %add3A_912 : i32
          %slice3A_914 = vector.extract_strided_slice %get3A_739 {offsets = [7], sizes = [1], strides = [1]} : vector<16xf32> to vector<1xf32>
          %squeeze3A_915 = vector.extract %slice3A_914[0] : f32 from vector<1xf32>
          %broadcast_in_dim3A_916 = vector.broadcast %squeeze3A_915 : f32 to vector<16xf32>
          %pack3A_917 = tpu.pack_subelements %broadcast_in_dim3A_916, %broadcast_in_dim3A_916 {pack_format = #tpu.pack_format<interleaved>, positions = array<i32: 0, 1>} : vector<16xf32>, vector<16xf32> -> vector<32xbf16>
          %get3A_918 = arith.constant 1 : i32
          %get3A_919 = arith.index_cast %get3A_918 : i32 to index
          %get3A_920 = arith.index_cast %add3A_913 : i32 to index
          %get3A_921 = arith.constant 0 : index
          %get3A_922 = tpu.vector_load %arg13[%get3A_919, %get3A_920, %get3A_921] {strides = array<i32>} : memref<4x256x32xi32, #tpu.memory_space<vmem>>, vector<16xi32>,
          %bitcast3A_923 = vector.bitcast %get3A_922 : vector<16xi32> to vector<32xbf16>
          %mul3A_924 = arith.mulf %pack3A_917, %bitcast3A_923 : vector<32xbf16>
          %get3A_925 = arith.constant 1 : i32
          %get3A_926 = arith.index_cast %get3A_925 : i32 to index
          %get3A_927 = arith.index_cast %add3A_913 : i32 to index
          %get3A_928 = arith.constant 16 : index
          %get3A_929 = tpu.vector_load %arg13[%get3A_926, %get3A_927, %get3A_928] {strides = array<i32>} : memref<4x256x32xi32, #tpu.memory_space<vmem>>, vector<16xi32>,
          %bitcast3A_930 = vector.bitcast %get3A_929 : vector<16xi32> to vector<32xbf16>
          %mul3A_931 = arith.mulf %pack3A_917, %bitcast3A_930 : vector<32xbf16>
          %mul3A_932 = arith.constant 16 : i32
          %mul3A_933 = arith.muli %scan3A_345, %mul3A_932 : i32
          %add3A_934 = arith.constant 128 : i32
          %add3A_935 = arith.addi %add3A_934, %mul3A_933 : i32
          %add3A_936 = arith.constant 8 : i32
          %add3A_937 = arith.addi %add3A_935, %add3A_936 : i32
          %slice3A_938 = vector.extract_strided_slice %get3A_739 {offsets = [8], sizes = [1], strides = [1]} : vector<16xf32> to vector<1xf32>
          %squeeze3A_939 = vector.extract %slice3A_938[0] : f32 from vector<1xf32>
          %broadcast_in_dim3A_940 = vector.broadcast %squeeze3A_939 : f32 to vector<16xf32>
          %pack3A_941 = tpu.pack_subelements %broadcast_in_dim3A_940, %broadcast_in_dim3A_940 {pack_format = #tpu.pack_format<interleaved>, positions = array<i32: 0, 1>} : vector<16xf32>, vector<16xf32> -> vector<32xbf16>
          %get3A_942 = arith.constant 1 : i32
          %get3A_943 = arith.index_cast %get3A_942 : i32 to index
          %get3A_944 = arith.index_cast %add3A_937 : i32 to index
          %get3A_945 = arith.constant 0 : index
          %get3A_946 = tpu.vector_load %arg13[%get3A_943, %get3A_944, %get3A_945] {strides = array<i32>} : memref<4x256x32xi32, #tpu.memory_space<vmem>>, vector<16xi32>,
          %bitcast3A_947 = vector.bitcast %get3A_946 : vector<16xi32> to vector<32xbf16>
          %mul3A_948 = arith.mulf %pack3A_941, %bitcast3A_947 : vector<32xbf16>
          %get3A_949 = arith.constant 1 : i32
          %get3A_950 = arith.index_cast %get3A_949 : i32 to index
          %get3A_951 = arith.index_cast %add3A_937 : i32 to index
          %get3A_952 = arith.constant 16 : index
          %get3A_953 = tpu.vector_load %arg13[%get3A_950, %get3A_951, %get3A_952] {strides = array<i32>} : memref<4x256x32xi32, #tpu.memory_space<vmem>>, vector<16xi32>,
          %bitcast3A_954 = vector.bitcast %get3A_953 : vector<16xi32> to vector<32xbf16>
          %mul3A_955 = arith.mulf %pack3A_941, %bitcast3A_954 : vector<32xbf16>
          %mul3A_956 = arith.constant 16 : i32
          %mul3A_957 = arith.muli %scan3A_345, %mul3A_956 : i32
          %add3A_958 = arith.constant 128 : i32
          %add3A_959 = arith.addi %add3A_958, %mul3A_957 : i32
          %add3A_960 = arith.constant 9 : i32
          %add3A_961 = arith.addi %add3A_959, %add3A_960 : i32
          %slice3A_962 = vector.extract_strided_slice %get3A_739 {offsets = [9], sizes = [1], strides = [1]} : vector<16xf32> to vector<1xf32>
          %squeeze3A_963 = vector.extract %slice3A_962[0] : f32 from vector<1xf32>
          %broadcast_in_dim3A_964 = vector.broadcast %squeeze3A_963 : f32 to vector<16xf32>
          %pack3A_965 = tpu.pack_subelements %broadcast_in_dim3A_964, %broadcast_in_dim3A_964 {pack_format = #tpu.pack_format<interleaved>, positions = array<i32: 0, 1>} : vector<16xf32>, vector<16xf32> -> vector<32xbf16>
          %get3A_966 = arith.constant 1 : i32
          %get3A_967 = arith.index_cast %get3A_966 : i32 to index
          %get3A_968 = arith.index_cast %add3A_961 : i32 to index
          %get3A_969 = arith.constant 0 : index
          %get3A_970 = tpu.vector_load %arg13[%get3A_967, %get3A_968, %get3A_969] {strides = array<i32>} : memref<4x256x32xi32, #tpu.memory_space<vmem>>, vector<16xi32>,
          %bitcast3A_971 = vector.bitcast %get3A_970 : vector<16xi32> to vector<32xbf16>
          %mul3A_972 = arith.mulf %pack3A_965, %bitcast3A_971 : vector<32xbf16>
          %get3A_973 = arith.constant 1 : i32
          %get3A_974 = arith.index_cast %get3A_973 : i32 to index
          %get3A_975 = arith.index_cast %add3A_961 : i32 to index
          %get3A_976 = arith.constant 16 : index
          %get3A_977 = tpu.vector_load %arg13[%get3A_974, %get3A_975, %get3A_976] {strides = array<i32>} : memref<4x256x32xi32, #tpu.memory_space<vmem>>, vector<16xi32>,
          %bitcast3A_978 = vector.bitcast %get3A_977 : vector<16xi32> to vector<32xbf16>
          %mul3A_979 = arith.mulf %pack3A_965, %bitcast3A_978 : vector<32xbf16>
          %mul3A_980 = arith.constant 16 : i32
          %mul3A_981 = arith.muli %scan3A_345, %mul3A_980 : i32
          %add3A_982 = arith.constant 128 : i32
          %add3A_983 = arith.addi %add3A_982, %mul3A_981 : i32
          %add3A_984 = arith.constant 10 : i32
          %add3A_985 = arith.addi %add3A_983, %add3A_984 : i32
          %slice3A_986 = vector.extract_strided_slice %get3A_739 {offsets = [10], sizes = [1], strides = [1]} : vector<16xf32> to vector<1xf32>
          %squeeze3A_987 = vector.extract %slice3A_986[0] : f32 from vector<1xf32>
          %broadcast_in_dim3A_988 = vector.broadcast %squeeze3A_987 : f32 to vector<16xf32>
          %pack3A_989 = tpu.pack_subelements %broadcast_in_dim3A_988, %broadcast_in_dim3A_988 {pack_format = #tpu.pack_format<interleaved>, positions = array<i32: 0, 1>} : vector<16xf32>, vector<16xf32> -> vector<32xbf16>
          %get3A_990 = arith.constant 1 : i32
          %get3A_991 = arith.index_cast %get3A_990 : i32 to index
          %get3A_992 = arith.index_cast %add3A_985 : i32 to index
          %get3A_993 = arith.constant 0 : index
          %get3A_994 = tpu.vector_load %arg13[%get3A_991, %get3A_992, %get3A_993] {strides = array<i32>} : memref<4x256x32xi32, #tpu.memory_space<vmem>>, vector<16xi32>,
          %bitcast3A_995 = vector.bitcast %get3A_994 : vector<16xi32> to vector<32xbf16>
          %mul3A_996 = arith.mulf %pack3A_989, %bitcast3A_995 : vector<32xbf16>
          %get3A_997 = arith.constant 1 : i32
          %get3A_998 = arith.index_cast %get3A_997 : i32 to index
          %get3A_999 = arith.index_cast %add3A_985 : i32 to index
          %get3A_1000 = arith.constant 16 : index
          %get3A_1001 = tpu.vector_load %arg13[%get3A_998, %get3A_999, %get3A_1000] {strides = array<i32>} : memref<4x256x32xi32, #tpu.memory_space<vmem>>, vector<16xi32>,
          %bitcast3A_1002 = vector.bitcast %get3A_1001 : vector<16xi32> to vector<32xbf16>
          %mul3A_1003 = arith.mulf %pack3A_989, %bitcast3A_1002 : vector<32xbf16>
          %mul3A_1004 = arith.constant 16 : i32
          %mul3A_1005 = arith.muli %scan3A_345, %mul3A_1004 : i32
          %add3A_1006 = arith.constant 128 : i32
          %add3A_1007 = arith.addi %add3A_1006, %mul3A_1005 : i32
          %add3A_1008 = arith.constant 11 : i32
          %add3A_1009 = arith.addi %add3A_1007, %add3A_1008 : i32
          %slice3A_1010 = vector.extract_strided_slice %get3A_739 {offsets = [11], sizes = [1], strides = [1]} : vector<16xf32> to vector<1xf32>
          %squeeze3A_1011 = vector.extract %slice3A_1010[0] : f32 from vector<1xf32>
          %broadcast_in_dim3A_1012 = vector.broadcast %squeeze3A_1011 : f32 to vector<16xf32>
          %pack3A_1013 = tpu.pack_subelements %broadcast_in_dim3A_1012, %broadcast_in_dim3A_1012 {pack_format = #tpu.pack_format<interleaved>, positions = array<i32: 0, 1>} : vector<16xf32>, vector<16xf32> -> vector<32xbf16>
          %get3A_1014 = arith.constant 1 : i32
          %get3A_1015 = arith.index_cast %get3A_1014 : i32 to index
          %get3A_1016 = arith.index_cast %add3A_1009 : i32 to index
          %get3A_1017 = arith.constant 0 : index
          %get3A_1018 = tpu.vector_load %arg13[%get3A_1015, %get3A_1016, %get3A_1017] {strides = array<i32>} : memref<4x256x32xi32, #tpu.memory_space<vmem>>, vector<16xi32>,
          %bitcast3A_1019 = vector.bitcast %get3A_1018 : vector<16xi32> to vector<32xbf16>
          %mul3A_1020 = arith.mulf %pack3A_1013, %bitcast3A_1019 : vector<32xbf16>
          %get3A_1021 = arith.constant 1 : i32
          %get3A_1022 = arith.index_cast %get3A_1021 : i32 to index
          %get3A_1023 = arith.index_cast %add3A_1009 : i32 to index
          %get3A_1024 = arith.constant 16 : index
          %get3A_1025 = tpu.vector_load %arg13[%get3A_1022, %get3A_1023, %get3A_1024] {strides = array<i32>} : memref<4x256x32xi32, #tpu.memory_space<vmem>>, vector<16xi32>,
          %bitcast3A_1026 = vector.bitcast %get3A_1025 : vector<16xi32> to vector<32xbf16>
          %mul3A_1027 = arith.mulf %pack3A_1013, %bitcast3A_1026 : vector<32xbf16>
          %mul3A_1028 = arith.constant 16 : i32
          %mul3A_1029 = arith.muli %scan3A_345, %mul3A_1028 : i32
          %add3A_1030 = arith.constant 128 : i32
          %add3A_1031 = arith.addi %add3A_1030, %mul3A_1029 : i32
          %add3A_1032 = arith.constant 12 : i32
          %add3A_1033 = arith.addi %add3A_1031, %add3A_1032 : i32
          %slice3A_1034 = vector.extract_strided_slice %get3A_739 {offsets = [12], sizes = [1], strides = [1]} : vector<16xf32> to vector<1xf32>
          %squeeze3A_1035 = vector.extract %slice3A_1034[0] : f32 from vector<1xf32>
          %broadcast_in_dim3A_1036 = vector.broadcast %squeeze3A_1035 : f32 to vector<16xf32>
          %pack3A_1037 = tpu.pack_subelements %broadcast_in_dim3A_1036, %broadcast_in_dim3A_1036 {pack_format = #tpu.pack_format<interleaved>, positions = array<i32: 0, 1>} : vector<16xf32>, vector<16xf32> -> vector<32xbf16>
          %get3A_1038 = arith.constant 1 : i32
          %get3A_1039 = arith.index_cast %get3A_1038 : i32 to index
          %get3A_1040 = arith.index_cast %add3A_1033 : i32 to index
          %get3A_1041 = arith.constant 0 : index
          %get3A_1042 = tpu.vector_load %arg13[%get3A_1039, %get3A_1040, %get3A_1041] {strides = array<i32>} : memref<4x256x32xi32, #tpu.memory_space<vmem>>, vector<16xi32>,
          %bitcast3A_1043 = vector.bitcast %get3A_1042 : vector<16xi32> to vector<32xbf16>
          %mul3A_1044 = arith.mulf %pack3A_1037, %bitcast3A_1043 : vector<32xbf16>
          %get3A_1045 = arith.constant 1 : i32
          %get3A_1046 = arith.index_cast %get3A_1045 : i32 to index
          %get3A_1047 = arith.index_cast %add3A_1033 : i32 to index
          %get3A_1048 = arith.constant 16 : index
          %get3A_1049 = tpu.vector_load %arg13[%get3A_1046, %get3A_1047, %get3A_1048] {strides = array<i32>} : memref<4x256x32xi32, #tpu.memory_space<vmem>>, vector<16xi32>,
          %bitcast3A_1050 = vector.bitcast %get3A_1049 : vector<16xi32> to vector<32xbf16>
          %mul3A_1051 = arith.mulf %pack3A_1037, %bitcast3A_1050 : vector<32xbf16>
          %mul3A_1052 = arith.constant 16 : i32
          %mul3A_1053 = arith.muli %scan3A_345, %mul3A_1052 : i32
          %add3A_1054 = arith.constant 128 : i32
          %add3A_1055 = arith.addi %add3A_1054, %mul3A_1053 : i32
          %add3A_1056 = arith.constant 13 : i32
          %add3A_1057 = arith.addi %add3A_1055, %add3A_1056 : i32
          %slice3A_1058 = vector.extract_strided_slice %get3A_739 {offsets = [13], sizes = [1], strides = [1]} : vector<16xf32> to vector<1xf32>
          %squeeze3A_1059 = vector.extract %slice3A_1058[0] : f32 from vector<1xf32>
          %broadcast_in_dim3A_1060 = vector.broadcast %squeeze3A_1059 : f32 to vector<16xf32>
          %pack3A_1061 = tpu.pack_subelements %broadcast_in_dim3A_1060, %broadcast_in_dim3A_1060 {pack_format = #tpu.pack_format<interleaved>, positions = array<i32: 0, 1>} : vector<16xf32>, vector<16xf32> -> vector<32xbf16>
          %get3A_1062 = arith.constant 1 : i32
          %get3A_1063 = arith.index_cast %get3A_1062 : i32 to index
          %get3A_1064 = arith.index_cast %add3A_1057 : i32 to index
          %get3A_1065 = arith.constant 0 : index
          %get3A_1066 = tpu.vector_load %arg13[%get3A_1063, %get3A_1064, %get3A_1065] {strides = array<i32>} : memref<4x256x32xi32, #tpu.memory_space<vmem>>, vector<16xi32>,
          %bitcast3A_1067 = vector.bitcast %get3A_1066 : vector<16xi32> to vector<32xbf16>
          %mul3A_1068 = arith.mulf %pack3A_1061, %bitcast3A_1067 : vector<32xbf16>
          %get3A_1069 = arith.constant 1 : i32
          %get3A_1070 = arith.index_cast %get3A_1069 : i32 to index
          %get3A_1071 = arith.index_cast %add3A_1057 : i32 to index
          %get3A_1072 = arith.constant 16 : index
          %get3A_1073 = tpu.vector_load %arg13[%get3A_1070, %get3A_1071, %get3A_1072] {strides = array<i32>} : memref<4x256x32xi32, #tpu.memory_space<vmem>>, vector<16xi32>,
          %bitcast3A_1074 = vector.bitcast %get3A_1073 : vector<16xi32> to vector<32xbf16>
          %mul3A_1075 = arith.mulf %pack3A_1061, %bitcast3A_1074 : vector<32xbf16>
          %mul3A_1076 = arith.constant 16 : i32
          %mul3A_1077 = arith.muli %scan3A_345, %mul3A_1076 : i32
          %add3A_1078 = arith.constant 128 : i32
          %add3A_1079 = arith.addi %add3A_1078, %mul3A_1077 : i32
          %add3A_1080 = arith.constant 14 : i32
          %add3A_1081 = arith.addi %add3A_1079, %add3A_1080 : i32
          %slice3A_1082 = vector.extract_strided_slice %get3A_739 {offsets = [14], sizes = [1], strides = [1]} : vector<16xf32> to vector<1xf32>
          %squeeze3A_1083 = vector.extract %slice3A_1082[0] : f32 from vector<1xf32>
          %broadcast_in_dim3A_1084 = vector.broadcast %squeeze3A_1083 : f32 to vector<16xf32>
          %pack3A_1085 = tpu.pack_subelements %broadcast_in_dim3A_1084, %broadcast_in_dim3A_1084 {pack_format = #tpu.pack_format<interleaved>, positions = array<i32: 0, 1>} : vector<16xf32>, vector<16xf32> -> vector<32xbf16>
          %get3A_1086 = arith.constant 1 : i32
          %get3A_1087 = arith.index_cast %get3A_1086 : i32 to index
          %get3A_1088 = arith.index_cast %add3A_1081 : i32 to index
          %get3A_1089 = arith.constant 0 : index
          %get3A_1090 = tpu.vector_load %arg13[%get3A_1087, %get3A_1088, %get3A_1089] {strides = array<i32>} : memref<4x256x32xi32, #tpu.memory_space<vmem>>, vector<16xi32>,
          %bitcast3A_1091 = vector.bitcast %get3A_1090 : vector<16xi32> to vector<32xbf16>
          %mul3A_1092 = arith.mulf %pack3A_1085, %bitcast3A_1091 : vector<32xbf16>
          %get3A_1093 = arith.constant 1 : i32
          %get3A_1094 = arith.index_cast %get3A_1093 : i32 to index
          %get3A_1095 = arith.index_cast %add3A_1081 : i32 to index
          %get3A_1096 = arith.constant 16 : index
          %get3A_1097 = tpu.vector_load %arg13[%get3A_1094, %get3A_1095, %get3A_1096] {strides = array<i32>} : memref<4x256x32xi32, #tpu.memory_space<vmem>>, vector<16xi32>,
          %bitcast3A_1098 = vector.bitcast %get3A_1097 : vector<16xi32> to vector<32xbf16>
          %mul3A_1099 = arith.mulf %pack3A_1085, %bitcast3A_1098 : vector<32xbf16>
          %mul3A_1100 = arith.constant 16 : i32
          %mul3A_1101 = arith.muli %scan3A_345, %mul3A_1100 : i32
          %add3A_1102 = arith.constant 128 : i32
          %add3A_1103 = arith.addi %add3A_1102, %mul3A_1101 : i32
          %add3A_1104 = arith.constant 15 : i32
          %add3A_1105 = arith.addi %add3A_1103, %add3A_1104 : i32
          %slice3A_1106 = vector.extract_strided_slice %get3A_739 {offsets = [15], sizes = [1], strides = [1]} : vector<16xf32> to vector<1xf32>
          %squeeze3A_1107 = vector.extract %slice3A_1106[0] : f32 from vector<1xf32>
          %broadcast_in_dim3A_1108 = vector.broadcast %squeeze3A_1107 : f32 to vector<16xf32>
          %pack3A_1109 = tpu.pack_subelements %broadcast_in_dim3A_1108, %broadcast_in_dim3A_1108 {pack_format = #tpu.pack_format<interleaved>, positions = array<i32: 0, 1>} : vector<16xf32>, vector<16xf32> -> vector<32xbf16>
          %get3A_1110 = arith.constant 1 : i32
          %get3A_1111 = arith.index_cast %get3A_1110 : i32 to index
          %get3A_1112 = arith.index_cast %add3A_1105 : i32 to index
          %get3A_1113 = arith.constant 0 : index
          %get3A_1114 = tpu.vector_load %arg13[%get3A_1111, %get3A_1112, %get3A_1113] {strides = array<i32>} : memref<4x256x32xi32, #tpu.memory_space<vmem>>, vector<16xi32>,
          %bitcast3A_1115 = vector.bitcast %get3A_1114 : vector<16xi32> to vector<32xbf16>
          %mul3A_1116 = arith.mulf %pack3A_1109, %bitcast3A_1115 : vector<32xbf16>
          %get3A_1117 = arith.constant 1 : i32
          %get3A_1118 = arith.index_cast %get3A_1117 : i32 to index
          %get3A_1119 = arith.index_cast %add3A_1105 : i32 to index
          %get3A_1120 = arith.constant 16 : index
          %get3A_1121 = tpu.vector_load %arg13[%get3A_1118, %get3A_1119, %get3A_1120] {strides = array<i32>} : memref<4x256x32xi32, #tpu.memory_space<vmem>>, vector<16xi32>,
          %bitcast3A_1122 = vector.bitcast %get3A_1121 : vector<16xi32> to vector<32xbf16>
          %mul3A_1123 = arith.mulf %pack3A_1109, %bitcast3A_1122 : vector<32xbf16>
          %add3A_1124 = arith.addf %mul3A_365, %mul3A_389 : vector<32xbf16>
          %add3A_1125 = arith.addf %mul3A_413, %mul3A_437 : vector<32xbf16>
          %add3A_1126 = arith.addf %mul3A_461, %mul3A_485 : vector<32xbf16>
          %add3A_1127 = arith.addf %mul3A_509, %mul3A_533 : vector<32xbf16>
          %add3A_1128 = arith.addf %mul3A_557, %mul3A_581 : vector<32xbf16>
          %add3A_1129 = arith.addf %mul3A_605, %mul3A_629 : vector<32xbf16>
          %add3A_1130 = arith.addf %mul3A_653, %mul3A_677 : vector<32xbf16>
          %add3A_1131 = arith.addf %mul3A_701, %mul3A_725 : vector<32xbf16>
          %add3A_1132 = arith.addf %mul3A_756, %mul3A_780 : vector<32xbf16>
          %add3A_1133 = arith.addf %mul3A_804, %mul3A_828 : vector<32xbf16>
          %add3A_1134 = arith.addf %mul3A_852, %mul3A_876 : vector<32xbf16>
          %add3A_1135 = arith.addf %mul3A_900, %mul3A_924 : vector<32xbf16>
          %add3A_1136 = arith.addf %mul3A_948, %mul3A_972 : vector<32xbf16>
          %add3A_1137 = arith.addf %mul3A_996, %mul3A_1020 : vector<32xbf16>
          %add3A_1138 = arith.addf %mul3A_1044, %mul3A_1068 : vector<32xbf16>
          %add3A_1139 = arith.addf %mul3A_1092, %mul3A_1116 : vector<32xbf16>
          %add3A_1140 = arith.addf %add3A_1124, %add3A_1125 : vector<32xbf16>
          %add3A_1141 = arith.addf %add3A_1126, %add3A_1127 : vector<32xbf16>
          %add3A_1142 = arith.addf %add3A_1128, %add3A_1129 : vector<32xbf16>
          %add3A_1143 = arith.addf %add3A_1130, %add3A_1131 : vector<32xbf16>
          %add3A_1144 = arith.addf %add3A_1132, %add3A_1133 : vector<32xbf16>
          %add3A_1145 = arith.addf %add3A_1134, %add3A_1135 : vector<32xbf16>
          %add3A_1146 = arith.addf %add3A_1136, %add3A_1137 : vector<32xbf16>
          %add3A_1147 = arith.addf %add3A_1138, %add3A_1139 : vector<32xbf16>
          %add3A_1148 = arith.addf %add3A_1140, %add3A_1141 : vector<32xbf16>
          %add3A_1149 = arith.addf %add3A_1142, %add3A_1143 : vector<32xbf16>
          %add3A_1150 = arith.addf %add3A_1144, %add3A_1145 : vector<32xbf16>
          %add3A_1151 = arith.addf %add3A_1146, %add3A_1147 : vector<32xbf16>
          %add3A_1152 = arith.addf %add3A_1148, %add3A_1149 : vector<32xbf16>
          %add3A_1153 = arith.addf %add3A_1150, %add3A_1151 : vector<32xbf16>
          %add3A_1154 = arith.addf %add3A_1152, %add3A_1153 : vector<32xbf16>
          %mul3A_1155 = arith.constant 64 : i32
          %mul3A_1156 = arith.muli %scan3A_345, %mul3A_1155 : i32
          %add3A_1157 = arith.constant 0 : i32
          %add3A_1158 = arith.addi %mul3A_1156, %add3A_1157 : i32
          %swap3A_1159 = arith.index_cast %add3A_227 : i32 to index
          %swap3A_1160 = arith.index_cast %add3A_1158 : i32 to index
          %swap3A_1161 = tpu.vector_load %arg14[%swap3A_1159, %swap3A_1160] {strides = array<i32>} : memref<64x512xbf16, #tpu.memory_space<vmem>>, vector<32xbf16>,
          tpu.vector_store %arg14[%swap3A_1159, %swap3A_1160], %add3A_1154 {strides = array<i32>} : memref<64x512xbf16, #tpu.memory_space<vmem>>, vector<32xbf16>,
          %add3A_1162 = arith.addf %mul3A_372, %mul3A_396 : vector<32xbf16>
          %add3A_1163 = arith.addf %mul3A_420, %mul3A_444 : vector<32xbf16>
          %add3A_1164 = arith.addf %mul3A_468, %mul3A_492 : vector<32xbf16>
          %add3A_1165 = arith.addf %mul3A_516, %mul3A_540 : vector<32xbf16>
          %add3A_1166 = arith.addf %mul3A_564, %mul3A_588 : vector<32xbf16>
          %add3A_1167 = arith.addf %mul3A_612, %mul3A_636 : vector<32xbf16>
          %add3A_1168 = arith.addf %mul3A_660, %mul3A_684 : vector<32xbf16>
          %add3A_1169 = arith.addf %mul3A_708, %mul3A_732 : vector<32xbf16>
          %add3A_1170 = arith.addf %mul3A_763, %mul3A_787 : vector<32xbf16>
          %add3A_1171 = arith.addf %mul3A_811, %mul3A_835 : vector<32xbf16>
          %add3A_1172 = arith.addf %mul3A_859, %mul3A_883 : vector<32xbf16>
          %add3A_1173 = arith.addf %mul3A_907, %mul3A_931 : vector<32xbf16>
          %add3A_1174 = arith.addf %mul3A_955, %mul3A_979 : vector<32xbf16>
          %add3A_1175 = arith.addf %mul3A_1003, %mul3A_1027 : vector<32xbf16>
          %add3A_1176 = arith.addf %mul3A_1051, %mul3A_1075 : vector<32xbf16>
          %add3A_1177 = arith.addf %mul3A_1099, %mul3A_1123 : vector<32xbf16>
          %add3A_1178 = arith.addf %add3A_1162, %add3A_1163 : vector<32xbf16>
          %add3A_1179 = arith.addf %add3A_1164, %add3A_1165 : vector<32xbf16>
          %add3A_1180 = arith.addf %add3A_1166, %add3A_1167 : vector<32xbf16>
          %add3A_1181 = arith.addf %add3A_1168, %add3A_1169 : vector<32xbf16>
          %add3A_1182 = arith.addf %add3A_1170, %add3A_1171 : vector<32xbf16>
          %add3A_1183 = arith.addf %add3A_1172, %add3A_1173 : vector<32xbf16>
          %add3A_1184 = arith.addf %add3A_1174, %add3A_1175 : vector<32xbf16>
          %add3A_1185 = arith.addf %add3A_1176, %add3A_1177 : vector<32xbf16>
          %add3A_1186 = arith.addf %add3A_1178, %add3A_1179 : vector<32xbf16>
          %add3A_1187 = arith.addf %add3A_1180, %add3A_1181 : vector<32xbf16>
          %add3A_1188 = arith.addf %add3A_1182, %add3A_1183 : vector<32xbf16>
          %add3A_1189 = arith.addf %add3A_1184, %add3A_1185 : vector<32xbf16>
          %add3A_1190 = arith.addf %add3A_1186, %add3A_1187 : vector<32xbf16>
          %add3A_1191 = arith.addf %add3A_1188, %add3A_1189 : vector<32xbf16>
          %add3A_1192 = arith.addf %add3A_1190, %add3A_1191 : vector<32xbf16>
          %mul3A_1193 = arith.constant 64 : i32
          %mul3A_1194 = arith.muli %scan3A_345, %mul3A_1193 : i32
          %add3A_1195 = arith.constant 32 : i32
          %add3A_1196 = arith.addi %mul3A_1194, %add3A_1195 : i32
          %swap3A_1197 = arith.index_cast %add3A_227 : i32 to index
          %swap3A_1198 = arith.index_cast %add3A_1196 : i32 to index
          %swap3A_1199 = tpu.vector_load %arg14[%swap3A_1197, %swap3A_1198] {strides = array<i32>} : memref<64x512xbf16, #tpu.memory_space<vmem>>, vector<32xbf16>,
          tpu.vector_store %arg14[%swap3A_1197, %swap3A_1198], %add3A_1192 {strides = array<i32>} : memref<64x512xbf16, #tpu.memory_space<vmem>>, vector<32xbf16>,
          %scan3A_1200 = arith.constant 0 : i32
          scf.yield %scan3A_1200 : i32
        }
        %scan3A_263 = arith.constant 8 : i32
        %mul3A_264 = arith.constant 4 : i32
        %mul3A_265 = arith.muli %scan3A_186, %mul3A_264 : i32
        %add3A_266 = arith.constant 2 : i32
        %add3A_267 = arith.addi %mul3A_265, %add3A_266 : i32
        %add3A_268 = arith.constant 3 : i32
        %add3A_269 = arith.addi %add3A_267, %add3A_268 : i32
        %lt3A_270 = arith.constant 64 : i32
        %lt3A_271 = arith.cmpi slt, %add3A_269, %lt3A_270 : i32
        %convert_element_type3A_272 = arith.extui %lt3A_271 : i1 to i32
        %cond3A_273 = arith.constant 0 : i32
        %cond3A_274 = arith.cmpi ne, %convert_element_type3A_272, %cond3A_273 : i32
        scf.if %cond3A_274 {
          %add3A_345 = arith.constant 3 : i32
          %add3A_346 = arith.addi %add3A_267, %add3A_345 : i32
          %dma_start3A_347 = arith.constant 1 : i32
          %dma_start3A_348 = arith.constant 0 : i32
          %dma_start3A_349 = arith.constant 0 : i32
          %dma_start3A_350 = tpu.memref_slice %arg13[%dma_start3A_347, %dma_start3A_348, %dma_start3A_349] : memref<4x256x32xi32, #tpu.memory_space<vmem>> -> memref<1x128x32xi32, #tpu.memory_space<vmem>>
          %dma_start3A_351 = tpu.memref_squeeze %dma_start3A_350 : memref<1x128x32xi32, #tpu.memory_space<vmem>> -> memref<128x32xi32, #tpu.memory_space<vmem>>
          %dma_start3A_352 = arith.constant 0 : i32
          %dma_start3A_353 = tpu.memref_slice %arg8[%add3A_346, %dma_start3A_352] : memref<64x128xi32, #tpu.memory_space<vmem>> -> memref<1x128xi32, #tpu.memory_space<vmem>>
          %dma_start3A_354 = tpu.memref_squeeze %dma_start3A_353 : memref<1x128xi32, #tpu.memory_space<vmem>> -> memref<128xi32, #tpu.memory_space<vmem>>
          %dma_start3A_355 = arith.constant 0 : i32
          %dma_start3A_356 = arith.constant 0 : i32
          %dma_start3A_357 = tpu.memref_slice %arg2[%dma_start3A_355, %dma_start3A_356] : memref<262144x32xi32, #tpu.memory_space<hbm>> -> memref<262144x32xi32, #tpu.memory_space<hbm>>
          tpu.enqueue_indirect_dma source(%dma_start3A_357 : memref<262144x32xi32, #tpu.memory_space<hbm>>) target(%dma_start3A_351 : memref<128x32xi32, #tpu.memory_space<vmem>>) offsets(%dma_start3A_354 : memref<128xi32, #tpu.memory_space<vmem>>) semaphore(%arg16 : memref<!tpu.dma_semaphore, #tpu.memory_space<semaphore_mem>>)
          %dma_start3A_358 = arith.constant 1 : i32
          %dma_start3A_359 = arith.constant 128 : i32
          %dma_start3A_360 = arith.constant 0 : i32
          %dma_start3A_361 = tpu.memref_slice %arg13[%dma_start3A_358, %dma_start3A_359, %dma_start3A_360] : memref<4x256x32xi32, #tpu.memory_space<vmem>> -> memref<1x128x32xi32, #tpu.memory_space<vmem>>
          %dma_start3A_362 = tpu.memref_squeeze %dma_start3A_361 : memref<1x128x32xi32, #tpu.memory_space<vmem>> -> memref<128x32xi32, #tpu.memory_space<vmem>>
          %dma_start3A_363 = arith.constant 0 : i32
          %dma_start3A_364 = tpu.memref_slice %arg9[%add3A_346, %dma_start3A_363] : memref<64x128xi32, #tpu.memory_space<vmem>> -> memref<1x128xi32, #tpu.memory_space<vmem>>
          %dma_start3A_365 = tpu.memref_squeeze %dma_start3A_364 : memref<1x128xi32, #tpu.memory_space<vmem>> -> memref<128xi32, #tpu.memory_space<vmem>>
          %dma_start3A_366 = arith.constant 0 : i32
          %dma_start3A_367 = arith.constant 0 : i32
          %dma_start3A_368 = tpu.memref_slice %arg2[%dma_start3A_366, %dma_start3A_367] : memref<262144x32xi32, #tpu.memory_space<hbm>> -> memref<262144x32xi32, #tpu.memory_space<hbm>>
          tpu.enqueue_indirect_dma source(%dma_start3A_368 : memref<262144x32xi32, #tpu.memory_space<hbm>>) target(%dma_start3A_362 : memref<128x32xi32, #tpu.memory_space<vmem>>) offsets(%dma_start3A_365 : memref<128xi32, #tpu.memory_space<vmem>>) semaphore(%arg16 : memref<!tpu.dma_semaphore, #tpu.memory_space<semaphore_mem>>)
        } else {
        }
        %dma_wait3A_275 = arith.constant 2 : i32
        %dma_wait3A_276 = arith.constant 0 : i32
        %dma_wait3A_277 = arith.constant 0 : i32
        %dma_wait3A_278 = tpu.memref_slice %arg13[%dma_wait3A_275, %dma_wait3A_276, %dma_wait3A_277] : memref<4x256x32xi32, #tpu.memory_space<vmem>> -> memref<1x128x32xi32, #tpu.memory_space<vmem>>
        %dma_wait3A_279 = tpu.memref_squeeze %dma_wait3A_278 : memref<1x128x32xi32, #tpu.memory_space<vmem>> -> memref<128x32xi32, #tpu.memory_space<vmem>>
        %dma_wait3A_280 = arith.constant 0 : i32
        %dma_wait3A_281 = tpu.memref_slice %arg8[%add3A_267, %dma_wait3A_280] : memref<64x128xi32, #tpu.memory_space<vmem>> -> memref<1x128xi32, #tpu.memory_space<vmem>>
        %dma_wait3A_282 = tpu.memref_squeeze %dma_wait3A_281 : memref<1x128xi32, #tpu.memory_space<vmem>> -> memref<128xi32, #tpu.memory_space<vmem>>
        %dma_wait3A_283 = arith.constant 0 : i32
        %dma_wait3A_284 = arith.constant 0 : i32
        %dma_wait3A_285 = tpu.memref_slice %arg2[%dma_wait3A_283, %dma_wait3A_284] : memref<262144x32xi32, #tpu.memory_space<hbm>> -> memref<262144x32xi32, #tpu.memory_space<hbm>>
        tpu.wait_indirect_dma semaphore(%arg17 : memref<!tpu.dma_semaphore, #tpu.memory_space<semaphore_mem>>) src(%dma_wait3A_285 : memref<262144x32xi32, #tpu.memory_space<hbm>>) dst(%dma_wait3A_279 : memref<128x32xi32, #tpu.memory_space<vmem>>)
        %dma_wait3A_286 = arith.constant 2 : i32
        %dma_wait3A_287 = arith.constant 128 : i32
        %dma_wait3A_288 = arith.constant 0 : i32
        %dma_wait3A_289 = tpu.memref_slice %arg13[%dma_wait3A_286, %dma_wait3A_287, %dma_wait3A_288] : memref<4x256x32xi32, #tpu.memory_space<vmem>> -> memref<1x128x32xi32, #tpu.memory_space<vmem>>
        %dma_wait3A_290 = tpu.memref_squeeze %dma_wait3A_289 : memref<1x128x32xi32, #tpu.memory_space<vmem>> -> memref<128x32xi32, #tpu.memory_space<vmem>>
        %dma_wait3A_291 = arith.constant 0 : i32
        %dma_wait3A_292 = tpu.memref_slice %arg9[%add3A_267, %dma_wait3A_291] : memref<64x128xi32, #tpu.memory_space<vmem>> -> memref<1x128xi32, #tpu.memory_space<vmem>>
        %dma_wait3A_293 = tpu.memref_squeeze %dma_wait3A_292 : memref<1x128xi32, #tpu.memory_space<vmem>> -> memref<128xi32, #tpu.memory_space<vmem>>
        %dma_wait3A_294 = arith.constant 0 : i32
        %dma_wait3A_295 = arith.constant 0 : i32
        %dma_wait3A_296 = tpu.memref_slice %arg2[%dma_wait3A_294, %dma_wait3A_295] : memref<262144x32xi32, #tpu.memory_space<hbm>> -> memref<262144x32xi32, #tpu.memory_space<hbm>>
        tpu.wait_indirect_dma semaphore(%arg17 : memref<!tpu.dma_semaphore, #tpu.memory_space<semaphore_mem>>) src(%dma_wait3A_296 : memref<262144x32xi32, #tpu.memory_space<hbm>>) dst(%dma_wait3A_290 : memref<128x32xi32, #tpu.memory_space<vmem>>)
        %scan3A_297 = arith.constant 0 : i32
        %scan3A_298 = arith.constant 0 : i32
        %scan3A_299 = arith.constant 8 : i32
        %scan3A_300 = arith.addi %scan3A_298, %scan3A_299 : i32
        %scan3A_301 = arith.constant 1 : i32
        %scan3A_302 = scf.for %scan3A_345 = %scan3A_298 to %scan3A_300 step %scan3A_301 iter_args(%scan3A_346 = %scan3A_297) -> (i32)  : i32 {
          %mul3A_347 = arith.constant 128 : i32
          %mul3A_348 = arith.muli %add3A_267, %mul3A_347 : i32
          %mul3A_349 = arith.constant 16 : i32
          %mul3A_350 = arith.muli %scan3A_345, %mul3A_349 : i32
          %add3A_351 = arith.addi %mul3A_348, %mul3A_350 : i32
          %get3A = arith.index_cast %add3A_351 : i32 to index
          %get3A_352 = tpu.vector_load %arg10[%get3A] {strides = array<i32>} : memref<8192xf32, #tpu.memory_space<vmem>>, vector<16xf32>,
          %mul3A_353 = arith.constant 16 : i32
          %mul3A_354 = arith.muli %scan3A_345, %mul3A_353 : i32
          %add3A_355 = arith.constant 0 : i32
          %add3A_356 = arith.addi %add3A_355, %mul3A_354 : i32
          %add3A_357 = arith.constant 0 : i32
          %add3A_358 = arith.addi %add3A_356, %add3A_357 : i32
          %slice3A = vector.extract_strided_slice %get3A_352 {offsets = [0], sizes = [1], strides = [1]} : vector<16xf32> to vector<1xf32>
          %squeeze3A = vector.extract %slice3A[0] : f32 from vector<1xf32>
          %broadcast_in_dim3A_359 = vector.broadcast %squeeze3A : f32 to vector<16xf32>
          %pack3A = tpu.pack_subelements %broadcast_in_dim3A_359, %broadcast_in_dim3A_359 {pack_format = #tpu.pack_format<interleaved>, positions = array<i32: 0, 1>} : vector<16xf32>, vector<16xf32> -> vector<32xbf16>
          %get3A_360 = arith.constant 2 : i32
          %get3A_361 = arith.index_cast %get3A_360 : i32 to index
          %get3A_362 = arith.index_cast %add3A_358 : i32 to index
          %get3A_363 = arith.constant 0 : index
          %get3A_364 = tpu.vector_load %arg13[%get3A_361, %get3A_362, %get3A_363] {strides = array<i32>} : memref<4x256x32xi32, #tpu.memory_space<vmem>>, vector<16xi32>,
          %bitcast3A = vector.bitcast %get3A_364 : vector<16xi32> to vector<32xbf16>
          %mul3A_365 = arith.mulf %pack3A, %bitcast3A : vector<32xbf16>
          %get3A_366 = arith.constant 2 : i32
          %get3A_367 = arith.index_cast %get3A_366 : i32 to index
          %get3A_368 = arith.index_cast %add3A_358 : i32 to index
          %get3A_369 = arith.constant 16 : index
          %get3A_370 = tpu.vector_load %arg13[%get3A_367, %get3A_368, %get3A_369] {strides = array<i32>} : memref<4x256x32xi32, #tpu.memory_space<vmem>>, vector<16xi32>,
          %bitcast3A_371 = vector.bitcast %get3A_370 : vector<16xi32> to vector<32xbf16>
          %mul3A_372 = arith.mulf %pack3A, %bitcast3A_371 : vector<32xbf16>
          %mul3A_373 = arith.constant 16 : i32
          %mul3A_374 = arith.muli %scan3A_345, %mul3A_373 : i32
          %add3A_375 = arith.constant 0 : i32
          %add3A_376 = arith.addi %add3A_375, %mul3A_374 : i32
          %add3A_377 = arith.constant 1 : i32
          %add3A_378 = arith.addi %add3A_376, %add3A_377 : i32
          %slice3A_379 = vector.extract_strided_slice %get3A_352 {offsets = [1], sizes = [1], strides = [1]} : vector<16xf32> to vector<1xf32>
          %squeeze3A_380 = vector.extract %slice3A_379[0] : f32 from vector<1xf32>
          %broadcast_in_dim3A_381 = vector.broadcast %squeeze3A_380 : f32 to vector<16xf32>
          %pack3A_382 = tpu.pack_subelements %broadcast_in_dim3A_381, %broadcast_in_dim3A_381 {pack_format = #tpu.pack_format<interleaved>, positions = array<i32: 0, 1>} : vector<16xf32>, vector<16xf32> -> vector<32xbf16>
          %get3A_383 = arith.constant 2 : i32
          %get3A_384 = arith.index_cast %get3A_383 : i32 to index
          %get3A_385 = arith.index_cast %add3A_378 : i32 to index
          %get3A_386 = arith.constant 0 : index
          %get3A_387 = tpu.vector_load %arg13[%get3A_384, %get3A_385, %get3A_386] {strides = array<i32>} : memref<4x256x32xi32, #tpu.memory_space<vmem>>, vector<16xi32>,
          %bitcast3A_388 = vector.bitcast %get3A_387 : vector<16xi32> to vector<32xbf16>
          %mul3A_389 = arith.mulf %pack3A_382, %bitcast3A_388 : vector<32xbf16>
          %get3A_390 = arith.constant 2 : i32
          %get3A_391 = arith.index_cast %get3A_390 : i32 to index
          %get3A_392 = arith.index_cast %add3A_378 : i32 to index
          %get3A_393 = arith.constant 16 : index
          %get3A_394 = tpu.vector_load %arg13[%get3A_391, %get3A_392, %get3A_393] {strides = array<i32>} : memref<4x256x32xi32, #tpu.memory_space<vmem>>, vector<16xi32>,
          %bitcast3A_395 = vector.bitcast %get3A_394 : vector<16xi32> to vector<32xbf16>
          %mul3A_396 = arith.mulf %pack3A_382, %bitcast3A_395 : vector<32xbf16>
          %mul3A_397 = arith.constant 16 : i32
          %mul3A_398 = arith.muli %scan3A_345, %mul3A_397 : i32
          %add3A_399 = arith.constant 0 : i32
          %add3A_400 = arith.addi %add3A_399, %mul3A_398 : i32
          %add3A_401 = arith.constant 2 : i32
          %add3A_402 = arith.addi %add3A_400, %add3A_401 : i32
          %slice3A_403 = vector.extract_strided_slice %get3A_352 {offsets = [2], sizes = [1], strides = [1]} : vector<16xf32> to vector<1xf32>
          %squeeze3A_404 = vector.extract %slice3A_403[0] : f32 from vector<1xf32>
          %broadcast_in_dim3A_405 = vector.broadcast %squeeze3A_404 : f32 to vector<16xf32>
          %pack3A_406 = tpu.pack_subelements %broadcast_in_dim3A_405, %broadcast_in_dim3A_405 {pack_format = #tpu.pack_format<interleaved>, positions = array<i32: 0, 1>} : vector<16xf32>, vector<16xf32> -> vector<32xbf16>
          %get3A_407 = arith.constant 2 : i32
          %get3A_408 = arith.index_cast %get3A_407 : i32 to index
          %get3A_409 = arith.index_cast %add3A_402 : i32 to index
          %get3A_410 = arith.constant 0 : index
          %get3A_411 = tpu.vector_load %arg13[%get3A_408, %get3A_409, %get3A_410] {strides = array<i32>} : memref<4x256x32xi32, #tpu.memory_space<vmem>>, vector<16xi32>,
          %bitcast3A_412 = vector.bitcast %get3A_411 : vector<16xi32> to vector<32xbf16>
          %mul3A_413 = arith.mulf %pack3A_406, %bitcast3A_412 : vector<32xbf16>
          %get3A_414 = arith.constant 2 : i32
          %get3A_415 = arith.index_cast %get3A_414 : i32 to index
          %get3A_416 = arith.index_cast %add3A_402 : i32 to index
          %get3A_417 = arith.constant 16 : index
          %get3A_418 = tpu.vector_load %arg13[%get3A_415, %get3A_416, %get3A_417] {strides = array<i32>} : memref<4x256x32xi32, #tpu.memory_space<vmem>>, vector<16xi32>,
          %bitcast3A_419 = vector.bitcast %get3A_418 : vector<16xi32> to vector<32xbf16>
          %mul3A_420 = arith.mulf %pack3A_406, %bitcast3A_419 : vector<32xbf16>
          %mul3A_421 = arith.constant 16 : i32
          %mul3A_422 = arith.muli %scan3A_345, %mul3A_421 : i32
          %add3A_423 = arith.constant 0 : i32
          %add3A_424 = arith.addi %add3A_423, %mul3A_422 : i32
          %add3A_425 = arith.constant 3 : i32
          %add3A_426 = arith.addi %add3A_424, %add3A_425 : i32
          %slice3A_427 = vector.extract_strided_slice %get3A_352 {offsets = [3], sizes = [1], strides = [1]} : vector<16xf32> to vector<1xf32>
          %squeeze3A_428 = vector.extract %slice3A_427[0] : f32 from vector<1xf32>
          %broadcast_in_dim3A_429 = vector.broadcast %squeeze3A_428 : f32 to vector<16xf32>
          %pack3A_430 = tpu.pack_subelements %broadcast_in_dim3A_429, %broadcast_in_dim3A_429 {pack_format = #tpu.pack_format<interleaved>, positions = array<i32: 0, 1>} : vector<16xf32>, vector<16xf32> -> vector<32xbf16>
          %get3A_431 = arith.constant 2 : i32
          %get3A_432 = arith.index_cast %get3A_431 : i32 to index
          %get3A_433 = arith.index_cast %add3A_426 : i32 to index
          %get3A_434 = arith.constant 0 : index
          %get3A_435 = tpu.vector_load %arg13[%get3A_432, %get3A_433, %get3A_434] {strides = array<i32>} : memref<4x256x32xi32, #tpu.memory_space<vmem>>, vector<16xi32>,
          %bitcast3A_436 = vector.bitcast %get3A_435 : vector<16xi32> to vector<32xbf16>
          %mul3A_437 = arith.mulf %pack3A_430, %bitcast3A_436 : vector<32xbf16>
          %get3A_438 = arith.constant 2 : i32
          %get3A_439 = arith.index_cast %get3A_438 : i32 to index
          %get3A_440 = arith.index_cast %add3A_426 : i32 to index
          %get3A_441 = arith.constant 16 : index
          %get3A_442 = tpu.vector_load %arg13[%get3A_439, %get3A_440, %get3A_441] {strides = array<i32>} : memref<4x256x32xi32, #tpu.memory_space<vmem>>, vector<16xi32>,
          %bitcast3A_443 = vector.bitcast %get3A_442 : vector<16xi32> to vector<32xbf16>
          %mul3A_444 = arith.mulf %pack3A_430, %bitcast3A_443 : vector<32xbf16>
          %mul3A_445 = arith.constant 16 : i32
          %mul3A_446 = arith.muli %scan3A_345, %mul3A_445 : i32
          %add3A_447 = arith.constant 0 : i32
          %add3A_448 = arith.addi %add3A_447, %mul3A_446 : i32
          %add3A_449 = arith.constant 4 : i32
          %add3A_450 = arith.addi %add3A_448, %add3A_449 : i32
          %slice3A_451 = vector.extract_strided_slice %get3A_352 {offsets = [4], sizes = [1], strides = [1]} : vector<16xf32> to vector<1xf32>
          %squeeze3A_452 = vector.extract %slice3A_451[0] : f32 from vector<1xf32>
          %broadcast_in_dim3A_453 = vector.broadcast %squeeze3A_452 : f32 to vector<16xf32>
          %pack3A_454 = tpu.pack_subelements %broadcast_in_dim3A_453, %broadcast_in_dim3A_453 {pack_format = #tpu.pack_format<interleaved>, positions = array<i32: 0, 1>} : vector<16xf32>, vector<16xf32> -> vector<32xbf16>
          %get3A_455 = arith.constant 2 : i32
          %get3A_456 = arith.index_cast %get3A_455 : i32 to index
          %get3A_457 = arith.index_cast %add3A_450 : i32 to index
          %get3A_458 = arith.constant 0 : index
          %get3A_459 = tpu.vector_load %arg13[%get3A_456, %get3A_457, %get3A_458] {strides = array<i32>} : memref<4x256x32xi32, #tpu.memory_space<vmem>>, vector<16xi32>,
          %bitcast3A_460 = vector.bitcast %get3A_459 : vector<16xi32> to vector<32xbf16>
          %mul3A_461 = arith.mulf %pack3A_454, %bitcast3A_460 : vector<32xbf16>
          %get3A_462 = arith.constant 2 : i32
          %get3A_463 = arith.index_cast %get3A_462 : i32 to index
          %get3A_464 = arith.index_cast %add3A_450 : i32 to index
          %get3A_465 = arith.constant 16 : index
          %get3A_466 = tpu.vector_load %arg13[%get3A_463, %get3A_464, %get3A_465] {strides = array<i32>} : memref<4x256x32xi32, #tpu.memory_space<vmem>>, vector<16xi32>,
          %bitcast3A_467 = vector.bitcast %get3A_466 : vector<16xi32> to vector<32xbf16>
          %mul3A_468 = arith.mulf %pack3A_454, %bitcast3A_467 : vector<32xbf16>
          %mul3A_469 = arith.constant 16 : i32
          %mul3A_470 = arith.muli %scan3A_345, %mul3A_469 : i32
          %add3A_471 = arith.constant 0 : i32
          %add3A_472 = arith.addi %add3A_471, %mul3A_470 : i32
          %add3A_473 = arith.constant 5 : i32
          %add3A_474 = arith.addi %add3A_472, %add3A_473 : i32
          %slice3A_475 = vector.extract_strided_slice %get3A_352 {offsets = [5], sizes = [1], strides = [1]} : vector<16xf32> to vector<1xf32>
          %squeeze3A_476 = vector.extract %slice3A_475[0] : f32 from vector<1xf32>
          %broadcast_in_dim3A_477 = vector.broadcast %squeeze3A_476 : f32 to vector<16xf32>
          %pack3A_478 = tpu.pack_subelements %broadcast_in_dim3A_477, %broadcast_in_dim3A_477 {pack_format = #tpu.pack_format<interleaved>, positions = array<i32: 0, 1>} : vector<16xf32>, vector<16xf32> -> vector<32xbf16>
          %get3A_479 = arith.constant 2 : i32
          %get3A_480 = arith.index_cast %get3A_479 : i32 to index
          %get3A_481 = arith.index_cast %add3A_474 : i32 to index
          %get3A_482 = arith.constant 0 : index
          %get3A_483 = tpu.vector_load %arg13[%get3A_480, %get3A_481, %get3A_482] {strides = array<i32>} : memref<4x256x32xi32, #tpu.memory_space<vmem>>, vector<16xi32>,
          %bitcast3A_484 = vector.bitcast %get3A_483 : vector<16xi32> to vector<32xbf16>
          %mul3A_485 = arith.mulf %pack3A_478, %bitcast3A_484 : vector<32xbf16>
          %get3A_486 = arith.constant 2 : i32
          %get3A_487 = arith.index_cast %get3A_486 : i32 to index
          %get3A_488 = arith.index_cast %add3A_474 : i32 to index
          %get3A_489 = arith.constant 16 : index
          %get3A_490 = tpu.vector_load %arg13[%get3A_487, %get3A_488, %get3A_489] {strides = array<i32>} : memref<4x256x32xi32, #tpu.memory_space<vmem>>, vector<16xi32>,
          %bitcast3A_491 = vector.bitcast %get3A_490 : vector<16xi32> to vector<32xbf16>
          %mul3A_492 = arith.mulf %pack3A_478, %bitcast3A_491 : vector<32xbf16>
          %mul3A_493 = arith.constant 16 : i32
          %mul3A_494 = arith.muli %scan3A_345, %mul3A_493 : i32
          %add3A_495 = arith.constant 0 : i32
          %add3A_496 = arith.addi %add3A_495, %mul3A_494 : i32
          %add3A_497 = arith.constant 6 : i32
          %add3A_498 = arith.addi %add3A_496, %add3A_497 : i32
          %slice3A_499 = vector.extract_strided_slice %get3A_352 {offsets = [6], sizes = [1], strides = [1]} : vector<16xf32> to vector<1xf32>
          %squeeze3A_500 = vector.extract %slice3A_499[0] : f32 from vector<1xf32>
          %broadcast_in_dim3A_501 = vector.broadcast %squeeze3A_500 : f32 to vector<16xf32>
          %pack3A_502 = tpu.pack_subelements %broadcast_in_dim3A_501, %broadcast_in_dim3A_501 {pack_format = #tpu.pack_format<interleaved>, positions = array<i32: 0, 1>} : vector<16xf32>, vector<16xf32> -> vector<32xbf16>
          %get3A_503 = arith.constant 2 : i32
          %get3A_504 = arith.index_cast %get3A_503 : i32 to index
          %get3A_505 = arith.index_cast %add3A_498 : i32 to index
          %get3A_506 = arith.constant 0 : index
          %get3A_507 = tpu.vector_load %arg13[%get3A_504, %get3A_505, %get3A_506] {strides = array<i32>} : memref<4x256x32xi32, #tpu.memory_space<vmem>>, vector<16xi32>,
          %bitcast3A_508 = vector.bitcast %get3A_507 : vector<16xi32> to vector<32xbf16>
          %mul3A_509 = arith.mulf %pack3A_502, %bitcast3A_508 : vector<32xbf16>
          %get3A_510 = arith.constant 2 : i32
          %get3A_511 = arith.index_cast %get3A_510 : i32 to index
          %get3A_512 = arith.index_cast %add3A_498 : i32 to index
          %get3A_513 = arith.constant 16 : index
          %get3A_514 = tpu.vector_load %arg13[%get3A_511, %get3A_512, %get3A_513] {strides = array<i32>} : memref<4x256x32xi32, #tpu.memory_space<vmem>>, vector<16xi32>,
          %bitcast3A_515 = vector.bitcast %get3A_514 : vector<16xi32> to vector<32xbf16>
          %mul3A_516 = arith.mulf %pack3A_502, %bitcast3A_515 : vector<32xbf16>
          %mul3A_517 = arith.constant 16 : i32
          %mul3A_518 = arith.muli %scan3A_345, %mul3A_517 : i32
          %add3A_519 = arith.constant 0 : i32
          %add3A_520 = arith.addi %add3A_519, %mul3A_518 : i32
          %add3A_521 = arith.constant 7 : i32
          %add3A_522 = arith.addi %add3A_520, %add3A_521 : i32
          %slice3A_523 = vector.extract_strided_slice %get3A_352 {offsets = [7], sizes = [1], strides = [1]} : vector<16xf32> to vector<1xf32>
          %squeeze3A_524 = vector.extract %slice3A_523[0] : f32 from vector<1xf32>
          %broadcast_in_dim3A_525 = vector.broadcast %squeeze3A_524 : f32 to vector<16xf32>
          %pack3A_526 = tpu.pack_subelements %broadcast_in_dim3A_525, %broadcast_in_dim3A_525 {pack_format = #tpu.pack_format<interleaved>, positions = array<i32: 0, 1>} : vector<16xf32>, vector<16xf32> -> vector<32xbf16>
          %get3A_527 = arith.constant 2 : i32
          %get3A_528 = arith.index_cast %get3A_527 : i32 to index
          %get3A_529 = arith.index_cast %add3A_522 : i32 to index
          %get3A_530 = arith.constant 0 : index
          %get3A_531 = tpu.vector_load %arg13[%get3A_528, %get3A_529, %get3A_530] {strides = array<i32>} : memref<4x256x32xi32, #tpu.memory_space<vmem>>, vector<16xi32>,
          %bitcast3A_532 = vector.bitcast %get3A_531 : vector<16xi32> to vector<32xbf16>
          %mul3A_533 = arith.mulf %pack3A_526, %bitcast3A_532 : vector<32xbf16>
          %get3A_534 = arith.constant 2 : i32
          %get3A_535 = arith.index_cast %get3A_534 : i32 to index
          %get3A_536 = arith.index_cast %add3A_522 : i32 to index
          %get3A_537 = arith.constant 16 : index
          %get3A_538 = tpu.vector_load %arg13[%get3A_535, %get3A_536, %get3A_537] {strides = array<i32>} : memref<4x256x32xi32, #tpu.memory_space<vmem>>, vector<16xi32>,
          %bitcast3A_539 = vector.bitcast %get3A_538 : vector<16xi32> to vector<32xbf16>
          %mul3A_540 = arith.mulf %pack3A_526, %bitcast3A_539 : vector<32xbf16>
          %mul3A_541 = arith.constant 16 : i32
          %mul3A_542 = arith.muli %scan3A_345, %mul3A_541 : i32
          %add3A_543 = arith.constant 0 : i32
          %add3A_544 = arith.addi %add3A_543, %mul3A_542 : i32
          %add3A_545 = arith.constant 8 : i32
          %add3A_546 = arith.addi %add3A_544, %add3A_545 : i32
          %slice3A_547 = vector.extract_strided_slice %get3A_352 {offsets = [8], sizes = [1], strides = [1]} : vector<16xf32> to vector<1xf32>
          %squeeze3A_548 = vector.extract %slice3A_547[0] : f32 from vector<1xf32>
          %broadcast_in_dim3A_549 = vector.broadcast %squeeze3A_548 : f32 to vector<16xf32>
          %pack3A_550 = tpu.pack_subelements %broadcast_in_dim3A_549, %broadcast_in_dim3A_549 {pack_format = #tpu.pack_format<interleaved>, positions = array<i32: 0, 1>} : vector<16xf32>, vector<16xf32> -> vector<32xbf16>
          %get3A_551 = arith.constant 2 : i32
          %get3A_552 = arith.index_cast %get3A_551 : i32 to index
          %get3A_553 = arith.index_cast %add3A_546 : i32 to index
          %get3A_554 = arith.constant 0 : index
          %get3A_555 = tpu.vector_load %arg13[%get3A_552, %get3A_553, %get3A_554] {strides = array<i32>} : memref<4x256x32xi32, #tpu.memory_space<vmem>>, vector<16xi32>,
          %bitcast3A_556 = vector.bitcast %get3A_555 : vector<16xi32> to vector<32xbf16>
          %mul3A_557 = arith.mulf %pack3A_550, %bitcast3A_556 : vector<32xbf16>
          %get3A_558 = arith.constant 2 : i32
          %get3A_559 = arith.index_cast %get3A_558 : i32 to index
          %get3A_560 = arith.index_cast %add3A_546 : i32 to index
          %get3A_561 = arith.constant 16 : index
          %get3A_562 = tpu.vector_load %arg13[%get3A_559, %get3A_560, %get3A_561] {strides = array<i32>} : memref<4x256x32xi32, #tpu.memory_space<vmem>>, vector<16xi32>,
          %bitcast3A_563 = vector.bitcast %get3A_562 : vector<16xi32> to vector<32xbf16>
          %mul3A_564 = arith.mulf %pack3A_550, %bitcast3A_563 : vector<32xbf16>
          %mul3A_565 = arith.constant 16 : i32
          %mul3A_566 = arith.muli %scan3A_345, %mul3A_565 : i32
          %add3A_567 = arith.constant 0 : i32
          %add3A_568 = arith.addi %add3A_567, %mul3A_566 : i32
          %add3A_569 = arith.constant 9 : i32
          %add3A_570 = arith.addi %add3A_568, %add3A_569 : i32
          %slice3A_571 = vector.extract_strided_slice %get3A_352 {offsets = [9], sizes = [1], strides = [1]} : vector<16xf32> to vector<1xf32>
          %squeeze3A_572 = vector.extract %slice3A_571[0] : f32 from vector<1xf32>
          %broadcast_in_dim3A_573 = vector.broadcast %squeeze3A_572 : f32 to vector<16xf32>
          %pack3A_574 = tpu.pack_subelements %broadcast_in_dim3A_573, %broadcast_in_dim3A_573 {pack_format = #tpu.pack_format<interleaved>, positions = array<i32: 0, 1>} : vector<16xf32>, vector<16xf32> -> vector<32xbf16>
          %get3A_575 = arith.constant 2 : i32
          %get3A_576 = arith.index_cast %get3A_575 : i32 to index
          %get3A_577 = arith.index_cast %add3A_570 : i32 to index
          %get3A_578 = arith.constant 0 : index
          %get3A_579 = tpu.vector_load %arg13[%get3A_576, %get3A_577, %get3A_578] {strides = array<i32>} : memref<4x256x32xi32, #tpu.memory_space<vmem>>, vector<16xi32>,
          %bitcast3A_580 = vector.bitcast %get3A_579 : vector<16xi32> to vector<32xbf16>
          %mul3A_581 = arith.mulf %pack3A_574, %bitcast3A_580 : vector<32xbf16>
          %get3A_582 = arith.constant 2 : i32
          %get3A_583 = arith.index_cast %get3A_582 : i32 to index
          %get3A_584 = arith.index_cast %add3A_570 : i32 to index
          %get3A_585 = arith.constant 16 : index
          %get3A_586 = tpu.vector_load %arg13[%get3A_583, %get3A_584, %get3A_585] {strides = array<i32>} : memref<4x256x32xi32, #tpu.memory_space<vmem>>, vector<16xi32>,
          %bitcast3A_587 = vector.bitcast %get3A_586 : vector<16xi32> to vector<32xbf16>
          %mul3A_588 = arith.mulf %pack3A_574, %bitcast3A_587 : vector<32xbf16>
          %mul3A_589 = arith.constant 16 : i32
          %mul3A_590 = arith.muli %scan3A_345, %mul3A_589 : i32
          %add3A_591 = arith.constant 0 : i32
          %add3A_592 = arith.addi %add3A_591, %mul3A_590 : i32
          %add3A_593 = arith.constant 10 : i32
          %add3A_594 = arith.addi %add3A_592, %add3A_593 : i32
          %slice3A_595 = vector.extract_strided_slice %get3A_352 {offsets = [10], sizes = [1], strides = [1]} : vector<16xf32> to vector<1xf32>
          %squeeze3A_596 = vector.extract %slice3A_595[0] : f32 from vector<1xf32>
          %broadcast_in_dim3A_597 = vector.broadcast %squeeze3A_596 : f32 to vector<16xf32>
          %pack3A_598 = tpu.pack_subelements %broadcast_in_dim3A_597, %broadcast_in_dim3A_597 {pack_format = #tpu.pack_format<interleaved>, positions = array<i32: 0, 1>} : vector<16xf32>, vector<16xf32> -> vector<32xbf16>
          %get3A_599 = arith.constant 2 : i32
          %get3A_600 = arith.index_cast %get3A_599 : i32 to index
          %get3A_601 = arith.index_cast %add3A_594 : i32 to index
          %get3A_602 = arith.constant 0 : index
          %get3A_603 = tpu.vector_load %arg13[%get3A_600, %get3A_601, %get3A_602] {strides = array<i32>} : memref<4x256x32xi32, #tpu.memory_space<vmem>>, vector<16xi32>,
          %bitcast3A_604 = vector.bitcast %get3A_603 : vector<16xi32> to vector<32xbf16>
          %mul3A_605 = arith.mulf %pack3A_598, %bitcast3A_604 : vector<32xbf16>
          %get3A_606 = arith.constant 2 : i32
          %get3A_607 = arith.index_cast %get3A_606 : i32 to index
          %get3A_608 = arith.index_cast %add3A_594 : i32 to index
          %get3A_609 = arith.constant 16 : index
          %get3A_610 = tpu.vector_load %arg13[%get3A_607, %get3A_608, %get3A_609] {strides = array<i32>} : memref<4x256x32xi32, #tpu.memory_space<vmem>>, vector<16xi32>,
          %bitcast3A_611 = vector.bitcast %get3A_610 : vector<16xi32> to vector<32xbf16>
          %mul3A_612 = arith.mulf %pack3A_598, %bitcast3A_611 : vector<32xbf16>
          %mul3A_613 = arith.constant 16 : i32
          %mul3A_614 = arith.muli %scan3A_345, %mul3A_613 : i32
          %add3A_615 = arith.constant 0 : i32
          %add3A_616 = arith.addi %add3A_615, %mul3A_614 : i32
          %add3A_617 = arith.constant 11 : i32
          %add3A_618 = arith.addi %add3A_616, %add3A_617 : i32
          %slice3A_619 = vector.extract_strided_slice %get3A_352 {offsets = [11], sizes = [1], strides = [1]} : vector<16xf32> to vector<1xf32>
          %squeeze3A_620 = vector.extract %slice3A_619[0] : f32 from vector<1xf32>
          %broadcast_in_dim3A_621 = vector.broadcast %squeeze3A_620 : f32 to vector<16xf32>
          %pack3A_622 = tpu.pack_subelements %broadcast_in_dim3A_621, %broadcast_in_dim3A_621 {pack_format = #tpu.pack_format<interleaved>, positions = array<i32: 0, 1>} : vector<16xf32>, vector<16xf32> -> vector<32xbf16>
          %get3A_623 = arith.constant 2 : i32
          %get3A_624 = arith.index_cast %get3A_623 : i32 to index
          %get3A_625 = arith.index_cast %add3A_618 : i32 to index
          %get3A_626 = arith.constant 0 : index
          %get3A_627 = tpu.vector_load %arg13[%get3A_624, %get3A_625, %get3A_626] {strides = array<i32>} : memref<4x256x32xi32, #tpu.memory_space<vmem>>, vector<16xi32>,
          %bitcast3A_628 = vector.bitcast %get3A_627 : vector<16xi32> to vector<32xbf16>
          %mul3A_629 = arith.mulf %pack3A_622, %bitcast3A_628 : vector<32xbf16>
          %get3A_630 = arith.constant 2 : i32
          %get3A_631 = arith.index_cast %get3A_630 : i32 to index
          %get3A_632 = arith.index_cast %add3A_618 : i32 to index
          %get3A_633 = arith.constant 16 : index
          %get3A_634 = tpu.vector_load %arg13[%get3A_631, %get3A_632, %get3A_633] {strides = array<i32>} : memref<4x256x32xi32, #tpu.memory_space<vmem>>, vector<16xi32>,
          %bitcast3A_635 = vector.bitcast %get3A_634 : vector<16xi32> to vector<32xbf16>
          %mul3A_636 = arith.mulf %pack3A_622, %bitcast3A_635 : vector<32xbf16>
          %mul3A_637 = arith.constant 16 : i32
          %mul3A_638 = arith.muli %scan3A_345, %mul3A_637 : i32
          %add3A_639 = arith.constant 0 : i32
          %add3A_640 = arith.addi %add3A_639, %mul3A_638 : i32
          %add3A_641 = arith.constant 12 : i32
          %add3A_642 = arith.addi %add3A_640, %add3A_641 : i32
          %slice3A_643 = vector.extract_strided_slice %get3A_352 {offsets = [12], sizes = [1], strides = [1]} : vector<16xf32> to vector<1xf32>
          %squeeze3A_644 = vector.extract %slice3A_643[0] : f32 from vector<1xf32>
          %broadcast_in_dim3A_645 = vector.broadcast %squeeze3A_644 : f32 to vector<16xf32>
          %pack3A_646 = tpu.pack_subelements %broadcast_in_dim3A_645, %broadcast_in_dim3A_645 {pack_format = #tpu.pack_format<interleaved>, positions = array<i32: 0, 1>} : vector<16xf32>, vector<16xf32> -> vector<32xbf16>
          %get3A_647 = arith.constant 2 : i32
          %get3A_648 = arith.index_cast %get3A_647 : i32 to index
          %get3A_649 = arith.index_cast %add3A_642 : i32 to index
          %get3A_650 = arith.constant 0 : index
          %get3A_651 = tpu.vector_load %arg13[%get3A_648, %get3A_649, %get3A_650] {strides = array<i32>} : memref<4x256x32xi32, #tpu.memory_space<vmem>>, vector<16xi32>,
          %bitcast3A_652 = vector.bitcast %get3A_651 : vector<16xi32> to vector<32xbf16>
          %mul3A_653 = arith.mulf %pack3A_646, %bitcast3A_652 : vector<32xbf16>
          %get3A_654 = arith.constant 2 : i32
          %get3A_655 = arith.index_cast %get3A_654 : i32 to index
          %get3A_656 = arith.index_cast %add3A_642 : i32 to index
          %get3A_657 = arith.constant 16 : index
          %get3A_658 = tpu.vector_load %arg13[%get3A_655, %get3A_656, %get3A_657] {strides = array<i32>} : memref<4x256x32xi32, #tpu.memory_space<vmem>>, vector<16xi32>,
          %bitcast3A_659 = vector.bitcast %get3A_658 : vector<16xi32> to vector<32xbf16>
          %mul3A_660 = arith.mulf %pack3A_646, %bitcast3A_659 : vector<32xbf16>
          %mul3A_661 = arith.constant 16 : i32
          %mul3A_662 = arith.muli %scan3A_345, %mul3A_661 : i32
          %add3A_663 = arith.constant 0 : i32
          %add3A_664 = arith.addi %add3A_663, %mul3A_662 : i32
          %add3A_665 = arith.constant 13 : i32
          %add3A_666 = arith.addi %add3A_664, %add3A_665 : i32
          %slice3A_667 = vector.extract_strided_slice %get3A_352 {offsets = [13], sizes = [1], strides = [1]} : vector<16xf32> to vector<1xf32>
          %squeeze3A_668 = vector.extract %slice3A_667[0] : f32 from vector<1xf32>
          %broadcast_in_dim3A_669 = vector.broadcast %squeeze3A_668 : f32 to vector<16xf32>
          %pack3A_670 = tpu.pack_subelements %broadcast_in_dim3A_669, %broadcast_in_dim3A_669 {pack_format = #tpu.pack_format<interleaved>, positions = array<i32: 0, 1>} : vector<16xf32>, vector<16xf32> -> vector<32xbf16>
          %get3A_671 = arith.constant 2 : i32
          %get3A_672 = arith.index_cast %get3A_671 : i32 to index
          %get3A_673 = arith.index_cast %add3A_666 : i32 to index
          %get3A_674 = arith.constant 0 : index
          %get3A_675 = tpu.vector_load %arg13[%get3A_672, %get3A_673, %get3A_674] {strides = array<i32>} : memref<4x256x32xi32, #tpu.memory_space<vmem>>, vector<16xi32>,
          %bitcast3A_676 = vector.bitcast %get3A_675 : vector<16xi32> to vector<32xbf16>
          %mul3A_677 = arith.mulf %pack3A_670, %bitcast3A_676 : vector<32xbf16>
          %get3A_678 = arith.constant 2 : i32
          %get3A_679 = arith.index_cast %get3A_678 : i32 to index
          %get3A_680 = arith.index_cast %add3A_666 : i32 to index
          %get3A_681 = arith.constant 16 : index
          %get3A_682 = tpu.vector_load %arg13[%get3A_679, %get3A_680, %get3A_681] {strides = array<i32>} : memref<4x256x32xi32, #tpu.memory_space<vmem>>, vector<16xi32>,
          %bitcast3A_683 = vector.bitcast %get3A_682 : vector<16xi32> to vector<32xbf16>
          %mul3A_684 = arith.mulf %pack3A_670, %bitcast3A_683 : vector<32xbf16>
          %mul3A_685 = arith.constant 16 : i32
          %mul3A_686 = arith.muli %scan3A_345, %mul3A_685 : i32
          %add3A_687 = arith.constant 0 : i32
          %add3A_688 = arith.addi %add3A_687, %mul3A_686 : i32
          %add3A_689 = arith.constant 14 : i32
          %add3A_690 = arith.addi %add3A_688, %add3A_689 : i32
          %slice3A_691 = vector.extract_strided_slice %get3A_352 {offsets = [14], sizes = [1], strides = [1]} : vector<16xf32> to vector<1xf32>
          %squeeze3A_692 = vector.extract %slice3A_691[0] : f32 from vector<1xf32>
          %broadcast_in_dim3A_693 = vector.broadcast %squeeze3A_692 : f32 to vector<16xf32>
          %pack3A_694 = tpu.pack_subelements %broadcast_in_dim3A_693, %broadcast_in_dim3A_693 {pack_format = #tpu.pack_format<interleaved>, positions = array<i32: 0, 1>} : vector<16xf32>, vector<16xf32> -> vector<32xbf16>
          %get3A_695 = arith.constant 2 : i32
          %get3A_696 = arith.index_cast %get3A_695 : i32 to index
          %get3A_697 = arith.index_cast %add3A_690 : i32 to index
          %get3A_698 = arith.constant 0 : index
          %get3A_699 = tpu.vector_load %arg13[%get3A_696, %get3A_697, %get3A_698] {strides = array<i32>} : memref<4x256x32xi32, #tpu.memory_space<vmem>>, vector<16xi32>,
          %bitcast3A_700 = vector.bitcast %get3A_699 : vector<16xi32> to vector<32xbf16>
          %mul3A_701 = arith.mulf %pack3A_694, %bitcast3A_700 : vector<32xbf16>
          %get3A_702 = arith.constant 2 : i32
          %get3A_703 = arith.index_cast %get3A_702 : i32 to index
          %get3A_704 = arith.index_cast %add3A_690 : i32 to index
          %get3A_705 = arith.constant 16 : index
          %get3A_706 = tpu.vector_load %arg13[%get3A_703, %get3A_704, %get3A_705] {strides = array<i32>} : memref<4x256x32xi32, #tpu.memory_space<vmem>>, vector<16xi32>,
          %bitcast3A_707 = vector.bitcast %get3A_706 : vector<16xi32> to vector<32xbf16>
          %mul3A_708 = arith.mulf %pack3A_694, %bitcast3A_707 : vector<32xbf16>
          %mul3A_709 = arith.constant 16 : i32
          %mul3A_710 = arith.muli %scan3A_345, %mul3A_709 : i32
          %add3A_711 = arith.constant 0 : i32
          %add3A_712 = arith.addi %add3A_711, %mul3A_710 : i32
          %add3A_713 = arith.constant 15 : i32
          %add3A_714 = arith.addi %add3A_712, %add3A_713 : i32
          %slice3A_715 = vector.extract_strided_slice %get3A_352 {offsets = [15], sizes = [1], strides = [1]} : vector<16xf32> to vector<1xf32>
          %squeeze3A_716 = vector.extract %slice3A_715[0] : f32 from vector<1xf32>
          %broadcast_in_dim3A_717 = vector.broadcast %squeeze3A_716 : f32 to vector<16xf32>
          %pack3A_718 = tpu.pack_subelements %broadcast_in_dim3A_717, %broadcast_in_dim3A_717 {pack_format = #tpu.pack_format<interleaved>, positions = array<i32: 0, 1>} : vector<16xf32>, vector<16xf32> -> vector<32xbf16>
          %get3A_719 = arith.constant 2 : i32
          %get3A_720 = arith.index_cast %get3A_719 : i32 to index
          %get3A_721 = arith.index_cast %add3A_714 : i32 to index
          %get3A_722 = arith.constant 0 : index
          %get3A_723 = tpu.vector_load %arg13[%get3A_720, %get3A_721, %get3A_722] {strides = array<i32>} : memref<4x256x32xi32, #tpu.memory_space<vmem>>, vector<16xi32>,
          %bitcast3A_724 = vector.bitcast %get3A_723 : vector<16xi32> to vector<32xbf16>
          %mul3A_725 = arith.mulf %pack3A_718, %bitcast3A_724 : vector<32xbf16>
          %get3A_726 = arith.constant 2 : i32
          %get3A_727 = arith.index_cast %get3A_726 : i32 to index
          %get3A_728 = arith.index_cast %add3A_714 : i32 to index
          %get3A_729 = arith.constant 16 : index
          %get3A_730 = tpu.vector_load %arg13[%get3A_727, %get3A_728, %get3A_729] {strides = array<i32>} : memref<4x256x32xi32, #tpu.memory_space<vmem>>, vector<16xi32>,
          %bitcast3A_731 = vector.bitcast %get3A_730 : vector<16xi32> to vector<32xbf16>
          %mul3A_732 = arith.mulf %pack3A_718, %bitcast3A_731 : vector<32xbf16>
          %mul3A_733 = arith.constant 128 : i32
          %mul3A_734 = arith.muli %add3A_267, %mul3A_733 : i32
          %mul3A_735 = arith.constant 16 : i32
          %mul3A_736 = arith.muli %scan3A_345, %mul3A_735 : i32
          %add3A_737 = arith.addi %mul3A_734, %mul3A_736 : i32
          %get3A_738 = arith.index_cast %add3A_737 : i32 to index
          %get3A_739 = tpu.vector_load %arg11[%get3A_738] {strides = array<i32>} : memref<8192xf32, #tpu.memory_space<vmem>>, vector<16xf32>,
          %mul3A_740 = arith.constant 16 : i32
          %mul3A_741 = arith.muli %scan3A_345, %mul3A_740 : i32
          %add3A_742 = arith.constant 128 : i32
          %add3A_743 = arith.addi %add3A_742, %mul3A_741 : i32
          %add3A_744 = arith.constant 0 : i32
          %add3A_745 = arith.addi %add3A_743, %add3A_744 : i32
          %slice3A_746 = vector.extract_strided_slice %get3A_739 {offsets = [0], sizes = [1], strides = [1]} : vector<16xf32> to vector<1xf32>
          %squeeze3A_747 = vector.extract %slice3A_746[0] : f32 from vector<1xf32>
          %broadcast_in_dim3A_748 = vector.broadcast %squeeze3A_747 : f32 to vector<16xf32>
          %pack3A_749 = tpu.pack_subelements %broadcast_in_dim3A_748, %broadcast_in_dim3A_748 {pack_format = #tpu.pack_format<interleaved>, positions = array<i32: 0, 1>} : vector<16xf32>, vector<16xf32> -> vector<32xbf16>
          %get3A_750 = arith.constant 2 : i32
          %get3A_751 = arith.index_cast %get3A_750 : i32 to index
          %get3A_752 = arith.index_cast %add3A_745 : i32 to index
          %get3A_753 = arith.constant 0 : index
          %get3A_754 = tpu.vector_load %arg13[%get3A_751, %get3A_752, %get3A_753] {strides = array<i32>} : memref<4x256x32xi32, #tpu.memory_space<vmem>>, vector<16xi32>,
          %bitcast3A_755 = vector.bitcast %get3A_754 : vector<16xi32> to vector<32xbf16>
          %mul3A_756 = arith.mulf %pack3A_749, %bitcast3A_755 : vector<32xbf16>
          %get3A_757 = arith.constant 2 : i32
          %get3A_758 = arith.index_cast %get3A_757 : i32 to index
          %get3A_759 = arith.index_cast %add3A_745 : i32 to index
          %get3A_760 = arith.constant 16 : index
          %get3A_761 = tpu.vector_load %arg13[%get3A_758, %get3A_759, %get3A_760] {strides = array<i32>} : memref<4x256x32xi32, #tpu.memory_space<vmem>>, vector<16xi32>,
          %bitcast3A_762 = vector.bitcast %get3A_761 : vector<16xi32> to vector<32xbf16>
          %mul3A_763 = arith.mulf %pack3A_749, %bitcast3A_762 : vector<32xbf16>
          %mul3A_764 = arith.constant 16 : i32
          %mul3A_765 = arith.muli %scan3A_345, %mul3A_764 : i32
          %add3A_766 = arith.constant 128 : i32
          %add3A_767 = arith.addi %add3A_766, %mul3A_765 : i32
          %add3A_768 = arith.constant 1 : i32
          %add3A_769 = arith.addi %add3A_767, %add3A_768 : i32
          %slice3A_770 = vector.extract_strided_slice %get3A_739 {offsets = [1], sizes = [1], strides = [1]} : vector<16xf32> to vector<1xf32>
          %squeeze3A_771 = vector.extract %slice3A_770[0] : f32 from vector<1xf32>
          %broadcast_in_dim3A_772 = vector.broadcast %squeeze3A_771 : f32 to vector<16xf32>
          %pack3A_773 = tpu.pack_subelements %broadcast_in_dim3A_772, %broadcast_in_dim3A_772 {pack_format = #tpu.pack_format<interleaved>, positions = array<i32: 0, 1>} : vector<16xf32>, vector<16xf32> -> vector<32xbf16>
          %get3A_774 = arith.constant 2 : i32
          %get3A_775 = arith.index_cast %get3A_774 : i32 to index
          %get3A_776 = arith.index_cast %add3A_769 : i32 to index
          %get3A_777 = arith.constant 0 : index
          %get3A_778 = tpu.vector_load %arg13[%get3A_775, %get3A_776, %get3A_777] {strides = array<i32>} : memref<4x256x32xi32, #tpu.memory_space<vmem>>, vector<16xi32>,
          %bitcast3A_779 = vector.bitcast %get3A_778 : vector<16xi32> to vector<32xbf16>
          %mul3A_780 = arith.mulf %pack3A_773, %bitcast3A_779 : vector<32xbf16>
          %get3A_781 = arith.constant 2 : i32
          %get3A_782 = arith.index_cast %get3A_781 : i32 to index
          %get3A_783 = arith.index_cast %add3A_769 : i32 to index
          %get3A_784 = arith.constant 16 : index
          %get3A_785 = tpu.vector_load %arg13[%get3A_782, %get3A_783, %get3A_784] {strides = array<i32>} : memref<4x256x32xi32, #tpu.memory_space<vmem>>, vector<16xi32>,
          %bitcast3A_786 = vector.bitcast %get3A_785 : vector<16xi32> to vector<32xbf16>
          %mul3A_787 = arith.mulf %pack3A_773, %bitcast3A_786 : vector<32xbf16>
          %mul3A_788 = arith.constant 16 : i32
          %mul3A_789 = arith.muli %scan3A_345, %mul3A_788 : i32
          %add3A_790 = arith.constant 128 : i32
          %add3A_791 = arith.addi %add3A_790, %mul3A_789 : i32
          %add3A_792 = arith.constant 2 : i32
          %add3A_793 = arith.addi %add3A_791, %add3A_792 : i32
          %slice3A_794 = vector.extract_strided_slice %get3A_739 {offsets = [2], sizes = [1], strides = [1]} : vector<16xf32> to vector<1xf32>
          %squeeze3A_795 = vector.extract %slice3A_794[0] : f32 from vector<1xf32>
          %broadcast_in_dim3A_796 = vector.broadcast %squeeze3A_795 : f32 to vector<16xf32>
          %pack3A_797 = tpu.pack_subelements %broadcast_in_dim3A_796, %broadcast_in_dim3A_796 {pack_format = #tpu.pack_format<interleaved>, positions = array<i32: 0, 1>} : vector<16xf32>, vector<16xf32> -> vector<32xbf16>
          %get3A_798 = arith.constant 2 : i32
          %get3A_799 = arith.index_cast %get3A_798 : i32 to index
          %get3A_800 = arith.index_cast %add3A_793 : i32 to index
          %get3A_801 = arith.constant 0 : index
          %get3A_802 = tpu.vector_load %arg13[%get3A_799, %get3A_800, %get3A_801] {strides = array<i32>} : memref<4x256x32xi32, #tpu.memory_space<vmem>>, vector<16xi32>,
          %bitcast3A_803 = vector.bitcast %get3A_802 : vector<16xi32> to vector<32xbf16>
          %mul3A_804 = arith.mulf %pack3A_797, %bitcast3A_803 : vector<32xbf16>
          %get3A_805 = arith.constant 2 : i32
          %get3A_806 = arith.index_cast %get3A_805 : i32 to index
          %get3A_807 = arith.index_cast %add3A_793 : i32 to index
          %get3A_808 = arith.constant 16 : index
          %get3A_809 = tpu.vector_load %arg13[%get3A_806, %get3A_807, %get3A_808] {strides = array<i32>} : memref<4x256x32xi32, #tpu.memory_space<vmem>>, vector<16xi32>,
          %bitcast3A_810 = vector.bitcast %get3A_809 : vector<16xi32> to vector<32xbf16>
          %mul3A_811 = arith.mulf %pack3A_797, %bitcast3A_810 : vector<32xbf16>
          %mul3A_812 = arith.constant 16 : i32
          %mul3A_813 = arith.muli %scan3A_345, %mul3A_812 : i32
          %add3A_814 = arith.constant 128 : i32
          %add3A_815 = arith.addi %add3A_814, %mul3A_813 : i32
          %add3A_816 = arith.constant 3 : i32
          %add3A_817 = arith.addi %add3A_815, %add3A_816 : i32
          %slice3A_818 = vector.extract_strided_slice %get3A_739 {offsets = [3], sizes = [1], strides = [1]} : vector<16xf32> to vector<1xf32>
          %squeeze3A_819 = vector.extract %slice3A_818[0] : f32 from vector<1xf32>
          %broadcast_in_dim3A_820 = vector.broadcast %squeeze3A_819 : f32 to vector<16xf32>
          %pack3A_821 = tpu.pack_subelements %broadcast_in_dim3A_820, %broadcast_in_dim3A_820 {pack_format = #tpu.pack_format<interleaved>, positions = array<i32: 0, 1>} : vector<16xf32>, vector<16xf32> -> vector<32xbf16>
          %get3A_822 = arith.constant 2 : i32
          %get3A_823 = arith.index_cast %get3A_822 : i32 to index
          %get3A_824 = arith.index_cast %add3A_817 : i32 to index
          %get3A_825 = arith.constant 0 : index
          %get3A_826 = tpu.vector_load %arg13[%get3A_823, %get3A_824, %get3A_825] {strides = array<i32>} : memref<4x256x32xi32, #tpu.memory_space<vmem>>, vector<16xi32>,
          %bitcast3A_827 = vector.bitcast %get3A_826 : vector<16xi32> to vector<32xbf16>
          %mul3A_828 = arith.mulf %pack3A_821, %bitcast3A_827 : vector<32xbf16>
          %get3A_829 = arith.constant 2 : i32
          %get3A_830 = arith.index_cast %get3A_829 : i32 to index
          %get3A_831 = arith.index_cast %add3A_817 : i32 to index
          %get3A_832 = arith.constant 16 : index
          %get3A_833 = tpu.vector_load %arg13[%get3A_830, %get3A_831, %get3A_832] {strides = array<i32>} : memref<4x256x32xi32, #tpu.memory_space<vmem>>, vector<16xi32>,
          %bitcast3A_834 = vector.bitcast %get3A_833 : vector<16xi32> to vector<32xbf16>
          %mul3A_835 = arith.mulf %pack3A_821, %bitcast3A_834 : vector<32xbf16>
          %mul3A_836 = arith.constant 16 : i32
          %mul3A_837 = arith.muli %scan3A_345, %mul3A_836 : i32
          %add3A_838 = arith.constant 128 : i32
          %add3A_839 = arith.addi %add3A_838, %mul3A_837 : i32
          %add3A_840 = arith.constant 4 : i32
          %add3A_841 = arith.addi %add3A_839, %add3A_840 : i32
          %slice3A_842 = vector.extract_strided_slice %get3A_739 {offsets = [4], sizes = [1], strides = [1]} : vector<16xf32> to vector<1xf32>
          %squeeze3A_843 = vector.extract %slice3A_842[0] : f32 from vector<1xf32>
          %broadcast_in_dim3A_844 = vector.broadcast %squeeze3A_843 : f32 to vector<16xf32>
          %pack3A_845 = tpu.pack_subelements %broadcast_in_dim3A_844, %broadcast_in_dim3A_844 {pack_format = #tpu.pack_format<interleaved>, positions = array<i32: 0, 1>} : vector<16xf32>, vector<16xf32> -> vector<32xbf16>
          %get3A_846 = arith.constant 2 : i32
          %get3A_847 = arith.index_cast %get3A_846 : i32 to index
          %get3A_848 = arith.index_cast %add3A_841 : i32 to index
          %get3A_849 = arith.constant 0 : index
          %get3A_850 = tpu.vector_load %arg13[%get3A_847, %get3A_848, %get3A_849] {strides = array<i32>} : memref<4x256x32xi32, #tpu.memory_space<vmem>>, vector<16xi32>,
          %bitcast3A_851 = vector.bitcast %get3A_850 : vector<16xi32> to vector<32xbf16>
          %mul3A_852 = arith.mulf %pack3A_845, %bitcast3A_851 : vector<32xbf16>
          %get3A_853 = arith.constant 2 : i32
          %get3A_854 = arith.index_cast %get3A_853 : i32 to index
          %get3A_855 = arith.index_cast %add3A_841 : i32 to index
          %get3A_856 = arith.constant 16 : index
          %get3A_857 = tpu.vector_load %arg13[%get3A_854, %get3A_855, %get3A_856] {strides = array<i32>} : memref<4x256x32xi32, #tpu.memory_space<vmem>>, vector<16xi32>,
          %bitcast3A_858 = vector.bitcast %get3A_857 : vector<16xi32> to vector<32xbf16>
          %mul3A_859 = arith.mulf %pack3A_845, %bitcast3A_858 : vector<32xbf16>
          %mul3A_860 = arith.constant 16 : i32
          %mul3A_861 = arith.muli %scan3A_345, %mul3A_860 : i32
          %add3A_862 = arith.constant 128 : i32
          %add3A_863 = arith.addi %add3A_862, %mul3A_861 : i32
          %add3A_864 = arith.constant 5 : i32
          %add3A_865 = arith.addi %add3A_863, %add3A_864 : i32
          %slice3A_866 = vector.extract_strided_slice %get3A_739 {offsets = [5], sizes = [1], strides = [1]} : vector<16xf32> to vector<1xf32>
          %squeeze3A_867 = vector.extract %slice3A_866[0] : f32 from vector<1xf32>
          %broadcast_in_dim3A_868 = vector.broadcast %squeeze3A_867 : f32 to vector<16xf32>
          %pack3A_869 = tpu.pack_subelements %broadcast_in_dim3A_868, %broadcast_in_dim3A_868 {pack_format = #tpu.pack_format<interleaved>, positions = array<i32: 0, 1>} : vector<16xf32>, vector<16xf32> -> vector<32xbf16>
          %get3A_870 = arith.constant 2 : i32
          %get3A_871 = arith.index_cast %get3A_870 : i32 to index
          %get3A_872 = arith.index_cast %add3A_865 : i32 to index
          %get3A_873 = arith.constant 0 : index
          %get3A_874 = tpu.vector_load %arg13[%get3A_871, %get3A_872, %get3A_873] {strides = array<i32>} : memref<4x256x32xi32, #tpu.memory_space<vmem>>, vector<16xi32>,
          %bitcast3A_875 = vector.bitcast %get3A_874 : vector<16xi32> to vector<32xbf16>
          %mul3A_876 = arith.mulf %pack3A_869, %bitcast3A_875 : vector<32xbf16>
          %get3A_877 = arith.constant 2 : i32
          %get3A_878 = arith.index_cast %get3A_877 : i32 to index
          %get3A_879 = arith.index_cast %add3A_865 : i32 to index
          %get3A_880 = arith.constant 16 : index
          %get3A_881 = tpu.vector_load %arg13[%get3A_878, %get3A_879, %get3A_880] {strides = array<i32>} : memref<4x256x32xi32, #tpu.memory_space<vmem>>, vector<16xi32>,
          %bitcast3A_882 = vector.bitcast %get3A_881 : vector<16xi32> to vector<32xbf16>
          %mul3A_883 = arith.mulf %pack3A_869, %bitcast3A_882 : vector<32xbf16>
          %mul3A_884 = arith.constant 16 : i32
          %mul3A_885 = arith.muli %scan3A_345, %mul3A_884 : i32
          %add3A_886 = arith.constant 128 : i32
          %add3A_887 = arith.addi %add3A_886, %mul3A_885 : i32
          %add3A_888 = arith.constant 6 : i32
          %add3A_889 = arith.addi %add3A_887, %add3A_888 : i32
          %slice3A_890 = vector.extract_strided_slice %get3A_739 {offsets = [6], sizes = [1], strides = [1]} : vector<16xf32> to vector<1xf32>
          %squeeze3A_891 = vector.extract %slice3A_890[0] : f32 from vector<1xf32>
          %broadcast_in_dim3A_892 = vector.broadcast %squeeze3A_891 : f32 to vector<16xf32>
          %pack3A_893 = tpu.pack_subelements %broadcast_in_dim3A_892, %broadcast_in_dim3A_892 {pack_format = #tpu.pack_format<interleaved>, positions = array<i32: 0, 1>} : vector<16xf32>, vector<16xf32> -> vector<32xbf16>
          %get3A_894 = arith.constant 2 : i32
          %get3A_895 = arith.index_cast %get3A_894 : i32 to index
          %get3A_896 = arith.index_cast %add3A_889 : i32 to index
          %get3A_897 = arith.constant 0 : index
          %get3A_898 = tpu.vector_load %arg13[%get3A_895, %get3A_896, %get3A_897] {strides = array<i32>} : memref<4x256x32xi32, #tpu.memory_space<vmem>>, vector<16xi32>,
          %bitcast3A_899 = vector.bitcast %get3A_898 : vector<16xi32> to vector<32xbf16>
          %mul3A_900 = arith.mulf %pack3A_893, %bitcast3A_899 : vector<32xbf16>
          %get3A_901 = arith.constant 2 : i32
          %get3A_902 = arith.index_cast %get3A_901 : i32 to index
          %get3A_903 = arith.index_cast %add3A_889 : i32 to index
          %get3A_904 = arith.constant 16 : index
          %get3A_905 = tpu.vector_load %arg13[%get3A_902, %get3A_903, %get3A_904] {strides = array<i32>} : memref<4x256x32xi32, #tpu.memory_space<vmem>>, vector<16xi32>,
          %bitcast3A_906 = vector.bitcast %get3A_905 : vector<16xi32> to vector<32xbf16>
          %mul3A_907 = arith.mulf %pack3A_893, %bitcast3A_906 : vector<32xbf16>
          %mul3A_908 = arith.constant 16 : i32
          %mul3A_909 = arith.muli %scan3A_345, %mul3A_908 : i32
          %add3A_910 = arith.constant 128 : i32
          %add3A_911 = arith.addi %add3A_910, %mul3A_909 : i32
          %add3A_912 = arith.constant 7 : i32
          %add3A_913 = arith.addi %add3A_911, %add3A_912 : i32
          %slice3A_914 = vector.extract_strided_slice %get3A_739 {offsets = [7], sizes = [1], strides = [1]} : vector<16xf32> to vector<1xf32>
          %squeeze3A_915 = vector.extract %slice3A_914[0] : f32 from vector<1xf32>
          %broadcast_in_dim3A_916 = vector.broadcast %squeeze3A_915 : f32 to vector<16xf32>
          %pack3A_917 = tpu.pack_subelements %broadcast_in_dim3A_916, %broadcast_in_dim3A_916 {pack_format = #tpu.pack_format<interleaved>, positions = array<i32: 0, 1>} : vector<16xf32>, vector<16xf32> -> vector<32xbf16>
          %get3A_918 = arith.constant 2 : i32
          %get3A_919 = arith.index_cast %get3A_918 : i32 to index
          %get3A_920 = arith.index_cast %add3A_913 : i32 to index
          %get3A_921 = arith.constant 0 : index
          %get3A_922 = tpu.vector_load %arg13[%get3A_919, %get3A_920, %get3A_921] {strides = array<i32>} : memref<4x256x32xi32, #tpu.memory_space<vmem>>, vector<16xi32>,
          %bitcast3A_923 = vector.bitcast %get3A_922 : vector<16xi32> to vector<32xbf16>
          %mul3A_924 = arith.mulf %pack3A_917, %bitcast3A_923 : vector<32xbf16>
          %get3A_925 = arith.constant 2 : i32
          %get3A_926 = arith.index_cast %get3A_925 : i32 to index
          %get3A_927 = arith.index_cast %add3A_913 : i32 to index
          %get3A_928 = arith.constant 16 : index
          %get3A_929 = tpu.vector_load %arg13[%get3A_926, %get3A_927, %get3A_928] {strides = array<i32>} : memref<4x256x32xi32, #tpu.memory_space<vmem>>, vector<16xi32>,
          %bitcast3A_930 = vector.bitcast %get3A_929 : vector<16xi32> to vector<32xbf16>
          %mul3A_931 = arith.mulf %pack3A_917, %bitcast3A_930 : vector<32xbf16>
          %mul3A_932 = arith.constant 16 : i32
          %mul3A_933 = arith.muli %scan3A_345, %mul3A_932 : i32
          %add3A_934 = arith.constant 128 : i32
          %add3A_935 = arith.addi %add3A_934, %mul3A_933 : i32
          %add3A_936 = arith.constant 8 : i32
          %add3A_937 = arith.addi %add3A_935, %add3A_936 : i32
          %slice3A_938 = vector.extract_strided_slice %get3A_739 {offsets = [8], sizes = [1], strides = [1]} : vector<16xf32> to vector<1xf32>
          %squeeze3A_939 = vector.extract %slice3A_938[0] : f32 from vector<1xf32>
          %broadcast_in_dim3A_940 = vector.broadcast %squeeze3A_939 : f32 to vector<16xf32>
          %pack3A_941 = tpu.pack_subelements %broadcast_in_dim3A_940, %broadcast_in_dim3A_940 {pack_format = #tpu.pack_format<interleaved>, positions = array<i32: 0, 1>} : vector<16xf32>, vector<16xf32> -> vector<32xbf16>
          %get3A_942 = arith.constant 2 : i32
          %get3A_943 = arith.index_cast %get3A_942 : i32 to index
          %get3A_944 = arith.index_cast %add3A_937 : i32 to index
          %get3A_945 = arith.constant 0 : index
          %get3A_946 = tpu.vector_load %arg13[%get3A_943, %get3A_944, %get3A_945] {strides = array<i32>} : memref<4x256x32xi32, #tpu.memory_space<vmem>>, vector<16xi32>,
          %bitcast3A_947 = vector.bitcast %get3A_946 : vector<16xi32> to vector<32xbf16>
          %mul3A_948 = arith.mulf %pack3A_941, %bitcast3A_947 : vector<32xbf16>
          %get3A_949 = arith.constant 2 : i32
          %get3A_950 = arith.index_cast %get3A_949 : i32 to index
          %get3A_951 = arith.index_cast %add3A_937 : i32 to index
          %get3A_952 = arith.constant 16 : index
          %get3A_953 = tpu.vector_load %arg13[%get3A_950, %get3A_951, %get3A_952] {strides = array<i32>} : memref<4x256x32xi32, #tpu.memory_space<vmem>>, vector<16xi32>,
          %bitcast3A_954 = vector.bitcast %get3A_953 : vector<16xi32> to vector<32xbf16>
          %mul3A_955 = arith.mulf %pack3A_941, %bitcast3A_954 : vector<32xbf16>
          %mul3A_956 = arith.constant 16 : i32
          %mul3A_957 = arith.muli %scan3A_345, %mul3A_956 : i32
          %add3A_958 = arith.constant 128 : i32
          %add3A_959 = arith.addi %add3A_958, %mul3A_957 : i32
          %add3A_960 = arith.constant 9 : i32
          %add3A_961 = arith.addi %add3A_959, %add3A_960 : i32
          %slice3A_962 = vector.extract_strided_slice %get3A_739 {offsets = [9], sizes = [1], strides = [1]} : vector<16xf32> to vector<1xf32>
          %squeeze3A_963 = vector.extract %slice3A_962[0] : f32 from vector<1xf32>
          %broadcast_in_dim3A_964 = vector.broadcast %squeeze3A_963 : f32 to vector<16xf32>
          %pack3A_965 = tpu.pack_subelements %broadcast_in_dim3A_964, %broadcast_in_dim3A_964 {pack_format = #tpu.pack_format<interleaved>, positions = array<i32: 0, 1>} : vector<16xf32>, vector<16xf32> -> vector<32xbf16>
          %get3A_966 = arith.constant 2 : i32
          %get3A_967 = arith.index_cast %get3A_966 : i32 to index
          %get3A_968 = arith.index_cast %add3A_961 : i32 to index
          %get3A_969 = arith.constant 0 : index
          %get3A_970 = tpu.vector_load %arg13[%get3A_967, %get3A_968, %get3A_969] {strides = array<i32>} : memref<4x256x32xi32, #tpu.memory_space<vmem>>, vector<16xi32>,
          %bitcast3A_971 = vector.bitcast %get3A_970 : vector<16xi32> to vector<32xbf16>
          %mul3A_972 = arith.mulf %pack3A_965, %bitcast3A_971 : vector<32xbf16>
          %get3A_973 = arith.constant 2 : i32
          %get3A_974 = arith.index_cast %get3A_973 : i32 to index
          %get3A_975 = arith.index_cast %add3A_961 : i32 to index
          %get3A_976 = arith.constant 16 : index
          %get3A_977 = tpu.vector_load %arg13[%get3A_974, %get3A_975, %get3A_976] {strides = array<i32>} : memref<4x256x32xi32, #tpu.memory_space<vmem>>, vector<16xi32>,
          %bitcast3A_978 = vector.bitcast %get3A_977 : vector<16xi32> to vector<32xbf16>
          %mul3A_979 = arith.mulf %pack3A_965, %bitcast3A_978 : vector<32xbf16>
          %mul3A_980 = arith.constant 16 : i32
          %mul3A_981 = arith.muli %scan3A_345, %mul3A_980 : i32
          %add3A_982 = arith.constant 128 : i32
          %add3A_983 = arith.addi %add3A_982, %mul3A_981 : i32
          %add3A_984 = arith.constant 10 : i32
          %add3A_985 = arith.addi %add3A_983, %add3A_984 : i32
          %slice3A_986 = vector.extract_strided_slice %get3A_739 {offsets = [10], sizes = [1], strides = [1]} : vector<16xf32> to vector<1xf32>
          %squeeze3A_987 = vector.extract %slice3A_986[0] : f32 from vector<1xf32>
          %broadcast_in_dim3A_988 = vector.broadcast %squeeze3A_987 : f32 to vector<16xf32>
          %pack3A_989 = tpu.pack_subelements %broadcast_in_dim3A_988, %broadcast_in_dim3A_988 {pack_format = #tpu.pack_format<interleaved>, positions = array<i32: 0, 1>} : vector<16xf32>, vector<16xf32> -> vector<32xbf16>
          %get3A_990 = arith.constant 2 : i32
          %get3A_991 = arith.index_cast %get3A_990 : i32 to index
          %get3A_992 = arith.index_cast %add3A_985 : i32 to index
          %get3A_993 = arith.constant 0 : index
          %get3A_994 = tpu.vector_load %arg13[%get3A_991, %get3A_992, %get3A_993] {strides = array<i32>} : memref<4x256x32xi32, #tpu.memory_space<vmem>>, vector<16xi32>,
          %bitcast3A_995 = vector.bitcast %get3A_994 : vector<16xi32> to vector<32xbf16>
          %mul3A_996 = arith.mulf %pack3A_989, %bitcast3A_995 : vector<32xbf16>
          %get3A_997 = arith.constant 2 : i32
          %get3A_998 = arith.index_cast %get3A_997 : i32 to index
          %get3A_999 = arith.index_cast %add3A_985 : i32 to index
          %get3A_1000 = arith.constant 16 : index
          %get3A_1001 = tpu.vector_load %arg13[%get3A_998, %get3A_999, %get3A_1000] {strides = array<i32>} : memref<4x256x32xi32, #tpu.memory_space<vmem>>, vector<16xi32>,
          %bitcast3A_1002 = vector.bitcast %get3A_1001 : vector<16xi32> to vector<32xbf16>
          %mul3A_1003 = arith.mulf %pack3A_989, %bitcast3A_1002 : vector<32xbf16>
          %mul3A_1004 = arith.constant 16 : i32
          %mul3A_1005 = arith.muli %scan3A_345, %mul3A_1004 : i32
          %add3A_1006 = arith.constant 128 : i32
          %add3A_1007 = arith.addi %add3A_1006, %mul3A_1005 : i32
          %add3A_1008 = arith.constant 11 : i32
          %add3A_1009 = arith.addi %add3A_1007, %add3A_1008 : i32
          %slice3A_1010 = vector.extract_strided_slice %get3A_739 {offsets = [11], sizes = [1], strides = [1]} : vector<16xf32> to vector<1xf32>
          %squeeze3A_1011 = vector.extract %slice3A_1010[0] : f32 from vector<1xf32>
          %broadcast_in_dim3A_1012 = vector.broadcast %squeeze3A_1011 : f32 to vector<16xf32>
          %pack3A_1013 = tpu.pack_subelements %broadcast_in_dim3A_1012, %broadcast_in_dim3A_1012 {pack_format = #tpu.pack_format<interleaved>, positions = array<i32: 0, 1>} : vector<16xf32>, vector<16xf32> -> vector<32xbf16>
          %get3A_1014 = arith.constant 2 : i32
          %get3A_1015 = arith.index_cast %get3A_1014 : i32 to index
          %get3A_1016 = arith.index_cast %add3A_1009 : i32 to index
          %get3A_1017 = arith.constant 0 : index
          %get3A_1018 = tpu.vector_load %arg13[%get3A_1015, %get3A_1016, %get3A_1017] {strides = array<i32>} : memref<4x256x32xi32, #tpu.memory_space<vmem>>, vector<16xi32>,
          %bitcast3A_1019 = vector.bitcast %get3A_1018 : vector<16xi32> to vector<32xbf16>
          %mul3A_1020 = arith.mulf %pack3A_1013, %bitcast3A_1019 : vector<32xbf16>
          %get3A_1021 = arith.constant 2 : i32
          %get3A_1022 = arith.index_cast %get3A_1021 : i32 to index
          %get3A_1023 = arith.index_cast %add3A_1009 : i32 to index
          %get3A_1024 = arith.constant 16 : index
          %get3A_1025 = tpu.vector_load %arg13[%get3A_1022, %get3A_1023, %get3A_1024] {strides = array<i32>} : memref<4x256x32xi32, #tpu.memory_space<vmem>>, vector<16xi32>,
          %bitcast3A_1026 = vector.bitcast %get3A_1025 : vector<16xi32> to vector<32xbf16>
          %mul3A_1027 = arith.mulf %pack3A_1013, %bitcast3A_1026 : vector<32xbf16>
          %mul3A_1028 = arith.constant 16 : i32
          %mul3A_1029 = arith.muli %scan3A_345, %mul3A_1028 : i32
          %add3A_1030 = arith.constant 128 : i32
          %add3A_1031 = arith.addi %add3A_1030, %mul3A_1029 : i32
          %add3A_1032 = arith.constant 12 : i32
          %add3A_1033 = arith.addi %add3A_1031, %add3A_1032 : i32
          %slice3A_1034 = vector.extract_strided_slice %get3A_739 {offsets = [12], sizes = [1], strides = [1]} : vector<16xf32> to vector<1xf32>
          %squeeze3A_1035 = vector.extract %slice3A_1034[0] : f32 from vector<1xf32>
          %broadcast_in_dim3A_1036 = vector.broadcast %squeeze3A_1035 : f32 to vector<16xf32>
          %pack3A_1037 = tpu.pack_subelements %broadcast_in_dim3A_1036, %broadcast_in_dim3A_1036 {pack_format = #tpu.pack_format<interleaved>, positions = array<i32: 0, 1>} : vector<16xf32>, vector<16xf32> -> vector<32xbf16>
          %get3A_1038 = arith.constant 2 : i32
          %get3A_1039 = arith.index_cast %get3A_1038 : i32 to index
          %get3A_1040 = arith.index_cast %add3A_1033 : i32 to index
          %get3A_1041 = arith.constant 0 : index
          %get3A_1042 = tpu.vector_load %arg13[%get3A_1039, %get3A_1040, %get3A_1041] {strides = array<i32>} : memref<4x256x32xi32, #tpu.memory_space<vmem>>, vector<16xi32>,
          %bitcast3A_1043 = vector.bitcast %get3A_1042 : vector<16xi32> to vector<32xbf16>
          %mul3A_1044 = arith.mulf %pack3A_1037, %bitcast3A_1043 : vector<32xbf16>
          %get3A_1045 = arith.constant 2 : i32
          %get3A_1046 = arith.index_cast %get3A_1045 : i32 to index
          %get3A_1047 = arith.index_cast %add3A_1033 : i32 to index
          %get3A_1048 = arith.constant 16 : index
          %get3A_1049 = tpu.vector_load %arg13[%get3A_1046, %get3A_1047, %get3A_1048] {strides = array<i32>} : memref<4x256x32xi32, #tpu.memory_space<vmem>>, vector<16xi32>,
          %bitcast3A_1050 = vector.bitcast %get3A_1049 : vector<16xi32> to vector<32xbf16>
          %mul3A_1051 = arith.mulf %pack3A_1037, %bitcast3A_1050 : vector<32xbf16>
          %mul3A_1052 = arith.constant 16 : i32
          %mul3A_1053 = arith.muli %scan3A_345, %mul3A_1052 : i32
          %add3A_1054 = arith.constant 128 : i32
          %add3A_1055 = arith.addi %add3A_1054, %mul3A_1053 : i32
          %add3A_1056 = arith.constant 13 : i32
          %add3A_1057 = arith.addi %add3A_1055, %add3A_1056 : i32
          %slice3A_1058 = vector.extract_strided_slice %get3A_739 {offsets = [13], sizes = [1], strides = [1]} : vector<16xf32> to vector<1xf32>
          %squeeze3A_1059 = vector.extract %slice3A_1058[0] : f32 from vector<1xf32>
          %broadcast_in_dim3A_1060 = vector.broadcast %squeeze3A_1059 : f32 to vector<16xf32>
          %pack3A_1061 = tpu.pack_subelements %broadcast_in_dim3A_1060, %broadcast_in_dim3A_1060 {pack_format = #tpu.pack_format<interleaved>, positions = array<i32: 0, 1>} : vector<16xf32>, vector<16xf32> -> vector<32xbf16>
          %get3A_1062 = arith.constant 2 : i32
          %get3A_1063 = arith.index_cast %get3A_1062 : i32 to index
          %get3A_1064 = arith.index_cast %add3A_1057 : i32 to index
          %get3A_1065 = arith.constant 0 : index
          %get3A_1066 = tpu.vector_load %arg13[%get3A_1063, %get3A_1064, %get3A_1065] {strides = array<i32>} : memref<4x256x32xi32, #tpu.memory_space<vmem>>, vector<16xi32>,
          %bitcast3A_1067 = vector.bitcast %get3A_1066 : vector<16xi32> to vector<32xbf16>
          %mul3A_1068 = arith.mulf %pack3A_1061, %bitcast3A_1067 : vector<32xbf16>
          %get3A_1069 = arith.constant 2 : i32
          %get3A_1070 = arith.index_cast %get3A_1069 : i32 to index
          %get3A_1071 = arith.index_cast %add3A_1057 : i32 to index
          %get3A_1072 = arith.constant 16 : index
          %get3A_1073 = tpu.vector_load %arg13[%get3A_1070, %get3A_1071, %get3A_1072] {strides = array<i32>} : memref<4x256x32xi32, #tpu.memory_space<vmem>>, vector<16xi32>,
          %bitcast3A_1074 = vector.bitcast %get3A_1073 : vector<16xi32> to vector<32xbf16>
          %mul3A_1075 = arith.mulf %pack3A_1061, %bitcast3A_1074 : vector<32xbf16>
          %mul3A_1076 = arith.constant 16 : i32
          %mul3A_1077 = arith.muli %scan3A_345, %mul3A_1076 : i32
          %add3A_1078 = arith.constant 128 : i32
          %add3A_1079 = arith.addi %add3A_1078, %mul3A_1077 : i32
          %add3A_1080 = arith.constant 14 : i32
          %add3A_1081 = arith.addi %add3A_1079, %add3A_1080 : i32
          %slice3A_1082 = vector.extract_strided_slice %get3A_739 {offsets = [14], sizes = [1], strides = [1]} : vector<16xf32> to vector<1xf32>
          %squeeze3A_1083 = vector.extract %slice3A_1082[0] : f32 from vector<1xf32>
          %broadcast_in_dim3A_1084 = vector.broadcast %squeeze3A_1083 : f32 to vector<16xf32>
          %pack3A_1085 = tpu.pack_subelements %broadcast_in_dim3A_1084, %broadcast_in_dim3A_1084 {pack_format = #tpu.pack_format<interleaved>, positions = array<i32: 0, 1>} : vector<16xf32>, vector<16xf32> -> vector<32xbf16>
          %get3A_1086 = arith.constant 2 : i32
          %get3A_1087 = arith.index_cast %get3A_1086 : i32 to index
          %get3A_1088 = arith.index_cast %add3A_1081 : i32 to index
          %get3A_1089 = arith.constant 0 : index
          %get3A_1090 = tpu.vector_load %arg13[%get3A_1087, %get3A_1088, %get3A_1089] {strides = array<i32>} : memref<4x256x32xi32, #tpu.memory_space<vmem>>, vector<16xi32>,
          %bitcast3A_1091 = vector.bitcast %get3A_1090 : vector<16xi32> to vector<32xbf16>
          %mul3A_1092 = arith.mulf %pack3A_1085, %bitcast3A_1091 : vector<32xbf16>
          %get3A_1093 = arith.constant 2 : i32
          %get3A_1094 = arith.index_cast %get3A_1093 : i32 to index
          %get3A_1095 = arith.index_cast %add3A_1081 : i32 to index
          %get3A_1096 = arith.constant 16 : index
          %get3A_1097 = tpu.vector_load %arg13[%get3A_1094, %get3A_1095, %get3A_1096] {strides = array<i32>} : memref<4x256x32xi32, #tpu.memory_space<vmem>>, vector<16xi32>,
          %bitcast3A_1098 = vector.bitcast %get3A_1097 : vector<16xi32> to vector<32xbf16>
          %mul3A_1099 = arith.mulf %pack3A_1085, %bitcast3A_1098 : vector<32xbf16>
          %mul3A_1100 = arith.constant 16 : i32
          %mul3A_1101 = arith.muli %scan3A_345, %mul3A_1100 : i32
          %add3A_1102 = arith.constant 128 : i32
          %add3A_1103 = arith.addi %add3A_1102, %mul3A_1101 : i32
          %add3A_1104 = arith.constant 15 : i32
          %add3A_1105 = arith.addi %add3A_1103, %add3A_1104 : i32
          %slice3A_1106 = vector.extract_strided_slice %get3A_739 {offsets = [15], sizes = [1], strides = [1]} : vector<16xf32> to vector<1xf32>
          %squeeze3A_1107 = vector.extract %slice3A_1106[0] : f32 from vector<1xf32>
          %broadcast_in_dim3A_1108 = vector.broadcast %squeeze3A_1107 : f32 to vector<16xf32>
          %pack3A_1109 = tpu.pack_subelements %broadcast_in_dim3A_1108, %broadcast_in_dim3A_1108 {pack_format = #tpu.pack_format<interleaved>, positions = array<i32: 0, 1>} : vector<16xf32>, vector<16xf32> -> vector<32xbf16>
          %get3A_1110 = arith.constant 2 : i32
          %get3A_1111 = arith.index_cast %get3A_1110 : i32 to index
          %get3A_1112 = arith.index_cast %add3A_1105 : i32 to index
          %get3A_1113 = arith.constant 0 : index
          %get3A_1114 = tpu.vector_load %arg13[%get3A_1111, %get3A_1112, %get3A_1113] {strides = array<i32>} : memref<4x256x32xi32, #tpu.memory_space<vmem>>, vector<16xi32>,
          %bitcast3A_1115 = vector.bitcast %get3A_1114 : vector<16xi32> to vector<32xbf16>
          %mul3A_1116 = arith.mulf %pack3A_1109, %bitcast3A_1115 : vector<32xbf16>
          %get3A_1117 = arith.constant 2 : i32
          %get3A_1118 = arith.index_cast %get3A_1117 : i32 to index
          %get3A_1119 = arith.index_cast %add3A_1105 : i32 to index
          %get3A_1120 = arith.constant 16 : index
          %get3A_1121 = tpu.vector_load %arg13[%get3A_1118, %get3A_1119, %get3A_1120] {strides = array<i32>} : memref<4x256x32xi32, #tpu.memory_space<vmem>>, vector<16xi32>,
          %bitcast3A_1122 = vector.bitcast %get3A_1121 : vector<16xi32> to vector<32xbf16>
          %mul3A_1123 = arith.mulf %pack3A_1109, %bitcast3A_1122 : vector<32xbf16>
          %add3A_1124 = arith.addf %mul3A_365, %mul3A_389 : vector<32xbf16>
          %add3A_1125 = arith.addf %mul3A_413, %mul3A_437 : vector<32xbf16>
          %add3A_1126 = arith.addf %mul3A_461, %mul3A_485 : vector<32xbf16>
          %add3A_1127 = arith.addf %mul3A_509, %mul3A_533 : vector<32xbf16>
          %add3A_1128 = arith.addf %mul3A_557, %mul3A_581 : vector<32xbf16>
          %add3A_1129 = arith.addf %mul3A_605, %mul3A_629 : vector<32xbf16>
          %add3A_1130 = arith.addf %mul3A_653, %mul3A_677 : vector<32xbf16>
          %add3A_1131 = arith.addf %mul3A_701, %mul3A_725 : vector<32xbf16>
          %add3A_1132 = arith.addf %mul3A_756, %mul3A_780 : vector<32xbf16>
          %add3A_1133 = arith.addf %mul3A_804, %mul3A_828 : vector<32xbf16>
          %add3A_1134 = arith.addf %mul3A_852, %mul3A_876 : vector<32xbf16>
          %add3A_1135 = arith.addf %mul3A_900, %mul3A_924 : vector<32xbf16>
          %add3A_1136 = arith.addf %mul3A_948, %mul3A_972 : vector<32xbf16>
          %add3A_1137 = arith.addf %mul3A_996, %mul3A_1020 : vector<32xbf16>
          %add3A_1138 = arith.addf %mul3A_1044, %mul3A_1068 : vector<32xbf16>
          %add3A_1139 = arith.addf %mul3A_1092, %mul3A_1116 : vector<32xbf16>
          %add3A_1140 = arith.addf %add3A_1124, %add3A_1125 : vector<32xbf16>
          %add3A_1141 = arith.addf %add3A_1126, %add3A_1127 : vector<32xbf16>
          %add3A_1142 = arith.addf %add3A_1128, %add3A_1129 : vector<32xbf16>
          %add3A_1143 = arith.addf %add3A_1130, %add3A_1131 : vector<32xbf16>
          %add3A_1144 = arith.addf %add3A_1132, %add3A_1133 : vector<32xbf16>
          %add3A_1145 = arith.addf %add3A_1134, %add3A_1135 : vector<32xbf16>
          %add3A_1146 = arith.addf %add3A_1136, %add3A_1137 : vector<32xbf16>
          %add3A_1147 = arith.addf %add3A_1138, %add3A_1139 : vector<32xbf16>
          %add3A_1148 = arith.addf %add3A_1140, %add3A_1141 : vector<32xbf16>
          %add3A_1149 = arith.addf %add3A_1142, %add3A_1143 : vector<32xbf16>
          %add3A_1150 = arith.addf %add3A_1144, %add3A_1145 : vector<32xbf16>
          %add3A_1151 = arith.addf %add3A_1146, %add3A_1147 : vector<32xbf16>
          %add3A_1152 = arith.addf %add3A_1148, %add3A_1149 : vector<32xbf16>
          %add3A_1153 = arith.addf %add3A_1150, %add3A_1151 : vector<32xbf16>
          %add3A_1154 = arith.addf %add3A_1152, %add3A_1153 : vector<32xbf16>
          %mul3A_1155 = arith.constant 64 : i32
          %mul3A_1156 = arith.muli %scan3A_345, %mul3A_1155 : i32
          %add3A_1157 = arith.constant 0 : i32
          %add3A_1158 = arith.addi %mul3A_1156, %add3A_1157 : i32
          %swap3A_1159 = arith.index_cast %add3A_267 : i32 to index
          %swap3A_1160 = arith.index_cast %add3A_1158 : i32 to index
          %swap3A_1161 = tpu.vector_load %arg14[%swap3A_1159, %swap3A_1160] {strides = array<i32>} : memref<64x512xbf16, #tpu.memory_space<vmem>>, vector<32xbf16>,
          tpu.vector_store %arg14[%swap3A_1159, %swap3A_1160], %add3A_1154 {strides = array<i32>} : memref<64x512xbf16, #tpu.memory_space<vmem>>, vector<32xbf16>,
          %add3A_1162 = arith.addf %mul3A_372, %mul3A_396 : vector<32xbf16>
          %add3A_1163 = arith.addf %mul3A_420, %mul3A_444 : vector<32xbf16>
          %add3A_1164 = arith.addf %mul3A_468, %mul3A_492 : vector<32xbf16>
          %add3A_1165 = arith.addf %mul3A_516, %mul3A_540 : vector<32xbf16>
          %add3A_1166 = arith.addf %mul3A_564, %mul3A_588 : vector<32xbf16>
          %add3A_1167 = arith.addf %mul3A_612, %mul3A_636 : vector<32xbf16>
          %add3A_1168 = arith.addf %mul3A_660, %mul3A_684 : vector<32xbf16>
          %add3A_1169 = arith.addf %mul3A_708, %mul3A_732 : vector<32xbf16>
          %add3A_1170 = arith.addf %mul3A_763, %mul3A_787 : vector<32xbf16>
          %add3A_1171 = arith.addf %mul3A_811, %mul3A_835 : vector<32xbf16>
          %add3A_1172 = arith.addf %mul3A_859, %mul3A_883 : vector<32xbf16>
          %add3A_1173 = arith.addf %mul3A_907, %mul3A_931 : vector<32xbf16>
          %add3A_1174 = arith.addf %mul3A_955, %mul3A_979 : vector<32xbf16>
          %add3A_1175 = arith.addf %mul3A_1003, %mul3A_1027 : vector<32xbf16>
          %add3A_1176 = arith.addf %mul3A_1051, %mul3A_1075 : vector<32xbf16>
          %add3A_1177 = arith.addf %mul3A_1099, %mul3A_1123 : vector<32xbf16>
          %add3A_1178 = arith.addf %add3A_1162, %add3A_1163 : vector<32xbf16>
          %add3A_1179 = arith.addf %add3A_1164, %add3A_1165 : vector<32xbf16>
          %add3A_1180 = arith.addf %add3A_1166, %add3A_1167 : vector<32xbf16>
          %add3A_1181 = arith.addf %add3A_1168, %add3A_1169 : vector<32xbf16>
          %add3A_1182 = arith.addf %add3A_1170, %add3A_1171 : vector<32xbf16>
          %add3A_1183 = arith.addf %add3A_1172, %add3A_1173 : vector<32xbf16>
          %add3A_1184 = arith.addf %add3A_1174, %add3A_1175 : vector<32xbf16>
          %add3A_1185 = arith.addf %add3A_1176, %add3A_1177 : vector<32xbf16>
          %add3A_1186 = arith.addf %add3A_1178, %add3A_1179 : vector<32xbf16>
          %add3A_1187 = arith.addf %add3A_1180, %add3A_1181 : vector<32xbf16>
          %add3A_1188 = arith.addf %add3A_1182, %add3A_1183 : vector<32xbf16>
          %add3A_1189 = arith.addf %add3A_1184, %add3A_1185 : vector<32xbf16>
          %add3A_1190 = arith.addf %add3A_1186, %add3A_1187 : vector<32xbf16>
          %add3A_1191 = arith.addf %add3A_1188, %add3A_1189 : vector<32xbf16>
          %add3A_1192 = arith.addf %add3A_1190, %add3A_1191 : vector<32xbf16>
          %mul3A_1193 = arith.constant 64 : i32
          %mul3A_1194 = arith.muli %scan3A_345, %mul3A_1193 : i32
          %add3A_1195 = arith.constant 32 : i32
          %add3A_1196 = arith.addi %mul3A_1194, %add3A_1195 : i32
          %swap3A_1197 = arith.index_cast %add3A_267 : i32 to index
          %swap3A_1198 = arith.index_cast %add3A_1196 : i32 to index
          %swap3A_1199 = tpu.vector_load %arg14[%swap3A_1197, %swap3A_1198] {strides = array<i32>} : memref<64x512xbf16, #tpu.memory_space<vmem>>, vector<32xbf16>,
          tpu.vector_store %arg14[%swap3A_1197, %swap3A_1198], %add3A_1192 {strides = array<i32>} : memref<64x512xbf16, #tpu.memory_space<vmem>>, vector<32xbf16>,
          %scan3A_1200 = arith.constant 0 : i32
          scf.yield %scan3A_1200 : i32
        }
        %scan3A_303 = arith.constant 8 : i32
        %mul3A_304 = arith.constant 4 : i32
        %mul3A_305 = arith.muli %scan3A_186, %mul3A_304 : i32
        %add3A_306 = arith.constant 3 : i32
        %add3A_307 = arith.addi %mul3A_305, %add3A_306 : i32
        %add3A_308 = arith.constant 3 : i32
        %add3A_309 = arith.addi %add3A_307, %add3A_308 : i32
        %lt3A_310 = arith.constant 64 : i32
        %lt3A_311 = arith.cmpi slt, %add3A_309, %lt3A_310 : i32
        %convert_element_type3A_312 = arith.extui %lt3A_311 : i1 to i32
        %cond3A_313 = arith.constant 0 : i32
        %cond3A_314 = arith.cmpi ne, %convert_element_type3A_312, %cond3A_313 : i32
        scf.if %cond3A_314 {
          %add3A_345 = arith.constant 3 : i32
          %add3A_346 = arith.addi %add3A_307, %add3A_345 : i32
          %dma_start3A_347 = arith.constant 2 : i32
          %dma_start3A_348 = arith.constant 0 : i32
          %dma_start3A_349 = arith.constant 0 : i32
          %dma_start3A_350 = tpu.memref_slice %arg13[%dma_start3A_347, %dma_start3A_348, %dma_start3A_349] : memref<4x256x32xi32, #tpu.memory_space<vmem>> -> memref<1x128x32xi32, #tpu.memory_space<vmem>>
          %dma_start3A_351 = tpu.memref_squeeze %dma_start3A_350 : memref<1x128x32xi32, #tpu.memory_space<vmem>> -> memref<128x32xi32, #tpu.memory_space<vmem>>
          %dma_start3A_352 = arith.constant 0 : i32
          %dma_start3A_353 = tpu.memref_slice %arg8[%add3A_346, %dma_start3A_352] : memref<64x128xi32, #tpu.memory_space<vmem>> -> memref<1x128xi32, #tpu.memory_space<vmem>>
          %dma_start3A_354 = tpu.memref_squeeze %dma_start3A_353 : memref<1x128xi32, #tpu.memory_space<vmem>> -> memref<128xi32, #tpu.memory_space<vmem>>
          %dma_start3A_355 = arith.constant 0 : i32
          %dma_start3A_356 = arith.constant 0 : i32
          %dma_start3A_357 = tpu.memref_slice %arg2[%dma_start3A_355, %dma_start3A_356] : memref<262144x32xi32, #tpu.memory_space<hbm>> -> memref<262144x32xi32, #tpu.memory_space<hbm>>
          tpu.enqueue_indirect_dma source(%dma_start3A_357 : memref<262144x32xi32, #tpu.memory_space<hbm>>) target(%dma_start3A_351 : memref<128x32xi32, #tpu.memory_space<vmem>>) offsets(%dma_start3A_354 : memref<128xi32, #tpu.memory_space<vmem>>) semaphore(%arg17 : memref<!tpu.dma_semaphore, #tpu.memory_space<semaphore_mem>>)
          %dma_start3A_358 = arith.constant 2 : i32
          %dma_start3A_359 = arith.constant 128 : i32
          %dma_start3A_360 = arith.constant 0 : i32
          %dma_start3A_361 = tpu.memref_slice %arg13[%dma_start3A_358, %dma_start3A_359, %dma_start3A_360] : memref<4x256x32xi32, #tpu.memory_space<vmem>> -> memref<1x128x32xi32, #tpu.memory_space<vmem>>
          %dma_start3A_362 = tpu.memref_squeeze %dma_start3A_361 : memref<1x128x32xi32, #tpu.memory_space<vmem>> -> memref<128x32xi32, #tpu.memory_space<vmem>>
          %dma_start3A_363 = arith.constant 0 : i32
          %dma_start3A_364 = tpu.memref_slice %arg9[%add3A_346, %dma_start3A_363] : memref<64x128xi32, #tpu.memory_space<vmem>> -> memref<1x128xi32, #tpu.memory_space<vmem>>
          %dma_start3A_365 = tpu.memref_squeeze %dma_start3A_364 : memref<1x128xi32, #tpu.memory_space<vmem>> -> memref<128xi32, #tpu.memory_space<vmem>>
          %dma_start3A_366 = arith.constant 0 : i32
          %dma_start3A_367 = arith.constant 0 : i32
          %dma_start3A_368 = tpu.memref_slice %arg2[%dma_start3A_366, %dma_start3A_367] : memref<262144x32xi32, #tpu.memory_space<hbm>> -> memref<262144x32xi32, #tpu.memory_space<hbm>>
          tpu.enqueue_indirect_dma source(%dma_start3A_368 : memref<262144x32xi32, #tpu.memory_space<hbm>>) target(%dma_start3A_362 : memref<128x32xi32, #tpu.memory_space<vmem>>) offsets(%dma_start3A_365 : memref<128xi32, #tpu.memory_space<vmem>>) semaphore(%arg17 : memref<!tpu.dma_semaphore, #tpu.memory_space<semaphore_mem>>)
        } else {
        }
        %dma_wait3A_315 = arith.constant 3 : i32
        %dma_wait3A_316 = arith.constant 0 : i32
        %dma_wait3A_317 = arith.constant 0 : i32
        %dma_wait3A_318 = tpu.memref_slice %arg13[%dma_wait3A_315, %dma_wait3A_316, %dma_wait3A_317] : memref<4x256x32xi32, #tpu.memory_space<vmem>> -> memref<1x128x32xi32, #tpu.memory_space<vmem>>
        %dma_wait3A_319 = tpu.memref_squeeze %dma_wait3A_318 : memref<1x128x32xi32, #tpu.memory_space<vmem>> -> memref<128x32xi32, #tpu.memory_space<vmem>>
        %dma_wait3A_320 = arith.constant 0 : i32
        %dma_wait3A_321 = tpu.memref_slice %arg8[%add3A_307, %dma_wait3A_320] : memref<64x128xi32, #tpu.memory_space<vmem>> -> memref<1x128xi32, #tpu.memory_space<vmem>>
        %dma_wait3A_322 = tpu.memref_squeeze %dma_wait3A_321 : memref<1x128xi32, #tpu.memory_space<vmem>> -> memref<128xi32, #tpu.memory_space<vmem>>
        %dma_wait3A_323 = arith.constant 0 : i32
        %dma_wait3A_324 = arith.constant 0 : i32
        %dma_wait3A_325 = tpu.memref_slice %arg2[%dma_wait3A_323, %dma_wait3A_324] : memref<262144x32xi32, #tpu.memory_space<hbm>> -> memref<262144x32xi32, #tpu.memory_space<hbm>>
        tpu.wait_indirect_dma semaphore(%arg18 : memref<!tpu.dma_semaphore, #tpu.memory_space<semaphore_mem>>) src(%dma_wait3A_325 : memref<262144x32xi32, #tpu.memory_space<hbm>>) dst(%dma_wait3A_319 : memref<128x32xi32, #tpu.memory_space<vmem>>)
        %dma_wait3A_326 = arith.constant 3 : i32
        %dma_wait3A_327 = arith.constant 128 : i32
        %dma_wait3A_328 = arith.constant 0 : i32
        %dma_wait3A_329 = tpu.memref_slice %arg13[%dma_wait3A_326, %dma_wait3A_327, %dma_wait3A_328] : memref<4x256x32xi32, #tpu.memory_space<vmem>> -> memref<1x128x32xi32, #tpu.memory_space<vmem>>
        %dma_wait3A_330 = tpu.memref_squeeze %dma_wait3A_329 : memref<1x128x32xi32, #tpu.memory_space<vmem>> -> memref<128x32xi32, #tpu.memory_space<vmem>>
        %dma_wait3A_331 = arith.constant 0 : i32
        %dma_wait3A_332 = tpu.memref_slice %arg9[%add3A_307, %dma_wait3A_331] : memref<64x128xi32, #tpu.memory_space<vmem>> -> memref<1x128xi32, #tpu.memory_space<vmem>>
        %dma_wait3A_333 = tpu.memref_squeeze %dma_wait3A_332 : memref<1x128xi32, #tpu.memory_space<vmem>> -> memref<128xi32, #tpu.memory_space<vmem>>
        %dma_wait3A_334 = arith.constant 0 : i32
        %dma_wait3A_335 = arith.constant 0 : i32
        %dma_wait3A_336 = tpu.memref_slice %arg2[%dma_wait3A_334, %dma_wait3A_335] : memref<262144x32xi32, #tpu.memory_space<hbm>> -> memref<262144x32xi32, #tpu.memory_space<hbm>>
        tpu.wait_indirect_dma semaphore(%arg18 : memref<!tpu.dma_semaphore, #tpu.memory_space<semaphore_mem>>) src(%dma_wait3A_336 : memref<262144x32xi32, #tpu.memory_space<hbm>>) dst(%dma_wait3A_330 : memref<128x32xi32, #tpu.memory_space<vmem>>)
        %scan3A_337 = arith.constant 0 : i32
        %scan3A_338 = arith.constant 0 : i32
        %scan3A_339 = arith.constant 8 : i32
        %scan3A_340 = arith.addi %scan3A_338, %scan3A_339 : i32
        %scan3A_341 = arith.constant 1 : i32
        %scan3A_342 = scf.for %scan3A_345 = %scan3A_338 to %scan3A_340 step %scan3A_341 iter_args(%scan3A_346 = %scan3A_337) -> (i32)  : i32 {
          %mul3A_347 = arith.constant 128 : i32
          %mul3A_348 = arith.muli %add3A_307, %mul3A_347 : i32
          %mul3A_349 = arith.constant 16 : i32
          %mul3A_350 = arith.muli %scan3A_345, %mul3A_349 : i32
          %add3A_351 = arith.addi %mul3A_348, %mul3A_350 : i32
          %get3A = arith.index_cast %add3A_351 : i32 to index
          %get3A_352 = tpu.vector_load %arg10[%get3A] {strides = array<i32>} : memref<8192xf32, #tpu.memory_space<vmem>>, vector<16xf32>,
          %mul3A_353 = arith.constant 16 : i32
          %mul3A_354 = arith.muli %scan3A_345, %mul3A_353 : i32
          %add3A_355 = arith.constant 0 : i32
          %add3A_356 = arith.addi %add3A_355, %mul3A_354 : i32
          %add3A_357 = arith.constant 0 : i32
          %add3A_358 = arith.addi %add3A_356, %add3A_357 : i32
          %slice3A = vector.extract_strided_slice %get3A_352 {offsets = [0], sizes = [1], strides = [1]} : vector<16xf32> to vector<1xf32>
          %squeeze3A = vector.extract %slice3A[0] : f32 from vector<1xf32>
          %broadcast_in_dim3A_359 = vector.broadcast %squeeze3A : f32 to vector<16xf32>
          %pack3A = tpu.pack_subelements %broadcast_in_dim3A_359, %broadcast_in_dim3A_359 {pack_format = #tpu.pack_format<interleaved>, positions = array<i32: 0, 1>} : vector<16xf32>, vector<16xf32> -> vector<32xbf16>
          %get3A_360 = arith.constant 3 : i32
          %get3A_361 = arith.index_cast %get3A_360 : i32 to index
          %get3A_362 = arith.index_cast %add3A_358 : i32 to index
          %get3A_363 = arith.constant 0 : index
          %get3A_364 = tpu.vector_load %arg13[%get3A_361, %get3A_362, %get3A_363] {strides = array<i32>} : memref<4x256x32xi32, #tpu.memory_space<vmem>>, vector<16xi32>,
          %bitcast3A = vector.bitcast %get3A_364 : vector<16xi32> to vector<32xbf16>
          %mul3A_365 = arith.mulf %pack3A, %bitcast3A : vector<32xbf16>
          %get3A_366 = arith.constant 3 : i32
          %get3A_367 = arith.index_cast %get3A_366 : i32 to index
          %get3A_368 = arith.index_cast %add3A_358 : i32 to index
          %get3A_369 = arith.constant 16 : index
          %get3A_370 = tpu.vector_load %arg13[%get3A_367, %get3A_368, %get3A_369] {strides = array<i32>} : memref<4x256x32xi32, #tpu.memory_space<vmem>>, vector<16xi32>,
          %bitcast3A_371 = vector.bitcast %get3A_370 : vector<16xi32> to vector<32xbf16>
          %mul3A_372 = arith.mulf %pack3A, %bitcast3A_371 : vector<32xbf16>
          %mul3A_373 = arith.constant 16 : i32
          %mul3A_374 = arith.muli %scan3A_345, %mul3A_373 : i32
          %add3A_375 = arith.constant 0 : i32
          %add3A_376 = arith.addi %add3A_375, %mul3A_374 : i32
          %add3A_377 = arith.constant 1 : i32
          %add3A_378 = arith.addi %add3A_376, %add3A_377 : i32
          %slice3A_379 = vector.extract_strided_slice %get3A_352 {offsets = [1], sizes = [1], strides = [1]} : vector<16xf32> to vector<1xf32>
          %squeeze3A_380 = vector.extract %slice3A_379[0] : f32 from vector<1xf32>
          %broadcast_in_dim3A_381 = vector.broadcast %squeeze3A_380 : f32 to vector<16xf32>
          %pack3A_382 = tpu.pack_subelements %broadcast_in_dim3A_381, %broadcast_in_dim3A_381 {pack_format = #tpu.pack_format<interleaved>, positions = array<i32: 0, 1>} : vector<16xf32>, vector<16xf32> -> vector<32xbf16>
          %get3A_383 = arith.constant 3 : i32
          %get3A_384 = arith.index_cast %get3A_383 : i32 to index
          %get3A_385 = arith.index_cast %add3A_378 : i32 to index
          %get3A_386 = arith.constant 0 : index
          %get3A_387 = tpu.vector_load %arg13[%get3A_384, %get3A_385, %get3A_386] {strides = array<i32>} : memref<4x256x32xi32, #tpu.memory_space<vmem>>, vector<16xi32>,
          %bitcast3A_388 = vector.bitcast %get3A_387 : vector<16xi32> to vector<32xbf16>
          %mul3A_389 = arith.mulf %pack3A_382, %bitcast3A_388 : vector<32xbf16>
          %get3A_390 = arith.constant 3 : i32
          %get3A_391 = arith.index_cast %get3A_390 : i32 to index
          %get3A_392 = arith.index_cast %add3A_378 : i32 to index
          %get3A_393 = arith.constant 16 : index
          %get3A_394 = tpu.vector_load %arg13[%get3A_391, %get3A_392, %get3A_393] {strides = array<i32>} : memref<4x256x32xi32, #tpu.memory_space<vmem>>, vector<16xi32>,
          %bitcast3A_395 = vector.bitcast %get3A_394 : vector<16xi32> to vector<32xbf16>
          %mul3A_396 = arith.mulf %pack3A_382, %bitcast3A_395 : vector<32xbf16>
          %mul3A_397 = arith.constant 16 : i32
          %mul3A_398 = arith.muli %scan3A_345, %mul3A_397 : i32
          %add3A_399 = arith.constant 0 : i32
          %add3A_400 = arith.addi %add3A_399, %mul3A_398 : i32
          %add3A_401 = arith.constant 2 : i32
          %add3A_402 = arith.addi %add3A_400, %add3A_401 : i32
          %slice3A_403 = vector.extract_strided_slice %get3A_352 {offsets = [2], sizes = [1], strides = [1]} : vector<16xf32> to vector<1xf32>
          %squeeze3A_404 = vector.extract %slice3A_403[0] : f32 from vector<1xf32>
          %broadcast_in_dim3A_405 = vector.broadcast %squeeze3A_404 : f32 to vector<16xf32>
          %pack3A_406 = tpu.pack_subelements %broadcast_in_dim3A_405, %broadcast_in_dim3A_405 {pack_format = #tpu.pack_format<interleaved>, positions = array<i32: 0, 1>} : vector<16xf32>, vector<16xf32> -> vector<32xbf16>
          %get3A_407 = arith.constant 3 : i32
          %get3A_408 = arith.index_cast %get3A_407 : i32 to index
          %get3A_409 = arith.index_cast %add3A_402 : i32 to index
          %get3A_410 = arith.constant 0 : index
          %get3A_411 = tpu.vector_load %arg13[%get3A_408, %get3A_409, %get3A_410] {strides = array<i32>} : memref<4x256x32xi32, #tpu.memory_space<vmem>>, vector<16xi32>,
          %bitcast3A_412 = vector.bitcast %get3A_411 : vector<16xi32> to vector<32xbf16>
          %mul3A_413 = arith.mulf %pack3A_406, %bitcast3A_412 : vector<32xbf16>
          %get3A_414 = arith.constant 3 : i32
          %get3A_415 = arith.index_cast %get3A_414 : i32 to index
          %get3A_416 = arith.index_cast %add3A_402 : i32 to index
          %get3A_417 = arith.constant 16 : index
          %get3A_418 = tpu.vector_load %arg13[%get3A_415, %get3A_416, %get3A_417] {strides = array<i32>} : memref<4x256x32xi32, #tpu.memory_space<vmem>>, vector<16xi32>,
          %bitcast3A_419 = vector.bitcast %get3A_418 : vector<16xi32> to vector<32xbf16>
          %mul3A_420 = arith.mulf %pack3A_406, %bitcast3A_419 : vector<32xbf16>
          %mul3A_421 = arith.constant 16 : i32
          %mul3A_422 = arith.muli %scan3A_345, %mul3A_421 : i32
          %add3A_423 = arith.constant 0 : i32
          %add3A_424 = arith.addi %add3A_423, %mul3A_422 : i32
          %add3A_425 = arith.constant 3 : i32
          %add3A_426 = arith.addi %add3A_424, %add3A_425 : i32
          %slice3A_427 = vector.extract_strided_slice %get3A_352 {offsets = [3], sizes = [1], strides = [1]} : vector<16xf32> to vector<1xf32>
          %squeeze3A_428 = vector.extract %slice3A_427[0] : f32 from vector<1xf32>
          %broadcast_in_dim3A_429 = vector.broadcast %squeeze3A_428 : f32 to vector<16xf32>
          %pack3A_430 = tpu.pack_subelements %broadcast_in_dim3A_429, %broadcast_in_dim3A_429 {pack_format = #tpu.pack_format<interleaved>, positions = array<i32: 0, 1>} : vector<16xf32>, vector<16xf32> -> vector<32xbf16>
          %get3A_431 = arith.constant 3 : i32
          %get3A_432 = arith.index_cast %get3A_431 : i32 to index
          %get3A_433 = arith.index_cast %add3A_426 : i32 to index
          %get3A_434 = arith.constant 0 : index
          %get3A_435 = tpu.vector_load %arg13[%get3A_432, %get3A_433, %get3A_434] {strides = array<i32>} : memref<4x256x32xi32, #tpu.memory_space<vmem>>, vector<16xi32>,
          %bitcast3A_436 = vector.bitcast %get3A_435 : vector<16xi32> to vector<32xbf16>
          %mul3A_437 = arith.mulf %pack3A_430, %bitcast3A_436 : vector<32xbf16>
          %get3A_438 = arith.constant 3 : i32
          %get3A_439 = arith.index_cast %get3A_438 : i32 to index
          %get3A_440 = arith.index_cast %add3A_426 : i32 to index
          %get3A_441 = arith.constant 16 : index
          %get3A_442 = tpu.vector_load %arg13[%get3A_439, %get3A_440, %get3A_441] {strides = array<i32>} : memref<4x256x32xi32, #tpu.memory_space<vmem>>, vector<16xi32>,
          %bitcast3A_443 = vector.bitcast %get3A_442 : vector<16xi32> to vector<32xbf16>
          %mul3A_444 = arith.mulf %pack3A_430, %bitcast3A_443 : vector<32xbf16>
          %mul3A_445 = arith.constant 16 : i32
          %mul3A_446 = arith.muli %scan3A_345, %mul3A_445 : i32
          %add3A_447 = arith.constant 0 : i32
          %add3A_448 = arith.addi %add3A_447, %mul3A_446 : i32
          %add3A_449 = arith.constant 4 : i32
          %add3A_450 = arith.addi %add3A_448, %add3A_449 : i32
          %slice3A_451 = vector.extract_strided_slice %get3A_352 {offsets = [4], sizes = [1], strides = [1]} : vector<16xf32> to vector<1xf32>
          %squeeze3A_452 = vector.extract %slice3A_451[0] : f32 from vector<1xf32>
          %broadcast_in_dim3A_453 = vector.broadcast %squeeze3A_452 : f32 to vector<16xf32>
          %pack3A_454 = tpu.pack_subelements %broadcast_in_dim3A_453, %broadcast_in_dim3A_453 {pack_format = #tpu.pack_format<interleaved>, positions = array<i32: 0, 1>} : vector<16xf32>, vector<16xf32> -> vector<32xbf16>
          %get3A_455 = arith.constant 3 : i32
          %get3A_456 = arith.index_cast %get3A_455 : i32 to index
          %get3A_457 = arith.index_cast %add3A_450 : i32 to index
          %get3A_458 = arith.constant 0 : index
          %get3A_459 = tpu.vector_load %arg13[%get3A_456, %get3A_457, %get3A_458] {strides = array<i32>} : memref<4x256x32xi32, #tpu.memory_space<vmem>>, vector<16xi32>,
          %bitcast3A_460 = vector.bitcast %get3A_459 : vector<16xi32> to vector<32xbf16>
          %mul3A_461 = arith.mulf %pack3A_454, %bitcast3A_460 : vector<32xbf16>
          %get3A_462 = arith.constant 3 : i32
          %get3A_463 = arith.index_cast %get3A_462 : i32 to index
          %get3A_464 = arith.index_cast %add3A_450 : i32 to index
          %get3A_465 = arith.constant 16 : index
          %get3A_466 = tpu.vector_load %arg13[%get3A_463, %get3A_464, %get3A_465] {strides = array<i32>} : memref<4x256x32xi32, #tpu.memory_space<vmem>>, vector<16xi32>,
          %bitcast3A_467 = vector.bitcast %get3A_466 : vector<16xi32> to vector<32xbf16>
          %mul3A_468 = arith.mulf %pack3A_454, %bitcast3A_467 : vector<32xbf16>
          %mul3A_469 = arith.constant 16 : i32
          %mul3A_470 = arith.muli %scan3A_345, %mul3A_469 : i32
          %add3A_471 = arith.constant 0 : i32
          %add3A_472 = arith.addi %add3A_471, %mul3A_470 : i32
          %add3A_473 = arith.constant 5 : i32
          %add3A_474 = arith.addi %add3A_472, %add3A_473 : i32
          %slice3A_475 = vector.extract_strided_slice %get3A_352 {offsets = [5], sizes = [1], strides = [1]} : vector<16xf32> to vector<1xf32>
          %squeeze3A_476 = vector.extract %slice3A_475[0] : f32 from vector<1xf32>
          %broadcast_in_dim3A_477 = vector.broadcast %squeeze3A_476 : f32 to vector<16xf32>
          %pack3A_478 = tpu.pack_subelements %broadcast_in_dim3A_477, %broadcast_in_dim3A_477 {pack_format = #tpu.pack_format<interleaved>, positions = array<i32: 0, 1>} : vector<16xf32>, vector<16xf32> -> vector<32xbf16>
          %get3A_479 = arith.constant 3 : i32
          %get3A_480 = arith.index_cast %get3A_479 : i32 to index
          %get3A_481 = arith.index_cast %add3A_474 : i32 to index
          %get3A_482 = arith.constant 0 : index
          %get3A_483 = tpu.vector_load %arg13[%get3A_480, %get3A_481, %get3A_482] {strides = array<i32>} : memref<4x256x32xi32, #tpu.memory_space<vmem>>, vector<16xi32>,
          %bitcast3A_484 = vector.bitcast %get3A_483 : vector<16xi32> to vector<32xbf16>
          %mul3A_485 = arith.mulf %pack3A_478, %bitcast3A_484 : vector<32xbf16>
          %get3A_486 = arith.constant 3 : i32
          %get3A_487 = arith.index_cast %get3A_486 : i32 to index
          %get3A_488 = arith.index_cast %add3A_474 : i32 to index
          %get3A_489 = arith.constant 16 : index
          %get3A_490 = tpu.vector_load %arg13[%get3A_487, %get3A_488, %get3A_489] {strides = array<i32>} : memref<4x256x32xi32, #tpu.memory_space<vmem>>, vector<16xi32>,
          %bitcast3A_491 = vector.bitcast %get3A_490 : vector<16xi32> to vector<32xbf16>
          %mul3A_492 = arith.mulf %pack3A_478, %bitcast3A_491 : vector<32xbf16>
          %mul3A_493 = arith.constant 16 : i32
          %mul3A_494 = arith.muli %scan3A_345, %mul3A_493 : i32
          %add3A_495 = arith.constant 0 : i32
          %add3A_496 = arith.addi %add3A_495, %mul3A_494 : i32
          %add3A_497 = arith.constant 6 : i32
          %add3A_498 = arith.addi %add3A_496, %add3A_497 : i32
          %slice3A_499 = vector.extract_strided_slice %get3A_352 {offsets = [6], sizes = [1], strides = [1]} : vector<16xf32> to vector<1xf32>
          %squeeze3A_500 = vector.extract %slice3A_499[0] : f32 from vector<1xf32>
          %broadcast_in_dim3A_501 = vector.broadcast %squeeze3A_500 : f32 to vector<16xf32>
          %pack3A_502 = tpu.pack_subelements %broadcast_in_dim3A_501, %broadcast_in_dim3A_501 {pack_format = #tpu.pack_format<interleaved>, positions = array<i32: 0, 1>} : vector<16xf32>, vector<16xf32> -> vector<32xbf16>
          %get3A_503 = arith.constant 3 : i32
          %get3A_504 = arith.index_cast %get3A_503 : i32 to index
          %get3A_505 = arith.index_cast %add3A_498 : i32 to index
          %get3A_506 = arith.constant 0 : index
          %get3A_507 = tpu.vector_load %arg13[%get3A_504, %get3A_505, %get3A_506] {strides = array<i32>} : memref<4x256x32xi32, #tpu.memory_space<vmem>>, vector<16xi32>,
          %bitcast3A_508 = vector.bitcast %get3A_507 : vector<16xi32> to vector<32xbf16>
          %mul3A_509 = arith.mulf %pack3A_502, %bitcast3A_508 : vector<32xbf16>
          %get3A_510 = arith.constant 3 : i32
          %get3A_511 = arith.index_cast %get3A_510 : i32 to index
          %get3A_512 = arith.index_cast %add3A_498 : i32 to index
          %get3A_513 = arith.constant 16 : index
          %get3A_514 = tpu.vector_load %arg13[%get3A_511, %get3A_512, %get3A_513] {strides = array<i32>} : memref<4x256x32xi32, #tpu.memory_space<vmem>>, vector<16xi32>,
          %bitcast3A_515 = vector.bitcast %get3A_514 : vector<16xi32> to vector<32xbf16>
          %mul3A_516 = arith.mulf %pack3A_502, %bitcast3A_515 : vector<32xbf16>
          %mul3A_517 = arith.constant 16 : i32
          %mul3A_518 = arith.muli %scan3A_345, %mul3A_517 : i32
          %add3A_519 = arith.constant 0 : i32
          %add3A_520 = arith.addi %add3A_519, %mul3A_518 : i32
          %add3A_521 = arith.constant 7 : i32
          %add3A_522 = arith.addi %add3A_520, %add3A_521 : i32
          %slice3A_523 = vector.extract_strided_slice %get3A_352 {offsets = [7], sizes = [1], strides = [1]} : vector<16xf32> to vector<1xf32>
          %squeeze3A_524 = vector.extract %slice3A_523[0] : f32 from vector<1xf32>
          %broadcast_in_dim3A_525 = vector.broadcast %squeeze3A_524 : f32 to vector<16xf32>
          %pack3A_526 = tpu.pack_subelements %broadcast_in_dim3A_525, %broadcast_in_dim3A_525 {pack_format = #tpu.pack_format<interleaved>, positions = array<i32: 0, 1>} : vector<16xf32>, vector<16xf32> -> vector<32xbf16>
          %get3A_527 = arith.constant 3 : i32
          %get3A_528 = arith.index_cast %get3A_527 : i32 to index
          %get3A_529 = arith.index_cast %add3A_522 : i32 to index
          %get3A_530 = arith.constant 0 : index
          %get3A_531 = tpu.vector_load %arg13[%get3A_528, %get3A_529, %get3A_530] {strides = array<i32>} : memref<4x256x32xi32, #tpu.memory_space<vmem>>, vector<16xi32>,
          %bitcast3A_532 = vector.bitcast %get3A_531 : vector<16xi32> to vector<32xbf16>
          %mul3A_533 = arith.mulf %pack3A_526, %bitcast3A_532 : vector<32xbf16>
          %get3A_534 = arith.constant 3 : i32
          %get3A_535 = arith.index_cast %get3A_534 : i32 to index
          %get3A_536 = arith.index_cast %add3A_522 : i32 to index
          %get3A_537 = arith.constant 16 : index
          %get3A_538 = tpu.vector_load %arg13[%get3A_535, %get3A_536, %get3A_537] {strides = array<i32>} : memref<4x256x32xi32, #tpu.memory_space<vmem>>, vector<16xi32>,
          %bitcast3A_539 = vector.bitcast %get3A_538 : vector<16xi32> to vector<32xbf16>
          %mul3A_540 = arith.mulf %pack3A_526, %bitcast3A_539 : vector<32xbf16>
          %mul3A_541 = arith.constant 16 : i32
          %mul3A_542 = arith.muli %scan3A_345, %mul3A_541 : i32
          %add3A_543 = arith.constant 0 : i32
          %add3A_544 = arith.addi %add3A_543, %mul3A_542 : i32
          %add3A_545 = arith.constant 8 : i32
          %add3A_546 = arith.addi %add3A_544, %add3A_545 : i32
          %slice3A_547 = vector.extract_strided_slice %get3A_352 {offsets = [8], sizes = [1], strides = [1]} : vector<16xf32> to vector<1xf32>
          %squeeze3A_548 = vector.extract %slice3A_547[0] : f32 from vector<1xf32>
          %broadcast_in_dim3A_549 = vector.broadcast %squeeze3A_548 : f32 to vector<16xf32>
          %pack3A_550 = tpu.pack_subelements %broadcast_in_dim3A_549, %broadcast_in_dim3A_549 {pack_format = #tpu.pack_format<interleaved>, positions = array<i32: 0, 1>} : vector<16xf32>, vector<16xf32> -> vector<32xbf16>
          %get3A_551 = arith.constant 3 : i32
          %get3A_552 = arith.index_cast %get3A_551 : i32 to index
          %get3A_553 = arith.index_cast %add3A_546 : i32 to index
          %get3A_554 = arith.constant 0 : index
          %get3A_555 = tpu.vector_load %arg13[%get3A_552, %get3A_553, %get3A_554] {strides = array<i32>} : memref<4x256x32xi32, #tpu.memory_space<vmem>>, vector<16xi32>,
          %bitcast3A_556 = vector.bitcast %get3A_555 : vector<16xi32> to vector<32xbf16>
          %mul3A_557 = arith.mulf %pack3A_550, %bitcast3A_556 : vector<32xbf16>
          %get3A_558 = arith.constant 3 : i32
          %get3A_559 = arith.index_cast %get3A_558 : i32 to index
          %get3A_560 = arith.index_cast %add3A_546 : i32 to index
          %get3A_561 = arith.constant 16 : index
          %get3A_562 = tpu.vector_load %arg13[%get3A_559, %get3A_560, %get3A_561] {strides = array<i32>} : memref<4x256x32xi32, #tpu.memory_space<vmem>>, vector<16xi32>,
          %bitcast3A_563 = vector.bitcast %get3A_562 : vector<16xi32> to vector<32xbf16>
          %mul3A_564 = arith.mulf %pack3A_550, %bitcast3A_563 : vector<32xbf16>
          %mul3A_565 = arith.constant 16 : i32
          %mul3A_566 = arith.muli %scan3A_345, %mul3A_565 : i32
          %add3A_567 = arith.constant 0 : i32
          %add3A_568 = arith.addi %add3A_567, %mul3A_566 : i32
          %add3A_569 = arith.constant 9 : i32
          %add3A_570 = arith.addi %add3A_568, %add3A_569 : i32
          %slice3A_571 = vector.extract_strided_slice %get3A_352 {offsets = [9], sizes = [1], strides = [1]} : vector<16xf32> to vector<1xf32>
          %squeeze3A_572 = vector.extract %slice3A_571[0] : f32 from vector<1xf32>
          %broadcast_in_dim3A_573 = vector.broadcast %squeeze3A_572 : f32 to vector<16xf32>
          %pack3A_574 = tpu.pack_subelements %broadcast_in_dim3A_573, %broadcast_in_dim3A_573 {pack_format = #tpu.pack_format<interleaved>, positions = array<i32: 0, 1>} : vector<16xf32>, vector<16xf32> -> vector<32xbf16>
          %get3A_575 = arith.constant 3 : i32
          %get3A_576 = arith.index_cast %get3A_575 : i32 to index
          %get3A_577 = arith.index_cast %add3A_570 : i32 to index
          %get3A_578 = arith.constant 0 : index
          %get3A_579 = tpu.vector_load %arg13[%get3A_576, %get3A_577, %get3A_578] {strides = array<i32>} : memref<4x256x32xi32, #tpu.memory_space<vmem>>, vector<16xi32>,
          %bitcast3A_580 = vector.bitcast %get3A_579 : vector<16xi32> to vector<32xbf16>
          %mul3A_581 = arith.mulf %pack3A_574, %bitcast3A_580 : vector<32xbf16>
          %get3A_582 = arith.constant 3 : i32
          %get3A_583 = arith.index_cast %get3A_582 : i32 to index
          %get3A_584 = arith.index_cast %add3A_570 : i32 to index
          %get3A_585 = arith.constant 16 : index
          %get3A_586 = tpu.vector_load %arg13[%get3A_583, %get3A_584, %get3A_585] {strides = array<i32>} : memref<4x256x32xi32, #tpu.memory_space<vmem>>, vector<16xi32>,
          %bitcast3A_587 = vector.bitcast %get3A_586 : vector<16xi32> to vector<32xbf16>
          %mul3A_588 = arith.mulf %pack3A_574, %bitcast3A_587 : vector<32xbf16>
          %mul3A_589 = arith.constant 16 : i32
          %mul3A_590 = arith.muli %scan3A_345, %mul3A_589 : i32
          %add3A_591 = arith.constant 0 : i32
          %add3A_592 = arith.addi %add3A_591, %mul3A_590 : i32
          %add3A_593 = arith.constant 10 : i32
          %add3A_594 = arith.addi %add3A_592, %add3A_593 : i32
          %slice3A_595 = vector.extract_strided_slice %get3A_352 {offsets = [10], sizes = [1], strides = [1]} : vector<16xf32> to vector<1xf32>
          %squeeze3A_596 = vector.extract %slice3A_595[0] : f32 from vector<1xf32>
          %broadcast_in_dim3A_597 = vector.broadcast %squeeze3A_596 : f32 to vector<16xf32>
          %pack3A_598 = tpu.pack_subelements %broadcast_in_dim3A_597, %broadcast_in_dim3A_597 {pack_format = #tpu.pack_format<interleaved>, positions = array<i32: 0, 1>} : vector<16xf32>, vector<16xf32> -> vector<32xbf16>
          %get3A_599 = arith.constant 3 : i32
          %get3A_600 = arith.index_cast %get3A_599 : i32 to index
          %get3A_601 = arith.index_cast %add3A_594 : i32 to index
          %get3A_602 = arith.constant 0 : index
          %get3A_603 = tpu.vector_load %arg13[%get3A_600, %get3A_601, %get3A_602] {strides = array<i32>} : memref<4x256x32xi32, #tpu.memory_space<vmem>>, vector<16xi32>,
          %bitcast3A_604 = vector.bitcast %get3A_603 : vector<16xi32> to vector<32xbf16>
          %mul3A_605 = arith.mulf %pack3A_598, %bitcast3A_604 : vector<32xbf16>
          %get3A_606 = arith.constant 3 : i32
          %get3A_607 = arith.index_cast %get3A_606 : i32 to index
          %get3A_608 = arith.index_cast %add3A_594 : i32 to index
          %get3A_609 = arith.constant 16 : index
          %get3A_610 = tpu.vector_load %arg13[%get3A_607, %get3A_608, %get3A_609] {strides = array<i32>} : memref<4x256x32xi32, #tpu.memory_space<vmem>>, vector<16xi32>,
          %bitcast3A_611 = vector.bitcast %get3A_610 : vector<16xi32> to vector<32xbf16>
          %mul3A_612 = arith.mulf %pack3A_598, %bitcast3A_611 : vector<32xbf16>
          %mul3A_613 = arith.constant 16 : i32
          %mul3A_614 = arith.muli %scan3A_345, %mul3A_613 : i32
          %add3A_615 = arith.constant 0 : i32
          %add3A_616 = arith.addi %add3A_615, %mul3A_614 : i32
          %add3A_617 = arith.constant 11 : i32
          %add3A_618 = arith.addi %add3A_616, %add3A_617 : i32
          %slice3A_619 = vector.extract_strided_slice %get3A_352 {offsets = [11], sizes = [1], strides = [1]} : vector<16xf32> to vector<1xf32>
          %squeeze3A_620 = vector.extract %slice3A_619[0] : f32 from vector<1xf32>
          %broadcast_in_dim3A_621 = vector.broadcast %squeeze3A_620 : f32 to vector<16xf32>
          %pack3A_622 = tpu.pack_subelements %broadcast_in_dim3A_621, %broadcast_in_dim3A_621 {pack_format = #tpu.pack_format<interleaved>, positions = array<i32: 0, 1>} : vector<16xf32>, vector<16xf32> -> vector<32xbf16>
          %get3A_623 = arith.constant 3 : i32
          %get3A_624 = arith.index_cast %get3A_623 : i32 to index
          %get3A_625 = arith.index_cast %add3A_618 : i32 to index
          %get3A_626 = arith.constant 0 : index
          %get3A_627 = tpu.vector_load %arg13[%get3A_624, %get3A_625, %get3A_626] {strides = array<i32>} : memref<4x256x32xi32, #tpu.memory_space<vmem>>, vector<16xi32>,
          %bitcast3A_628 = vector.bitcast %get3A_627 : vector<16xi32> to vector<32xbf16>
          %mul3A_629 = arith.mulf %pack3A_622, %bitcast3A_628 : vector<32xbf16>
          %get3A_630 = arith.constant 3 : i32
          %get3A_631 = arith.index_cast %get3A_630 : i32 to index
          %get3A_632 = arith.index_cast %add3A_618 : i32 to index
          %get3A_633 = arith.constant 16 : index
          %get3A_634 = tpu.vector_load %arg13[%get3A_631, %get3A_632, %get3A_633] {strides = array<i32>} : memref<4x256x32xi32, #tpu.memory_space<vmem>>, vector<16xi32>,
          %bitcast3A_635 = vector.bitcast %get3A_634 : vector<16xi32> to vector<32xbf16>
          %mul3A_636 = arith.mulf %pack3A_622, %bitcast3A_635 : vector<32xbf16>
          %mul3A_637 = arith.constant 16 : i32
          %mul3A_638 = arith.muli %scan3A_345, %mul3A_637 : i32
          %add3A_639 = arith.constant 0 : i32
          %add3A_640 = arith.addi %add3A_639, %mul3A_638 : i32
          %add3A_641 = arith.constant 12 : i32
          %add3A_642 = arith.addi %add3A_640, %add3A_641 : i32
          %slice3A_643 = vector.extract_strided_slice %get3A_352 {offsets = [12], sizes = [1], strides = [1]} : vector<16xf32> to vector<1xf32>
          %squeeze3A_644 = vector.extract %slice3A_643[0] : f32 from vector<1xf32>
          %broadcast_in_dim3A_645 = vector.broadcast %squeeze3A_644 : f32 to vector<16xf32>
          %pack3A_646 = tpu.pack_subelements %broadcast_in_dim3A_645, %broadcast_in_dim3A_645 {pack_format = #tpu.pack_format<interleaved>, positions = array<i32: 0, 1>} : vector<16xf32>, vector<16xf32> -> vector<32xbf16>
          %get3A_647 = arith.constant 3 : i32
          %get3A_648 = arith.index_cast %get3A_647 : i32 to index
          %get3A_649 = arith.index_cast %add3A_642 : i32 to index
          %get3A_650 = arith.constant 0 : index
          %get3A_651 = tpu.vector_load %arg13[%get3A_648, %get3A_649, %get3A_650] {strides = array<i32>} : memref<4x256x32xi32, #tpu.memory_space<vmem>>, vector<16xi32>,
          %bitcast3A_652 = vector.bitcast %get3A_651 : vector<16xi32> to vector<32xbf16>
          %mul3A_653 = arith.mulf %pack3A_646, %bitcast3A_652 : vector<32xbf16>
          %get3A_654 = arith.constant 3 : i32
          %get3A_655 = arith.index_cast %get3A_654 : i32 to index
          %get3A_656 = arith.index_cast %add3A_642 : i32 to index
          %get3A_657 = arith.constant 16 : index
          %get3A_658 = tpu.vector_load %arg13[%get3A_655, %get3A_656, %get3A_657] {strides = array<i32>} : memref<4x256x32xi32, #tpu.memory_space<vmem>>, vector<16xi32>,
          %bitcast3A_659 = vector.bitcast %get3A_658 : vector<16xi32> to vector<32xbf16>
          %mul3A_660 = arith.mulf %pack3A_646, %bitcast3A_659 : vector<32xbf16>
          %mul3A_661 = arith.constant 16 : i32
          %mul3A_662 = arith.muli %scan3A_345, %mul3A_661 : i32
          %add3A_663 = arith.constant 0 : i32
          %add3A_664 = arith.addi %add3A_663, %mul3A_662 : i32
          %add3A_665 = arith.constant 13 : i32
          %add3A_666 = arith.addi %add3A_664, %add3A_665 : i32
          %slice3A_667 = vector.extract_strided_slice %get3A_352 {offsets = [13], sizes = [1], strides = [1]} : vector<16xf32> to vector<1xf32>
          %squeeze3A_668 = vector.extract %slice3A_667[0] : f32 from vector<1xf32>
          %broadcast_in_dim3A_669 = vector.broadcast %squeeze3A_668 : f32 to vector<16xf32>
          %pack3A_670 = tpu.pack_subelements %broadcast_in_dim3A_669, %broadcast_in_dim3A_669 {pack_format = #tpu.pack_format<interleaved>, positions = array<i32: 0, 1>} : vector<16xf32>, vector<16xf32> -> vector<32xbf16>
          %get3A_671 = arith.constant 3 : i32
          %get3A_672 = arith.index_cast %get3A_671 : i32 to index
          %get3A_673 = arith.index_cast %add3A_666 : i32 to index
          %get3A_674 = arith.constant 0 : index
          %get3A_675 = tpu.vector_load %arg13[%get3A_672, %get3A_673, %get3A_674] {strides = array<i32>} : memref<4x256x32xi32, #tpu.memory_space<vmem>>, vector<16xi32>,
          %bitcast3A_676 = vector.bitcast %get3A_675 : vector<16xi32> to vector<32xbf16>
          %mul3A_677 = arith.mulf %pack3A_670, %bitcast3A_676 : vector<32xbf16>
          %get3A_678 = arith.constant 3 : i32
          %get3A_679 = arith.index_cast %get3A_678 : i32 to index
          %get3A_680 = arith.index_cast %add3A_666 : i32 to index
          %get3A_681 = arith.constant 16 : index
          %get3A_682 = tpu.vector_load %arg13[%get3A_679, %get3A_680, %get3A_681] {strides = array<i32>} : memref<4x256x32xi32, #tpu.memory_space<vmem>>, vector<16xi32>,
          %bitcast3A_683 = vector.bitcast %get3A_682 : vector<16xi32> to vector<32xbf16>
          %mul3A_684 = arith.mulf %pack3A_670, %bitcast3A_683 : vector<32xbf16>
          %mul3A_685 = arith.constant 16 : i32
          %mul3A_686 = arith.muli %scan3A_345, %mul3A_685 : i32
          %add3A_687 = arith.constant 0 : i32
          %add3A_688 = arith.addi %add3A_687, %mul3A_686 : i32
          %add3A_689 = arith.constant 14 : i32
          %add3A_690 = arith.addi %add3A_688, %add3A_689 : i32
          %slice3A_691 = vector.extract_strided_slice %get3A_352 {offsets = [14], sizes = [1], strides = [1]} : vector<16xf32> to vector<1xf32>
          %squeeze3A_692 = vector.extract %slice3A_691[0] : f32 from vector<1xf32>
          %broadcast_in_dim3A_693 = vector.broadcast %squeeze3A_692 : f32 to vector<16xf32>
          %pack3A_694 = tpu.pack_subelements %broadcast_in_dim3A_693, %broadcast_in_dim3A_693 {pack_format = #tpu.pack_format<interleaved>, positions = array<i32: 0, 1>} : vector<16xf32>, vector<16xf32> -> vector<32xbf16>
          %get3A_695 = arith.constant 3 : i32
          %get3A_696 = arith.index_cast %get3A_695 : i32 to index
          %get3A_697 = arith.index_cast %add3A_690 : i32 to index
          %get3A_698 = arith.constant 0 : index
          %get3A_699 = tpu.vector_load %arg13[%get3A_696, %get3A_697, %get3A_698] {strides = array<i32>} : memref<4x256x32xi32, #tpu.memory_space<vmem>>, vector<16xi32>,
          %bitcast3A_700 = vector.bitcast %get3A_699 : vector<16xi32> to vector<32xbf16>
          %mul3A_701 = arith.mulf %pack3A_694, %bitcast3A_700 : vector<32xbf16>
          %get3A_702 = arith.constant 3 : i32
          %get3A_703 = arith.index_cast %get3A_702 : i32 to index
          %get3A_704 = arith.index_cast %add3A_690 : i32 to index
          %get3A_705 = arith.constant 16 : index
          %get3A_706 = tpu.vector_load %arg13[%get3A_703, %get3A_704, %get3A_705] {strides = array<i32>} : memref<4x256x32xi32, #tpu.memory_space<vmem>>, vector<16xi32>,
          %bitcast3A_707 = vector.bitcast %get3A_706 : vector<16xi32> to vector<32xbf16>
          %mul3A_708 = arith.mulf %pack3A_694, %bitcast3A_707 : vector<32xbf16>
          %mul3A_709 = arith.constant 16 : i32
          %mul3A_710 = arith.muli %scan3A_345, %mul3A_709 : i32
          %add3A_711 = arith.constant 0 : i32
          %add3A_712 = arith.addi %add3A_711, %mul3A_710 : i32
          %add3A_713 = arith.constant 15 : i32
          %add3A_714 = arith.addi %add3A_712, %add3A_713 : i32
          %slice3A_715 = vector.extract_strided_slice %get3A_352 {offsets = [15], sizes = [1], strides = [1]} : vector<16xf32> to vector<1xf32>
          %squeeze3A_716 = vector.extract %slice3A_715[0] : f32 from vector<1xf32>
          %broadcast_in_dim3A_717 = vector.broadcast %squeeze3A_716 : f32 to vector<16xf32>
          %pack3A_718 = tpu.pack_subelements %broadcast_in_dim3A_717, %broadcast_in_dim3A_717 {pack_format = #tpu.pack_format<interleaved>, positions = array<i32: 0, 1>} : vector<16xf32>, vector<16xf32> -> vector<32xbf16>
          %get3A_719 = arith.constant 3 : i32
          %get3A_720 = arith.index_cast %get3A_719 : i32 to index
          %get3A_721 = arith.index_cast %add3A_714 : i32 to index
          %get3A_722 = arith.constant 0 : index
          %get3A_723 = tpu.vector_load %arg13[%get3A_720, %get3A_721, %get3A_722] {strides = array<i32>} : memref<4x256x32xi32, #tpu.memory_space<vmem>>, vector<16xi32>,
          %bitcast3A_724 = vector.bitcast %get3A_723 : vector<16xi32> to vector<32xbf16>
          %mul3A_725 = arith.mulf %pack3A_718, %bitcast3A_724 : vector<32xbf16>
          %get3A_726 = arith.constant 3 : i32
          %get3A_727 = arith.index_cast %get3A_726 : i32 to index
          %get3A_728 = arith.index_cast %add3A_714 : i32 to index
          %get3A_729 = arith.constant 16 : index
          %get3A_730 = tpu.vector_load %arg13[%get3A_727, %get3A_728, %get3A_729] {strides = array<i32>} : memref<4x256x32xi32, #tpu.memory_space<vmem>>, vector<16xi32>,
          %bitcast3A_731 = vector.bitcast %get3A_730 : vector<16xi32> to vector<32xbf16>
          %mul3A_732 = arith.mulf %pack3A_718, %bitcast3A_731 : vector<32xbf16>
          %mul3A_733 = arith.constant 128 : i32
          %mul3A_734 = arith.muli %add3A_307, %mul3A_733 : i32
          %mul3A_735 = arith.constant 16 : i32
          %mul3A_736 = arith.muli %scan3A_345, %mul3A_735 : i32
          %add3A_737 = arith.addi %mul3A_734, %mul3A_736 : i32
          %get3A_738 = arith.index_cast %add3A_737 : i32 to index
          %get3A_739 = tpu.vector_load %arg11[%get3A_738] {strides = array<i32>} : memref<8192xf32, #tpu.memory_space<vmem>>, vector<16xf32>,
          %mul3A_740 = arith.constant 16 : i32
          %mul3A_741 = arith.muli %scan3A_345, %mul3A_740 : i32
          %add3A_742 = arith.constant 128 : i32
          %add3A_743 = arith.addi %add3A_742, %mul3A_741 : i32
          %add3A_744 = arith.constant 0 : i32
          %add3A_745 = arith.addi %add3A_743, %add3A_744 : i32
          %slice3A_746 = vector.extract_strided_slice %get3A_739 {offsets = [0], sizes = [1], strides = [1]} : vector<16xf32> to vector<1xf32>
          %squeeze3A_747 = vector.extract %slice3A_746[0] : f32 from vector<1xf32>
          %broadcast_in_dim3A_748 = vector.broadcast %squeeze3A_747 : f32 to vector<16xf32>
          %pack3A_749 = tpu.pack_subelements %broadcast_in_dim3A_748, %broadcast_in_dim3A_748 {pack_format = #tpu.pack_format<interleaved>, positions = array<i32: 0, 1>} : vector<16xf32>, vector<16xf32> -> vector<32xbf16>
          %get3A_750 = arith.constant 3 : i32
          %get3A_751 = arith.index_cast %get3A_750 : i32 to index
          %get3A_752 = arith.index_cast %add3A_745 : i32 to index
          %get3A_753 = arith.constant 0 : index
          %get3A_754 = tpu.vector_load %arg13[%get3A_751, %get3A_752, %get3A_753] {strides = array<i32>} : memref<4x256x32xi32, #tpu.memory_space<vmem>>, vector<16xi32>,
          %bitcast3A_755 = vector.bitcast %get3A_754 : vector<16xi32> to vector<32xbf16>
          %mul3A_756 = arith.mulf %pack3A_749, %bitcast3A_755 : vector<32xbf16>
          %get3A_757 = arith.constant 3 : i32
          %get3A_758 = arith.index_cast %get3A_757 : i32 to index
          %get3A_759 = arith.index_cast %add3A_745 : i32 to index
          %get3A_760 = arith.constant 16 : index
          %get3A_761 = tpu.vector_load %arg13[%get3A_758, %get3A_759, %get3A_760] {strides = array<i32>} : memref<4x256x32xi32, #tpu.memory_space<vmem>>, vector<16xi32>,
          %bitcast3A_762 = vector.bitcast %get3A_761 : vector<16xi32> to vector<32xbf16>
          %mul3A_763 = arith.mulf %pack3A_749, %bitcast3A_762 : vector<32xbf16>
          %mul3A_764 = arith.constant 16 : i32
          %mul3A_765 = arith.muli %scan3A_345, %mul3A_764 : i32
          %add3A_766 = arith.constant 128 : i32
          %add3A_767 = arith.addi %add3A_766, %mul3A_765 : i32
          %add3A_768 = arith.constant 1 : i32
          %add3A_769 = arith.addi %add3A_767, %add3A_768 : i32
          %slice3A_770 = vector.extract_strided_slice %get3A_739 {offsets = [1], sizes = [1], strides = [1]} : vector<16xf32> to vector<1xf32>
          %squeeze3A_771 = vector.extract %slice3A_770[0] : f32 from vector<1xf32>
          %broadcast_in_dim3A_772 = vector.broadcast %squeeze3A_771 : f32 to vector<16xf32>
          %pack3A_773 = tpu.pack_subelements %broadcast_in_dim3A_772, %broadcast_in_dim3A_772 {pack_format = #tpu.pack_format<interleaved>, positions = array<i32: 0, 1>} : vector<16xf32>, vector<16xf32> -> vector<32xbf16>
          %get3A_774 = arith.constant 3 : i32
          %get3A_775 = arith.index_cast %get3A_774 : i32 to index
          %get3A_776 = arith.index_cast %add3A_769 : i32 to index
          %get3A_777 = arith.constant 0 : index
          %get3A_778 = tpu.vector_load %arg13[%get3A_775, %get3A_776, %get3A_777] {strides = array<i32>} : memref<4x256x32xi32, #tpu.memory_space<vmem>>, vector<16xi32>,
          %bitcast3A_779 = vector.bitcast %get3A_778 : vector<16xi32> to vector<32xbf16>
          %mul3A_780 = arith.mulf %pack3A_773, %bitcast3A_779 : vector<32xbf16>
          %get3A_781 = arith.constant 3 : i32
          %get3A_782 = arith.index_cast %get3A_781 : i32 to index
          %get3A_783 = arith.index_cast %add3A_769 : i32 to index
          %get3A_784 = arith.constant 16 : index
          %get3A_785 = tpu.vector_load %arg13[%get3A_782, %get3A_783, %get3A_784] {strides = array<i32>} : memref<4x256x32xi32, #tpu.memory_space<vmem>>, vector<16xi32>,
          %bitcast3A_786 = vector.bitcast %get3A_785 : vector<16xi32> to vector<32xbf16>
          %mul3A_787 = arith.mulf %pack3A_773, %bitcast3A_786 : vector<32xbf16>
          %mul3A_788 = arith.constant 16 : i32
          %mul3A_789 = arith.muli %scan3A_345, %mul3A_788 : i32
          %add3A_790 = arith.constant 128 : i32
          %add3A_791 = arith.addi %add3A_790, %mul3A_789 : i32
          %add3A_792 = arith.constant 2 : i32
          %add3A_793 = arith.addi %add3A_791, %add3A_792 : i32
          %slice3A_794 = vector.extract_strided_slice %get3A_739 {offsets = [2], sizes = [1], strides = [1]} : vector<16xf32> to vector<1xf32>
          %squeeze3A_795 = vector.extract %slice3A_794[0] : f32 from vector<1xf32>
          %broadcast_in_dim3A_796 = vector.broadcast %squeeze3A_795 : f32 to vector<16xf32>
          %pack3A_797 = tpu.pack_subelements %broadcast_in_dim3A_796, %broadcast_in_dim3A_796 {pack_format = #tpu.pack_format<interleaved>, positions = array<i32: 0, 1>} : vector<16xf32>, vector<16xf32> -> vector<32xbf16>
          %get3A_798 = arith.constant 3 : i32
          %get3A_799 = arith.index_cast %get3A_798 : i32 to index
          %get3A_800 = arith.index_cast %add3A_793 : i32 to index
          %get3A_801 = arith.constant 0 : index
          %get3A_802 = tpu.vector_load %arg13[%get3A_799, %get3A_800, %get3A_801] {strides = array<i32>} : memref<4x256x32xi32, #tpu.memory_space<vmem>>, vector<16xi32>,
          %bitcast3A_803 = vector.bitcast %get3A_802 : vector<16xi32> to vector<32xbf16>
          %mul3A_804 = arith.mulf %pack3A_797, %bitcast3A_803 : vector<32xbf16>
          %get3A_805 = arith.constant 3 : i32
          %get3A_806 = arith.index_cast %get3A_805 : i32 to index
          %get3A_807 = arith.index_cast %add3A_793 : i32 to index
          %get3A_808 = arith.constant 16 : index
          %get3A_809 = tpu.vector_load %arg13[%get3A_806, %get3A_807, %get3A_808] {strides = array<i32>} : memref<4x256x32xi32, #tpu.memory_space<vmem>>, vector<16xi32>,
          %bitcast3A_810 = vector.bitcast %get3A_809 : vector<16xi32> to vector<32xbf16>
          %mul3A_811 = arith.mulf %pack3A_797, %bitcast3A_810 : vector<32xbf16>
          %mul3A_812 = arith.constant 16 : i32
          %mul3A_813 = arith.muli %scan3A_345, %mul3A_812 : i32
          %add3A_814 = arith.constant 128 : i32
          %add3A_815 = arith.addi %add3A_814, %mul3A_813 : i32
          %add3A_816 = arith.constant 3 : i32
          %add3A_817 = arith.addi %add3A_815, %add3A_816 : i32
          %slice3A_818 = vector.extract_strided_slice %get3A_739 {offsets = [3], sizes = [1], strides = [1]} : vector<16xf32> to vector<1xf32>
          %squeeze3A_819 = vector.extract %slice3A_818[0] : f32 from vector<1xf32>
          %broadcast_in_dim3A_820 = vector.broadcast %squeeze3A_819 : f32 to vector<16xf32>
          %pack3A_821 = tpu.pack_subelements %broadcast_in_dim3A_820, %broadcast_in_dim3A_820 {pack_format = #tpu.pack_format<interleaved>, positions = array<i32: 0, 1>} : vector<16xf32>, vector<16xf32> -> vector<32xbf16>
          %get3A_822 = arith.constant 3 : i32
          %get3A_823 = arith.index_cast %get3A_822 : i32 to index
          %get3A_824 = arith.index_cast %add3A_817 : i32 to index
          %get3A_825 = arith.constant 0 : index
          %get3A_826 = tpu.vector_load %arg13[%get3A_823, %get3A_824, %get3A_825] {strides = array<i32>} : memref<4x256x32xi32, #tpu.memory_space<vmem>>, vector<16xi32>,
          %bitcast3A_827 = vector.bitcast %get3A_826 : vector<16xi32> to vector<32xbf16>
          %mul3A_828 = arith.mulf %pack3A_821, %bitcast3A_827 : vector<32xbf16>
          %get3A_829 = arith.constant 3 : i32
          %get3A_830 = arith.index_cast %get3A_829 : i32 to index
          %get3A_831 = arith.index_cast %add3A_817 : i32 to index
          %get3A_832 = arith.constant 16 : index
          %get3A_833 = tpu.vector_load %arg13[%get3A_830, %get3A_831, %get3A_832] {strides = array<i32>} : memref<4x256x32xi32, #tpu.memory_space<vmem>>, vector<16xi32>,
          %bitcast3A_834 = vector.bitcast %get3A_833 : vector<16xi32> to vector<32xbf16>
          %mul3A_835 = arith.mulf %pack3A_821, %bitcast3A_834 : vector<32xbf16>
          %mul3A_836 = arith.constant 16 : i32
          %mul3A_837 = arith.muli %scan3A_345, %mul3A_836 : i32
          %add3A_838 = arith.constant 128 : i32
          %add3A_839 = arith.addi %add3A_838, %mul3A_837 : i32
          %add3A_840 = arith.constant 4 : i32
          %add3A_841 = arith.addi %add3A_839, %add3A_840 : i32
          %slice3A_842 = vector.extract_strided_slice %get3A_739 {offsets = [4], sizes = [1], strides = [1]} : vector<16xf32> to vector<1xf32>
          %squeeze3A_843 = vector.extract %slice3A_842[0] : f32 from vector<1xf32>
          %broadcast_in_dim3A_844 = vector.broadcast %squeeze3A_843 : f32 to vector<16xf32>
          %pack3A_845 = tpu.pack_subelements %broadcast_in_dim3A_844, %broadcast_in_dim3A_844 {pack_format = #tpu.pack_format<interleaved>, positions = array<i32: 0, 1>} : vector<16xf32>, vector<16xf32> -> vector<32xbf16>
          %get3A_846 = arith.constant 3 : i32
          %get3A_847 = arith.index_cast %get3A_846 : i32 to index
          %get3A_848 = arith.index_cast %add3A_841 : i32 to index
          %get3A_849 = arith.constant 0 : index
          %get3A_850 = tpu.vector_load %arg13[%get3A_847, %get3A_848, %get3A_849] {strides = array<i32>} : memref<4x256x32xi32, #tpu.memory_space<vmem>>, vector<16xi32>,
          %bitcast3A_851 = vector.bitcast %get3A_850 : vector<16xi32> to vector<32xbf16>
          %mul3A_852 = arith.mulf %pack3A_845, %bitcast3A_851 : vector<32xbf16>
          %get3A_853 = arith.constant 3 : i32
          %get3A_854 = arith.index_cast %get3A_853 : i32 to index
          %get3A_855 = arith.index_cast %add3A_841 : i32 to index
          %get3A_856 = arith.constant 16 : index
          %get3A_857 = tpu.vector_load %arg13[%get3A_854, %get3A_855, %get3A_856] {strides = array<i32>} : memref<4x256x32xi32, #tpu.memory_space<vmem>>, vector<16xi32>,
          %bitcast3A_858 = vector.bitcast %get3A_857 : vector<16xi32> to vector<32xbf16>
          %mul3A_859 = arith.mulf %pack3A_845, %bitcast3A_858 : vector<32xbf16>
          %mul3A_860 = arith.constant 16 : i32
          %mul3A_861 = arith.muli %scan3A_345, %mul3A_860 : i32
          %add3A_862 = arith.constant 128 : i32
          %add3A_863 = arith.addi %add3A_862, %mul3A_861 : i32
          %add3A_864 = arith.constant 5 : i32
          %add3A_865 = arith.addi %add3A_863, %add3A_864 : i32
          %slice3A_866 = vector.extract_strided_slice %get3A_739 {offsets = [5], sizes = [1], strides = [1]} : vector<16xf32> to vector<1xf32>
          %squeeze3A_867 = vector.extract %slice3A_866[0] : f32 from vector<1xf32>
          %broadcast_in_dim3A_868 = vector.broadcast %squeeze3A_867 : f32 to vector<16xf32>
          %pack3A_869 = tpu.pack_subelements %broadcast_in_dim3A_868, %broadcast_in_dim3A_868 {pack_format = #tpu.pack_format<interleaved>, positions = array<i32: 0, 1>} : vector<16xf32>, vector<16xf32> -> vector<32xbf16>
          %get3A_870 = arith.constant 3 : i32
          %get3A_871 = arith.index_cast %get3A_870 : i32 to index
          %get3A_872 = arith.index_cast %add3A_865 : i32 to index
          %get3A_873 = arith.constant 0 : index
          %get3A_874 = tpu.vector_load %arg13[%get3A_871, %get3A_872, %get3A_873] {strides = array<i32>} : memref<4x256x32xi32, #tpu.memory_space<vmem>>, vector<16xi32>,
          %bitcast3A_875 = vector.bitcast %get3A_874 : vector<16xi32> to vector<32xbf16>
          %mul3A_876 = arith.mulf %pack3A_869, %bitcast3A_875 : vector<32xbf16>
          %get3A_877 = arith.constant 3 : i32
          %get3A_878 = arith.index_cast %get3A_877 : i32 to index
          %get3A_879 = arith.index_cast %add3A_865 : i32 to index
          %get3A_880 = arith.constant 16 : index
          %get3A_881 = tpu.vector_load %arg13[%get3A_878, %get3A_879, %get3A_880] {strides = array<i32>} : memref<4x256x32xi32, #tpu.memory_space<vmem>>, vector<16xi32>,
          %bitcast3A_882 = vector.bitcast %get3A_881 : vector<16xi32> to vector<32xbf16>
          %mul3A_883 = arith.mulf %pack3A_869, %bitcast3A_882 : vector<32xbf16>
          %mul3A_884 = arith.constant 16 : i32
          %mul3A_885 = arith.muli %scan3A_345, %mul3A_884 : i32
          %add3A_886 = arith.constant 128 : i32
          %add3A_887 = arith.addi %add3A_886, %mul3A_885 : i32
          %add3A_888 = arith.constant 6 : i32
          %add3A_889 = arith.addi %add3A_887, %add3A_888 : i32
          %slice3A_890 = vector.extract_strided_slice %get3A_739 {offsets = [6], sizes = [1], strides = [1]} : vector<16xf32> to vector<1xf32>
          %squeeze3A_891 = vector.extract %slice3A_890[0] : f32 from vector<1xf32>
          %broadcast_in_dim3A_892 = vector.broadcast %squeeze3A_891 : f32 to vector<16xf32>
          %pack3A_893 = tpu.pack_subelements %broadcast_in_dim3A_892, %broadcast_in_dim3A_892 {pack_format = #tpu.pack_format<interleaved>, positions = array<i32: 0, 1>} : vector<16xf32>, vector<16xf32> -> vector<32xbf16>
          %get3A_894 = arith.constant 3 : i32
          %get3A_895 = arith.index_cast %get3A_894 : i32 to index
          %get3A_896 = arith.index_cast %add3A_889 : i32 to index
          %get3A_897 = arith.constant 0 : index
          %get3A_898 = tpu.vector_load %arg13[%get3A_895, %get3A_896, %get3A_897] {strides = array<i32>} : memref<4x256x32xi32, #tpu.memory_space<vmem>>, vector<16xi32>,
          %bitcast3A_899 = vector.bitcast %get3A_898 : vector<16xi32> to vector<32xbf16>
          %mul3A_900 = arith.mulf %pack3A_893, %bitcast3A_899 : vector<32xbf16>
          %get3A_901 = arith.constant 3 : i32
          %get3A_902 = arith.index_cast %get3A_901 : i32 to index
          %get3A_903 = arith.index_cast %add3A_889 : i32 to index
          %get3A_904 = arith.constant 16 : index
          %get3A_905 = tpu.vector_load %arg13[%get3A_902, %get3A_903, %get3A_904] {strides = array<i32>} : memref<4x256x32xi32, #tpu.memory_space<vmem>>, vector<16xi32>,
          %bitcast3A_906 = vector.bitcast %get3A_905 : vector<16xi32> to vector<32xbf16>
          %mul3A_907 = arith.mulf %pack3A_893, %bitcast3A_906 : vector<32xbf16>
          %mul3A_908 = arith.constant 16 : i32
          %mul3A_909 = arith.muli %scan3A_345, %mul3A_908 : i32
          %add3A_910 = arith.constant 128 : i32
          %add3A_911 = arith.addi %add3A_910, %mul3A_909 : i32
          %add3A_912 = arith.constant 7 : i32
          %add3A_913 = arith.addi %add3A_911, %add3A_912 : i32
          %slice3A_914 = vector.extract_strided_slice %get3A_739 {offsets = [7], sizes = [1], strides = [1]} : vector<16xf32> to vector<1xf32>
          %squeeze3A_915 = vector.extract %slice3A_914[0] : f32 from vector<1xf32>
          %broadcast_in_dim3A_916 = vector.broadcast %squeeze3A_915 : f32 to vector<16xf32>
          %pack3A_917 = tpu.pack_subelements %broadcast_in_dim3A_916, %broadcast_in_dim3A_916 {pack_format = #tpu.pack_format<interleaved>, positions = array<i32: 0, 1>} : vector<16xf32>, vector<16xf32> -> vector<32xbf16>
          %get3A_918 = arith.constant 3 : i32
          %get3A_919 = arith.index_cast %get3A_918 : i32 to index
          %get3A_920 = arith.index_cast %add3A_913 : i32 to index
          %get3A_921 = arith.constant 0 : index
          %get3A_922 = tpu.vector_load %arg13[%get3A_919, %get3A_920, %get3A_921] {strides = array<i32>} : memref<4x256x32xi32, #tpu.memory_space<vmem>>, vector<16xi32>,
          %bitcast3A_923 = vector.bitcast %get3A_922 : vector<16xi32> to vector<32xbf16>
          %mul3A_924 = arith.mulf %pack3A_917, %bitcast3A_923 : vector<32xbf16>
          %get3A_925 = arith.constant 3 : i32
          %get3A_926 = arith.index_cast %get3A_925 : i32 to index
          %get3A_927 = arith.index_cast %add3A_913 : i32 to index
          %get3A_928 = arith.constant 16 : index
          %get3A_929 = tpu.vector_load %arg13[%get3A_926, %get3A_927, %get3A_928] {strides = array<i32>} : memref<4x256x32xi32, #tpu.memory_space<vmem>>, vector<16xi32>,
          %bitcast3A_930 = vector.bitcast %get3A_929 : vector<16xi32> to vector<32xbf16>
          %mul3A_931 = arith.mulf %pack3A_917, %bitcast3A_930 : vector<32xbf16>
          %mul3A_932 = arith.constant 16 : i32
          %mul3A_933 = arith.muli %scan3A_345, %mul3A_932 : i32
          %add3A_934 = arith.constant 128 : i32
          %add3A_935 = arith.addi %add3A_934, %mul3A_933 : i32
          %add3A_936 = arith.constant 8 : i32
          %add3A_937 = arith.addi %add3A_935, %add3A_936 : i32
          %slice3A_938 = vector.extract_strided_slice %get3A_739 {offsets = [8], sizes = [1], strides = [1]} : vector<16xf32> to vector<1xf32>
          %squeeze3A_939 = vector.extract %slice3A_938[0] : f32 from vector<1xf32>
          %broadcast_in_dim3A_940 = vector.broadcast %squeeze3A_939 : f32 to vector<16xf32>
          %pack3A_941 = tpu.pack_subelements %broadcast_in_dim3A_940, %broadcast_in_dim3A_940 {pack_format = #tpu.pack_format<interleaved>, positions = array<i32: 0, 1>} : vector<16xf32>, vector<16xf32> -> vector<32xbf16>
          %get3A_942 = arith.constant 3 : i32
          %get3A_943 = arith.index_cast %get3A_942 : i32 to index
          %get3A_944 = arith.index_cast %add3A_937 : i32 to index
          %get3A_945 = arith.constant 0 : index
          %get3A_946 = tpu.vector_load %arg13[%get3A_943, %get3A_944, %get3A_945] {strides = array<i32>} : memref<4x256x32xi32, #tpu.memory_space<vmem>>, vector<16xi32>,
          %bitcast3A_947 = vector.bitcast %get3A_946 : vector<16xi32> to vector<32xbf16>
          %mul3A_948 = arith.mulf %pack3A_941, %bitcast3A_947 : vector<32xbf16>
          %get3A_949 = arith.constant 3 : i32
          %get3A_950 = arith.index_cast %get3A_949 : i32 to index
          %get3A_951 = arith.index_cast %add3A_937 : i32 to index
          %get3A_952 = arith.constant 16 : index
          %get3A_953 = tpu.vector_load %arg13[%get3A_950, %get3A_951, %get3A_952] {strides = array<i32>} : memref<4x256x32xi32, #tpu.memory_space<vmem>>, vector<16xi32>,
          %bitcast3A_954 = vector.bitcast %get3A_953 : vector<16xi32> to vector<32xbf16>
          %mul3A_955 = arith.mulf %pack3A_941, %bitcast3A_954 : vector<32xbf16>
          %mul3A_956 = arith.constant 16 : i32
          %mul3A_957 = arith.muli %scan3A_345, %mul3A_956 : i32
          %add3A_958 = arith.constant 128 : i32
          %add3A_959 = arith.addi %add3A_958, %mul3A_957 : i32
          %add3A_960 = arith.constant 9 : i32
          %add3A_961 = arith.addi %add3A_959, %add3A_960 : i32
          %slice3A_962 = vector.extract_strided_slice %get3A_739 {offsets = [9], sizes = [1], strides = [1]} : vector<16xf32> to vector<1xf32>
          %squeeze3A_963 = vector.extract %slice3A_962[0] : f32 from vector<1xf32>
          %broadcast_in_dim3A_964 = vector.broadcast %squeeze3A_963 : f32 to vector<16xf32>
          %pack3A_965 = tpu.pack_subelements %broadcast_in_dim3A_964, %broadcast_in_dim3A_964 {pack_format = #tpu.pack_format<interleaved>, positions = array<i32: 0, 1>} : vector<16xf32>, vector<16xf32> -> vector<32xbf16>
          %get3A_966 = arith.constant 3 : i32
          %get3A_967 = arith.index_cast %get3A_966 : i32 to index
          %get3A_968 = arith.index_cast %add3A_961 : i32 to index
          %get3A_969 = arith.constant 0 : index
          %get3A_970 = tpu.vector_load %arg13[%get3A_967, %get3A_968, %get3A_969] {strides = array<i32>} : memref<4x256x32xi32, #tpu.memory_space<vmem>>, vector<16xi32>,
          %bitcast3A_971 = vector.bitcast %get3A_970 : vector<16xi32> to vector<32xbf16>
          %mul3A_972 = arith.mulf %pack3A_965, %bitcast3A_971 : vector<32xbf16>
          %get3A_973 = arith.constant 3 : i32
          %get3A_974 = arith.index_cast %get3A_973 : i32 to index
          %get3A_975 = arith.index_cast %add3A_961 : i32 to index
          %get3A_976 = arith.constant 16 : index
          %get3A_977 = tpu.vector_load %arg13[%get3A_974, %get3A_975, %get3A_976] {strides = array<i32>} : memref<4x256x32xi32, #tpu.memory_space<vmem>>, vector<16xi32>,
          %bitcast3A_978 = vector.bitcast %get3A_977 : vector<16xi32> to vector<32xbf16>
          %mul3A_979 = arith.mulf %pack3A_965, %bitcast3A_978 : vector<32xbf16>
          %mul3A_980 = arith.constant 16 : i32
          %mul3A_981 = arith.muli %scan3A_345, %mul3A_980 : i32
          %add3A_982 = arith.constant 128 : i32
          %add3A_983 = arith.addi %add3A_982, %mul3A_981 : i32
          %add3A_984 = arith.constant 10 : i32
          %add3A_985 = arith.addi %add3A_983, %add3A_984 : i32
          %slice3A_986 = vector.extract_strided_slice %get3A_739 {offsets = [10], sizes = [1], strides = [1]} : vector<16xf32> to vector<1xf32>
          %squeeze3A_987 = vector.extract %slice3A_986[0] : f32 from vector<1xf32>
          %broadcast_in_dim3A_988 = vector.broadcast %squeeze3A_987 : f32 to vector<16xf32>
          %pack3A_989 = tpu.pack_subelements %broadcast_in_dim3A_988, %broadcast_in_dim3A_988 {pack_format = #tpu.pack_format<interleaved>, positions = array<i32: 0, 1>} : vector<16xf32>, vector<16xf32> -> vector<32xbf16>
          %get3A_990 = arith.constant 3 : i32
          %get3A_991 = arith.index_cast %get3A_990 : i32 to index
          %get3A_992 = arith.index_cast %add3A_985 : i32 to index
          %get3A_993 = arith.constant 0 : index
          %get3A_994 = tpu.vector_load %arg13[%get3A_991, %get3A_992, %get3A_993] {strides = array<i32>} : memref<4x256x32xi32, #tpu.memory_space<vmem>>, vector<16xi32>,
          %bitcast3A_995 = vector.bitcast %get3A_994 : vector<16xi32> to vector<32xbf16>
          %mul3A_996 = arith.mulf %pack3A_989, %bitcast3A_995 : vector<32xbf16>
          %get3A_997 = arith.constant 3 : i32
          %get3A_998 = arith.index_cast %get3A_997 : i32 to index
          %get3A_999 = arith.index_cast %add3A_985 : i32 to index
          %get3A_1000 = arith.constant 16 : index
          %get3A_1001 = tpu.vector_load %arg13[%get3A_998, %get3A_999, %get3A_1000] {strides = array<i32>} : memref<4x256x32xi32, #tpu.memory_space<vmem>>, vector<16xi32>,
          %bitcast3A_1002 = vector.bitcast %get3A_1001 : vector<16xi32> to vector<32xbf16>
          %mul3A_1003 = arith.mulf %pack3A_989, %bitcast3A_1002 : vector<32xbf16>
          %mul3A_1004 = arith.constant 16 : i32
          %mul3A_1005 = arith.muli %scan3A_345, %mul3A_1004 : i32
          %add3A_1006 = arith.constant 128 : i32
          %add3A_1007 = arith.addi %add3A_1006, %mul3A_1005 : i32
          %add3A_1008 = arith.constant 11 : i32
          %add3A_1009 = arith.addi %add3A_1007, %add3A_1008 : i32
          %slice3A_1010 = vector.extract_strided_slice %get3A_739 {offsets = [11], sizes = [1], strides = [1]} : vector<16xf32> to vector<1xf32>
          %squeeze3A_1011 = vector.extract %slice3A_1010[0] : f32 from vector<1xf32>
          %broadcast_in_dim3A_1012 = vector.broadcast %squeeze3A_1011 : f32 to vector<16xf32>
          %pack3A_1013 = tpu.pack_subelements %broadcast_in_dim3A_1012, %broadcast_in_dim3A_1012 {pack_format = #tpu.pack_format<interleaved>, positions = array<i32: 0, 1>} : vector<16xf32>, vector<16xf32> -> vector<32xbf16>
          %get3A_1014 = arith.constant 3 : i32
          %get3A_1015 = arith.index_cast %get3A_1014 : i32 to index
          %get3A_1016 = arith.index_cast %add3A_1009 : i32 to index
          %get3A_1017 = arith.constant 0 : index
          %get3A_1018 = tpu.vector_load %arg13[%get3A_1015, %get3A_1016, %get3A_1017] {strides = array<i32>} : memref<4x256x32xi32, #tpu.memory_space<vmem>>, vector<16xi32>,
          %bitcast3A_1019 = vector.bitcast %get3A_1018 : vector<16xi32> to vector<32xbf16>
          %mul3A_1020 = arith.mulf %pack3A_1013, %bitcast3A_1019 : vector<32xbf16>
          %get3A_1021 = arith.constant 3 : i32
          %get3A_1022 = arith.index_cast %get3A_1021 : i32 to index
          %get3A_1023 = arith.index_cast %add3A_1009 : i32 to index
          %get3A_1024 = arith.constant 16 : index
          %get3A_1025 = tpu.vector_load %arg13[%get3A_1022, %get3A_1023, %get3A_1024] {strides = array<i32>} : memref<4x256x32xi32, #tpu.memory_space<vmem>>, vector<16xi32>,
          %bitcast3A_1026 = vector.bitcast %get3A_1025 : vector<16xi32> to vector<32xbf16>
          %mul3A_1027 = arith.mulf %pack3A_1013, %bitcast3A_1026 : vector<32xbf16>
          %mul3A_1028 = arith.constant 16 : i32
          %mul3A_1029 = arith.muli %scan3A_345, %mul3A_1028 : i32
          %add3A_1030 = arith.constant 128 : i32
          %add3A_1031 = arith.addi %add3A_1030, %mul3A_1029 : i32
          %add3A_1032 = arith.constant 12 : i32
          %add3A_1033 = arith.addi %add3A_1031, %add3A_1032 : i32
          %slice3A_1034 = vector.extract_strided_slice %get3A_739 {offsets = [12], sizes = [1], strides = [1]} : vector<16xf32> to vector<1xf32>
          %squeeze3A_1035 = vector.extract %slice3A_1034[0] : f32 from vector<1xf32>
          %broadcast_in_dim3A_1036 = vector.broadcast %squeeze3A_1035 : f32 to vector<16xf32>
          %pack3A_1037 = tpu.pack_subelements %broadcast_in_dim3A_1036, %broadcast_in_dim3A_1036 {pack_format = #tpu.pack_format<interleaved>, positions = array<i32: 0, 1>} : vector<16xf32>, vector<16xf32> -> vector<32xbf16>
          %get3A_1038 = arith.constant 3 : i32
          %get3A_1039 = arith.index_cast %get3A_1038 : i32 to index
          %get3A_1040 = arith.index_cast %add3A_1033 : i32 to index
          %get3A_1041 = arith.constant 0 : index
          %get3A_1042 = tpu.vector_load %arg13[%get3A_1039, %get3A_1040, %get3A_1041] {strides = array<i32>} : memref<4x256x32xi32, #tpu.memory_space<vmem>>, vector<16xi32>,
          %bitcast3A_1043 = vector.bitcast %get3A_1042 : vector<16xi32> to vector<32xbf16>
          %mul3A_1044 = arith.mulf %pack3A_1037, %bitcast3A_1043 : vector<32xbf16>
          %get3A_1045 = arith.constant 3 : i32
          %get3A_1046 = arith.index_cast %get3A_1045 : i32 to index
          %get3A_1047 = arith.index_cast %add3A_1033 : i32 to index
          %get3A_1048 = arith.constant 16 : index
          %get3A_1049 = tpu.vector_load %arg13[%get3A_1046, %get3A_1047, %get3A_1048] {strides = array<i32>} : memref<4x256x32xi32, #tpu.memory_space<vmem>>, vector<16xi32>,
          %bitcast3A_1050 = vector.bitcast %get3A_1049 : vector<16xi32> to vector<32xbf16>
          %mul3A_1051 = arith.mulf %pack3A_1037, %bitcast3A_1050 : vector<32xbf16>
          %mul3A_1052 = arith.constant 16 : i32
          %mul3A_1053 = arith.muli %scan3A_345, %mul3A_1052 : i32
          %add3A_1054 = arith.constant 128 : i32
          %add3A_1055 = arith.addi %add3A_1054, %mul3A_1053 : i32
          %add3A_1056 = arith.constant 13 : i32
          %add3A_1057 = arith.addi %add3A_1055, %add3A_1056 : i32
          %slice3A_1058 = vector.extract_strided_slice %get3A_739 {offsets = [13], sizes = [1], strides = [1]} : vector<16xf32> to vector<1xf32>
          %squeeze3A_1059 = vector.extract %slice3A_1058[0] : f32 from vector<1xf32>
          %broadcast_in_dim3A_1060 = vector.broadcast %squeeze3A_1059 : f32 to vector<16xf32>
          %pack3A_1061 = tpu.pack_subelements %broadcast_in_dim3A_1060, %broadcast_in_dim3A_1060 {pack_format = #tpu.pack_format<interleaved>, positions = array<i32: 0, 1>} : vector<16xf32>, vector<16xf32> -> vector<32xbf16>
          %get3A_1062 = arith.constant 3 : i32
          %get3A_1063 = arith.index_cast %get3A_1062 : i32 to index
          %get3A_1064 = arith.index_cast %add3A_1057 : i32 to index
          %get3A_1065 = arith.constant 0 : index
          %get3A_1066 = tpu.vector_load %arg13[%get3A_1063, %get3A_1064, %get3A_1065] {strides = array<i32>} : memref<4x256x32xi32, #tpu.memory_space<vmem>>, vector<16xi32>,
          %bitcast3A_1067 = vector.bitcast %get3A_1066 : vector<16xi32> to vector<32xbf16>
          %mul3A_1068 = arith.mulf %pack3A_1061, %bitcast3A_1067 : vector<32xbf16>
          %get3A_1069 = arith.constant 3 : i32
          %get3A_1070 = arith.index_cast %get3A_1069 : i32 to index
          %get3A_1071 = arith.index_cast %add3A_1057 : i32 to index
          %get3A_1072 = arith.constant 16 : index
          %get3A_1073 = tpu.vector_load %arg13[%get3A_1070, %get3A_1071, %get3A_1072] {strides = array<i32>} : memref<4x256x32xi32, #tpu.memory_space<vmem>>, vector<16xi32>,
          %bitcast3A_1074 = vector.bitcast %get3A_1073 : vector<16xi32> to vector<32xbf16>
          %mul3A_1075 = arith.mulf %pack3A_1061, %bitcast3A_1074 : vector<32xbf16>
          %mul3A_1076 = arith.constant 16 : i32
          %mul3A_1077 = arith.muli %scan3A_345, %mul3A_1076 : i32
          %add3A_1078 = arith.constant 128 : i32
          %add3A_1079 = arith.addi %add3A_1078, %mul3A_1077 : i32
          %add3A_1080 = arith.constant 14 : i32
          %add3A_1081 = arith.addi %add3A_1079, %add3A_1080 : i32
          %slice3A_1082 = vector.extract_strided_slice %get3A_739 {offsets = [14], sizes = [1], strides = [1]} : vector<16xf32> to vector<1xf32>
          %squeeze3A_1083 = vector.extract %slice3A_1082[0] : f32 from vector<1xf32>
          %broadcast_in_dim3A_1084 = vector.broadcast %squeeze3A_1083 : f32 to vector<16xf32>
          %pack3A_1085 = tpu.pack_subelements %broadcast_in_dim3A_1084, %broadcast_in_dim3A_1084 {pack_format = #tpu.pack_format<interleaved>, positions = array<i32: 0, 1>} : vector<16xf32>, vector<16xf32> -> vector<32xbf16>
          %get3A_1086 = arith.constant 3 : i32
          %get3A_1087 = arith.index_cast %get3A_1086 : i32 to index
          %get3A_1088 = arith.index_cast %add3A_1081 : i32 to index
          %get3A_1089 = arith.constant 0 : index
          %get3A_1090 = tpu.vector_load %arg13[%get3A_1087, %get3A_1088, %get3A_1089] {strides = array<i32>} : memref<4x256x32xi32, #tpu.memory_space<vmem>>, vector<16xi32>,
          %bitcast3A_1091 = vector.bitcast %get3A_1090 : vector<16xi32> to vector<32xbf16>
          %mul3A_1092 = arith.mulf %pack3A_1085, %bitcast3A_1091 : vector<32xbf16>
          %get3A_1093 = arith.constant 3 : i32
          %get3A_1094 = arith.index_cast %get3A_1093 : i32 to index
          %get3A_1095 = arith.index_cast %add3A_1081 : i32 to index
          %get3A_1096 = arith.constant 16 : index
          %get3A_1097 = tpu.vector_load %arg13[%get3A_1094, %get3A_1095, %get3A_1096] {strides = array<i32>} : memref<4x256x32xi32, #tpu.memory_space<vmem>>, vector<16xi32>,
          %bitcast3A_1098 = vector.bitcast %get3A_1097 : vector<16xi32> to vector<32xbf16>
          %mul3A_1099 = arith.mulf %pack3A_1085, %bitcast3A_1098 : vector<32xbf16>
          %mul3A_1100 = arith.constant 16 : i32
          %mul3A_1101 = arith.muli %scan3A_345, %mul3A_1100 : i32
          %add3A_1102 = arith.constant 128 : i32
          %add3A_1103 = arith.addi %add3A_1102, %mul3A_1101 : i32
          %add3A_1104 = arith.constant 15 : i32
          %add3A_1105 = arith.addi %add3A_1103, %add3A_1104 : i32
          %slice3A_1106 = vector.extract_strided_slice %get3A_739 {offsets = [15], sizes = [1], strides = [1]} : vector<16xf32> to vector<1xf32>
          %squeeze3A_1107 = vector.extract %slice3A_1106[0] : f32 from vector<1xf32>
          %broadcast_in_dim3A_1108 = vector.broadcast %squeeze3A_1107 : f32 to vector<16xf32>
          %pack3A_1109 = tpu.pack_subelements %broadcast_in_dim3A_1108, %broadcast_in_dim3A_1108 {pack_format = #tpu.pack_format<interleaved>, positions = array<i32: 0, 1>} : vector<16xf32>, vector<16xf32> -> vector<32xbf16>
          %get3A_1110 = arith.constant 3 : i32
          %get3A_1111 = arith.index_cast %get3A_1110 : i32 to index
          %get3A_1112 = arith.index_cast %add3A_1105 : i32 to index
          %get3A_1113 = arith.constant 0 : index
          %get3A_1114 = tpu.vector_load %arg13[%get3A_1111, %get3A_1112, %get3A_1113] {strides = array<i32>} : memref<4x256x32xi32, #tpu.memory_space<vmem>>, vector<16xi32>,
          %bitcast3A_1115 = vector.bitcast %get3A_1114 : vector<16xi32> to vector<32xbf16>
          %mul3A_1116 = arith.mulf %pack3A_1109, %bitcast3A_1115 : vector<32xbf16>
          %get3A_1117 = arith.constant 3 : i32
          %get3A_1118 = arith.index_cast %get3A_1117 : i32 to index
          %get3A_1119 = arith.index_cast %add3A_1105 : i32 to index
          %get3A_1120 = arith.constant 16 : index
          %get3A_1121 = tpu.vector_load %arg13[%get3A_1118, %get3A_1119, %get3A_1120] {strides = array<i32>} : memref<4x256x32xi32, #tpu.memory_space<vmem>>, vector<16xi32>,
          %bitcast3A_1122 = vector.bitcast %get3A_1121 : vector<16xi32> to vector<32xbf16>
          %mul3A_1123 = arith.mulf %pack3A_1109, %bitcast3A_1122 : vector<32xbf16>
          %add3A_1124 = arith.addf %mul3A_365, %mul3A_389 : vector<32xbf16>
          %add3A_1125 = arith.addf %mul3A_413, %mul3A_437 : vector<32xbf16>
          %add3A_1126 = arith.addf %mul3A_461, %mul3A_485 : vector<32xbf16>
          %add3A_1127 = arith.addf %mul3A_509, %mul3A_533 : vector<32xbf16>
          %add3A_1128 = arith.addf %mul3A_557, %mul3A_581 : vector<32xbf16>
          %add3A_1129 = arith.addf %mul3A_605, %mul3A_629 : vector<32xbf16>
          %add3A_1130 = arith.addf %mul3A_653, %mul3A_677 : vector<32xbf16>
          %add3A_1131 = arith.addf %mul3A_701, %mul3A_725 : vector<32xbf16>
          %add3A_1132 = arith.addf %mul3A_756, %mul3A_780 : vector<32xbf16>
          %add3A_1133 = arith.addf %mul3A_804, %mul3A_828 : vector<32xbf16>
          %add3A_1134 = arith.addf %mul3A_852, %mul3A_876 : vector<32xbf16>
          %add3A_1135 = arith.addf %mul3A_900, %mul3A_924 : vector<32xbf16>
          %add3A_1136 = arith.addf %mul3A_948, %mul3A_972 : vector<32xbf16>
          %add3A_1137 = arith.addf %mul3A_996, %mul3A_1020 : vector<32xbf16>
          %add3A_1138 = arith.addf %mul3A_1044, %mul3A_1068 : vector<32xbf16>
          %add3A_1139 = arith.addf %mul3A_1092, %mul3A_1116 : vector<32xbf16>
          %add3A_1140 = arith.addf %add3A_1124, %add3A_1125 : vector<32xbf16>
          %add3A_1141 = arith.addf %add3A_1126, %add3A_1127 : vector<32xbf16>
          %add3A_1142 = arith.addf %add3A_1128, %add3A_1129 : vector<32xbf16>
          %add3A_1143 = arith.addf %add3A_1130, %add3A_1131 : vector<32xbf16>
          %add3A_1144 = arith.addf %add3A_1132, %add3A_1133 : vector<32xbf16>
          %add3A_1145 = arith.addf %add3A_1134, %add3A_1135 : vector<32xbf16>
          %add3A_1146 = arith.addf %add3A_1136, %add3A_1137 : vector<32xbf16>
          %add3A_1147 = arith.addf %add3A_1138, %add3A_1139 : vector<32xbf16>
          %add3A_1148 = arith.addf %add3A_1140, %add3A_1141 : vector<32xbf16>
          %add3A_1149 = arith.addf %add3A_1142, %add3A_1143 : vector<32xbf16>
          %add3A_1150 = arith.addf %add3A_1144, %add3A_1145 : vector<32xbf16>
          %add3A_1151 = arith.addf %add3A_1146, %add3A_1147 : vector<32xbf16>
          %add3A_1152 = arith.addf %add3A_1148, %add3A_1149 : vector<32xbf16>
          %add3A_1153 = arith.addf %add3A_1150, %add3A_1151 : vector<32xbf16>
          %add3A_1154 = arith.addf %add3A_1152, %add3A_1153 : vector<32xbf16>
          %mul3A_1155 = arith.constant 64 : i32
          %mul3A_1156 = arith.muli %scan3A_345, %mul3A_1155 : i32
          %add3A_1157 = arith.constant 0 : i32
          %add3A_1158 = arith.addi %mul3A_1156, %add3A_1157 : i32
          %swap3A_1159 = arith.index_cast %add3A_307 : i32 to index
          %swap3A_1160 = arith.index_cast %add3A_1158 : i32 to index
          %swap3A_1161 = tpu.vector_load %arg14[%swap3A_1159, %swap3A_1160] {strides = array<i32>} : memref<64x512xbf16, #tpu.memory_space<vmem>>, vector<32xbf16>,
          tpu.vector_store %arg14[%swap3A_1159, %swap3A_1160], %add3A_1154 {strides = array<i32>} : memref<64x512xbf16, #tpu.memory_space<vmem>>, vector<32xbf16>,
          %add3A_1162 = arith.addf %mul3A_372, %mul3A_396 : vector<32xbf16>
          %add3A_1163 = arith.addf %mul3A_420, %mul3A_444 : vector<32xbf16>
          %add3A_1164 = arith.addf %mul3A_468, %mul3A_492 : vector<32xbf16>
          %add3A_1165 = arith.addf %mul3A_516, %mul3A_540 : vector<32xbf16>
          %add3A_1166 = arith.addf %mul3A_564, %mul3A_588 : vector<32xbf16>
          %add3A_1167 = arith.addf %mul3A_612, %mul3A_636 : vector<32xbf16>
          %add3A_1168 = arith.addf %mul3A_660, %mul3A_684 : vector<32xbf16>
          %add3A_1169 = arith.addf %mul3A_708, %mul3A_732 : vector<32xbf16>
          %add3A_1170 = arith.addf %mul3A_763, %mul3A_787 : vector<32xbf16>
          %add3A_1171 = arith.addf %mul3A_811, %mul3A_835 : vector<32xbf16>
          %add3A_1172 = arith.addf %mul3A_859, %mul3A_883 : vector<32xbf16>
          %add3A_1173 = arith.addf %mul3A_907, %mul3A_931 : vector<32xbf16>
          %add3A_1174 = arith.addf %mul3A_955, %mul3A_979 : vector<32xbf16>
          %add3A_1175 = arith.addf %mul3A_1003, %mul3A_1027 : vector<32xbf16>
          %add3A_1176 = arith.addf %mul3A_1051, %mul3A_1075 : vector<32xbf16>
          %add3A_1177 = arith.addf %mul3A_1099, %mul3A_1123 : vector<32xbf16>
          %add3A_1178 = arith.addf %add3A_1162, %add3A_1163 : vector<32xbf16>
          %add3A_1179 = arith.addf %add3A_1164, %add3A_1165 : vector<32xbf16>
          %add3A_1180 = arith.addf %add3A_1166, %add3A_1167 : vector<32xbf16>
          %add3A_1181 = arith.addf %add3A_1168, %add3A_1169 : vector<32xbf16>
          %add3A_1182 = arith.addf %add3A_1170, %add3A_1171 : vector<32xbf16>
          %add3A_1183 = arith.addf %add3A_1172, %add3A_1173 : vector<32xbf16>
          %add3A_1184 = arith.addf %add3A_1174, %add3A_1175 : vector<32xbf16>
          %add3A_1185 = arith.addf %add3A_1176, %add3A_1177 : vector<32xbf16>
          %add3A_1186 = arith.addf %add3A_1178, %add3A_1179 : vector<32xbf16>
          %add3A_1187 = arith.addf %add3A_1180, %add3A_1181 : vector<32xbf16>
          %add3A_1188 = arith.addf %add3A_1182, %add3A_1183 : vector<32xbf16>
          %add3A_1189 = arith.addf %add3A_1184, %add3A_1185 : vector<32xbf16>
          %add3A_1190 = arith.addf %add3A_1186, %add3A_1187 : vector<32xbf16>
          %add3A_1191 = arith.addf %add3A_1188, %add3A_1189 : vector<32xbf16>
          %add3A_1192 = arith.addf %add3A_1190, %add3A_1191 : vector<32xbf16>
          %mul3A_1193 = arith.constant 64 : i32
          %mul3A_1194 = arith.muli %scan3A_345, %mul3A_1193 : i32
          %add3A_1195 = arith.constant 32 : i32
          %add3A_1196 = arith.addi %mul3A_1194, %add3A_1195 : i32
          %swap3A_1197 = arith.index_cast %add3A_307 : i32 to index
          %swap3A_1198 = arith.index_cast %add3A_1196 : i32 to index
          %swap3A_1199 = tpu.vector_load %arg14[%swap3A_1197, %swap3A_1198] {strides = array<i32>} : memref<64x512xbf16, #tpu.memory_space<vmem>>, vector<32xbf16>,
          tpu.vector_store %arg14[%swap3A_1197, %swap3A_1198], %add3A_1192 {strides = array<i32>} : memref<64x512xbf16, #tpu.memory_space<vmem>>, vector<32xbf16>,
          %scan3A_1200 = arith.constant 0 : i32
          scf.yield %scan3A_1200 : i32
        }
        %scan3A_343 = arith.constant 8 : i32
        %scan3A_344 = arith.constant 0 : i32
        scf.yield %scan3A_344 : i32
      }
      %scan3A_184 = arith.constant 16 : i32
      "tpu.region"() ({
        %run_scoped3A = tpu.sem_alloc : memref<!tpu.dma_semaphore, #tpu.memory_space<semaphore_mem>>
        %dma_start3A_186 = arith.constant 0 : i32
        %dma_start3A_187 = tpu.memref_slice %arg5[%add3A_99, %dma_start3A_186] : memref<32768x512xbf16, #tpu.memory_space<hbm>> -> memref<64x512xbf16, #tpu.memory_space<hbm>>
        %dma_start3A_188 = arith.constant 0 : i32
        %dma_start3A_189 = tpu.memref_slice %arg5[%add3A_99, %dma_start3A_188] : memref<32768x512xbf16, #tpu.memory_space<hbm>> -> memref<64x512xbf16, #tpu.memory_space<hbm>>
        tpu.enqueue_dma source(%arg14 : memref<64x512xbf16, #tpu.memory_space<vmem>>) target(%dma_start3A_189 : memref<64x512xbf16, #tpu.memory_space<hbm>>) target_semaphore(%run_scoped3A : memref<!tpu.dma_semaphore, #tpu.memory_space<semaphore_mem>>)
        %dma_wait3A = arith.constant 0 : i32
        %dma_wait3A_190 = tpu.memref_slice %arg5[%add3A_99, %dma_wait3A] : memref<32768x512xbf16, #tpu.memory_space<hbm>> -> memref<64x512xbf16, #tpu.memory_space<hbm>>
        %dma_wait3A_191 = arith.constant 0 : i32
        %dma_wait3A_192 = tpu.memref_slice %arg5[%add3A_99, %dma_wait3A_191] : memref<32768x512xbf16, #tpu.memory_space<hbm>> -> memref<64x512xbf16, #tpu.memory_space<hbm>>
        tpu.wait_dma2 semaphore(%run_scoped3A : memref<!tpu.dma_semaphore, #tpu.memory_space<semaphore_mem>>) src(%arg14 : memref<64x512xbf16, #tpu.memory_space<vmem>>) dst(%dma_wait3A_192 : memref<64x512xbf16, #tpu.memory_space<hbm>>)
        tpu.yield
      }) : () -> ()
      %scan3A_185 = arith.constant 0 : i32
      scf.yield %scan3A_185 : i32
    }
    %scan3A_94 = arith.constant 16 : i32
    return
  }
}

module attributes {stable_mosaic.version = 14 : i64} {
  func.func @_vproj_body(%arg0: i32, %arg1: memref<512x512xf32, #tpu.memory_space<vmem>>, %arg2: memref<512x256xf32, #tpu.memory_space<vmem>>, %arg3: memref<512x256xf32, #tpu.memory_space<vmem>>, %arg4: memref<1x256xf32, #tpu.memory_space<vmem>>, %arg5: memref<1x256xf32, #tpu.memory_space<vmem>>, %arg6: memref<512x256xi32, #tpu.memory_space<vmem>>) attributes {dimension_semantics = [#tpu.dimension_semantics<arbitrary>], iteration_bounds = array<i64: 64>, scalar_prefetch = 0 : i64, scratch_operands = 0 : i64, tpu.core_type = #tpu.core_type<tc>, window_params = [{transform_indices = @transform_0, window_bounds = array<i64: 512, 512>}, {pipeline_mode = #tpu.pipeline_mode<synchronous>, transform_indices = @transform_1, window_bounds = array<i64: 512, 256>}, {pipeline_mode = #tpu.pipeline_mode<synchronous>, transform_indices = @transform_2, window_bounds = array<i64: 512, 256>}, {pipeline_mode = #tpu.pipeline_mode<synchronous>, transform_indices = @transform_3, window_bounds = array<i64: 1, 256>}, {pipeline_mode = #tpu.pipeline_mode<synchronous>, transform_indices = @transform_4, window_bounds = array<i64: 1, 256>}, {transform_indices = @transform_5, window_bounds = array<i64: 512, 256>}]} {
    %get3A = arith.constant 0 : index
    %get3A_0 = arith.constant 0 : index
    %get3A_1 = vector.load %arg1[%get3A, %get3A_0] : memref<512x512xf32, #tpu.memory_space<vmem>>, vector<512x512xf32>
    %get3A_2 = arith.constant 0 : index
    %get3A_3 = arith.constant 0 : index
    %get3A_4 = vector.load %arg2[%get3A_2, %get3A_3] : memref<512x256xf32, #tpu.memory_space<vmem>>, vector<512x256xf32>
    %dot_general3A = arith.constant dense<0.000000e+00> : vector<512x256xf32>
    %dot_general3A_5 = tpu.matmul %get3A_1, %get3A_4, %dot_general3A {dimension_numbers = #tpu.dot_dimension_numbers<[1], [0], [0], [1], [0, 0, 1, 1], [], []>, transpose_lhs_hint = false} : vector<512x512xf32>, vector<512x256xf32>, vector<512x256xf32> -> vector<512x256xf32>
    %get3A_6 = arith.constant 0 : index
    %get3A_7 = arith.constant 0 : index
    %get3A_8 = vector.load %arg4[%get3A_6, %get3A_7] : memref<1x256xf32, #tpu.memory_space<vmem>>, vector<1x256xf32>
    %add3A = vector.broadcast %get3A_8 : vector<1x256xf32> to vector<512x256xf32>
    %add3A_9 = arith.addf %dot_general3A_5, %add3A : vector<512x256xf32>
    %get3A_10 = arith.constant 0 : index
    %get3A_11 = arith.constant 0 : index
    %get3A_12 = vector.load %arg3[%get3A_10, %get3A_11] : memref<512x256xf32, #tpu.memory_space<vmem>>, vector<512x256xf32>
    %dot_general3A_13 = arith.constant dense<0.000000e+00> : vector<512x256xf32>
    %dot_general3A_14 = tpu.matmul %get3A_1, %get3A_12, %dot_general3A_13 {dimension_numbers = #tpu.dot_dimension_numbers<[1], [0], [0], [1], [0, 0, 1, 1], [], []>, transpose_lhs_hint = false} : vector<512x512xf32>, vector<512x256xf32>, vector<512x256xf32> -> vector<512x256xf32>
    %get3A_15 = arith.constant 0 : index
    %get3A_16 = arith.constant 0 : index
    %get3A_17 = vector.load %arg5[%get3A_15, %get3A_16] : memref<1x256xf32, #tpu.memory_space<vmem>>, vector<1x256xf32>
    %add3A_18 = vector.broadcast %get3A_17 : vector<1x256xf32> to vector<512x256xf32>
    %add3A_19 = arith.addf %dot_general3A_14, %add3A_18 : vector<512x256xf32>
    %convert_element_type3A = arith.truncf %add3A_9 : vector<512x256xf32> to vector<512x256xbf16>
    %bitcast_convert_type3A = tpu.bitcast %convert_element_type3A : vector<512x256xbf16> -> vector<512x256xi16>
    %convert_element_type3A_20 = arith.extui %bitcast_convert_type3A : vector<512x256xi16> to vector<512x256xi32>
    %convert_element_type3A_21 = arith.truncf %add3A_19 : vector<512x256xf32> to vector<512x256xbf16>
    %bitcast_convert_type3A_22 = tpu.bitcast %convert_element_type3A_21 : vector<512x256xbf16> -> vector<512x256xi16>
    %convert_element_type3A_23 = arith.extui %bitcast_convert_type3A_22 : vector<512x256xi16> to vector<512x256xi32>
    %shift_left3A = arith.constant 16 : i32
    %shift_left3A_24 = vector.broadcast %shift_left3A : i32 to vector<512x256xi32>
    %shift_left3A_25 = arith.shli %convert_element_type3A_23, %shift_left3A_24 : vector<512x256xi32>
    %or3A = arith.ori %convert_element_type3A_20, %shift_left3A_25 : vector<512x256xi32>
    %swap3A = arith.constant 0 : index
    %swap3A_26 = arith.constant 0 : index
    %swap3A_27 = vector.load %arg6[%swap3A, %swap3A_26] : memref<512x256xi32, #tpu.memory_space<vmem>>, vector<512x256xi32>
    tpu.vector_store %arg6[%swap3A, %swap3A_26], %or3A {strides = array<i32>} : memref<512x256xi32, #tpu.memory_space<vmem>>, vector<512x256xi32>,
    return
  }
  func.func @transform_0(%arg0: i32) -> (i32, i32) {
    %c0_i32 = arith.constant 0 : i32
    %c0_i32_0 = arith.constant 0 : i32
    return %arg0, %c0_i32 : i32, i32
  }
  func.func @transform_1(%arg0: i32) -> (i32, i32) {
    %c0_i32 = arith.constant 0 : i32
    %c0_i32_0 = arith.constant 0 : i32
    %c0_i32_1 = arith.constant 0 : i32
    return %c0_i32, %c0_i32_0 : i32, i32
  }
  func.func @transform_2(%arg0: i32) -> (i32, i32) {
    %c0_i32 = arith.constant 0 : i32
    %c0_i32_0 = arith.constant 0 : i32
    %c0_i32_1 = arith.constant 0 : i32
    return %c0_i32, %c0_i32_0 : i32, i32
  }
  func.func @transform_3(%arg0: i32) -> (i32, i32) {
    %c0_i32 = arith.constant 0 : i32
    %c0_i32_0 = arith.constant 0 : i32
    %c0_i32_1 = arith.constant 0 : i32
    return %c0_i32, %c0_i32_0 : i32, i32
  }
  func.func @transform_4(%arg0: i32) -> (i32, i32) {
    %c0_i32 = arith.constant 0 : i32
    %c0_i32_0 = arith.constant 0 : i32
    %c0_i32_1 = arith.constant 0 : i32
    return %c0_i32, %c0_i32_0 : i32, i32
  }
  func.func @transform_5(%arg0: i32) -> (i32, i32) {
    %c0_i32 = arith.constant 0 : i32
    %c0_i32_0 = arith.constant 0 : i32
    return %arg0, %c0_i32 : i32, i32
  }
}

module attributes {stable_mosaic.version = 14 : i64} {
  func.func @_geom_body(%arg0: i32, %arg1: memref<512x512xf32, #tpu.memory_space<vmem>>, %arg2: memref<512x2xf32, #tpu.memory_space<vmem>>, %arg3: memref<512x128xf32, #tpu.memory_space<vmem>>, %arg4: memref<1x128xf32, #tpu.memory_space<vmem>>, %arg5: memref<512x128xf32, #tpu.memory_space<vmem>>, %arg6: memref<1x128xf32, #tpu.memory_space<vmem>>, %arg7: memref<512x128xi32, #tpu.memory_space<vmem>>, %arg8: memref<512x128xi32, #tpu.memory_space<vmem>>) attributes {dimension_semantics = [#tpu.dimension_semantics<arbitrary>], iteration_bounds = array<i64: 64>, scalar_prefetch = 0 : i64, scratch_operands = 0 : i64, tpu.core_type = #tpu.core_type<tc>, window_params = [{transform_indices = @transform_0, window_bounds = array<i64: 512, 512>}, {transform_indices = @transform_1, window_bounds = array<i64: 512, 2>}, {pipeline_mode = #tpu.pipeline_mode<synchronous>, transform_indices = @transform_2, window_bounds = array<i64: 512, 128>}, {pipeline_mode = #tpu.pipeline_mode<synchronous>, transform_indices = @transform_3, window_bounds = array<i64: 1, 128>}, {pipeline_mode = #tpu.pipeline_mode<synchronous>, transform_indices = @transform_4, window_bounds = array<i64: 512, 128>}, {pipeline_mode = #tpu.pipeline_mode<synchronous>, transform_indices = @transform_5, window_bounds = array<i64: 1, 128>}, {transform_indices = @transform_6, window_bounds = array<i64: 512, 128>}, {transform_indices = @transform_7, window_bounds = array<i64: 512, 128>}]} {
    %get3A = arith.constant 0 : index
    %get3A_0 = arith.constant 0 : index
    %get3A_1 = vector.load %arg1[%get3A, %get3A_0] : memref<512x512xf32, #tpu.memory_space<vmem>>, vector<512x512xf32>
    %get3A_2 = arith.constant 0 : index
    %get3A_3 = arith.constant 0 : index
    %get3A_4 = vector.load %arg3[%get3A_2, %get3A_3] : memref<512x128xf32, #tpu.memory_space<vmem>>, vector<512x128xf32>
    %dot_general3A = arith.constant dense<0.000000e+00> : vector<512x128xf32>
    %dot_general3A_5 = tpu.matmul %get3A_1, %get3A_4, %dot_general3A {dimension_numbers = #tpu.dot_dimension_numbers<[1], [0], [0], [1], [0, 0, 1, 1], [], []>, transpose_lhs_hint = false} : vector<512x512xf32>, vector<512x128xf32>, vector<512x128xf32> -> vector<512x128xf32>
    %get3A_6 = arith.constant 0 : index
    %get3A_7 = arith.constant 0 : index
    %get3A_8 = vector.load %arg4[%get3A_6, %get3A_7] : memref<1x128xf32, #tpu.memory_space<vmem>>, vector<1x128xf32>
    %add3A = vector.broadcast %get3A_8 : vector<1x128xf32> to vector<512x128xf32>
    %add3A_9 = arith.addf %dot_general3A_5, %add3A : vector<512x128xf32>
    %get3A_10 = arith.constant 0 : index
    %get3A_11 = arith.constant 0 : index
    %get3A_12 = vector.load %arg5[%get3A_10, %get3A_11] : memref<512x128xf32, #tpu.memory_space<vmem>>, vector<512x128xf32>
    %dot_general3A_13 = arith.constant dense<0.000000e+00> : vector<512x128xf32>
    %dot_general3A_14 = tpu.matmul %get3A_1, %get3A_12, %dot_general3A_13 {dimension_numbers = #tpu.dot_dimension_numbers<[1], [0], [0], [1], [0, 0, 1, 1], [], []>, transpose_lhs_hint = false} : vector<512x512xf32>, vector<512x128xf32>, vector<512x128xf32> -> vector<512x128xf32>
    %get3A_15 = arith.constant 0 : index
    %get3A_16 = arith.constant 0 : index
    %get3A_17 = vector.load %arg6[%get3A_15, %get3A_16] : memref<1x128xf32, #tpu.memory_space<vmem>>, vector<1x128xf32>
    %add3A_18 = vector.broadcast %get3A_17 : vector<1x128xf32> to vector<512x128xf32>
    %add3A_19 = arith.addf %dot_general3A_14, %add3A_18 : vector<512x128xf32>
    %reduce_max3A = arith.constant dense<0xFF800000> : vector<512xf32>
    %reduce_max3A_20 = vector.multi_reduction <maximumf>, %add3A_19, %reduce_max3A [1] : vector<512x128xf32> to vector<512xf32>
    %broadcast_in_dim3A = vector.shape_cast %reduce_max3A_20 : vector<512xf32> to vector<512x1xf32>
    %sub3A = vector.broadcast %broadcast_in_dim3A : vector<512x1xf32> to vector<512x128xf32>
    %sub3A_21 = arith.subf %add3A_19, %sub3A : vector<512x128xf32>
    %exp3A = math.exp %sub3A_21 : vector<512x128xf32>
    %iota3A = tpu.iota {dimensions = array<i32: 0>} : vector<128x128xi32>
    %jit3A = arith.constant 16 : i32
    %div3A = vector.broadcast %jit3A : i32 to vector<128x128xi32>
    %div3A_22 = arith.divsi %iota3A, %div3A : vector<128x128xi32>
    %sign3A = arith.constant 0 : i32
    %sign3A_23 = vector.broadcast %sign3A : i32 to vector<128x128xi32>
    %sign3A_24 = arith.cmpi sgt, %iota3A, %sign3A_23 : vector<128x128xi32>
    %sign3A_25 = arith.extui %sign3A_24 : vector<128x128xi1> to vector<128x128xi32>
    %sign3A_26 = arith.constant 0 : i32
    %sign3A_27 = vector.broadcast %sign3A_26 : i32 to vector<128x128xi32>
    %sign3A_28 = arith.cmpi slt, %iota3A, %sign3A_27 : vector<128x128xi32>
    %sign3A_29 = arith.extui %sign3A_28 : vector<128x128xi1> to vector<128x128xi32>
    %sign3A_30 = arith.subi %sign3A_25, %sign3A_29 : vector<128x128xi32>
    %sign3A_31 = arith.constant 0 : i32
    %sign3A_32 = arith.cmpi sgt, %jit3A, %sign3A_31 : i32
    %sign3A_33 = arith.extui %sign3A_32 : i1 to i32
    %sign3A_34 = arith.constant 0 : i32
    %sign3A_35 = arith.cmpi slt, %jit3A, %sign3A_34 : i32
    %sign3A_36 = arith.extui %sign3A_35 : i1 to i32
    %sign3A_37 = arith.subi %sign3A_33, %sign3A_36 : i32
    %ne3A = vector.broadcast %sign3A_37 : i32 to vector<128x128xi32>
    %ne3A_38 = arith.cmpi ne, %sign3A_30, %ne3A : vector<128x128xi32>
    %rem3A = vector.broadcast %jit3A : i32 to vector<128x128xi32>
    %rem3A_39 = arith.remsi %iota3A, %rem3A : vector<128x128xi32>
    %ne3A_40 = arith.constant 0 : i32
    %ne3A_41 = vector.broadcast %ne3A_40 : i32 to vector<128x128xi32>
    %ne3A_42 = arith.cmpi ne, %rem3A_39, %ne3A_41 : vector<128x128xi32>
    %and3A = arith.andi %ne3A_38, %ne3A_42 : vector<128x128xi1>
    %sub3A_43 = arith.constant 1 : i32
    %sub3A_44 = vector.broadcast %sub3A_43 : i32 to vector<128x128xi32>
    %sub3A_45 = arith.subi %div3A_22, %sub3A_44 : vector<128x128xi32>
    %select_n3A = arith.select %and3A, %sub3A_45, %div3A_22 : vector<128x128xi1>, vector<128x128xi32>
    %iota3A_46 = tpu.iota {dimensions = array<i32: 1>} : vector<128x128xi32>
    %jit3A_47 = arith.constant 16 : i32
    %div3A_48 = vector.broadcast %jit3A_47 : i32 to vector<128x128xi32>
    %div3A_49 = arith.divsi %iota3A_46, %div3A_48 : vector<128x128xi32>
    %sign3A_50 = arith.constant 0 : i32
    %sign3A_51 = vector.broadcast %sign3A_50 : i32 to vector<128x128xi32>
    %sign3A_52 = arith.cmpi sgt, %iota3A_46, %sign3A_51 : vector<128x128xi32>
    %sign3A_53 = arith.extui %sign3A_52 : vector<128x128xi1> to vector<128x128xi32>
    %sign3A_54 = arith.constant 0 : i32
    %sign3A_55 = vector.broadcast %sign3A_54 : i32 to vector<128x128xi32>
    %sign3A_56 = arith.cmpi slt, %iota3A_46, %sign3A_55 : vector<128x128xi32>
    %sign3A_57 = arith.extui %sign3A_56 : vector<128x128xi1> to vector<128x128xi32>
    %sign3A_58 = arith.subi %sign3A_53, %sign3A_57 : vector<128x128xi32>
    %sign3A_59 = arith.constant 0 : i32
    %sign3A_60 = arith.cmpi sgt, %jit3A_47, %sign3A_59 : i32
    %sign3A_61 = arith.extui %sign3A_60 : i1 to i32
    %sign3A_62 = arith.constant 0 : i32
    %sign3A_63 = arith.cmpi slt, %jit3A_47, %sign3A_62 : i32
    %sign3A_64 = arith.extui %sign3A_63 : i1 to i32
    %sign3A_65 = arith.subi %sign3A_61, %sign3A_64 : i32
    %ne3A_66 = vector.broadcast %sign3A_65 : i32 to vector<128x128xi32>
    %ne3A_67 = arith.cmpi ne, %sign3A_58, %ne3A_66 : vector<128x128xi32>
    %rem3A_68 = vector.broadcast %jit3A_47 : i32 to vector<128x128xi32>
    %rem3A_69 = arith.remsi %iota3A_46, %rem3A_68 : vector<128x128xi32>
    %ne3A_70 = arith.constant 0 : i32
    %ne3A_71 = vector.broadcast %ne3A_70 : i32 to vector<128x128xi32>
    %ne3A_72 = arith.cmpi ne, %rem3A_69, %ne3A_71 : vector<128x128xi32>
    %and3A_73 = arith.andi %ne3A_67, %ne3A_72 : vector<128x128xi1>
    %sub3A_74 = arith.constant 1 : i32
    %sub3A_75 = vector.broadcast %sub3A_74 : i32 to vector<128x128xi32>
    %sub3A_76 = arith.subi %div3A_49, %sub3A_75 : vector<128x128xi32>
    %select_n3A_77 = arith.select %and3A_73, %sub3A_76, %div3A_49 : vector<128x128xi1>, vector<128x128xi32>
    %eq3A = arith.cmpi eq, %select_n3A, %select_n3A_77 : vector<128x128xi32>
    %jit3A_78 = arith.constant 5.000000e-01 : f32
    %jit3A_79 = arith.constant 0.000000e+00 : f32
    %broadcast_in_dim3A_80 = vector.broadcast %jit3A_78 : f32 to vector<128x128xf32>
    %broadcast_in_dim3A_81 = vector.broadcast %jit3A_79 : f32 to vector<128x128xf32>
    %select_n3A_82 = arith.select %eq3A, %broadcast_in_dim3A_80, %broadcast_in_dim3A_81 : vector<128x128xi1>, vector<128x128xf32>
    %dot_general3A_83 = arith.constant dense<0.000000e+00> : vector<512x128xf32>
    %dot_general3A_84 = tpu.matmul %exp3A, %select_n3A_82, %dot_general3A_83 {dimension_numbers = #tpu.dot_dimension_numbers<[1], [0], [0], [1], [0, 0, 1, 1], [], []>, transpose_lhs_hint = false} : vector<512x128xf32>, vector<128x128xf32>, vector<512x128xf32> -> vector<512x128xf32>
    %div3A_85 = arith.divf %exp3A, %dot_general3A_84 : vector<512x128xf32>
    %iota3A_86 = tpu.iota {dimensions = array<i32: 1>} : vector<512x128xi32>
    %jit3A_87 = arith.constant 2 : i32
    %eq3A_88 = arith.constant 0 : i32
    %eq3A_89 = arith.cmpi eq, %jit3A_87, %eq3A_88 : i32
    %jit3A_90 = arith.constant 1 : i32
    %select_n3A_91 = arith.select %eq3A_89, %jit3A_90, %jit3A_87 : i32
    %rem3A_92 = vector.broadcast %select_n3A_91 : i32 to vector<512x128xi32>
    %rem3A_93 = arith.remsi %iota3A_86, %rem3A_92 : vector<512x128xi32>
    %ne3A_94 = arith.constant 0 : i32
    %ne3A_95 = vector.broadcast %ne3A_94 : i32 to vector<512x128xi32>
    %ne3A_96 = arith.cmpi ne, %rem3A_93, %ne3A_95 : vector<512x128xi32>
    %lt3A = arith.constant 0 : i32
    %lt3A_97 = vector.broadcast %lt3A : i32 to vector<512x128xi32>
    %lt3A_98 = arith.cmpi slt, %rem3A_93, %lt3A_97 : vector<512x128xi32>
    %lt3A_99 = arith.constant 0 : i32
    %lt3A_100 = arith.cmpi slt, %select_n3A_91, %lt3A_99 : i32
    %ne3A_101 = vector.broadcast %lt3A_100 : i1 to vector<512x128xi1>
    %ne3A_102 = vector.broadcast %ne3A_101 : vector<512x128xi1> to vector<512x128xi1>
    %ne3A_103 = arith.xori %lt3A_98, %ne3A_102 : vector<512x128xi1>
    %and3A_104 = arith.andi %ne3A_103, %ne3A_96 : vector<512x128xi1>
    %add3A_105 = vector.broadcast %select_n3A_91 : i32 to vector<512x128xi32>
    %add3A_106 = arith.addi %rem3A_93, %add3A_105 : vector<512x128xi32>
    %select_n3A_107 = arith.select %and3A_104, %add3A_106, %rem3A_93 : vector<512x128xi1>, vector<512x128xi32>
    %eq3A_108 = arith.constant 0 : i32
    %eq3A_109 = vector.broadcast %eq3A_108 : i32 to vector<512x128xi32>
    %eq3A_110 = arith.cmpi eq, %select_n3A_107, %eq3A_109 : vector<512x128xi32>
    %get3A_111 = arith.constant 0 : index
    %get3A_112 = arith.constant 0 : index
    %get3A_113 = vector.load %arg2[%get3A_111, %get3A_112] : memref<512x2xf32, #tpu.memory_space<vmem>>, vector<512x1xf32>
    %get3A_114 = arith.constant 0 : index
    %get3A_115 = arith.constant 1 : index
    %get3A_116 = vector.load %arg2[%get3A_114, %get3A_115] : memref<512x2xf32, #tpu.memory_space<vmem>>, vector<512x1xf32>
    %broadcast_in_dim3A_117 = vector.shape_cast %get3A_113 : vector<512x1xf32> to vector<512x1xf32>
    %broadcast_in_dim3A_118 = vector.broadcast %broadcast_in_dim3A_117 : vector<512x1xf32> to vector<512x128xf32>
    %broadcast_in_dim3A_119 = vector.shape_cast %get3A_116 : vector<512x1xf32> to vector<512x1xf32>
    %broadcast_in_dim3A_120 = vector.broadcast %broadcast_in_dim3A_119 : vector<512x1xf32> to vector<512x128xf32>
    %select_n3A_121 = arith.select %eq3A_110, %broadcast_in_dim3A_118, %broadcast_in_dim3A_120 : vector<512x128xi1>, vector<512x128xf32>
    %mul3A = arith.constant 7.812500e-03 : f32
    %mul3A_122 = vector.broadcast %mul3A : f32 to vector<512x128xf32>
    %mul3A_123 = arith.mulf %add3A_9, %mul3A_122 : vector<512x128xf32>
    %add3A_124 = arith.addf %select_n3A_121, %mul3A_123 : vector<512x128xf32>
    %jit3A_125 = arith.constant 0.000000e+00 : f32
    %jit3A_126 = arith.constant 1.000000e+00 : f32
    %max3A = vector.broadcast %jit3A_125 : f32 to vector<512x128xf32>
    %max3A_127 = arith.maximumf %max3A, %add3A_124 : vector<512x128xf32>
    %min3A = vector.broadcast %jit3A_126 : f32 to vector<512x128xf32>
    %min3A_128 = arith.minimumf %min3A, %max3A_127 : vector<512x128xf32>
    %mul3A_129 = arith.constant 1.280000e+02 : f32
    %mul3A_130 = vector.broadcast %mul3A_129 : f32 to vector<512x128xf32>
    %mul3A_131 = arith.mulf %min3A_128, %mul3A_130 : vector<512x128xf32>
    %sub3A_132 = arith.constant 5.000000e-01 : f32
    %sub3A_133 = vector.broadcast %sub3A_132 : f32 to vector<512x128xf32>
    %sub3A_134 = arith.subf %mul3A_131, %sub3A_133 : vector<512x128xf32>
    %floor3A = math.floor %sub3A_134 : vector<512x128xf32>
    %sub3A_135 = arith.subf %sub3A_134, %floor3A : vector<512x128xf32>
    %convert_element_type3A = arith.fptosi %floor3A : vector<512x128xf32> to vector<512x128xi32>
    %max3A_136 = arith.constant 0 : i32
    %max3A_137 = vector.broadcast %max3A_136 : i32 to vector<512x128xi32>
    %max3A_138 = arith.maxsi %convert_element_type3A, %max3A_137 : vector<512x128xi32>
    %add3A_139 = arith.constant 1 : i32
    %add3A_140 = vector.broadcast %add3A_139 : i32 to vector<512x128xi32>
    %add3A_141 = arith.addi %convert_element_type3A, %add3A_140 : vector<512x128xi32>
    %min3A_142 = arith.constant 127 : i32
    %min3A_143 = vector.broadcast %min3A_142 : i32 to vector<512x128xi32>
    %min3A_144 = arith.minsi %add3A_141, %min3A_143 : vector<512x128xi32>
    %ge3A = arith.constant 0 : i32
    %ge3A_145 = vector.broadcast %ge3A : i32 to vector<512x128xi32>
    %ge3A_146 = arith.cmpi sge, %convert_element_type3A, %ge3A_145 : vector<512x128xi32>
    %sub3A_147 = arith.constant 1.000000e+00 : f32
    %sub3A_148 = vector.broadcast %sub3A_147 : f32 to vector<512x128xf32>
    %sub3A_149 = arith.subf %sub3A_148, %sub3A_135 : vector<512x128xf32>
    %jit3A_150 = arith.constant 0.000000e+00 : f32
    %broadcast_in_dim3A_151 = vector.broadcast %jit3A_150 : f32 to vector<512x128xf32>
    %select_n3A_152 = arith.select %ge3A_146, %sub3A_149, %broadcast_in_dim3A_151 : vector<512x128xi1>, vector<512x128xf32>
    %add3A_153 = arith.constant 1 : i32
    %add3A_154 = vector.broadcast %add3A_153 : i32 to vector<512x128xi32>
    %add3A_155 = arith.addi %convert_element_type3A, %add3A_154 : vector<512x128xi32>
    %le3A = arith.constant 127 : i32
    %le3A_156 = vector.broadcast %le3A : i32 to vector<512x128xi32>
    %le3A_157 = arith.cmpi sle, %add3A_155, %le3A_156 : vector<512x128xi32>
    %jit3A_158 = arith.constant 0.000000e+00 : f32
    %broadcast_in_dim3A_159 = vector.broadcast %jit3A_158 : f32 to vector<512x128xf32>
    %select_n3A_160 = arith.select %le3A_157, %sub3A_135, %broadcast_in_dim3A_159 : vector<512x128xi1>, vector<512x128xf32>
    %slice3A = vector.extract_strided_slice %min3A_144 {offsets = [0, 127], sizes = [512, 1], strides = [1, 1]} : vector<512x128xi32> to vector<512x1xi32>
    %slice3A_161 = vector.extract_strided_slice %min3A_144 {offsets = [0, 0], sizes = [512, 127], strides = [1, 1]} : vector<512x128xi32> to vector<512x127xi32>
    %concatenate3A = tpu.concatenate %slice3A, %slice3A_161 in 1 : vector<512x1xi32>, vector<512x127xi32> -> vector<512x128xi32>
    %select_n3A_162 = arith.select %eq3A_110, %max3A_138, %concatenate3A : vector<512x128xi1>, vector<512x128xi32>
    %slice3A_163 = vector.extract_strided_slice %select_n3A_160 {offsets = [0, 127], sizes = [512, 1], strides = [1, 1]} : vector<512x128xf32> to vector<512x1xf32>
    %slice3A_164 = vector.extract_strided_slice %select_n3A_160 {offsets = [0, 0], sizes = [512, 127], strides = [1, 1]} : vector<512x128xf32> to vector<512x127xf32>
    %concatenate3A_165 = tpu.concatenate %slice3A_163, %slice3A_164 in 1 : vector<512x1xf32>, vector<512x127xf32> -> vector<512x128xf32>
    %select_n3A_166 = arith.select %eq3A_110, %select_n3A_152, %concatenate3A_165 : vector<512x128xi1>, vector<512x128xf32>
    %slice3A_167 = vector.extract_strided_slice %max3A_138 {offsets = [0, 1], sizes = [512, 127], strides = [1, 1]} : vector<512x128xi32> to vector<512x127xi32>
    %slice3A_168 = vector.extract_strided_slice %max3A_138 {offsets = [0, 0], sizes = [512, 1], strides = [1, 1]} : vector<512x128xi32> to vector<512x1xi32>
    %concatenate3A_169 = tpu.concatenate %slice3A_167, %slice3A_168 in 1 : vector<512x127xi32>, vector<512x1xi32> -> vector<512x128xi32>
    %select_n3A_170 = arith.select %eq3A_110, %concatenate3A_169, %max3A_138 : vector<512x128xi1>, vector<512x128xi32>
    %slice3A_171 = vector.extract_strided_slice %select_n3A_152 {offsets = [0, 1], sizes = [512, 127], strides = [1, 1]} : vector<512x128xf32> to vector<512x127xf32>
    %slice3A_172 = vector.extract_strided_slice %select_n3A_152 {offsets = [0, 0], sizes = [512, 1], strides = [1, 1]} : vector<512x128xf32> to vector<512x1xf32>
    %concatenate3A_173 = tpu.concatenate %slice3A_171, %slice3A_172 in 1 : vector<512x127xf32>, vector<512x1xf32> -> vector<512x128xf32>
    %select_n3A_174 = arith.select %eq3A_110, %concatenate3A_173, %select_n3A_152 : vector<512x128xi1>, vector<512x128xf32>
    %mul3A_175 = arith.mulf %div3A_85, %select_n3A_166 : vector<512x128xf32>
    %mul3A_176 = arith.mulf %mul3A_175, %select_n3A_174 : vector<512x128xf32>
    %convert_element_type3A_177 = arith.truncf %mul3A_176 : vector<512x128xf32> to vector<512x128xbf16>
    %bitcast_convert_type3A = tpu.bitcast %convert_element_type3A_177 : vector<512x128xbf16> -> vector<512x128xi16>
    %mul3A_178 = arith.constant 128 : i32
    %mul3A_179 = vector.broadcast %mul3A_178 : i32 to vector<512x128xi32>
    %mul3A_180 = arith.muli %select_n3A_170, %mul3A_179 : vector<512x128xi32>
    %add3A_181 = arith.addi %mul3A_180, %select_n3A_162 : vector<512x128xi32>
    %convert_element_type3A_182 = arith.extui %bitcast_convert_type3A : vector<512x128xi16> to vector<512x128xi32>
    %shift_left3A = arith.constant 16 : i32
    %shift_left3A_183 = vector.broadcast %shift_left3A : i32 to vector<512x128xi32>
    %shift_left3A_184 = arith.shli %convert_element_type3A_182, %shift_left3A_183 : vector<512x128xi32>
    %or3A = arith.ori %add3A_181, %shift_left3A_184 : vector<512x128xi32>
    %swap3A = arith.constant 0 : index
    %swap3A_185 = arith.constant 0 : index
    %swap3A_186 = vector.load %arg7[%swap3A, %swap3A_185] : memref<512x128xi32, #tpu.memory_space<vmem>>, vector<512x128xi32>
    tpu.vector_store %arg7[%swap3A, %swap3A_185], %or3A {strides = array<i32>} : memref<512x128xi32, #tpu.memory_space<vmem>>, vector<512x128xi32>,
    %slice3A_187 = vector.extract_strided_slice %min3A_144 {offsets = [0, 1], sizes = [512, 127], strides = [1, 1]} : vector<512x128xi32> to vector<512x127xi32>
    %slice3A_188 = vector.extract_strided_slice %min3A_144 {offsets = [0, 0], sizes = [512, 1], strides = [1, 1]} : vector<512x128xi32> to vector<512x1xi32>
    %concatenate3A_189 = tpu.concatenate %slice3A_187, %slice3A_188 in 1 : vector<512x127xi32>, vector<512x1xi32> -> vector<512x128xi32>
    %select_n3A_190 = arith.select %eq3A_110, %concatenate3A_189, %min3A_144 : vector<512x128xi1>, vector<512x128xi32>
    %slice3A_191 = vector.extract_strided_slice %select_n3A_160 {offsets = [0, 1], sizes = [512, 127], strides = [1, 1]} : vector<512x128xf32> to vector<512x127xf32>
    %slice3A_192 = vector.extract_strided_slice %select_n3A_160 {offsets = [0, 0], sizes = [512, 1], strides = [1, 1]} : vector<512x128xf32> to vector<512x1xf32>
    %concatenate3A_193 = tpu.concatenate %slice3A_191, %slice3A_192 in 1 : vector<512x127xf32>, vector<512x1xf32> -> vector<512x128xf32>
    %select_n3A_194 = arith.select %eq3A_110, %concatenate3A_193, %select_n3A_160 : vector<512x128xi1>, vector<512x128xf32>
    %mul3A_195 = arith.mulf %div3A_85, %select_n3A_166 : vector<512x128xf32>
    %mul3A_196 = arith.mulf %mul3A_195, %select_n3A_194 : vector<512x128xf32>
    %convert_element_type3A_197 = arith.truncf %mul3A_196 : vector<512x128xf32> to vector<512x128xbf16>
    %bitcast_convert_type3A_198 = tpu.bitcast %convert_element_type3A_197 : vector<512x128xbf16> -> vector<512x128xi16>
    %mul3A_199 = arith.constant 128 : i32
    %mul3A_200 = vector.broadcast %mul3A_199 : i32 to vector<512x128xi32>
    %mul3A_201 = arith.muli %select_n3A_190, %mul3A_200 : vector<512x128xi32>
    %add3A_202 = arith.addi %mul3A_201, %select_n3A_162 : vector<512x128xi32>
    %convert_element_type3A_203 = arith.extui %bitcast_convert_type3A_198 : vector<512x128xi16> to vector<512x128xi32>
    %shift_left3A_204 = arith.constant 16 : i32
    %shift_left3A_205 = vector.broadcast %shift_left3A_204 : i32 to vector<512x128xi32>
    %shift_left3A_206 = arith.shli %convert_element_type3A_203, %shift_left3A_205 : vector<512x128xi32>
    %or3A_207 = arith.ori %add3A_202, %shift_left3A_206 : vector<512x128xi32>
    %swap3A_208 = arith.constant 0 : index
    %swap3A_209 = arith.constant 0 : index
    %swap3A_210 = vector.load %arg8[%swap3A_208, %swap3A_209] : memref<512x128xi32, #tpu.memory_space<vmem>>, vector<512x128xi32>
    tpu.vector_store %arg8[%swap3A_208, %swap3A_209], %or3A_207 {strides = array<i32>} : memref<512x128xi32, #tpu.memory_space<vmem>>, vector<512x128xi32>,
    return
  }
  func.func @transform_0(%arg0: i32) -> (i32, i32) {
    %c0_i32 = arith.constant 0 : i32
    %c0_i32_0 = arith.constant 0 : i32
    return %arg0, %c0_i32 : i32, i32
  }
  func.func @transform_1(%arg0: i32) -> (i32, i32) {
    %c0_i32 = arith.constant 0 : i32
    %c0_i32_0 = arith.constant 0 : i32
    return %arg0, %c0_i32 : i32, i32
  }
  func.func @transform_2(%arg0: i32) -> (i32, i32) {
    %c0_i32 = arith.constant 0 : i32
    %c0_i32_0 = arith.constant 0 : i32
    %c0_i32_1 = arith.constant 0 : i32
    return %c0_i32, %c0_i32_0 : i32, i32
  }
  func.func @transform_3(%arg0: i32) -> (i32, i32) {
    %c0_i32 = arith.constant 0 : i32
    %c0_i32_0 = arith.constant 0 : i32
    %c0_i32_1 = arith.constant 0 : i32
    return %c0_i32, %c0_i32_0 : i32, i32
  }
  func.func @transform_4(%arg0: i32) -> (i32, i32) {
    %c0_i32 = arith.constant 0 : i32
    %c0_i32_0 = arith.constant 0 : i32
    %c0_i32_1 = arith.constant 0 : i32
    return %c0_i32, %c0_i32_0 : i32, i32
  }
  func.func @transform_5(%arg0: i32) -> (i32, i32) {
    %c0_i32 = arith.constant 0 : i32
    %c0_i32_0 = arith.constant 0 : i32
    %c0_i32_1 = arith.constant 0 : i32
    return %c0_i32, %c0_i32_0 : i32, i32
  }
  func.func @transform_6(%arg0: i32) -> (i32, i32) {
    %c0_i32 = arith.constant 0 : i32
    %c0_i32_0 = arith.constant 0 : i32
    return %arg0, %c0_i32 : i32, i32
  }
  func.func @transform_7(%arg0: i32) -> (i32, i32) {
    %c0_i32 = arith.constant 0 : i32
    %c0_i32_0 = arith.constant 0 : i32
    return %arg0, %c0_i32 : i32, i32
  }
}

module attributes {stable_mosaic.version = 14 : i64} {
  func.func @_oproj_body(%arg0: i32, %arg1: memref<512x512xbf16, #tpu.memory_space<vmem>>, %arg2: memref<512x512xbf16, #tpu.memory_space<vmem>>, %arg3: memref<1x512xf32, #tpu.memory_space<vmem>>, %arg4: memref<512x512xf32, #tpu.memory_space<vmem>>) attributes {dimension_semantics = [#tpu.dimension_semantics<arbitrary>], iteration_bounds = array<i64: 64>, scalar_prefetch = 0 : i64, scratch_operands = 0 : i64, tpu.core_type = #tpu.core_type<tc>, window_params = [{transform_indices = @transform_0, window_bounds = array<i64: 512, 512>}, {pipeline_mode = #tpu.pipeline_mode<synchronous>, transform_indices = @transform_1, window_bounds = array<i64: 512, 512>}, {pipeline_mode = #tpu.pipeline_mode<synchronous>, transform_indices = @transform_2, window_bounds = array<i64: 1, 512>}, {transform_indices = @transform_3, window_bounds = array<i64: 512, 512>}]} {
    %get3A = arith.constant 0 : index
    %get3A_0 = arith.constant 0 : index
    %get3A_1 = vector.load %arg1[%get3A, %get3A_0] : memref<512x512xbf16, #tpu.memory_space<vmem>>, vector<512x512xbf16>
    %get3A_2 = arith.constant 0 : index
    %get3A_3 = arith.constant 0 : index
    %get3A_4 = vector.load %arg2[%get3A_2, %get3A_3] : memref<512x512xbf16, #tpu.memory_space<vmem>>, vector<512x512xbf16>
    %dot_general3A = arith.constant dense<0.000000e+00> : vector<512x512xf32>
    %dot_general3A_5 = tpu.matmul %get3A_1, %get3A_4, %dot_general3A {dimension_numbers = #tpu.dot_dimension_numbers<[1], [0], [0], [1], [0, 0, 1, 1], [], []>, transpose_lhs_hint = false} : vector<512x512xbf16>, vector<512x512xbf16>, vector<512x512xf32> -> vector<512x512xf32>
    %get3A_6 = arith.constant 0 : index
    %get3A_7 = arith.constant 0 : index
    %get3A_8 = vector.load %arg3[%get3A_6, %get3A_7] : memref<1x512xf32, #tpu.memory_space<vmem>>, vector<1x512xf32>
    %add3A = vector.broadcast %get3A_8 : vector<1x512xf32> to vector<512x512xf32>
    %add3A_9 = arith.addf %dot_general3A_5, %add3A : vector<512x512xf32>
    %swap3A = arith.constant 0 : index
    %swap3A_10 = arith.constant 0 : index
    %swap3A_11 = vector.load %arg4[%swap3A, %swap3A_10] : memref<512x512xf32, #tpu.memory_space<vmem>>, vector<512x512xf32>
    tpu.vector_store %arg4[%swap3A, %swap3A_10], %add3A_9 {strides = array<i32>} : memref<512x512xf32, #tpu.memory_space<vmem>>, vector<512x512xf32>,
    return
  }
  func.func @transform_0(%arg0: i32) -> (i32, i32) {
    %c0_i32 = arith.constant 0 : i32
    %c0_i32_0 = arith.constant 0 : i32
    return %arg0, %c0_i32 : i32, i32
  }
  func.func @transform_1(%arg0: i32) -> (i32, i32) {
    %c0_i32 = arith.constant 0 : i32
    %c0_i32_0 = arith.constant 0 : i32
    %c0_i32_1 = arith.constant 0 : i32
    return %c0_i32, %c0_i32_0 : i32, i32
  }
  func.func @transform_2(%arg0: i32) -> (i32, i32) {
    %c0_i32 = arith.constant 0 : i32
    %c0_i32_0 = arith.constant 0 : i32
    %c0_i32_1 = arith.constant 0 : i32
    return %c0_i32, %c0_i32_0 : i32, i32
  }
  func.func @transform_3(%arg0: i32) -> (i32, i32) {
    %c0_i32 = arith.constant 0 : i32
    %c0_i32_0 = arith.constant 0 : i32
    return %arg0, %c0_i32 : i32, i32
  }
}

</mosaic_0001>

<sc_bundles>
// kernel: kernel.6.cloned.1.call-start
scs
__scs_entry_jumppad:
0x0: {  	(pc) =	sbr.rel $0x88, $3  }
0x1: {  	(tag) =	ssettag $0x0;
	lr =	simm.s32 $0x1  }
0x2: {  	[smem:$0x3F96] =	sst lr;
	_ =	strace $0xD0000000  }
0x3: {  	_ = 	snop  }
0x4: {  	_ = 	snop  }
0x5: {  	_ = 	snop  }
0x6: {  	_ = 	snop  }
0x7: {  	_ = 	snop  }
__scs_overlays_trampoline_lowered:
0x8: {  	[smem:$0x3FA5] =	sst s0  }
0x9: {  	[smem:$0x3FA6] =	sst s1  }
0xa: {  	[smem:$0x3FA7] =	sst s2  }
0xb: {  	[smem:$0x3FA8] =	sst s3  }
0xc: {  	[smem:$0x3FA9] =	sst s4  }
0xd: {  	[smem:$0x3FAA] =	sst s5  }
0xe: {  	[smem:$0x3FAB] =	sst s6  }
0xf: {  	[smem:$0x3FAC] =	sst s7  }
0x10: {  	[smem:$0x3FAD] =	sst s8  }
0x11: {  	[smem:$0x3FAE] =	sst s9;
	s0 =	simm.s32 @!p0 $0x0  }
0x12: {  	s1 =	sld [smem:$0x3F94];
	s0 =	simm.s32 @p0 $0x1  }
0x13: {  	[smem:$0x3FAF] =	sst s0;
	s0 =	simm.s32 @!p1 $0x0  }
0x14: {  	s2 =	sld [smem:$0x3F93];
	s0 =	simm.s32 @p1 $0x1  }
0x15: {  	[smem:$0x3FB0] =	sst s0;
	s0 =	simm.s32 @!p2 $0x0  }
0x16: {  	s3 =	sld [smem:$0x3FDB];
	s0 =	simm.s32 @p2 $0x1  }
0x17: {  	s4 =	simm.s32 $0x1BF5;
	[smem:$0x3FB2] =	sst s0  }
0x18: {  	s0 =	sld [smem:$0x3F95];
	_ =	swait.ge [sflag:s4], $0x0  }
0x19: {  	s7 =	sld [smem:$0x3F96]  }
0x1a: {  	s8 =	sadd.s32 $0xFFFFE003, lr  }
0x1b: {  	s9 =	sadd.s32 $0xFFFFFEF7, lr;
	s5 =	simm.s32 $0xFFFFFFFF;
	p2 =	slt.u32 s8, $0xFFFFF086  }
0x1c: {  	p1 =	slt.u32 s9, $0xF7A;
	s5 =	simm.s32 @!p2 $0x0  }
0x1d: {  	s5 =	simm.s32 @p1 $0x1;
	p0 =	seq.s32 s7, s2  }
0x1e: {  	s7 =	smul.u32 @!p0 $0xF7A, s2;
	p2 =	seq.s32 @!p0 s5, $0x0  }
0x1f: {  	s9 =	smul.u32 $0xF7A, s1;
	s8 =	simm.s32 @!p0 $0x1BF5;
	p2 =	por !p2, p0  }
0x20: {  	[sflag:s8] =	ssyncset.s32 @!p0 $0xFFFFF086;
	s6 =	sadd.s32 @!p0 s3, s7;
	s7 =	simm.s32 @!p0 $0x108  }
0x21: {  	s3 =	sadd.s32 s3, s9;
	s6 =	sadd.s32 @!p0 $0x88, s6;
	s7 =	simm.s32 @p2 $0x1082  }
0x22: {  	[simem:s7], [sflag:s8] =	dma.local @!p0 [hbm:s6], $0xF7A  }
0x23: {  	s9 =	sor.u32 $0xD0000000, s2;
	s6 =	simm.s32 $0x108;
	_ =	swait.ge @!p0 [sflag:s8], $0x0  }
0x24: {  	s3 =	sadd.s32 $0x88, s3;
	s6 =	simm.s32 @!p1 $0x1082;
	[sflag:s4] =	ssyncset.s32 $0xFFFFF086  }
0x25: {  	[simem:s6], [sflag:s4] =	dma.local [hbm:s3], $0xF7A  }
0x26: {  	[smem:$0x3F96] =	sst s1;
	(tag) =	ssettag s2;
	_ =	strace s9  }
0x27: {  	s1 =	sld [smem:$0x3FA6]  }
0x28: {  	s2 =	sld [smem:$0x3FA7]  }
0x29: {  	s4 =	sld [smem:$0x3FA9]  }
0x2a: {  	p0 =	seq.s32 s5, $0x0;
	s5 =	sld [smem:$0x3FAA]  }
0x2b: {  	s6 =	sld [smem:$0x3FAB]  }
0x2c: {  	s7 =	sld [smem:$0x3FAC]  }
0x2d: {  	s3 =	simm.s32 $0x108;
	s8 =	sld [smem:$0x3FAD]  }
0x2e: {  	s3 =	simm.s32 @!p0 $0x1082;
	s9 =	sld [smem:$0x3FAE]  }
0x2f: {  	lr =	sadd.s32 s0, s3;
	s0 =	sld [smem:$0x3FA5]  }
0x30: {  	s3 =	sld [smem:$0x3FA8]  }
0x31: {  	[smem:$0x3FB1] =	sst s10  }
0x32: {  	s10 =	sld [smem:$0x3FAF];
	_ =	sdelay $0x3  }
0x33: {  	p0 =	seq.s32 s10, $0x1;
	s10 =	sld [smem:$0x3FB1];
	_ =	sdelay $0x3  }
0x34: {  	[smem:$0x3FB1] =	sst s10  }
0x35: {  	s10 =	sld [smem:$0x3FB0];
	_ =	sdelay $0x3  }
0x36: {  	p1 =	seq.s32 s10, $0x1;
	s10 =	sld [smem:$0x3FB1];
	_ =	sdelay $0x3  }
0x37: {  	[smem:$0x3FB1] =	sst s10  }
0x38: {  	s10 =	sld [smem:$0x3FB2]  }
0x39: {  	_ = 	snop;
	(pc) =	sbr.ind lr, $3  }
0x3a: {  	_ = 	snop  }
0x3b: {  	_ = 	snop  }
0x3c: {  	p2 =	seq.s32 s10, $0x1;
	s10 =	sld [smem:$0x3FB1]  }
0x3d: {  	_ =	shalt  }
0x3e: {  	_ =	shalt  }
0x3f: {  	_ =	shalt  }
0x40: {  	_ =	shalt  }
0x41: {  	_ =	shalt  }
0x42: {  	_ =	shalt  }
0x43: {  	_ =	shalt  }
0x44: {  	_ =	shalt  }
0x45: {  	_ =	shalt  }
0x46: {  	_ =	shalt  }
0x47: {  	_ =	shalt  }
0x48: {  	_ =	shalt  }
0x49: {  	_ =	shalt  }
0x4a: {  	_ =	shalt  }
0x4b: {  	_ =	shalt  }
0x4c: {  	_ =	shalt  }
0x4d: {  	_ =	shalt  }
0x4e: {  	_ =	shalt  }
0x4f: {  	_ =	shalt  }
0x50: {  	_ =	shalt  }
0x51: {  	_ =	shalt  }
0x52: {  	_ =	shalt  }
0x53: {  	_ =	shalt  }
0x54: {  	_ =	shalt  }
0x55: {  	_ =	shalt  }
0x56: {  	_ =	shalt  }
0x57: {  	_ =	shalt  }
0x58: {  	_ =	shalt  }
0x59: {  	_ =	shalt  }
0x5a: {  	_ =	shalt  }
0x5b: {  	_ =	shalt  }
0x5c: {  	_ =	shalt  }
0x5d: {  	_ =	shalt  }
0x5e: {  	_ =	shalt  }
0x5f: {  	_ =	shalt  }
0x60: {  	_ =	shalt  }
0x61: {  	_ =	shalt  }
0x62: {  	_ =	shalt  }
0x63: {  	_ =	shalt  }
0x64: {  	_ =	shalt  }
0x65: {  	_ =	shalt  }
0x66: {  	_ =	shalt  }
0x67: {  	_ =	shalt  }
0x68: {  	_ =	shalt  }
0x69: {  	_ =	shalt  }
0x6a: {  	_ =	shalt  }
0x6b: {  	_ =	shalt  }
0x6c: {  	_ =	shalt  }
0x6d: {  	_ =	shalt  }
0x6e: {  	_ =	shalt  }
0x6f: {  	_ =	shalt  }
0x70: {  	_ =	shalt  }
0x71: {  	_ =	shalt  }
0x72: {  	_ =	shalt  }
0x73: {  	_ =	shalt  }
0x74: {  	_ =	shalt  }
0x75: {  	_ =	shalt  }
0x76: {  	_ =	shalt  }
0x77: {  	_ =	shalt  }
0x78: {  	_ =	shalt  }
0x79: {  	_ =	shalt  }
0x7a: {  	_ =	shalt  }
0x7b: {  	_ =	shalt  }
0x7c: {  	_ =	shalt  }
0x7d: {  	_ =	shalt  }
0x7e: {  	_ =	shalt  }
0x7f: {  	_ =	shalt  }
0x80: {  	_ =	shalt  }
0x81: {  	_ =	shalt  }
0x82: {  	_ =	shalt  }
0x83: {  	_ =	shalt  }
0x84: {  	_ =	shalt  }
0x85: {  	_ =	shalt  }
0x86: {  	_ =	shalt  }
0x87: {  	_ =	shalt  }
.Lfunc_end0:
.L_simem_size_0:
called_computation.1_lowered:
.L_overlay_start_0:
0x88: {  	s2 =	sld [smem:$0x3FD9]  }
0x89: {  	s3 =	sld [smem:$0x3FFE];
	_ =	sdelay $0x1  }
0x8a: {  	s1 =	srdreg.scid  }
0x8b: {  	s0 =	sand.u32 $0x1, s1  }
0x8c: {  	s16 =	sshll.u32 s0, $0xA;
	s2 =	sadd.s32 s3, s2  }
0x8d: {  	s2 =	sadd.s32 s2, s16  }
0x8e: {  	[smem:$0x3FBD] =	sst s2  }
0x8f: {  	_ = 	snop  }
0x90: {  	(tm) =	ssettm $0x1  }
0x91: {  	s17 =	sld [smem:$0x3FFB];
	_ =	sdelay $0x3  }
0x92: {  	_ =	strace s17  }
0x93: {  	s2 =	sld [smem:$0x3FFC];
	_ =	sdelay $0x3  }
0x94: {  	_ =	strace s2  }
0x95: {  	s2 =	sld [smem:$0x3FFD];
	_ =	sdelay $0x3  }
0x96: {  	_ =	strace s2  }
0x97: {  	_ =	strace $0x8FFFFFFF  }
0x98: {  	s18 =	sld [smem:$0x3FDB];
	_ =	sdelay $0x1  }
0x99: {  	s19 =	simm.s32 $_scs_section_size  }
0x9a: {  	s4 =	simm.s32 $_size__tile_overlayer_lowered;
	s5 =	simm.s32 $_tile_overlayer_lowered  }
0x9b: {  	s22 =	simm.s32 $0x1BFF;
	s21 =	sshll.u32 s5, $0x1;
	s2 =	sadd.s32 s19, s18  }
0x9c: {  	s6 =	simm.s32 $0x0;
	s20 =	sshll.u32 s4, $0x1;
	s4 =	sadd.s32 s21, s2  }
0x9d: {  	[timem:s6], [sflag:s22] =	dma.local [hbm:s4], s20  }
0x9e: {  	_ =	swait.ge [sflag:s22], s20  }
0x9f: {  	s3 =	ssub.s32 $0x0, s20;
	[sflag:s22] =	ssyncset.done $0x0  }
0xa0: {  	[sflag:s22] =	ssyncadd.s32 s3;
	_ =	sdelay $0x1  }
0xa1: {  	s23 =	simm.s32 $0x1B8B  }
0xa2: {  	_ =	swait.ge [sflag:s23], $0x1  }
0xa3: {  	[sflag:s23] =	ssyncset.done $0x0  }
0xa4: {  	s25 =	simm.s32 $0x1B8E;
	s24 =	sld [smem:$0x3FFE];
	[sflag:s23] =	ssyncadd.s32 $0xFFFFFFFF  }
0xa5: {  	s26 =	simm.s32 $execute0_lowered;
	[smem:$0x3FD2] =	sst s25  }
0xa6: {  	s4 =	sshll.u32 s26, $0x1;
	_ =	strace $0x80000049;
	[dreg:$0x1] =	wrdreg $0xFFFFFFFF  }
0xa7: {  	s28 =	simm.s32 $_size_execute0_lowered;
	s2 =	sadd.s32 s2, s4;
	[dreg:$0x0] =	wrdreg $0x0  }
0xa8: {  	s4 =	sshll.u32 s28, $0x1;
	[dreg:$0x2] =	wrdreg s2  }
0xa9: {  	[dreg:$0x3] =	wrdreg s4  }
0xaa: {  	[dreg:$0x4] =	wrdreg $0xC0  }
0xab: {  	_ =	task [dreg:s6], $0x5FFFF  }
0xac: {  	[dreg:$0x1] =	wrdreg $0xFFFFFFFF  }
0xad: {  	[dreg:$0x0] =	wrdreg $0x60  }
0xae: {  	[dreg:$0x2] =	wrdreg s24  }
0xaf: {  	[dreg:$0x3] =	wrdreg $0x9  }
0xb0: {  	_ =	task.clear_ibuf [dreg:s6], $0x4FFFF;
	_ =	strace $0x90000049  }
0xb1: {  	s29 =	simm.s32 $0x9;
	_ =	strace $0x8000004B  }
0xb2: {  	_ =	swait.ge [sflag:s29], $0x1  }
0xb3: {  	[sflag:s29] =	ssyncadd.s32 $0xFFFFFFFF  }
0xb4: {  	_ =	strace $0x9000004B  }
0xb5: {  	_ =	sfence  }
0xb6: {  	s30 =	sld [smem:$0x0];
	_ =	sdelay $0x2  }
0xb7: {  	s31 =	sshll.u32 s1, $0xD;
	s1 =	sshrl.u32 s1, $0x2  }
0xb8: {  	s3 =	sand.u32 $0x4000, s31;
	s1 =	sadd.s32 s1, s30  }
0xb9: {  	s0 =	sor.u32 s3, s0;
	s1 =	sshll.u32 s1, $0x11  }
0xba: {  	s0 =	sor.u32 s1, s0  }
0xbb: {  	s0 =	sadd.s32 $0x8F2B, s0  }
0xbc: {  	[sflag:s0] =	ssyncadd.remote.s32 $0x1  }
0xbd: {  	_ =	sfence.sel $0xFFFF  }
0xbe: {  	[dreg:$0x0] =	wrdreg $0xFFFFFFFF;
	(pc) =	sbr.abs _section_cstart, $3  }
0xbf: {  	[dreg:$0x1] =	wrdreg $0xFFFFFFFF  }
0xc0: {  	_ =	task.clear_ibuf [dreg:s6], $0x2FFFF;
	_ =	strace $0x9FFFFFFF  }
0xc1: {  	(tm) =	ssettm $0x7FFFFFFF  }
tec
execute0_lowered:
.L_overlay_start_1:
0x0: {  	(tag) =	ssettag $0x1  }
0x1: {  	s0 =	rddreg [dreg:$0x0]  }
0x2: {  	s1 =	simm.s32 $0x0;
	s21 =	srdreg.scid;
	s5 =	stileid.u32  }
0x3: {  	s9 =	simm.s32 $0x5;
	s11 =	simm.s32 $0x80;
	s28 =	simm.s32 $0x2  }
0x4: {  	s29 =	simm.s32 $0x3;
	s30 =	simm.s32 $0x4;
	[smem:$0x7FF] =	sst s1  }
0x5: {  	s3 =	sadd.s32 $0x2000, s0;
	s2 =	sadd.s32 $0x102000, s0;
	s1 =	sand.u32 $0x1, s21  }
0x6: {  	s22 =	sadd.s32 $0x182000, s0;
	_ =	strace $0x8000004A;
	[dreg:$0x2] =	wrdreg s2  }
0x7: {  	s0 =	sadd.s32 $0x202000, s0;
	s4 =	sshll.u32 s5, $0xE;
	[dreg:$0x3] =	wrdreg s22  }
0x8: {  	s5 =	sshll.u32 s5, $0xB;
	s23 =	ssub.s32 $0x2, s1;
	[dreg:$0x4] =	wrdreg s0  }
0x9: {  	s1 =	sshll.u32 s1, $0xA;
	s4 =	sand.u32 $0x20000, s4;
	s24 =	sshrl.u32 s23, $0x1  }
0xa: {  	s7 =	sor.u32 s1, s5;
	s25 =	sor.u32 $0x1, s4;
	s26 =	sor.u32 $0x2, s4  }
0xb: {  	s31 =	sor.u32 $0x3, s4;
	s6 =	sor.u32 $0x4, s4;
	s8 =	sor.u32 $0x5, s4;
	v0 =	vmov s4  }
0xc: {  	s10 =	sor.u32 $0x6, s4;
	s12 =	sor.u32 $0x7, s4;
	s0 =	ssub.s32 s23, s24;
	[tilespmem:$0x1FFD0] =	vst v0;
	v0 =	vmov s25  }
0xd: {  	s1 =	simm.s32 $0x0;
	s24 =	simm.s32 $0x12080;
	v3 =	vmov s31;
	v4 =	vmov s6;
	s0 =	smax.u32 s0, $0x1;
	[tilespmem:$0x1FFE0] =	vst v0;
	v0 =	vmov s26  }
0xe: {  	s25 =	simm.s32 $0x13080;
	v5 =	vmov s8;
	v6 =	vmov s10;
	v7 =	vmov s12;
	s26 =	simm.s32 $0x1;
	[dreg:$0x5] =	wrdreg s0;
	[tilespmem:$0x1FFF0] =	vst v0  }
.LBB2_1:
0xf: {  	v0 =	vld [tilespmem:$0x1FFD0];
	_ =	sdelay $0x4  }
0x10: {  	[tilespmem:$0xC000] =	vst v0;
	v0 =	vld [tilespmem:$0x1FFE0];
	_ =	sdelay $0x3  }
0x11: {  	[tilespmem:$0xC030] =	vst v3  }
0x12: {  	[tilespmem:$0xC010] =	vst v0;
	v0 =	vld [tilespmem:$0x1FFF0]  }
0x13: {  	[tilespmem:$0xC040] =	vst v4  }
0x14: {  	[tilespmem:$0xC050] =	vst v5  }
0x15: {  	[tilespmem:$0xC060] =	vst v6  }
0x16: {  	[tilespmem:$0xC070] =	vst v7  }
0x17: {  	[dreg:$0x6] =	wrdreg s1;
	s2 =	simm.s32 $0x0;
	[tilespmem:$0xC020] =	vst v0  }
.LBB2_2:
0x18: {  	s0 =	sshll.u32 s2, $0x6  }
0x19: {  	s8 =	sadd.s32 s7, s0  }
0x1a: {  	s1 =	rddreg [dreg:$0x2];
	s0 =	sshll.u32 s8, $0x4  }
0x1b: {  	s4 =	simm.s32 $0x0;
	s1 =	sadd.s32 s1, s0  }
0x1c: {  	[tilespmem:s4], [sflag:$0x5] =	stream.linear.gather [hbm4b:s1+s4], $0x2000, $0x38;
	[tilespmem:$0x18080] =	vst v63  }
0x1d: {  	_ =	swait.ge [sflag:s9], $0x2000  }
0x1e: {  	[sflag:s9] =	ssyncset.done $0x0;
	s23 =	rddreg [dreg:$0x3]  }
0x1f: {  	s31 =	simm.s32 $0x2000;
	[sflag:s9] =	ssyncadd.s32 $0xFFFFE000;
	s0 =	sadd.s32 s23, s0  }
0x20: {  	[tilespmem:s31], [sflag:$0x5] =	stream.linear.gather [hbm4b:s0+s4], $0x2000, $0x38;
	[tilespmem:$0x18080] =	vst v63  }
0x21: {  	_ =	swait.ge [sflag:s9], $0x2000  }
0x22: {  	[sflag:s9] =	ssyncset.done $0x0  }
0x23: {  	s0 =	simm.s32 $0x0;
	[sflag:s9] =	ssyncadd.s32 $0xFFFFE000  }
0x24: {  	v8 =	vld [tilespmem:s0+$0x0];
	_ =	sdelay $0x1  }
0x25: {  	v10 =	vld [tilespmem:$0xC000];
	_ =	sdelay $0x2  }
0x26: {  	v14 =	vshll.u32 v8, $0x3  }
0x27: {  	v8 =	vand.u32 $0xFFFF0000, v8;
	v14 =	vand.u32 $0x1FFF8, v14  }
0x28: {  	v9 =	vld [tilespmem:s0+$0x10];
	[tilespmem:s0+$0x8000] =	vst v8;
	v8 =	vadd.s32 v10, v14  }
0x29: {  	[tilespmem:s0+$0x4000] =	vst v8  }
0x2a: {  	v59 =	vld [tilespmem:$0xC010];
	_ =	sdelay $0x2  }
0x2b: {  	v19 =	vshll.u32 v9, $0x3  }
0x2c: {  	v9 =	vand.u32 $0xFFFF0000, v9;
	v19 =	vand.u32 $0x1FFF8, v19  }
0x2d: {  	v11 =	vld [tilespmem:s0+$0x20];
	[tilespmem:s0+$0x8010] =	vst v9;
	v9 =	vadd.s32 v59, v19  }
0x2e: {  	[tilespmem:s0+$0x4010] =	vst v9  }
0x2f: {  	v9 =	vld [tilespmem:$0xC020];
	_ =	sdelay $0x2  }
0x30: {  	v21 =	vshll.u32 v11, $0x3  }
0x31: {  	v11 =	vand.u32 $0xFFFF0000, v11;
	v21 =	vand.u32 $0x1FFF8, v21  }
0x32: {  	v12 =	vld [tilespmem:s0+$0x30];
	[tilespmem:s0+$0x8020] =	vst v11;
	v9 =	vadd.s32 v9, v21  }
0x33: {  	[tilespmem:s0+$0x4020] =	vst v9  }
0x34: {  	v9 =	vld [tilespmem:$0xC030];
	_ =	sdelay $0x2  }
0x35: {  	v11 =	vshll.u32 v12, $0x3  }
0x36: {  	v12 =	vand.u32 $0xFFFF0000, v12;
	v11 =	vand.u32 $0x1FFF8, v11  }
0x37: {  	v13 =	vld [tilespmem:s0+$0x40];
	[tilespmem:s0+$0x8030] =	vst v12;
	v9 =	vadd.s32 v9, v11  }
0x38: {  	[tilespmem:s0+$0x4030] =	vst v9  }
0x39: {  	v9 =	vld [tilespmem:$0xC040];
	_ =	sdelay $0x2  }
0x3a: {  	v11 =	vshll.u32 v13, $0x3  }
0x3b: {  	v62 =	vand.u32 $0xFFFF0000, v13;
	v11 =	vand.u32 $0x1FFF8, v11  }
0x3c: {  	v15 =	vld [tilespmem:s0+$0x50];
	[tilespmem:s0+$0x8040] =	vst v62;
	v9 =	vadd.s32 v9, v11  }
0x3d: {  	[tilespmem:s0+$0x4040] =	vst v9  }
0x3e: {  	v9 =	vld [tilespmem:$0xC050];
	_ =	sdelay $0x2  }
0x3f: {  	v11 =	vshll.u32 v15, $0x3  }
0x40: {  	v63 =	vand.u32 $0xFFFF0000, v15;
	v11 =	vand.u32 $0x1FFF8, v11  }
0x41: {  	v10 =	vld [tilespmem:s0+$0x60];
	[tilespmem:s0+$0x8050] =	vst v63;
	v9 =	vadd.s32 v9, v11  }
0x42: {  	[tilespmem:s0+$0x4050] =	vst v9  }
0x43: {  	v9 =	vld [tilespmem:$0xC060];
	_ =	sdelay $0x2  }
0x44: {  	v11 =	vshll.u32 v10, $0x3  }
0x45: {  	v10 =	vand.u32 $0xFFFF0000, v10;
	v11 =	vand.u32 $0x1FFF8, v11  }
0x46: {  	v8 =	vld [tilespmem:s0+$0x70];
	[tilespmem:s0+$0x8060] =	vst v10;
	v9 =	vadd.s32 v9, v11  }
0x47: {  	[tilespmem:s0+$0x4060] =	vst v9  }
0x48: {  	v9 =	vld [tilespmem:$0xC070];
	_ =	sdelay $0x2  }
0x49: {  	v10 =	vshll.u32 v8, $0x3  }
0x4a: {  	v8 =	vand.u32 $0xFFFF0000, v8;
	v10 =	vand.u32 $0x1FFF8, v10  }
0x4b: {  	v16 =	vld [tilespmem:s0+$0x2000];
	[tilespmem:s0+$0x8070] =	vst v8;
	v8 =	vadd.s32 v9, v10  }
0x4c: {  	[tilespmem:s0+$0x4070] =	vst v8  }
0x4d: {  	v8 =	vld [tilespmem:$0xC000];
	_ =	sdelay $0x2  }
0x4e: {  	v9 =	vshll.u32 v16, $0x3  }
0x4f: {  	v10 =	vand.u32 $0xFFFF0000, v16;
	v9 =	vand.u32 $0x1FFF8, v9  }
0x50: {  	v17 =	vld [tilespmem:s0+$0x2010];
	[tilespmem:s0+$0xA000] =	vst v10;
	v8 =	vadd.s32 v8, v9  }
0x51: {  	[tilespmem:s0+$0x6000] =	vst v8  }
0x52: {  	v8 =	vld [tilespmem:$0xC010];
	_ =	sdelay $0x2  }
0x53: {  	v9 =	vshll.u32 v17, $0x3  }
0x54: {  	v10 =	vand.u32 $0xFFFF0000, v17;
	v9 =	vand.u32 $0x1FFF8, v9  }
0x55: {  	v18 =	vld [tilespmem:s0+$0x2020];
	[tilespmem:s0+$0xA010] =	vst v10;
	v8 =	vadd.s32 v8, v9  }
0x56: {  	[tilespmem:s0+$0x6010] =	vst v8  }
0x57: {  	v8 =	vld [tilespmem:$0xC020];
	_ =	sdelay $0x2  }
0x58: {  	v9 =	vshll.u32 v18, $0x3  }
0x59: {  	v10 =	vand.u32 $0xFFFF0000, v18;
	v9 =	vand.u32 $0x1FFF8, v9  }
0x5a: {  	v20 =	vld [tilespmem:s0+$0x2030];
	[tilespmem:s0+$0xA020] =	vst v10;
	v8 =	vadd.s32 v8, v9  }
0x5b: {  	[tilespmem:s0+$0x6020] =	vst v8  }
0x5c: {  	v8 =	vld [tilespmem:$0xC030];
	_ =	sdelay $0x2  }
0x5d: {  	v9 =	vshll.u32 v20, $0x3  }
0x5e: {  	v10 =	vand.u32 $0xFFFF0000, v20;
	v9 =	vand.u32 $0x1FFF8, v9  }
0x5f: {  	v60 =	vld [tilespmem:s0+$0x2040];
	[tilespmem:s0+$0xA030] =	vst v10;
	v8 =	vadd.s32 v8, v9  }
0x60: {  	[tilespmem:s0+$0x6030] =	vst v8  }
0x61: {  	v8 =	vld [tilespmem:$0xC040];
	_ =	sdelay $0x2  }
0x62: {  	v9 =	vshll.u32 v60, $0x3  }
0x63: {  	v10 =	vand.u32 $0xFFFF0000, v60;
	v9 =	vand.u32 $0x1FFF8, v9  }
0x64: {  	v61 =	vld [tilespmem:s0+$0x2050];
	[tilespmem:s0+$0xA040] =	vst v10;
	v8 =	vadd.s32 v8, v9  }
0x65: {  	[tilespmem:s0+$0x6040] =	vst v8  }
0x66: {  	v8 =	vld [tilespmem:$0xC050];
	_ =	sdelay $0x2  }
0x67: {  	v9 =	vshll.u32 v61, $0x3  }
0x68: {  	v10 =	vand.u32 $0xFFFF0000, v61;
	v9 =	vand.u32 $0x1FFF8, v9  }
0x69: {  	v22 =	vld [tilespmem:s0+$0x2060];
	[tilespmem:s0+$0xA050] =	vst v10;
	v8 =	vadd.s32 v8, v9  }
0x6a: {  	[tilespmem:s0+$0x6050] =	vst v8  }
0x6b: {  	v8 =	vld [tilespmem:$0xC060];
	_ =	sdelay $0x2  }
0x6c: {  	v9 =	vshll.u32 v22, $0x3  }
0x6d: {  	v10 =	vand.u32 $0xFFFF0000, v22;
	v9 =	vand.u32 $0x1FFF8, v9  }
0x6e: {  	v23 =	vld [tilespmem:s0+$0x2070];
	[tilespmem:s0+$0xA060] =	vst v10;
	v8 =	vadd.s32 v8, v9  }
0x6f: {  	[tilespmem:s0+$0x6060] =	vst v8  }
0x70: {  	v9 =	vld [tilespmem:$0xC070];
	_ =	sdelay $0x2  }
0x71: {  	v10 =	vand.u32 $0xFFFF0000, v23;
	v8 =	vshll.u32 v23, $0x3  }
0x72: {  	s5 =	simm.s32 $0x80;
	[tilespmem:s0+$0xA070] =	vst v10;
	v10 =	vand.u32 $0x1FFF8, v8  }
0x73: {  	s1 =	simm.s32 $0x400;
	v8 =	vld [tilespmem:s5+$0x0];
	v9 =	vadd.s32 v9, v10  }
.LBB2_3:
0x74: {  	p0 =	sne.s32 s1, $0x7E00;
	v10 =	vld [tilespmem:s5+$0x10];
	[tilespmem:s0+$0x6070] =	vst v9;
	s4 =	smov.u32 s1;
	s1 =	sadd.s32 $0x200, s1  }
0x75: {  	s0 =	smov.u32 s5;
	v9 =	vld [tilespmem:$0xC000]  }
0x76: {  	v12 =	vld [tilespmem:s0+$0x20]  }
0x77: {  	v18 =	vld [tilespmem:s0+$0x30]  }
0x78: {  	v11 =	vshll.u32 v8, $0x3;
	v8 =	vand.u32 $0xFFFF0000, v8;
	v19 =	vld [tilespmem:s0+$0x40]  }
0x79: {  	v11 =	vand.u32 $0x1FFF8, v11;
	v13 =	vshll.u32 v10, $0x3;
	v20 =	vld [tilespmem:s0+$0x50]  }
0x7a: {  	v9 =	vadd.s32 v9, v11;
	[tilespmem:s0+$0x8000] =	vst v8;
	v21 =	vld [tilespmem:s0+$0x60]  }
0x7b: {  	[tilespmem:s0+$0x4000] =	vst v9;
	v9 =	vshll.u32 v12, $0x3;
	v22 =	vld [tilespmem:s0+$0x70]  }
0x7c: {  	v8 =	vld [tilespmem:$0xC010];
	v23 =	vshll.u32 v18, $0x3  }
0x7d: {  	v24 =	vshll.u32 v19, $0x3;
	v25 =	vld [tilespmem:s0+$0x2000]  }
0x7e: {  	v26 =	vshll.u32 v20, $0x3;
	v27 =	vld [tilespmem:s0+$0x2010]  }
0x7f: {  	v28 =	vshll.u32 v21, $0x3;
	v17 =	vld [tilespmem:s0+$0x2020]  }
0x80: {  	v10 =	vand.u32 $0xFFFF0000, v10;
	v11 =	vand.u32 $0x1FFF8, v13;
	v29 =	vshll.u32 v22, $0x3;
	v15 =	vld [tilespmem:s0+$0x2030]  }
0x81: {  	v8 =	vadd.s32 v8, v11;
	[tilespmem:s0+$0x8010] =	vst v10;
	v13 =	vld [tilespmem:s0+$0x2040]  }
0x82: {  	[tilespmem:s0+$0x4010] =	vst v8;
	v30 =	vshll.u32 v25, $0x3;
	v11 =	vld [tilespmem:s0+$0x2050]  }
0x83: {  	v31 =	vld [tilespmem:$0xC020];
	v32 =	vshll.u32 v27, $0x3  }
0x84: {  	v33 =	vshll.u32 v17, $0x3;
	v10 =	vld [tilespmem:s0+$0x2060]  }
0x85: {  	v34 =	vshll.u32 v15, $0x3;
	v8 =	vld [tilespmem:s0+$0x2070]  }
0x86: {  	v16 =	vshll.u32 v13, $0x3  }
0x87: {  	v12 =	vand.u32 $0xFFFF0000, v12;
	v9 =	vand.u32 $0x1FFF8, v9;
	v14 =	vshll.u32 v11, $0x3  }
0x88: {  	v9 =	vadd.s32 v31, v9;
	[tilespmem:s0+$0x8020] =	vst v12  }
0x89: {  	[tilespmem:s0+$0x4020] =	vst v9;
	v12 =	vshll.u32 v10, $0x3  }
0x8a: {  	v31 =	vld [tilespmem:$0xC030];
	v9 =	vshll.u32 v8, $0x3;
	_ =	sdelay $0x3  }
0x8b: {  	v18 =	vand.u32 $0xFFFF0000, v18;
	v23 =	vand.u32 $0x1FFF8, v23  }
0x8c: {  	v23 =	vadd.s32 v31, v23;
	[tilespmem:s0+$0x8030] =	vst v18  }
0x8d: {  	[tilespmem:s0+$0x4030] =	vst v23  }
0x8e: {  	v18 =	vld [tilespmem:$0xC040];
	_ =	sdelay $0x3  }
0x8f: {  	v19 =	vand.u32 $0xFFFF0000, v19;
	v23 =	vand.u32 $0x1FFF8, v24  }
0x90: {  	v18 =	vadd.s32 v18, v23;
	[tilespmem:s0+$0x8040] =	vst v19  }
0x91: {  	[tilespmem:s0+$0x4040] =	vst v18  }
0x92: {  	v18 =	vld [tilespmem:$0xC050];
	_ =	sdelay $0x3  }
0x93: {  	v20 =	vand.u32 $0xFFFF0000, v20;
	v19 =	vand.u32 $0x1FFF8, v26  }
0x94: {  	v18 =	vadd.s32 v18, v19;
	[tilespmem:s0+$0x8050] =	vst v20  }
0x95: {  	[tilespmem:s0+$0x4050] =	vst v18  }
0x96: {  	v18 =	vld [tilespmem:$0xC060];
	_ =	sdelay $0x3  }
0x97: {  	v19 =	vand.u32 $0x1FFF8, v28;
	v20 =	vand.u32 $0xFFFF0000, v21  }
0x98: {  	v18 =	vadd.s32 v18, v19;
	[tilespmem:s0+$0x8060] =	vst v20  }
0x99: {  	[tilespmem:s0+$0x4060] =	vst v18  }
0x9a: {  	v19 =	vand.u32 $0xFFFF0000, v22;
	v18 =	vld [tilespmem:$0xC070]  }
0x9b: {  	[tilespmem:s0+$0x8070] =	vst v19;
	_ =	sdelay $0x2  }
0x9c: {  	v19 =	vand.u32 $0x1FFF8, v29  }
0x9d: {  	v18 =	vadd.s32 v18, v19  }
0x9e: {  	[tilespmem:s0+$0x4070] =	vst v18  }
0x9f: {  	v19 =	vand.u32 $0xFFFF0000, v25;
	v18 =	vld [tilespmem:$0xC000]  }
0xa0: {  	[tilespmem:s0+$0xA000] =	vst v19;
	_ =	sdelay $0x2  }
0xa1: {  	v19 =	vand.u32 $0x1FFF8, v30  }
0xa2: {  	v18 =	vadd.s32 v18, v19  }
0xa3: {  	[tilespmem:s0+$0x6000] =	vst v18  }
0xa4: {  	v19 =	vand.u32 $0xFFFF0000, v27;
	v18 =	vld [tilespmem:$0xC010]  }
0xa5: {  	[tilespmem:s0+$0xA010] =	vst v19;
	_ =	sdelay $0x2  }
0xa6: {  	v19 =	vand.u32 $0x1FFF8, v32  }
0xa7: {  	v18 =	vadd.s32 v18, v19  }
0xa8: {  	[tilespmem:s0+$0x6010] =	vst v18  }
0xa9: {  	v17 =	vand.u32 $0xFFFF0000, v17;
	v18 =	vld [tilespmem:$0xC020]  }
0xaa: {  	[tilespmem:s0+$0xA020] =	vst v17;
	_ =	sdelay $0x2  }
0xab: {  	v17 =	vand.u32 $0x1FFF8, v33  }
0xac: {  	v17 =	vadd.s32 v18, v17  }
0xad: {  	[tilespmem:s0+$0x6020] =	vst v17  }
0xae: {  	v15 =	vand.u32 $0xFFFF0000, v15;
	v17 =	vld [tilespmem:$0xC030]  }
0xaf: {  	[tilespmem:s0+$0xA030] =	vst v15;
	_ =	sdelay $0x2  }
0xb0: {  	v15 =	vand.u32 $0x1FFF8, v34  }
0xb1: {  	v15 =	vadd.s32 v17, v15  }
0xb2: {  	[tilespmem:s0+$0x6030] =	vst v15  }
0xb3: {  	v13 =	vand.u32 $0xFFFF0000, v13;
	v15 =	vld [tilespmem:$0xC040]  }
0xb4: {  	[tilespmem:s0+$0xA040] =	vst v13;
	_ =	sdelay $0x2  }
0xb5: {  	v13 =	vand.u32 $0x1FFF8, v16  }
0xb6: {  	v13 =	vadd.s32 v15, v13  }
0xb7: {  	[tilespmem:s0+$0x6040] =	vst v13  }
0xb8: {  	v11 =	vand.u32 $0xFFFF0000, v11;
	v13 =	vld [tilespmem:$0xC050]  }
0xb9: {  	[tilespmem:s0+$0xA050] =	vst v11;
	_ =	sdelay $0x2  }
0xba: {  	v11 =	vand.u32 $0x1FFF8, v14  }
0xbb: {  	v11 =	vadd.s32 v13, v11  }
0xbc: {  	[tilespmem:s0+$0x6050] =	vst v11  }
0xbd: {  	v10 =	vand.u32 $0xFFFF0000, v10;
	v11 =	vld [tilespmem:$0xC060]  }
0xbe: {  	[tilespmem:s0+$0xA060] =	vst v10;
	_ =	sdelay $0x2  }
0xbf: {  	v10 =	vand.u32 $0x1FFF8, v12  }
0xc0: {  	v10 =	vadd.s32 v11, v10  }
0xc1: {  	[tilespmem:s0+$0x6060] =	vst v10  }
0xc2: {  	v8 =	vand.u32 $0xFFFF0000, v8;
	v10 =	vld [tilespmem:$0xC070]  }
.Ltmp0:
0xc3: {  	[tilespmem:s0+$0xA070] =	vst v8;
	(pc) =	sbr.rel @p0 .LBB2_3-.Ltmp0, $3  }
0xc4: {  	_ =	sdelay $0x1  }
0xc5: {  	s5 =	sshra.s32 s4, $0x2;
	v9 =	vand.u32 $0x1FFF8, v9  }
0xc6: {  	v8 =	vld [tilespmem:s5+$0x0];
	v9 =	vadd.s32 v10, v9  }
0xc7: {  	v10 =	vld [tilespmem:s5+$0x10];
	[tilespmem:s0+$0x6070] =	vst v9  }
0xc8: {  	v9 =	vld [tilespmem:$0xC000];
	_ =	sdelay $0x2  }
0xc9: {  	v14 =	vshll.u32 v8, $0x3  }
0xca: {  	v8 =	vand.u32 $0xFFFF0000, v8;
	v14 =	vand.u32 $0x1FFF8, v14  }
0xcb: {  	[tilespmem:s5+$0x8000] =	vst v8;
	v8 =	vadd.s32 v9, v14  }
0xcc: {  	[tilespmem:s5+$0x4000] =	vst v8  }
0xcd: {  	v37 =	vld [tilespmem:$0xC010];
	_ =	sdelay $0x2  }
0xce: {  	v19 =	vshll.u32 v10, $0x3  }
0xcf: {  	v10 =	vand.u32 $0xFFFF0000, v10;
	v19 =	vand.u32 $0x1FFF8, v19  }
0xd0: {  	v11 =	vld [tilespmem:s5+$0x20];
	[tilespmem:s5+$0x8010] =	vst v10;
	v38 =	vadd.s32 v37, v19  }
0xd1: {  	[tilespmem:s5+$0x4010] =	vst v38  }
0xd2: {  	v10 =	vld [tilespmem:$0xC020];
	_ =	sdelay $0x2  }
0xd3: {  	v21 =	vshll.u32 v11, $0x3  }
0xd4: {  	v11 =	vand.u32 $0xFFFF0000, v11;
	v21 =	vand.u32 $0x1FFF8, v21  }
0xd5: {  	v12 =	vld [tilespmem:s5+$0x30];
	[tilespmem:s5+$0x8020] =	vst v11;
	v10 =	vadd.s32 v10, v21  }
0xd6: {  	[tilespmem:s5+$0x4020] =	vst v10  }
0xd7: {  	v10 =	vld [tilespmem:$0xC030];
	_ =	sdelay $0x2  }
0xd8: {  	v41 =	vshll.u32 v12, $0x3  }
0xd9: {  	v12 =	vand.u32 $0xFFFF0000, v12;
	v11 =	vand.u32 $0x1FFF8, v41  }
0xda: {  	v13 =	vld [tilespmem:s5+$0x40];
	[tilespmem:s5+$0x8030] =	vst v12;
	v10 =	vadd.s32 v10, v11  }
0xdb: {  	[tilespmem:s5+$0x4030] =	vst v10  }
0xdc: {  	v10 =	vld [tilespmem:$0xC040];
	_ =	sdelay $0x2  }
0xdd: {  	v42 =	vshll.u32 v13, $0x3  }
0xde: {  	v43 =	vand.u32 $0xFFFF0000, v13;
	v11 =	vand.u32 $0x1FFF8, v42  }
0xdf: {  	v15 =	vld [tilespmem:s5+$0x50];
	[tilespmem:s5+$0x8040] =	vst v43;
	v10 =	vadd.s32 v10, v11  }
0xe0: {  	[tilespmem:s5+$0x4040] =	vst v10  }
0xe1: {  	v10 =	vld [tilespmem:$0xC050];
	_ =	sdelay $0x2  }
0xe2: {  	v44 =	vshll.u32 v15, $0x3  }
0xe3: {  	v45 =	vand.u32 $0xFFFF0000, v15;
	v11 =	vand.u32 $0x1FFF8, v44  }
0xe4: {  	v36 =	vld [tilespmem:s5+$0x60];
	[tilespmem:s5+$0x8050] =	vst v45;
	v10 =	vadd.s32 v10, v11  }
0xe5: {  	[tilespmem:s5+$0x4050] =	vst v10  }
0xe6: {  	v10 =	vld [tilespmem:$0xC060];
	_ =	sdelay $0x2  }
0xe7: {  	v46 =	vshll.u32 v36, $0x3  }
0xe8: {  	v9 =	vand.u32 $0xFFFF0000, v36;
	v11 =	vand.u32 $0x1FFF8, v46  }
0xe9: {  	v8 =	vld [tilespmem:s5+$0x70];
	[tilespmem:s5+$0x8060] =	vst v9;
	v10 =	vadd.s32 v10, v11  }
0xea: {  	[tilespmem:s5+$0x4060] =	vst v10  }
0xeb: {  	v9 =	vld [tilespmem:$0xC070];
	_ =	sdelay $0x2  }
0xec: {  	v47 =	vshll.u32 v8, $0x3  }
0xed: {  	v8 =	vand.u32 $0xFFFF0000, v8;
	v10 =	vand.u32 $0x1FFF8, v47  }
0xee: {  	v16 =	vld [tilespmem:s5+$0x2000];
	[tilespmem:s5+$0x8070] =	vst v8;
	v8 =	vadd.s32 v9, v10  }
0xef: {  	[tilespmem:s5+$0x4070] =	vst v8  }
0xf0: {  	v8 =	vld [tilespmem:$0xC000];
	_ =	sdelay $0x2  }
0xf1: {  	v48 =	vshll.u32 v16, $0x3  }
0xf2: {  	v49 =	vand.u32 $0xFFFF0000, v16;
	v9 =	vand.u32 $0x1FFF8, v48  }
0xf3: {  	v17 =	vld [tilespmem:s5+$0x2010];
	[tilespmem:s5+$0xA000] =	vst v49;
	v8 =	vadd.s32 v8, v9  }
0xf4: {  	[tilespmem:s5+$0x6000] =	vst v8  }
0xf5: {  	v8 =	vld [tilespmem:$0xC010];
	_ =	sdelay $0x2  }
0xf6: {  	v50 =	vshll.u32 v17, $0x3  }
0xf7: {  	v51 =	vand.u32 $0xFFFF0000, v17;
	v9 =	vand.u32 $0x1FFF8, v50  }
0xf8: {  	v18 =	vld [tilespmem:s5+$0x2020];
	[tilespmem:s5+$0xA010] =	vst v51;
	v8 =	vadd.s32 v8, v9  }
0xf9: {  	[tilespmem:s5+$0x6010] =	vst v8  }
0xfa: {  	v8 =	vld [tilespmem:$0xC020];
	_ =	sdelay $0x2  }
0xfb: {  	v52 =	vshll.u32 v18, $0x3  }
0xfc: {  	v53 =	vand.u32 $0xFFFF0000, v18;
	v9 =	vand.u32 $0x1FFF8, v52  }
0xfd: {  	v20 =	vld [tilespmem:s5+$0x2030];
	[tilespmem:s5+$0xA020] =	vst v53;
	v8 =	vadd.s32 v8, v9  }
0xfe: {  	[tilespmem:s5+$0x6020] =	vst v8  }
0xff: {  	v8 =	vld [tilespmem:$0xC030];
	_ =	sdelay $0x2  }
0x100: {  	v54 =	vshll.u32 v20, $0x3  }
0x101: {  	v55 =	vand.u32 $0xFFFF0000, v20;
	v9 =	vand.u32 $0x1FFF8, v54  }
0x102: {  	v39 =	vld [tilespmem:s5+$0x2040];
	[tilespmem:s5+$0xA030] =	vst v55;
	v8 =	vadd.s32 v8, v9  }
0x103: {  	[tilespmem:s5+$0x6030] =	vst v8  }
0x104: {  	v8 =	vld [tilespmem:$0xC040];
	_ =	sdelay $0x2  }
0x105: {  	v56 =	vshll.u32 v39, $0x3  }
0x106: {  	v57 =	vand.u32 $0xFFFF0000, v39;
	v9 =	vand.u32 $0x1FFF8, v56  }
0x107: {  	v40 =	vld [tilespmem:s5+$0x2050];
	[tilespmem:s5+$0xA040] =	vst v57;
	v8 =	vadd.s32 v8, v9  }
0x108: {  	[tilespmem:s5+$0x6040] =	vst v8  }
0x109: {  	v8 =	vld [tilespmem:$0xC050];
	_ =	sdelay $0x2  }
0x10a: {  	v58 =	vshll.u32 v40, $0x3  }
0x10b: {  	v59 =	vand.u32 $0xFFFF0000, v40;
	v9 =	vand.u32 $0x1FFF8, v58  }
0x10c: {  	v22 =	vld [tilespmem:s5+$0x2060];
	[tilespmem:s5+$0xA050] =	vst v59;
	v8 =	vadd.s32 v8, v9  }
0x10d: {  	[tilespmem:s5+$0x6050] =	vst v8  }
0x10e: {  	v8 =	vld [tilespmem:$0xC060];
	_ =	sdelay $0x2  }
0x10f: {  	v60 =	vshll.u32 v22, $0x3  }
0x110: {  	v61 =	vand.u32 $0xFFFF0000, v22;
	v9 =	vand.u32 $0x1FFF8, v60  }
0x111: {  	v23 =	vld [tilespmem:s5+$0x2070];
	[tilespmem:s5+$0xA060] =	vst v61;
	v8 =	vadd.s32 v8, v9  }
0x112: {  	[tilespmem:s5+$0x6060] =	vst v8  }
0x113: {  	v8 =	vld [tilespmem:$0xC070];
	_ =	sdelay $0x2  }
0x114: {  	s14 =	simm.s32 $0x4000;
	v62 =	vshll.u32 v23, $0x3  }
0x115: {  	s1 =	simm.s32 $0xC080;
	s15 =	simm.s32 $0x6000;
	s16 =	simm.s32 $0xD080;
	v63 =	vand.u32 $0xFFFF0000, v23;
	v9 =	vand.u32 $0x1FFF8, v62  }
0x116: {  	s17 =	simm.s32 $0x4080;
	s18 =	simm.s32 $0xE080;
	s19 =	simm.s32 $0x6080;
	[tilespmem:s5+$0xA070] =	vst v63;
	v8 =	vadd.s32 v8, v9  }
0x117: {  	s20 =	simm.s32 $0xF080;
	s21 =	simm.s32 $0x4100;
	s22 =	simm.s32 $0x10080;
	[tilespmem:s5+$0x6070] =	vst v8  }
0x118: {  	[tilespmem:s1], [sflag:$0x1] =	stream.indirect.gather [hbm4b:s3+s11], $0x20, s14, s11, $0xb8;
	[tilespmem:$0x18080] =	vst v63  }
0x119: {  	s23 =	simm.s32 $0x6100;
	s31 =	simm.s32 $0x11080;
	s0 =	simm.s32 $0x0  }
0x11a: {  	[tilespmem:s16], [sflag:$0x1] =	stream.indirect.gather [hbm4b:s3+s11], $0x20, s15, s11, $0xb8;
	[tilespmem:$0x18080] =	vst v63  }
0x11b: {  	s10 =	simm.s32 $0xA000;
	s12 =	simm.s32 $0x14090;
	s13 =	simm.s32 $0x8080  }
0x11c: {  	[tilespmem:s18], [sflag:$0x2] =	stream.indirect.gather [hbm4b:s3+s11], $0x20, s17, s11, $0xb8;
	[tilespmem:$0x18080] =	vst v63  }
0x11d: {  	s4 =	simm.s32 $0xA100;
	s5 =	simm.s32 $0x8100;
	s1 =	simm.s32 $0x8000  }
0x11e: {  	[tilespmem:s20], [sflag:$0x2] =	stream.indirect.gather [hbm4b:s3+s11], $0x20, s19, s11, $0xb8;
	[tilespmem:$0x18080] =	vst v63  }
0x11f: {  	s14 =	simm.s32 $0xA080;
	s15 =	simm.s32 $0x14190;
	s18 =	simm.s32 $0x14290  }
0x120: {  	[tilespmem:s22], [sflag:$0x3] =	stream.indirect.gather [hbm4b:s3+s11], $0x20, s21, s11, $0xb8;
	[tilespmem:$0x18080] =	vst v63  }
0x121: {  	s19 =	simm.s32 $0x8180;
	s20 =	simm.s32 $0xA180;
	s21 =	simm.s32 $0x14390  }
0x122: {  	[tilespmem:s31], [sflag:$0x3] =	stream.indirect.gather [hbm4b:s3+s11], $0x20, s23, s11, $0xb8;
	[tilespmem:$0x18080] =	vst v63  }
.LBB2_5:
0x123: {  	s22 =	sshll.u32 s0, $0x9  }
0x124: {  	s6 =	sadd.s32 $0x4180, s22  }
0x125: {  	[tilespmem:s24], [sflag:$0x4] =	stream.indirect.gather [hbm4b:s3+s11], $0x20, s6, s11, $0xb8;
	[tilespmem:$0x18080] =	vst v63  }
0x126: {  	s31 =	sadd.s32 $0x6180, s22  }
0x127: {  	[tilespmem:s25], [sflag:$0x4] =	stream.indirect.gather [hbm4b:s3+s11], $0x20, s31, s11, $0xb8;
	[tilespmem:$0x18080] =	vst v63  }
0x128: {  	_ =	swait.ge [sflag:s26], $0x1000  }
0x129: {  	[sflag:s26] =	ssyncset.done $0x0  }
0x12a: {  	[sflag:s26] =	ssyncadd.s32 $0xFFFFF000  }
0x12b: {  	_ =	swait.ge [sflag:s26], $0x1000  }
0x12c: {  	s23 =	simm.s32 $0xD080;
	[sflag:s26] =	ssyncset.done $0x0  }
0x12d: {  	v8 =	vmov s1;
	v9 =	vmov s10;
	s17 =	smov.u32 s12;
	s16 =	simm.s32 $0x0;
	[sflag:s26] =	ssyncadd.s32 $0xFFFFF000  }
.LBB2_6:
0x12e: {  	v10 =	vld [tilespmem:s23+$0xFFFFF000]  }
0x12f: {  	v11 =	vld [tilespmem:s23+$0xFFFFF010]  }
0x130: {  	v12 =	vld [tilespmem:s23+$0xFFFFF020]  }
0x131: {  	v13 =	vld [tilespmem:s23+$0xFFFFF030]  }
0x132: {  	v14 =	vld [tilespmem:s23+$0xFFFFF040]  }
0x133: {  	s6 =	sshra.s32 s16, $0x2;
	v15 =	vld [tilespmem:s23+$0xFFFFF050]  }
0x134: {  	v23 =	vld.idx.msk [tilespmem:v8+s6+$0x0 ss:$0x1], $0xffff  }
0x135: {  	v16 =	vld [tilespmem:s23+$0xFFFFF060]  }
0x136: {  	v17 =	vld [tilespmem:s23+$0xFFFFF070]  }
0x137: {  	v18 =	vld [tilespmem:s23+$0xFFFFF080]  }
0x138: {  	v19 =	vld [tilespmem:s23+$0xFFFFF090]  }
0x139: {  	v20 =	vld [tilespmem:s23+$0xFFFFF0A0];
	v22 =	vbroadcast v23, $0x0  }
0x13a: {  	v21 =	vld [tilespmem:s23+$0xFFFFF0B0];
	v27 =	vbroadcast v23, $0x1;
	v29 =	vbroadcast v23, $0x2  }
0x13b: {  	v25 =	vld [tilespmem:s23+$0xFFFFF0C0];
	v46 =	vbroadcast v23, $0x3;
	v51 =	vbroadcast v23, $0x4  }
0x13c: {  	v26 =	vld [tilespmem:s23+$0xFFFFF0D0];
	v53 =	vbroadcast v23, $0x5;
	v54 =	vbroadcast v23, $0x6  }
0x13d: {  	v28 =	vld [tilespmem:s23+$0xFFFFF0E0];
	v55 =	vbroadcast v23, $0x7;
	v57 =	vbroadcast v23, $0x8  }
0x13e: {  	v30 =	vld [tilespmem:s23+$0xFFFFF0F0];
	v59 =	vbroadcast v23, $0x9;
	v61 =	vbroadcast v23, $0xA  }
0x13f: {  	v47 =	vld [tilespmem:s23+$0xFFFFF100];
	v62 =	vbroadcast v23, $0xB;
	v22 =	vpack.i.f32.bf16 v22, v22;
	v48 =	vpack.i.f32.bf16 v29, v29  }
0x140: {  	v49 =	vld [tilespmem:s23+$0xFFFFF110];
	v50 =	vpack.i.f32.bf16 v46, v46;
	v46 =	vbroadcast v23, $0xE;
	v24 =	vmul.bf16 v10, v22  }
0x141: {  	v52 =	vld [tilespmem:s23+$0xFFFFF120];
	v10 =	vmul.bf16 v11, v22;
	v11 =	vpack.i.f32.bf16 v27, v27;
	v32 =	vmul.bf16 v14, v48  }
0x142: {  	v34 =	vld [tilespmem:s23+$0xFFFFF130];
	v33 =	vmul.bf16 v16, v50;
	v14 =	vpack.i.f32.bf16 v51, v51;
	v51 =	vbroadcast v23, $0xC  }
0x143: {  	v35 =	vld [tilespmem:s23+$0xFFFFF140];
	v31 =	vmul.bf16 v12, v11;
	v11 =	vmul.bf16 v13, v11  }
0x144: {  	v37 =	vld [tilespmem:s23+$0xFFFFF150];
	v12 =	vmul.bf16 v15, v48;
	v13 =	vmul.bf16 v17, v50  }
0x145: {  	v38 =	vld [tilespmem:s23+$0xFFFFF160];
	v16 =	vpack.i.f32.bf16 v54, v54;
	v36 =	vmul.bf16 v18, v14;
	v14 =	vmul.bf16 v19, v14  }
0x146: {  	v56 =	vld [tilespmem:s23+$0xFFFFF170];
	v15 =	vpack.i.f32.bf16 v53, v53;
	v25 =	vmul.bf16 v25, v16;
	v16 =	vmul.bf16 v26, v16  }
0x147: {  	v40 =	vld [tilespmem:s23+$0xFFFFF180];
	v17 =	vpack.i.f32.bf16 v55, v55;
	v53 =	vbroadcast v23, $0xD;
	v55 =	vbroadcast v23, $0xF  }
0x148: {  	v58 =	vld [tilespmem:s23+$0xFFFFF190];
	v18 =	vpack.i.f32.bf16 v57, v57;
	v39 =	vmul.bf16 v20, v15;
	v15 =	vmul.bf16 v21, v15  }
0x149: {  	v60 =	vld [tilespmem:s23+$0xFFFFF1A0];
	v19 =	vpack.i.f32.bf16 v59, v59;
	v26 =	vmul.bf16 v28, v17;
	v17 =	vmul.bf16 v30, v17  }
0x14a: {  	v42 =	vld [tilespmem:s23+$0xFFFFF1C0];
	v50 =	vpack.i.f32.bf16 v62, v62;
	v27 =	vmul.bf16 v47, v18;
	v18 =	vmul.bf16 v49, v18  }
0x14b: {  	v63 =	vld [tilespmem:s23+$0xFFFFF1D0];
	v43 =	vmul.bf16 v52, v19;
	v19 =	vmul.bf16 v34, v19;
	v20 =	vpack.i.f32.bf16 v61, v61  }
0x14c: {  	v41 =	vld [tilespmem:s23+$0xFFFFF1B0];
	v21 =	vmul.bf16 v56, v50;
	v52 =	vpack.i.f32.bf16 v51, v51;
	v35 =	vmul.bf16 v35, v20  }
0x14d: {  	v44 =	vld [tilespmem:s23+$0xFFFFF1E0];
	v56 =	vpack.i.f32.bf16 v46, v46;
	v20 =	vmul.bf16 v37, v20;
	v37 =	vmul.bf16 v38, v50  }
0x14e: {  	v45 =	vld [tilespmem:s23+$0xFFFFF1F0];
	v32 =	vadd.bf16 v33, v32;
	v40 =	vmul.bf16 v40, v52;
	v22 =	vmul.bf16 v58, v52  }
0x14f: {  	v38 =	vld.idx.msk [tilespmem:v9+s6+$0x0 ss:$0x1], $0xffff;
	v54 =	vpack.i.f32.bf16 v53, v53;
	v42 =	vmul.bf16 v42, v56;
	v29 =	vpack.i.f32.bf16 v55, v55  }
0x150: {  	v28 =	vmul.bf16 v63, v56;
	v24 =	vadd.bf16 v31, v24;
	v10 =	vadd.bf16 v11, v10  }
0x151: {  	v1 =	vld [tilespmem:s23+$0x160];
	v11 =	vadd.bf16 v13, v12;
	v30 =	vmul.bf16 v60, v54;
	v23 =	vmul.bf16 v41, v54  }
0x152: {  	v48 =	vld [tilespmem:s23+$0x10];
	v34 =	vmul.bf16 v44, v29;
	v36 =	vadd.bf16 v39, v36;
	v25 =	vadd.bf16 v26, v25  }
0x153: {  	v57 =	vld [tilespmem:s23+$0x20];
	v29 =	vmul.bf16 v45, v29;
	v27 =	vadd.bf16 v43, v27;
	v35 =	vadd.bf16 v37, v35  }
0x154: {  	v59 =	vld [tilespmem:s23+$0x40];
	v24 =	vadd.bf16 v32, v24;
	v10 =	vadd.bf16 v11, v10;
	v58 =	vbroadcast v38, $0x0  }
0x155: {  	v47 =	vld [tilespmem:s23+$0x0];
	v30 =	vadd.bf16 v30, v40;
	v61 =	vbroadcast v38, $0x1;
	v51 =	vbroadcast v38, $0x2  }
0x156: {  	v49 =	vld [tilespmem:s23+$0x30];
	v34 =	vadd.bf16 v34, v42;
	v62 =	vbroadcast v38, $0x3;
	v54 =	vbroadcast v38, $0x4  }
0x157: {  	v50 =	vld [tilespmem:s23+$0x60];
	v25 =	vadd.bf16 v25, v36;
	v63 =	vbroadcast v38, $0x5;
	v56 =	vbroadcast v38, $0x6  }
0x158: {  	v52 =	vld [tilespmem:s23+$0x80];
	v27 =	vadd.bf16 v35, v27;
	v0 =	vbroadcast v38, $0xA;
	v2 =	vbroadcast v38, $0xB  }
0x159: {  	v53 =	vld [tilespmem:s23+$0xA0];
	v33 =	vbroadcast v38, $0xC;
	v40 =	vbroadcast v38, $0xD;
	v30 =	vadd.bf16 v34, v30  }
0x15a: {  	v55 =	vld [tilespmem:s23+$0xC0];
	v24 =	vadd.bf16 v25, v24;
	v34 =	vadd.bf16 v17, v16;
	v60 =	vpack.i.f32.bf16 v58, v58  }
0x15b: {  	v31 =	vld [tilespmem:s23+$0x180];
	v46 =	vpack.i.f32.bf16 v61, v61;
	v51 =	vpack.i.f32.bf16 v51, v51;
	v56 =	vpack.i.f32.bf16 v56, v56  }
0x15c: {  	v39 =	vld [tilespmem:s23+$0x1A0];
	v0 =	vpack.i.f32.bf16 v0, v0;
	v2 =	vpack.i.f32.bf16 v2, v2;
	v47 =	vmul.bf16 v47, v60  }
0x15d: {  	v26 =	vld [tilespmem:s23+$0x1C0];
	v33 =	vpack.i.f32.bf16 v33, v33;
	v45 =	vmul.bf16 v48, v60;
	v41 =	vmul.bf16 v57, v46  }
0x15e: {  	v37 =	vld [tilespmem:s23+$0x50];
	v46 =	vmul.bf16 v49, v46;
	v44 =	vmul.bf16 v59, v51;
	v48 =	vpack.i.f32.bf16 v62, v62  }
0x15f: {  	v58 =	vld [tilespmem:s23+$0x100];
	v49 =	vpack.i.f32.bf16 v54, v54;
	v59 =	vbroadcast v38, $0x7;
	v55 =	vmul.bf16 v55, v56  }
0x160: {  	v57 =	vld [tilespmem:s23+$0xE0];
	v54 =	vpack.i.f32.bf16 v63, v63;
	v62 =	vbroadcast v38, $0x8;
	v63 =	vbroadcast v38, $0x9  }
0x161: {  	v40 =	vpack.i.f32.bf16 v40, v40;
	v60 =	vld [tilespmem:s23+$0x120];
	v1 =	vmul.bf16 v1, v2;
	v31 =	vmul.bf16 v31, v33  }
0x162: {  	v61 =	vld [tilespmem:s23+$0x140];
	v25 =	vadd.bf16 v30, v27;
	v39 =	vmul.bf16 v39, v40;
	v50 =	vmul.bf16 v50, v48  }
0x163: {  	v42 =	vld [tilespmem:s23+$0x70];
	v52 =	vmul.bf16 v52, v49;
	v53 =	vmul.bf16 v53, v54;
	v59 =	vpack.i.f32.bf16 v59, v59  }
0x164: {  	v43 =	vld [tilespmem:s23+$0x1E0];
	v62 =	vpack.i.f32.bf16 v62, v62;
	v63 =	vpack.i.f32.bf16 v63, v63;
	v41 =	vadd.bf16 v41, v47  }
0x165: {  	v47 =	vbroadcast v38, $0xE;
	v44 =	vadd.bf16 v50, v44;
	v50 =	vld [tilespmem:s23+$0x90];
	v57 =	vmul.bf16 v57, v59  }
0x166: {  	v52 =	vadd.bf16 v53, v52;
	v53 =	vld [tilespmem:s23+$0xB0];
	v58 =	vmul.bf16 v58, v62;
	v60 =	vmul.bf16 v60, v63  }
0x167: {  	v38 =	vbroadcast v38, $0xF;
	v61 =	vmul.bf16 v61, v0;
	v55 =	vadd.bf16 v57, v55;
	v57 =	vld [tilespmem:s23+$0xD0]  }
0x168: {  	v37 =	vmul.bf16 v37, v51;
	v42 =	vmul.bf16 v42, v48;
	v51 =	vadd.bf16 v60, v58;
	v58 =	vld [tilespmem:s23+$0xF0]  }
0x169: {  	v47 =	vpack.i.f32.bf16 v47, v47;
	v38 =	vpack.i.f32.bf16 v38, v38;
	v1 =	vadd.bf16 v1, v61;
	v61 =	vld [tilespmem:s23+$0x130]  }
0x16a: {  	v48 =	vadd.bf16 v21, v20;
	v26 =	vmul.bf16 v26, v47;
	v43 =	vmul.bf16 v43, v38;
	v60 =	vld [tilespmem:s23+$0x110]  }
0x16b: {  	v31 =	vadd.bf16 v39, v31;
	v41 =	vadd.bf16 v44, v41;
	v36 =	vmul.bf16 v53, v54;
	v54 =	vld [tilespmem:s23+$0x150]  }
0x16c: {  	v44 =	vadd.bf16 v19, v18;
	v26 =	vadd.bf16 v43, v26;
	v35 =	vmul.bf16 v57, v56;
	v56 =	vld [tilespmem:s23+$0x170]  }
0x16d: {  	v55 =	vadd.bf16 v55, v52;
	v1 =	vadd.bf16 v1, v51;
	v57 =	vmul.bf16 v58, v59;
	v58 =	vld [tilespmem:s23+$0x190]  }
0x16e: {  	v26 =	vadd.bf16 v26, v31;
	v51 =	vadd.bf16 v23, v22;
	v59 =	vld [tilespmem:s23+$0x1B0]  }
0x16f: {  	v52 =	vadd.bf16 v29, v28;
	v39 =	vmul.bf16 v60, v62;
	v60 =	vmul.bf16 v61, v63;
	v61 =	vld [tilespmem:s23+$0x1D0]  }
0x170: {  	v32 =	vadd.bf16 v55, v41;
	v1 =	vadd.bf16 v26, v1;
	v62 =	vld [tilespmem:s23+$0x1F0]  }
0x171: {  	v43 =	vmul.bf16 v50, v49;
	v55 =	vadd.bf16 v42, v37;
	v63 =	vadd.bf16 v15, v14  }
0x172: {  	v0 =	vmul.bf16 v54, v0;
	v54 =	vadd.bf16 v46, v45;
	v57 =	vadd.bf16 v57, v35  }
0x173: {  	v11 =	vadd.bf16 v34, v63;
	v2 =	vmul.bf16 v56, v2;
	v41 =	vmul.bf16 v58, v33  }
0x174: {  	v50 =	vmul.bf16 v59, v40;
	v53 =	vmul.bf16 v61, v47;
	v56 =	vadd.bf16 v36, v43  }
0x175: {  	v12 =	vmul.bf16 v62, v38;
	v58 =	vadd.bf16 v60, v39;
	v59 =	vadd.bf16 v48, v44  }
0x176: {  	v60 =	vadd.bf16 v52, v51;
	v0 =	vadd.bf16 v2, v0  }
0x177: {  	v2 =	vadd.bf16 v50, v41;
	v12 =	vadd.bf16 v12, v53  }
0x178: {  	v61 =	vadd.bf16 v55, v54;
	v62 =	vadd.bf16 v57, v56  }
0x179: {  	v0 =	vadd.bf16 v0, v58;
	v2 =	vadd.bf16 v12, v2  }
0x17a: {  	v10 =	vadd.bf16 v11, v10;
	v11 =	vadd.bf16 v60, v59  }
0x17b: {  	v63 =	vadd.bf16 v62, v61;
	v0 =	vadd.bf16 v2, v0  }
0x17c: {  	p0 =	sne.s32 s16, $0x1C0;
	v1 =	vadd.bf16 v1, v32;
	v2 =	vadd.bf16 v25, v24  }
.Ltmp1:
0x17d: {  	v10 =	vadd.bf16 v11, v10;
	v0 =	vadd.bf16 v0, v63;
	(pc) =	sbr.rel @p0 .LBB2_6-.Ltmp1, $4  }
0x17e: {  	v1 =	vadd.bf16 v1, v2  }
0x17f: {  	v0 =	vadd.bf16 v0, v10  }
0x180: {  	[tilespmem:s17+$0xFFFFFFF0] =	vst v1  }
0x181: {  	s16 =	sadd.s32 $0x40, s16;
	s23 =	sadd.s32 $0x200, s23;
	[tilespmem:s17+$0x0] =	vst v0;
	s17 =	sadd.s32 $0x20, s17  }
0x182: {  	p0 =	seq.s32 s0, $0xF  }
0x183: {  	s6 =	sadd.s32 @!p0 $0x4200, s22;
	s16 =	simm.s32 @!p0 $0x80;
	s17 =	simm.s32 @!p0 $0xC080  }
0x184: {  	[tilespmem:s17], [sflag:$0x1] =	stream.indirect.gather @!p0 [hbm4b:s3+s16], $0x20, s6, s16, $0xb8;
	[tilespmem:$0x18080] =	vst v63  }
0x185: {  	s6 =	sadd.s32 @!p0 $0x6200, s22;
	s17 =	simm.s32 @!p0 $0xD080  }
0x186: {  	[tilespmem:s17], [sflag:$0x1] =	stream.indirect.gather @!p0 [hbm4b:s3+s16], $0x20, s6, s16, $0xb8;
	[tilespmem:$0x18080] =	vst v63  }
0x187: {  	_ =	swait.ge [sflag:s28], $0x1000  }
0x188: {  	[sflag:s28] =	ssyncset.done $0x0  }
0x189: {  	[sflag:s28] =	ssyncadd.s32 $0xFFFFF000  }
0x18a: {  	_ =	swait.ge [sflag:s28], $0x1000  }
0x18b: {  	s23 =	simm.s32 $0x0;
	[sflag:s28] =	ssyncset.done $0x0  }
0x18c: {  	s31 =	simm.s32 $0xF270;
	v8 =	vmov s13;
	v9 =	vmov s14;
	s16 =	smov.u32 s15;
	[sflag:s28] =	ssyncadd.s32 $0xFFFFF000  }
.LBB2_8:
0x18d: {  	v1 =	vld [tilespmem:s31+$0xFFFFEE10]  }
0x18e: {  	v2 =	vld [tilespmem:s31+$0xFFFFEE20]  }
0x18f: {  	v11 =	vld [tilespmem:s31+$0xFFFFEE30]  }
0x190: {  	v12 =	vld [tilespmem:s31+$0xFFFFEE40]  }
0x191: {  	s6 =	sshra.s32 s23, $0x2;
	v13 =	vld [tilespmem:s31+$0xFFFFEE50]  }
0x192: {  	v0 =	vld.idx.msk [tilespmem:v8+s6+$0x0 ss:$0x1], $0xffff  }
0x193: {  	v14 =	vld [tilespmem:s31+$0xFFFFEE60]  }
0x194: {  	v15 =	vld [tilespmem:s31+$0xFFFFEE70]  }
0x195: {  	v16 =	vld [tilespmem:s31+$0xFFFFEE80]  }
0x196: {  	v17 =	vld [tilespmem:s31+$0xFFFFEE90]  }
0x197: {  	v18 =	vld [tilespmem:s31+$0xFFFFEEA0];
	v10 =	vbroadcast v0, $0x0  }
0x198: {  	v19 =	vld [tilespmem:s31+$0xFFFFEEB0];
	v23 =	vbroadcast v0, $0x1;
	v52 =	vbroadcast v0, $0x3  }
0x199: {  	v20 =	vld [tilespmem:s31+$0xFFFFEEC0];
	v54 =	vbroadcast v0, $0x4;
	v56 =	vbroadcast v0, $0x5  }
0x19a: {  	v21 =	vld [tilespmem:s31+$0xFFFFEED0];
	v58 =	vbroadcast v0, $0x6;
	v59 =	vbroadcast v0, $0x7  }
0x19b: {  	v22 =	vld [tilespmem:s31+$0xFFFFEEE0];
	v60 =	vbroadcast v0, $0x8;
	v62 =	vbroadcast v0, $0x9  }
0x19c: {  	v25 =	vld [tilespmem:s31+$0xFFFFEEF0];
	v46 =	vbroadcast v0, $0xA;
	v47 =	vbroadcast v0, $0xB  }
0x19d: {  	v40 =	vld [tilespmem:s31+$0xFFFFEFD0];
	v49 =	vbroadcast v0, $0xC;
	v50 =	vbroadcast v0, $0xD  }
0x19e: {  	v26 =	vld [tilespmem:s31+$0xFFFFEF00];
	v43 =	vbroadcast v0, $0xE;
	v10 =	vpack.i.f32.bf16 v10, v10;
	v53 =	vpack.i.f32.bf16 v52, v52  }
0x19f: {  	v38 =	vld [tilespmem:s31+$0xFFFFEF90];
	v55 =	vpack.i.f32.bf16 v54, v54;
	v52 =	vpack.i.f32.bf16 v50, v50;
	v24 =	vmul.bf16 v1, v10  }
0x1a0: {  	v63 =	vld [tilespmem:s31+$0xFFFFEFB0];
	v54 =	vpack.i.f32.bf16 v43, v43;
	v1 =	vbroadcast v0, $0x2;
	v10 =	vmul.bf16 v2, v10  }
0x1a1: {  	v27 =	vld [tilespmem:s31+$0xFFFFEF10];
	v2 =	vpack.i.f32.bf16 v23, v23;
	v32 =	vmul.bf16 v17, v55;
	v0 =	vbroadcast v0, $0xF  }
0x1a2: {  	v30 =	vld [tilespmem:s31+$0xFFFFEF30];
	v17 =	vpack.i.f32.bf16 v59, v59;
	v40 =	vmul.bf16 v40, v54;
	v28 =	vmul.bf16 v11, v2  }
0x1a3: {  	v31 =	vld [tilespmem:s31+$0xFFFFEF40];
	v23 =	vpack.i.f32.bf16 v49, v49;
	v11 =	vmul.bf16 v12, v2;
	v25 =	vmul.bf16 v25, v17  }
0x1a4: {  	v61 =	vld [tilespmem:s31+$0xFFFFEFA0];
	v17 =	vmul.bf16 v26, v17;
	v38 =	vmul.bf16 v38, v23;
	v1 =	vpack.i.f32.bf16 v1, v1  }
0x1a5: {  	v39 =	vld [tilespmem:s31+$0xFFFFEFC0];
	v26 =	vmul.bf16 v63, v52;
	v29 =	vmul.bf16 v13, v1  }
0x1a6: {  	v42 =	vld [tilespmem:s31+$0xFFFFEFF0];
	v0 =	vpack.i.f32.bf16 v0, v0;
	v12 =	vmul.bf16 v14, v1;
	v1 =	vmul.bf16 v15, v53  }
0x1a7: {  	v2 =	vld [tilespmem:s31+$0xFFFFEF20];
	v13 =	vmul.bf16 v16, v53;
	v14 =	vmul.bf16 v18, v55;
	v15 =	vpack.i.f32.bf16 v56, v56  }
0x1a8: {  	v57 =	vld [tilespmem:s31+$0xFFFFEF50];
	v16 =	vpack.i.f32.bf16 v58, v58;
	v18 =	vpack.i.f32.bf16 v60, v60;
	v35 =	vmul.bf16 v19, v15  }
0x1a9: {  	v33 =	vld [tilespmem:s31+$0xFFFFEF60];
	v24 =	vadd.bf16 v28, v24;
	v15 =	vmul.bf16 v20, v15;
	v37 =	vmul.bf16 v21, v16  }
0x1aa: {  	v34 =	vld [tilespmem:s31+$0xFFFFEF70];
	v26 =	vadd.bf16 v26, v38;
	v16 =	vmul.bf16 v22, v16;
	v27 =	vmul.bf16 v27, v18  }
0x1ab: {  	v51 =	vld [tilespmem:s31+$0xFFFFF000];
	v10 =	vadd.bf16 v11, v10;
	v22 =	vmul.bf16 v61, v23;
	v23 =	vmul.bf16 v39, v52  }
0x1ac: {  	v48 =	vld [tilespmem:s31+$0xFFFFEFE0];
	v39 =	vmul.bf16 v42, v0;
	v18 =	vmul.bf16 v2, v18;
	v2 =	vpack.i.f32.bf16 v62, v62  }
0x1ad: {  	v36 =	vld [tilespmem:s31+$0xFFFFEF80];
	v30 =	vmul.bf16 v30, v2;
	v19 =	vmul.bf16 v31, v2;
	v2 =	vpack.i.f32.bf16 v46, v46  }
0x1ae: {  	v1 =	vadd.bf16 v1, v29;
	v11 =	vadd.bf16 v13, v12;
	v20 =	vmul.bf16 v33, v2;
	v33 =	vld.idx.msk [tilespmem:v9+s6+$0x0 ss:$0x1], $0xffff  }
0x1af: {  	v44 =	vld [tilespmem:s31+$0xFFFFFE10];
	v21 =	vpack.i.f32.bf16 v47, v47;
	v32 =	vadd.bf16 v35, v32;
	v25 =	vadd.bf16 v25, v37  }
0x1b0: {  	v50 =	vld [tilespmem:s31+$0xFFFFFEB0];
	v0 =	vmul.bf16 v51, v0;
	v39 =	vadd.bf16 v39, v40;
	v14 =	vadd.bf16 v15, v14  }
0x1b1: {  	v49 =	vld [tilespmem:s31+$0xFFFFFE90];
	v31 =	vmul.bf16 v48, v54;
	v1 =	vadd.bf16 v1, v24;
	v41 =	vmul.bf16 v57, v2  }
0x1b2: {  	v53 =	vld [tilespmem:s31+$0xFFFFFE20];
	v10 =	vadd.bf16 v11, v10;
	v2 =	vmul.bf16 v34, v21;
	v21 =	vmul.bf16 v36, v21  }
0x1b3: {  	v55 =	vld [tilespmem:s31+$0xFFFFFE30];
	v26 =	vadd.bf16 v39, v26;
	v27 =	vadd.bf16 v30, v27;
	v45 =	vbroadcast v33, $0x0  }
0x1b4: {  	v56 =	vld [tilespmem:s31+$0xFFFFFE50];
	v2 =	vadd.bf16 v2, v41;
	v58 =	vbroadcast v33, $0x1;
	v48 =	vbroadcast v33, $0x2  }
0x1b5: {  	v46 =	vld [tilespmem:s31+$0xFFFFFE40];
	v0 =	vadd.bf16 v0, v31;
	v60 =	vbroadcast v33, $0x3;
	v51 =	vbroadcast v33, $0x4  }
0x1b6: {  	v28 =	vld [tilespmem:s31+$0xFFFFFF90];
	v2 =	vadd.bf16 v2, v27;
	v61 =	vbroadcast v33, $0x5;
	v63 =	vbroadcast v33, $0xB  }
0x1b7: {  	v47 =	vld [tilespmem:s31+$0xFFFFFE70];
	v29 =	vbroadcast v33, $0xC;
	v41 =	vbroadcast v33, $0xD;
	v57 =	vpack.i.f32.bf16 v45, v45  }
0x1b8: {  	v38 =	vld [tilespmem:s31+$0xFFFFFE60];
	v59 =	vpack.i.f32.bf16 v58, v58;
	v45 =	vpack.i.f32.bf16 v60, v60;
	v60 =	vbroadcast v33, $0x9  }
0x1b9: {  	v62 =	vld [tilespmem:s31+$0xFFFFFF70];
	v48 =	vpack.i.f32.bf16 v48, v48;
	v44 =	vmul.bf16 v44, v57;
	v34 =	vmul.bf16 v53, v57  }
0x1ba: {  	v35 =	vld [tilespmem:s31+$0xFFFFFFB0];
	v63 =	vpack.i.f32.bf16 v63, v63;
	v43 =	vmul.bf16 v55, v59;
	v36 =	vmul.bf16 v46, v59  }
0x1bb: {  	v52 =	vld [tilespmem:s31+$0xFFFFFED0];
	v29 =	vpack.i.f32.bf16 v29, v29;
	v42 =	vmul.bf16 v56, v48;
	v53 =	vbroadcast v33, $0x6  }
0x1bc: {  	v37 =	vld [tilespmem:s31+$0xFFFFFFD0];
	v46 =	vpack.i.f32.bf16 v51, v51;
	v47 =	vmul.bf16 v47, v45;
	v56 =	vbroadcast v33, $0x7  }
0x1bd: {  	v54 =	vld [tilespmem:s31+$0xFFFFFEF0];
	v51 =	vpack.i.f32.bf16 v61, v61;
	v59 =	vbroadcast v33, $0x8;
	v61 =	vbroadcast v33, $0xA  }
0x1be: {  	v58 =	vld [tilespmem:s31+$0xFFFFFF50];
	v41 =	vpack.i.f32.bf16 v41, v41;
	v62 =	vmul.bf16 v62, v63;
	v28 =	vmul.bf16 v28, v29  }
0x1bf: {  	v2 =	vadd.bf16 v26, v2;
	v55 =	vld [tilespmem:s31+$0xFFFFFF10];
	v35 =	vmul.bf16 v35, v41;
	v38 =	vmul.bf16 v38, v48  }
0x1c0: {  	v57 =	vld [tilespmem:s31+$0xFFFFFF30];
	v49 =	vmul.bf16 v49, v46;
	v50 =	vmul.bf16 v50, v51;
	v60 =	vpack.i.f32.bf16 v60, v60  }
0x1c1: {  	v30 =	vld [tilespmem:s31+$0xFFFFFFF0];
	v53 =	vpack.i.f32.bf16 v53, v53;
	v56 =	vpack.i.f32.bf16 v56, v56;
	v59 =	vpack.i.f32.bf16 v59, v59  }
0x1c2: {  	v61 =	vpack.i.f32.bf16 v61, v61;
	v40 =	vadd.bf16 v43, v44;
	v43 =	vld [tilespmem:s31+$0xFFFFFE80];
	v44 =	vbroadcast v33, $0xE  }
0x1c3: {  	v33 =	vbroadcast v33, $0xF;
	v42 =	vadd.bf16 v47, v42;
	v47 =	vld [tilespmem:s31+$0xFFFFFEA0];
	v52 =	vmul.bf16 v52, v53  }
0x1c4: {  	v28 =	vadd.bf16 v35, v28;
	v35 =	vld [tilespmem:s31+$0xFFFFFF20];
	v54 =	vmul.bf16 v54, v56;
	v58 =	vmul.bf16 v58, v61  }
0x1c5: {  	v49 =	vadd.bf16 v50, v49;
	v50 =	vld [tilespmem:s31+$0xFFFFFEC0];
	v55 =	vmul.bf16 v55, v59;
	v57 =	vmul.bf16 v57, v60  }
0x1c6: {  	v44 =	vpack.i.f32.bf16 v44, v44;
	v33 =	vpack.i.f32.bf16 v33, v33;
	v52 =	vadd.bf16 v54, v52;
	v54 =	vld [tilespmem:s31+$0xFFFFFEE0]  }
0x1c7: {  	v37 =	vmul.bf16 v37, v44;
	v30 =	vmul.bf16 v30, v33;
	v48 =	vadd.bf16 v57, v55;
	v57 =	vld [tilespmem:s31+$0xFFFFFF00]  }
0x1c8: {  	v55 =	vadd.bf16 v62, v58;
	v62 =	vadd.bf16 v25, v32;
	v25 =	vld [tilespmem:s31+$0xFFFFFF40]  }
0x1c9: {  	v40 =	vadd.bf16 v42, v40;
	v30 =	vadd.bf16 v30, v37;
	v58 =	vld [tilespmem:s31+$0xFFFFFFA0]  }
0x1ca: {  	v37 =	vmul.bf16 v47, v46;
	v47 =	vld [tilespmem:s31+$0xFFFFFFE0];
	v32 =	vmul.bf16 v50, v51;
	v50 =	vadd.bf16 v17, v16  }
0x1cb: {  	v43 =	vmul.bf16 v43, v45;
	v51 =	vld [tilespmem:s31+$0xFFFFFF60];
	v28 =	vadd.bf16 v30, v28;
	v1 =	vadd.bf16 v62, v1  }
0x1cc: {  	v62 =	vld [tilespmem:s31+$0xFFFFFFC0];
	v39 =	vmul.bf16 v54, v53;
	v53 =	vadd.bf16 v52, v49;
	v52 =	vadd.bf16 v19, v18  }
0x1cd: {  	v35 =	vmul.bf16 v35, v59;
	v54 =	vld [tilespmem:s31+$0xFFFFFF80];
	v59 =	vadd.bf16 v32, v37;
	v11 =	vadd.bf16 v50, v14  }
0x1ce: {  	v46 =	vmul.bf16 v57, v56;
	v57 =	vadd.bf16 v55, v48;
	v26 =	vadd.bf16 v53, v40;
	v48 =	vld [tilespmem:s31+$0x0]  }
0x1cf: {  	v25 =	vmul.bf16 v25, v60;
	v53 =	vadd.bf16 v21, v20;
	v55 =	vadd.bf16 v23, v22  }
0x1d0: {  	v27 =	vmul.bf16 v51, v61;
	v51 =	vmul.bf16 v58, v29;
	v58 =	vadd.bf16 v43, v38  }
0x1d1: {  	v56 =	vmul.bf16 v47, v44;
	v28 =	vadd.bf16 v28, v57;
	v57 =	vadd.bf16 v36, v34  }
0x1d2: {  	v60 =	vadd.bf16 v46, v39;
	v25 =	vadd.bf16 v25, v35;
	v49 =	vmul.bf16 v54, v63  }
0x1d3: {  	v61 =	vadd.bf16 v53, v52;
	v54 =	vmul.bf16 v62, v41;
	v12 =	vmul.bf16 v48, v33  }
0x1d4: {  	v0 =	vadd.bf16 v0, v55;
	v13 =	vadd.bf16 v49, v27  }
0x1d5: {  	v16 =	vadd.bf16 v54, v51;
	v12 =	vadd.bf16 v12, v56  }
0x1d6: {  	v62 =	vadd.bf16 v58, v57;
	v63 =	vadd.bf16 v60, v59  }
0x1d7: {  	v13 =	vadd.bf16 v13, v25;
	v12 =	vadd.bf16 v12, v16  }
0x1d8: {  	v10 =	vadd.bf16 v11, v10;
	v0 =	vadd.bf16 v0, v61  }
0x1d9: {  	v11 =	vadd.bf16 v63, v62;
	v12 =	vadd.bf16 v12, v13  }
0x1da: {  	p1 =	sne.s32 s23, $0x1C0;
	v1 =	vadd.bf16 v2, v1;
	v2 =	vadd.bf16 v28, v26  }
.Ltmp2:
0x1db: {  	v0 =	vadd.bf16 v0, v10;
	v10 =	vadd.bf16 v12, v11;
	(pc) =	sbr.rel @p1 .LBB2_8-.Ltmp2, $4  }
0x1dc: {  	v1 =	vadd.bf16 v2, v1  }
0x1dd: {  	v0 =	vadd.bf16 v10, v0  }
0x1de: {  	[tilespmem:s16+$0xFFFFFFF0] =	vst v1  }
0x1df: {  	s23 =	sadd.s32 $0x40, s23;
	s31 =	sadd.s32 $0x200, s31;
	[tilespmem:s16+$0x0] =	vst v0;
	s16 =	sadd.s32 $0x20, s16  }
0x1e0: {  	s6 =	sadd.s32 @!p0 $0x4280, s22;
	s16 =	simm.s32 @!p0 $0x80;
	s17 =	simm.s32 @!p0 $0xE080  }
0x1e1: {  	[tilespmem:s17], [sflag:$0x2] =	stream.indirect.gather @!p0 [hbm4b:s3+s16], $0x20, s6, s16, $0xb8;
	[tilespmem:$0x18080] =	vst v63  }
0x1e2: {  	s6 =	sadd.s32 @!p0 $0x6280, s22;
	s17 =	simm.s32 @!p0 $0xF080  }
0x1e3: {  	[tilespmem:s17], [sflag:$0x2] =	stream.indirect.gather @!p0 [hbm4b:s3+s16], $0x20, s6, s16, $0xb8;
	[tilespmem:$0x18080] =	vst v63  }
0x1e4: {  	_ =	swait.ge [sflag:s29], $0x1000  }
0x1e5: {  	[sflag:s29] =	ssyncset.done $0x0  }
0x1e6: {  	[sflag:s29] =	ssyncadd.s32 $0xFFFFF000  }
0x1e7: {  	_ =	swait.ge [sflag:s29], $0x1000  }
0x1e8: {  	s23 =	simm.s32 $0x0;
	s31 =	smov.u32 s18;
	[sflag:s29] =	ssyncset.done $0x0  }
0x1e9: {  	s17 =	smov.u32 s4;
	s16 =	smov.u32 s5;
	[sflag:s29] =	ssyncadd.s32 $0xFFFFF000  }
.LBB2_10:
0x1ea: {  	v0 =	vld [tilespmem:s16+$0x0];
	s6 =	sshra.s32 s23, $0x2  }
0x1eb: {  	v1 =	vld [tilespmem:s6+$0x10080]  }
0x1ec: {  	v2 =	vld [tilespmem:s6+$0x10090]  }
0x1ed: {  	v9 =	vld [tilespmem:s6+$0x100A0]  }
0x1ee: {  	v10 =	vld [tilespmem:s6+$0x100B0]  }
0x1ef: {  	v11 =	vld [tilespmem:s6+$0x100C0]  }
0x1f0: {  	v12 =	vld [tilespmem:s6+$0x100D0]  }
0x1f1: {  	v13 =	vld [tilespmem:s6+$0x100E0]  }
0x1f2: {  	v14 =	vld [tilespmem:s6+$0x100F0]  }
0x1f3: {  	v15 =	vld [tilespmem:s6+$0x10100]  }
0x1f4: {  	v16 =	vld [tilespmem:s6+$0x10110]  }
0x1f5: {  	v17 =	vld [tilespmem:s6+$0x10120]  }
0x1f6: {  	v18 =	vld [tilespmem:s6+$0x10130];
	v8 =	vbroadcast v0, $0x0;
	v21 =	vbroadcast v0, $0x1  }
0x1f7: {  	v19 =	vld [tilespmem:s6+$0x10140];
	v54 =	vbroadcast v0, $0x3;
	v56 =	vbroadcast v0, $0x4  }
0x1f8: {  	v20 =	vld [tilespmem:s6+$0x10150];
	v58 =	vbroadcast v0, $0x5;
	v60 =	vbroadcast v0, $0x6  }
0x1f9: {  	v23 =	vld [tilespmem:s6+$0x10160];
	v61 =	vbroadcast v0, $0x7;
	v62 =	vbroadcast v0, $0x8  }
0x1fa: {  	v24 =	vld [tilespmem:s6+$0x10170];
	v44 =	vbroadcast v0, $0x9;
	v46 =	vbroadcast v0, $0xA  }
0x1fb: {  	v38 =	vld [tilespmem:s6+$0x10240];
	v47 =	vbroadcast v0, $0xB;
	v49 =	vbroadcast v0, $0xC  }
0x1fc: {  	v25 =	vld [tilespmem:s6+$0x10180];
	v50 =	vbroadcast v0, $0xD;
	v41 =	vbroadcast v0, $0xE  }
0x1fd: {  	v36 =	vld [tilespmem:s6+$0x10200];
	v8 =	vpack.i.f32.bf16 v8, v8;
	v55 =	vpack.i.f32.bf16 v54, v54;
	v57 =	vpack.i.f32.bf16 v56, v56  }
0x1fe: {  	v45 =	vld [tilespmem:s6+$0x10220];
	v52 =	vpack.i.f32.bf16 v50, v50;
	v22 =	vmul.bf16 v1, v8;
	v1 =	vbroadcast v0, $0x2  }
0x1ff: {  	v28 =	vld [tilespmem:s6+$0x101A0];
	v54 =	vpack.i.f32.bf16 v41, v41;
	v8 =	vmul.bf16 v2, v8;
	v30 =	vmul.bf16 v15, v57  }
0x200: {  	v29 =	vld [tilespmem:s6+$0x101B0];
	v2 =	vpack.i.f32.bf16 v21, v21;
	v0 =	vbroadcast v0, $0xF;
	v38 =	vmul.bf16 v38, v54  }
0x201: {  	v59 =	vld [tilespmem:s6+$0x101C0];
	v15 =	vpack.i.f32.bf16 v61, v61;
	v26 =	vmul.bf16 v9, v2;
	v9 =	vmul.bf16 v10, v2  }
0x202: {  	v31 =	vld [tilespmem:s6+$0x101D0];
	v21 =	vpack.i.f32.bf16 v49, v49;
	v23 =	vmul.bf16 v23, v15;
	v15 =	vmul.bf16 v24, v15  }
0x203: {  	v32 =	vld [tilespmem:s6+$0x101E0];
	v36 =	vmul.bf16 v36, v21;
	v24 =	vmul.bf16 v45, v52;
	v1 =	vpack.i.f32.bf16 v1, v1  }
0x204: {  	v2 =	vld [tilespmem:s6+$0x10190];
	v27 =	vmul.bf16 v11, v1;
	v10 =	vmul.bf16 v12, v1  }
0x205: {  	v63 =	vld [tilespmem:s6+$0x10210];
	v0 =	vpack.i.f32.bf16 v0, v0;
	v1 =	vmul.bf16 v13, v55;
	v11 =	vmul.bf16 v14, v55  }
0x206: {  	v37 =	vld [tilespmem:s6+$0x10230];
	v12 =	vmul.bf16 v16, v57;
	v13 =	vpack.i.f32.bf16 v58, v58;
	v14 =	vpack.i.f32.bf16 v60, v60  }
0x207: {  	v40 =	vld [tilespmem:s6+$0x10260];
	v16 =	vpack.i.f32.bf16 v62, v62;
	v22 =	vadd.bf16 v26, v22;
	v33 =	vmul.bf16 v17, v13  }
0x208: {  	v51 =	vld [tilespmem:s6+$0x10270];
	v24 =	vadd.bf16 v24, v36;
	v13 =	vmul.bf16 v18, v13;
	v35 =	vmul.bf16 v19, v14  }
0x209: {  	v48 =	vld [tilespmem:s6+$0x10250];
	v25 =	vmul.bf16 v25, v16;
	v16 =	vmul.bf16 v2, v16;
	v2 =	vpack.i.f32.bf16 v44, v44  }
0x20a: {  	v34 =	vld [tilespmem:s6+$0x101F0];
	v28 =	vmul.bf16 v28, v2;
	v17 =	vmul.bf16 v29, v2;
	v2 =	vpack.i.f32.bf16 v46, v46  }
0x20b: {  	v8 =	vadd.bf16 v9, v8;
	v14 =	vmul.bf16 v20, v14;
	v18 =	vmul.bf16 v31, v2;
	v31 =	vld [tilespmem:s17+$0x0]  }
0x20c: {  	v19 =	vpack.i.f32.bf16 v47, v47;
	v20 =	vmul.bf16 v63, v21;
	v21 =	vmul.bf16 v37, v52  }
0x20d: {  	v42 =	vld [tilespmem:s6+$0x11080];
	v37 =	vmul.bf16 v40, v0;
	v0 =	vmul.bf16 v51, v0;
	v1 =	vadd.bf16 v1, v27  }
0x20e: {  	v53 =	vld [tilespmem:s6+$0x11090];
	v30 =	vadd.bf16 v33, v30;
	v23 =	vadd.bf16 v23, v35;
	v29 =	vmul.bf16 v48, v54  }
0x20f: {  	v56 =	vld [tilespmem:s6+$0x110C0];
	v37 =	vadd.bf16 v37, v38;
	v39 =	vmul.bf16 v59, v2;
	v2 =	vmul.bf16 v32, v19  }
0x210: {  	v50 =	vld [tilespmem:s6+$0x11140];
	v12 =	vadd.bf16 v13, v12;
	v19 =	vmul.bf16 v34, v19;
	v43 =	vbroadcast v31, $0x0  }
0x211: {  	v45 =	vld [tilespmem:s6+$0x110E0];
	v1 =	vadd.bf16 v1, v22;
	v58 =	vbroadcast v31, $0x1;
	v46 =	vbroadcast v31, $0x2  }
0x212: {  	v55 =	vld [tilespmem:s6+$0x110A0];
	v25 =	vadd.bf16 v28, v25;
	v60 =	vbroadcast v31, $0x3;
	v49 =	vbroadcast v31, $0x4  }
0x213: {  	v26 =	vld [tilespmem:s6+$0x11200];
	v2 =	vadd.bf16 v2, v39;
	v61 =	vbroadcast v31, $0x5;
	v51 =	vbroadcast v31, $0x6  }
0x214: {  	v44 =	vld [tilespmem:s6+$0x110B0];
	v24 =	vadd.bf16 v37, v24;
	v54 =	vbroadcast v31, $0x7;
	v27 =	vbroadcast v31, $0xC  }
0x215: {  	v36 =	vld [tilespmem:s6+$0x110D0];
	v2 =	vadd.bf16 v2, v25;
	v39 =	vbroadcast v31, $0xD;
	v62 =	vbroadcast v31, $0xE  }
0x216: {  	v52 =	vld [tilespmem:s6+$0x11160];
	v57 =	vpack.i.f32.bf16 v43, v43;
	v59 =	vpack.i.f32.bf16 v58, v58;
	v46 =	vpack.i.f32.bf16 v46, v46  }
0x217: {  	v47 =	vld [tilespmem:s6+$0x11100];
	v43 =	vpack.i.f32.bf16 v60, v60;
	v58 =	vbroadcast v31, $0x9;
	v42 =	vmul.bf16 v42, v57  }
0x218: {  	v63 =	vld [tilespmem:s6+$0x11110];
	v51 =	vpack.i.f32.bf16 v51, v51;
	v32 =	vmul.bf16 v53, v57;
	v41 =	vmul.bf16 v55, v59  }
0x219: {  	v33 =	vld [tilespmem:s6+$0x11220];
	v54 =	vpack.i.f32.bf16 v54, v54;
	v34 =	vmul.bf16 v44, v59;
	v40 =	vmul.bf16 v56, v46  }
0x21a: {  	v48 =	vld [tilespmem:s6+$0x11120];
	v27 =	vpack.i.f32.bf16 v27, v27;
	v45 =	vmul.bf16 v45, v43;
	v50 =	vmul.bf16 v50, v51  }
0x21b: {  	v35 =	vld [tilespmem:s6+$0x11240];
	v44 =	vpack.i.f32.bf16 v49, v49;
	v57 =	vbroadcast v31, $0x8;
	v52 =	vmul.bf16 v52, v54  }
0x21c: {  	v28 =	vld [tilespmem:s6+$0x11260];
	v49 =	vpack.i.f32.bf16 v61, v61;
	v59 =	vbroadcast v31, $0xA;
	v61 =	vbroadcast v31, $0xB  }
0x21d: {  	v60 =	vld [tilespmem:s6+$0x111E0];
	v39 =	vpack.i.f32.bf16 v39, v39;
	v31 =	vbroadcast v31, $0xF;
	v26 =	vmul.bf16 v26, v27  }
0x21e: {  	v0 =	vadd.bf16 v0, v29;
	v53 =	vld [tilespmem:s6+$0x11180];
	v33 =	vmul.bf16 v33, v39;
	v36 =	vmul.bf16 v36, v46  }
0x21f: {  	v2 =	vadd.bf16 v24, v2;
	v55 =	vld [tilespmem:s6+$0x111A0];
	v47 =	vmul.bf16 v47, v44;
	v48 =	vmul.bf16 v48, v49  }
0x220: {  	v56 =	vld [tilespmem:s6+$0x111C0];
	v58 =	vpack.i.f32.bf16 v58, v58;
	v57 =	vpack.i.f32.bf16 v57, v57;
	v59 =	vpack.i.f32.bf16 v59, v59  }
0x221: {  	v61 =	vpack.i.f32.bf16 v61, v61;
	v38 =	vadd.bf16 v41, v42;
	v41 =	vld [tilespmem:s6+$0x110F0];
	v40 =	vadd.bf16 v45, v40  }
0x222: {  	v42 =	vpack.i.f32.bf16 v62, v62;
	v31 =	vpack.i.f32.bf16 v31, v31;
	v50 =	vadd.bf16 v52, v50;
	v52 =	vld [tilespmem:s6+$0x11150]  }
0x223: {  	v62 =	vld [tilespmem:s6+$0x11170];
	v26 =	vadd.bf16 v33, v26;
	v45 =	vadd.bf16 v11, v10;
	v35 =	vmul.bf16 v35, v42  }
0x224: {  	v33 =	vld [tilespmem:s6+$0x11190];
	v47 =	vadd.bf16 v48, v47;
	v28 =	vmul.bf16 v28, v31;
	v60 =	vmul.bf16 v60, v61  }
0x225: {  	v48 =	vld [tilespmem:s6+$0x11130];
	v38 =	vadd.bf16 v40, v38;
	v53 =	vmul.bf16 v53, v57;
	v55 =	vmul.bf16 v55, v58  }
0x226: {  	v40 =	vld [tilespmem:s6+$0x11250];
	v8 =	vadd.bf16 v45, v8;
	v56 =	vmul.bf16 v56, v59;
	v28 =	vadd.bf16 v28, v35  }
0x227: {  	v35 =	vmul.bf16 v63, v44;
	v63 =	vadd.bf16 v23, v30;
	v23 =	vld [tilespmem:s6+$0x111B0];
	v46 =	vadd.bf16 v55, v53  }
0x228: {  	v60 =	vadd.bf16 v60, v56;
	v37 =	vmul.bf16 v52, v51;
	v52 =	vadd.bf16 v50, v47;
	v56 =	vld [tilespmem:s6+$0x111F0]  }
0x229: {  	v44 =	vmul.bf16 v62, v54;
	v26 =	vadd.bf16 v28, v26;
	v62 =	vld [tilespmem:s6+$0x11210];
	v1 =	vadd.bf16 v63, v1  }
0x22a: {  	v41 =	vmul.bf16 v41, v43;
	v63 =	vld [tilespmem:s6+$0x11230];
	v50 =	vadd.bf16 v17, v16;
	v51 =	vadd.bf16 v19, v18  }
0x22b: {  	v53 =	vadd.bf16 v21, v20;
	v55 =	vadd.bf16 v34, v32;
	v30 =	vmul.bf16 v48, v49;
	v49 =	vld [tilespmem:s6+$0x111D0]  }
0x22c: {  	v33 =	vmul.bf16 v33, v57;
	v48 =	vadd.bf16 v15, v14;
	v60 =	vadd.bf16 v60, v46;
	v46 =	vld [tilespmem:s6+$0x11270]  }
0x22d: {  	v24 =	vadd.bf16 v52, v38;
	v54 =	vmul.bf16 v40, v42;
	v0 =	vadd.bf16 v0, v53  }
0x22e: {  	v23 =	vmul.bf16 v23, v58;
	v57 =	vadd.bf16 v30, v35;
	v58 =	vadd.bf16 v44, v37  }
0x22f: {  	v26 =	vadd.bf16 v26, v60;
	v60 =	vadd.bf16 v51, v50;
	v47 =	vmul.bf16 v56, v61  }
0x230: {  	v52 =	vmul.bf16 v63, v39;
	v56 =	vadd.bf16 v41, v36;
	v25 =	vmul.bf16 v49, v59  }
0x231: {  	v23 =	vadd.bf16 v23, v33;
	v49 =	vmul.bf16 v62, v27;
	v10 =	vmul.bf16 v46, v31  }
0x232: {  	v59 =	vadd.bf16 v48, v12;
	v11 =	vadd.bf16 v47, v25  }
0x233: {  	v14 =	vadd.bf16 v52, v49;
	v10 =	vadd.bf16 v10, v54  }
0x234: {  	v62 =	vadd.bf16 v58, v57;
	v61 =	vadd.bf16 v56, v55  }
0x235: {  	v11 =	vadd.bf16 v11, v23;
	v10 =	vadd.bf16 v10, v14  }
0x236: {  	v0 =	vadd.bf16 v0, v60;
	v8 =	vadd.bf16 v59, v8  }
0x237: {  	v63 =	vadd.bf16 v62, v61;
	v10 =	vadd.bf16 v10, v11  }
0x238: {  	p1 =	sne.s32 s23, $0x3800;
	v1 =	vadd.bf16 v2, v1;
	v2 =	vadd.bf16 v26, v24  }
.Ltmp3:
0x239: {  	v0 =	vadd.bf16 v0, v8;
	v8 =	vadd.bf16 v10, v63;
	(pc) =	sbr.rel @p1 .LBB2_10-.Ltmp3, $4  }
0x23a: {  	v1 =	vadd.bf16 v2, v1  }
0x23b: {  	v0 =	vadd.bf16 v8, v0  }
0x23c: {  	s16 =	sadd.s32 $0x10, s16;
	[tilespmem:s31+$0xFFFFFFF0] =	vst v1  }
0x23d: {  	s23 =	sadd.s32 $0x800, s23;
	s17 =	sadd.s32 $0x10, s17;
	[tilespmem:s31+$0x0] =	vst v0;
	s31 =	sadd.s32 $0x20, s31  }
0x23e: {  	s6 =	sadd.s32 @!p0 $0x4300, s22;
	s16 =	simm.s32 @!p0 $0x80;
	s17 =	simm.s32 @!p0 $0x10080  }
0x23f: {  	[tilespmem:s17], [sflag:$0x3] =	stream.indirect.gather @!p0 [hbm4b:s3+s16], $0x20, s6, s16, $0xb8;
	[tilespmem:$0x18080] =	vst v63  }
0x240: {  	s6 =	sadd.s32 @!p0 $0x6300, s22;
	s17 =	simm.s32 @!p0 $0x11080  }
0x241: {  	[tilespmem:s17], [sflag:$0x3] =	stream.indirect.gather @!p0 [hbm4b:s3+s16], $0x20, s6, s16, $0xb8;
	[tilespmem:$0x18080] =	vst v63  }
0x242: {  	_ =	swait.ge [sflag:s30], $0x1000  }
0x243: {  	[sflag:s30] =	ssyncset.done $0x0  }
0x244: {  	[sflag:s30] =	ssyncadd.s32 $0xFFFFF000  }
0x245: {  	_ =	swait.ge [sflag:s30], $0x1000  }
0x246: {  	s23 =	smov.u32 s21;
	s22 =	simm.s32 $0x0;
	[sflag:s30] =	ssyncset.done $0x0  }
0x247: {  	s17 =	smov.u32 s20;
	s16 =	smov.u32 s19;
	[sflag:s30] =	ssyncadd.s32 $0xFFFFF000  }
.LBB2_12:
0x248: {  	v0 =	vld [tilespmem:s16+$0x0];
	s6 =	sshra.s32 s22, $0x2  }
0x249: {  	v1 =	vld [tilespmem:s6+$0x12080]  }
0x24a: {  	v2 =	vld [tilespmem:s6+$0x12090]  }
0x24b: {  	v9 =	vld [tilespmem:s6+$0x120A0]  }
0x24c: {  	v10 =	vld [tilespmem:s6+$0x120B0]  }
0x24d: {  	v11 =	vld [tilespmem:s6+$0x120C0]  }
0x24e: {  	v12 =	vld [tilespmem:s6+$0x120D0]  }
0x24f: {  	v13 =	vld [tilespmem:s6+$0x120E0]  }
0x250: {  	v14 =	vld [tilespmem:s6+$0x120F0]  }
0x251: {  	v15 =	vld [tilespmem:s6+$0x12100]  }
0x252: {  	v16 =	vld [tilespmem:s6+$0x12110]  }
0x253: {  	v17 =	vld [tilespmem:s6+$0x12120]  }
0x254: {  	v18 =	vld [tilespmem:s6+$0x12130];
	v8 =	vbroadcast v0, $0x0;
	v21 =	vbroadcast v0, $0x1  }
0x255: {  	v19 =	vld [tilespmem:s6+$0x12140];
	v54 =	vbroadcast v0, $0x3;
	v56 =	vbroadcast v0, $0x4  }
0x256: {  	v20 =	vld [tilespmem:s6+$0x12150];
	v58 =	vbroadcast v0, $0x5;
	v60 =	vbroadcast v0, $0x6  }
0x257: {  	v23 =	vld [tilespmem:s6+$0x12160];
	v61 =	vbroadcast v0, $0x7;
	v62 =	vbroadcast v0, $0x8  }
0x258: {  	v24 =	vld [tilespmem:s6+$0x12170];
	v44 =	vbroadcast v0, $0x9;
	v46 =	vbroadcast v0, $0xA  }
0x259: {  	v38 =	vld [tilespmem:s6+$0x12240];
	v47 =	vbroadcast v0, $0xB;
	v49 =	vbroadcast v0, $0xC  }
0x25a: {  	v25 =	vld [tilespmem:s6+$0x12180];
	v50 =	vbroadcast v0, $0xD;
	v41 =	vbroadcast v0, $0xE  }
0x25b: {  	v36 =	vld [tilespmem:s6+$0x12200];
	v8 =	vpack.i.f32.bf16 v8, v8;
	v55 =	vpack.i.f32.bf16 v54, v54;
	v57 =	vpack.i.f32.bf16 v56, v56  }
0x25c: {  	v45 =	vld [tilespmem:s6+$0x12220];
	v52 =	vpack.i.f32.bf16 v50, v50;
	v22 =	vmul.bf16 v1, v8;
	v1 =	vbroadcast v0, $0x2  }
0x25d: {  	v28 =	vld [tilespmem:s6+$0x121A0];
	v54 =	vpack.i.f32.bf16 v41, v41;
	v8 =	vmul.bf16 v2, v8;
	v30 =	vmul.bf16 v15, v57  }
0x25e: {  	v29 =	vld [tilespmem:s6+$0x121B0];
	v2 =	vpack.i.f32.bf16 v21, v21;
	v0 =	vbroadcast v0, $0xF;
	v38 =	vmul.bf16 v38, v54  }
0x25f: {  	v59 =	vld [tilespmem:s6+$0x121C0];
	v15 =	vpack.i.f32.bf16 v61, v61;
	v26 =	vmul.bf16 v9, v2;
	v9 =	vmul.bf16 v10, v2  }
0x260: {  	v31 =	vld [tilespmem:s6+$0x121D0];
	v21 =	vpack.i.f32.bf16 v49, v49;
	v23 =	vmul.bf16 v23, v15;
	v15 =	vmul.bf16 v24, v15  }
0x261: {  	v32 =	vld [tilespmem:s6+$0x121E0];
	v36 =	vmul.bf16 v36, v21;
	v24 =	vmul.bf16 v45, v52;
	v1 =	vpack.i.f32.bf16 v1, v1  }
0x262: {  	v2 =	vld [tilespmem:s6+$0x12190];
	v27 =	vmul.bf16 v11, v1;
	v10 =	vmul.bf16 v12, v1  }
0x263: {  	v63 =	vld [tilespmem:s6+$0x12210];
	v0 =	vpack.i.f32.bf16 v0, v0;
	v1 =	vmul.bf16 v13, v55;
	v11 =	vmul.bf16 v14, v55  }
0x264: {  	v37 =	vld [tilespmem:s6+$0x12230];
	v12 =	vmul.bf16 v16, v57;
	v13 =	vpack.i.f32.bf16 v58, v58;
	v14 =	vpack.i.f32.bf16 v60, v60  }
0x265: {  	v40 =	vld [tilespmem:s6+$0x12260];
	v16 =	vpack.i.f32.bf16 v62, v62;
	v22 =	vadd.bf16 v26, v22;
	v33 =	vmul.bf16 v17, v13  }
0x266: {  	v51 =	vld [tilespmem:s6+$0x12270];
	v24 =	vadd.bf16 v24, v36;
	v13 =	vmul.bf16 v18, v13;
	v35 =	vmul.bf16 v19, v14  }
0x267: {  	v48 =	vld [tilespmem:s6+$0x12250];
	v25 =	vmul.bf16 v25, v16;
	v16 =	vmul.bf16 v2, v16;
	v2 =	vpack.i.f32.bf16 v44, v44  }
0x268: {  	v34 =	vld [tilespmem:s6+$0x121F0];
	v28 =	vmul.bf16 v28, v2;
	v17 =	vmul.bf16 v29, v2;
	v2 =	vpack.i.f32.bf16 v46, v46  }
0x269: {  	v8 =	vadd.bf16 v9, v8;
	v14 =	vmul.bf16 v20, v14;
	v18 =	vmul.bf16 v31, v2;
	v31 =	vld [tilespmem:s17+$0x0]  }
0x26a: {  	v19 =	vpack.i.f32.bf16 v47, v47;
	v20 =	vmul.bf16 v63, v21;
	v21 =	vmul.bf16 v37, v52  }
0x26b: {  	v42 =	vld [tilespmem:s6+$0x13080];
	v37 =	vmul.bf16 v40, v0;
	v0 =	vmul.bf16 v51, v0;
	v1 =	vadd.bf16 v1, v27  }
0x26c: {  	v53 =	vld [tilespmem:s6+$0x13090];
	v30 =	vadd.bf16 v33, v30;
	v23 =	vadd.bf16 v23, v35;
	v29 =	vmul.bf16 v48, v54  }
0x26d: {  	v56 =	vld [tilespmem:s6+$0x130C0];
	v37 =	vadd.bf16 v37, v38;
	v39 =	vmul.bf16 v59, v2;
	v2 =	vmul.bf16 v32, v19  }
0x26e: {  	v50 =	vld [tilespmem:s6+$0x13140];
	v12 =	vadd.bf16 v13, v12;
	v19 =	vmul.bf16 v34, v19;
	v43 =	vbroadcast v31, $0x0  }
0x26f: {  	v45 =	vld [tilespmem:s6+$0x130E0];
	v1 =	vadd.bf16 v1, v22;
	v58 =	vbroadcast v31, $0x1;
	v46 =	vbroadcast v31, $0x2  }
0x270: {  	v55 =	vld [tilespmem:s6+$0x130A0];
	v25 =	vadd.bf16 v28, v25;
	v60 =	vbroadcast v31, $0x3;
	v49 =	vbroadcast v31, $0x4  }
0x271: {  	v26 =	vld [tilespmem:s6+$0x13200];
	v2 =	vadd.bf16 v2, v39;
	v61 =	vbroadcast v31, $0x5;
	v51 =	vbroadcast v31, $0x6  }
0x272: {  	v44 =	vld [tilespmem:s6+$0x130B0];
	v24 =	vadd.bf16 v37, v24;
	v54 =	vbroadcast v31, $0x7;
	v27 =	vbroadcast v31, $0xC  }
0x273: {  	v36 =	vld [tilespmem:s6+$0x130D0];
	v2 =	vadd.bf16 v2, v25;
	v39 =	vbroadcast v31, $0xD;
	v62 =	vbroadcast v31, $0xE  }
0x274: {  	v52 =	vld [tilespmem:s6+$0x13160];
	v57 =	vpack.i.f32.bf16 v43, v43;
	v59 =	vpack.i.f32.bf16 v58, v58;
	v46 =	vpack.i.f32.bf16 v46, v46  }
0x275: {  	v47 =	vld [tilespmem:s6+$0x13100];
	v43 =	vpack.i.f32.bf16 v60, v60;
	v58 =	vbroadcast v31, $0x9;
	v42 =	vmul.bf16 v42, v57  }
0x276: {  	v63 =	vld [tilespmem:s6+$0x13110];
	v51 =	vpack.i.f32.bf16 v51, v51;
	v32 =	vmul.bf16 v53, v57;
	v41 =	vmul.bf16 v55, v59  }
0x277: {  	v33 =	vld [tilespmem:s6+$0x13220];
	v54 =	vpack.i.f32.bf16 v54, v54;
	v34 =	vmul.bf16 v44, v59;
	v40 =	vmul.bf16 v56, v46  }
0x278: {  	v48 =	vld [tilespmem:s6+$0x13120];
	v27 =	vpack.i.f32.bf16 v27, v27;
	v45 =	vmul.bf16 v45, v43;
	v50 =	vmul.bf16 v50, v51  }
0x279: {  	v35 =	vld [tilespmem:s6+$0x13240];
	v44 =	vpack.i.f32.bf16 v49, v49;
	v57 =	vbroadcast v31, $0x8;
	v52 =	vmul.bf16 v52, v54  }
0x27a: {  	v28 =	vld [tilespmem:s6+$0x13260];
	v49 =	vpack.i.f32.bf16 v61, v61;
	v59 =	vbroadcast v31, $0xA;
	v61 =	vbroadcast v31, $0xB  }
0x27b: {  	v60 =	vld [tilespmem:s6+$0x131E0];
	v39 =	vpack.i.f32.bf16 v39, v39;
	v31 =	vbroadcast v31, $0xF;
	v26 =	vmul.bf16 v26, v27  }
0x27c: {  	v0 =	vadd.bf16 v0, v29;
	v53 =	vld [tilespmem:s6+$0x13180];
	v33 =	vmul.bf16 v33, v39;
	v36 =	vmul.bf16 v36, v46  }
0x27d: {  	v2 =	vadd.bf16 v24, v2;
	v55 =	vld [tilespmem:s6+$0x131A0];
	v47 =	vmul.bf16 v47, v44;
	v48 =	vmul.bf16 v48, v49  }
0x27e: {  	v56 =	vld [tilespmem:s6+$0x131C0];
	v58 =	vpack.i.f32.bf16 v58, v58;
	v57 =	vpack.i.f32.bf16 v57, v57;
	v59 =	vpack.i.f32.bf16 v59, v59  }
0x27f: {  	v61 =	vpack.i.f32.bf16 v61, v61;
	v38 =	vadd.bf16 v41, v42;
	v41 =	vld [tilespmem:s6+$0x130F0];
	v40 =	vadd.bf16 v45, v40  }
0x280: {  	v42 =	vpack.i.f32.bf16 v62, v62;
	v31 =	vpack.i.f32.bf16 v31, v31;
	v50 =	vadd.bf16 v52, v50;
	v52 =	vld [tilespmem:s6+$0x13150]  }
0x281: {  	v62 =	vld [tilespmem:s6+$0x13170];
	v26 =	vadd.bf16 v33, v26;
	v45 =	vadd.bf16 v11, v10;
	v35 =	vmul.bf16 v35, v42  }
0x282: {  	v33 =	vld [tilespmem:s6+$0x13190];
	v47 =	vadd.bf16 v48, v47;
	v28 =	vmul.bf16 v28, v31;
	v60 =	vmul.bf16 v60, v61  }
0x283: {  	v48 =	vld [tilespmem:s6+$0x13130];
	v38 =	vadd.bf16 v40, v38;
	v53 =	vmul.bf16 v53, v57;
	v55 =	vmul.bf16 v55, v58  }
0x284: {  	v40 =	vld [tilespmem:s6+$0x13250];
	v8 =	vadd.bf16 v45, v8;
	v56 =	vmul.bf16 v56, v59;
	v28 =	vadd.bf16 v28, v35  }
0x285: {  	v35 =	vmul.bf16 v63, v44;
	v63 =	vadd.bf16 v23, v30;
	v23 =	vld [tilespmem:s6+$0x131B0];
	v46 =	vadd.bf16 v55, v53  }
0x286: {  	v60 =	vadd.bf16 v60, v56;
	v37 =	vmul.bf16 v52, v51;
	v52 =	vadd.bf16 v50, v47;
	v56 =	vld [tilespmem:s6+$0x131F0]  }
0x287: {  	v44 =	vmul.bf16 v62, v54;
	v26 =	vadd.bf16 v28, v26;
	v62 =	vld [tilespmem:s6+$0x13210];
	v1 =	vadd.bf16 v63, v1  }
0x288: {  	v41 =	vmul.bf16 v41, v43;
	v63 =	vld [tilespmem:s6+$0x13230];
	v50 =	vadd.bf16 v17, v16;
	v51 =	vadd.bf16 v19, v18  }
0x289: {  	v53 =	vadd.bf16 v21, v20;
	v55 =	vadd.bf16 v34, v32;
	v30 =	vmul.bf16 v48, v49;
	v49 =	vld [tilespmem:s6+$0x131D0]  }
0x28a: {  	v33 =	vmul.bf16 v33, v57;
	v48 =	vadd.bf16 v15, v14;
	v60 =	vadd.bf16 v60, v46;
	v46 =	vld [tilespmem:s6+$0x13270]  }
0x28b: {  	v24 =	vadd.bf16 v52, v38;
	v54 =	vmul.bf16 v40, v42;
	v0 =	vadd.bf16 v0, v53  }
0x28c: {  	v23 =	vmul.bf16 v23, v58;
	v57 =	vadd.bf16 v30, v35;
	v58 =	vadd.bf16 v44, v37  }
0x28d: {  	v26 =	vadd.bf16 v26, v60;
	v60 =	vadd.bf16 v51, v50;
	v47 =	vmul.bf16 v56, v61  }
0x28e: {  	v52 =	vmul.bf16 v63, v39;
	v56 =	vadd.bf16 v41, v36;
	v25 =	vmul.bf16 v49, v59  }
0x28f: {  	v23 =	vadd.bf16 v23, v33;
	v49 =	vmul.bf16 v62, v27;
	v10 =	vmul.bf16 v46, v31  }
0x290: {  	v59 =	vadd.bf16 v48, v12;
	v11 =	vadd.bf16 v47, v25  }
0x291: {  	v14 =	vadd.bf16 v52, v49;
	v10 =	vadd.bf16 v10, v54  }
0x292: {  	v62 =	vadd.bf16 v58, v57;
	v61 =	vadd.bf16 v56, v55  }
0x293: {  	v11 =	vadd.bf16 v11, v23;
	v10 =	vadd.bf16 v10, v14  }
0x294: {  	v0 =	vadd.bf16 v0, v60;
	v8 =	vadd.bf16 v59, v8  }
0x295: {  	v63 =	vadd.bf16 v62, v61;
	v10 =	vadd.bf16 v10, v11  }
0x296: {  	p0 =	sne.s32 s22, $0x3800;
	v1 =	vadd.bf16 v2, v1;
	v2 =	vadd.bf16 v26, v24  }
.Ltmp4:
0x297: {  	v0 =	vadd.bf16 v0, v8;
	v8 =	vadd.bf16 v10, v63;
	(pc) =	sbr.rel @p0 .LBB2_12-.Ltmp4, $4  }
0x298: {  	v1 =	vadd.bf16 v2, v1  }
0x299: {  	v0 =	vadd.bf16 v8, v0  }
0x29a: {  	s16 =	sadd.s32 $0x10, s16;
	[tilespmem:s23+$0xFFFFFFF0] =	vst v1  }
0x29b: {  	s22 =	sadd.s32 $0x800, s22;
	s17 =	sadd.s32 $0x10, s17;
	[tilespmem:s23+$0x0] =	vst v0;
	s23 =	sadd.s32 $0x20, s23  }
0x29c: {  	s0 =	sadd.s32 $0x1, s0  }
0x29d: {  	p0 =	sne.s32 s0, $0x10  }
.Ltmp5:
0x29e: {  	_ = 	snop;
	(pc) =	sbr.rel @p0 .LBB2_5-.Ltmp5, $4  }
0x29f: {  	s1 =	sadd.s32 $0x200, s1;
	s10 =	sadd.s32 $0x200, s10;
	s12 =	sadd.s32 $0x400, s12  }
0x2a0: {  	s13 =	sadd.s32 $0x200, s13;
	s14 =	sadd.s32 $0x200, s14;
	s15 =	sadd.s32 $0x400, s15  }
0x2a1: {  	s5 =	sadd.s32 $0x200, s5;
	s4 =	sadd.s32 $0x200, s4;
	s18 =	sadd.s32 $0x400, s18  }
0x2a2: {  	s19 =	sadd.s32 $0x200, s19;
	s20 =	sadd.s32 $0x200, s20;
	s21 =	sadd.s32 $0x400, s21  }
0x2a3: {  	s0 =	sshll.u32 s8, $0x5;
	s2 =	sadd.s32 $0x1, s2  }
0x2a4: {  	s1 =	rddreg [dreg:$0x4];
	s31 =	simm.s32 $0x0;
	p0 =	sne.s32 s2, $0x10  }
.Ltmp6:
0x2a5: {  	s4 =	simm.s32 $0x14080;
	s0 =	sadd.s32 s1, s0;
	(pc) =	sbr.rel @p0 .LBB2_2-.Ltmp6, $4  }
0x2a6: {  	[hbm4b:s0+s31] =	stream.linear.scatter [tilespmem:s4], [sflag:$0x5], $0x4000, $0x38;
	[tilespmem:$0x18080] =	vst v63  }
0x2a7: {  	_ =	swait.ge [sflag:s9], $0x4000  }
0x2a8: {  	[sflag:s9] =	ssyncset.done $0x0  }
0x2a9: {  	[sflag:s9] =	ssyncadd.s32 $0xFFFFC000  }
0x2aa: {  	s1 =	rddreg [dreg:$0x6]  }
0x2ab: {  	s0 =	rddreg [dreg:$0x5];
	s1 =	sadd.s32 $0x1, s1  }
0x2ac: {  	p0 =	sne.s32 s1, s0  }
.Ltmp7:
0x2ad: {  	_ = 	snop;
	(pc) =	sbr.rel @p0 .LBB2_1-.Ltmp7, $1  }
0x2ae: {  	_ =	sdelay $0x3  }
0x2af: {  	_ =	sfence.sel $0x180000  }
0x2b0: {  	[bflag:$0x0] =	sbarrier.arrive $0xFFFF  }
0x2b1: {  	_ =	strace $0x9000004A  }
0x2b2: {  	s0 =	stileid.u32;
	[bflag:$0x2] =	sbarrier.arrive $0xFFFF  }
0x2b3: {  	p0 =	sne.s32 s0, $0x0;
	s0 =	rddreg [dreg:$0x1]  }
0x2b4: {  	s0 =	sadd.s32 @!p0 $0x100000, s0  }
0x2b5: {  	[sflag:s0] =	ssyncadd.tile.s32 @!p0 $0x1;
	_ =	shalt  }
.Lfunc_end2:
_tile_overlayer_lowered:
.L_overlay_start_2:
0x2b6: {  	(tag) =	ssettag $0x2  }
0x2b7: {  	s0 =	rddreg [dreg:$0x0];
	s2 =	stileid.u32  }
0x2b8: {  	s1 =	rddreg [dreg:$0x1];
	p0 =	sne.s32 s2, $0x0  }
0x2b9: {  	s3 =	rddreg [dreg:$0x2];
	[bflag:$0x3] =	sbarrier.arrive $0xFFFF;
	s2 =	simm.s32 @!p0 $0x1C05  }
0x2ba: {  	[timem:s3], [sflag:s2] =	dma.local @!p0 [hbm:s0], s1  }
0x2bb: {  	s0 =	simm.s32 @!p0 $0x5  }
0x2bc: {  	_ =	swait.ge @!p0 [sflag:s0], s1  }
0x2bd: {  	s1 =	ssub.s32 @!p0 $0x0, s1;
	[sflag:s0] =	ssyncset.done @!p0 $0x0  }
0x2be: {  	[sflag:s0] =	ssyncadd.s32 @!p0 s1  }
0x2bf: {  	[bflag:$0x3] =	sbarrier.arrive $0xFFFF  }
0x2c0: {  	_ =	shalt  }

// kernel: sparse-core-data-format-call.cloned.1.call-start
scs
called_computation_lowered:
.L_overlay_start_0:
0x0: {  	s2 =	sld [smem:$0x3FD9]  }
0x1: {  	s3 =	sld [smem:$0x3FFE];
	_ =	sdelay $0x1  }
0x2: {  	s1 =	srdreg.scid  }
0x3: {  	s0 =	sand.u32 $0x1, s1  }
0x4: {  	s18 =	sshll.u32 s0, $0xA;
	s2 =	sadd.s32 s3, s2  }
0x5: {  	s2 =	sadd.s32 s2, s18  }
0x6: {  	[smem:$0x3FBD] =	sst s2  }
0x7: {  	_ = 	snop  }
0x8: {  	s2 =	sld [smem:$0x3FD0];
	(tm) =	ssettm $0x1  }
0x9: {  	s19 =	sld [smem:$0x3FFB];
	_ =	sdelay $0x3  }
0xa: {  	_ =	strace s19  }
0xb: {  	s3 =	sld [smem:$0x3FFC];
	_ =	sdelay $0x3  }
0xc: {  	_ =	strace s3  }
0xd: {  	s3 =	sld [smem:$0x3FFD];
	_ =	sdelay $0x3  }
0xe: {  	_ =	strace s3  }
0xf: {  	_ =	strace $0x8FFFFFFF  }
0x10: {  	s20 =	sld [smem:$0x3FDB];
	_ =	sdelay $0x1  }
0x11: {  	s4 =	simm.s32 $_scs_section_size  }
0x12: {  	s5 =	simm.s32 $_size__tile_overlayer_lowered;
	s6 =	simm.s32 $_tile_overlayer_lowered  }
0x13: {  	s23 =	simm.s32 $0x1BFF;
	s22 =	sshll.u32 s6, $0x1;
	s3 =	sadd.s32 s4, s20  }
0x14: {  	s7 =	simm.s32 $0x0;
	s21 =	sshll.u32 s5, $0x1;
	s5 =	sadd.s32 s22, s3  }
0x15: {  	[timem:s7], [sflag:s23] =	dma.local [hbm:s5], s21  }
0x16: {  	_ =	swait.ge [sflag:s23], s21  }
0x17: {  	s4 =	ssub.s32 $0x0, s21;
	[sflag:s23] =	ssyncset.done $0x0  }
0x18: {  	[sflag:s23] =	ssyncadd.s32 s4;
	_ =	sdelay $0x1  }
0x19: {  	s24 =	simm.s32 $0x1B8B  }
0x1a: {  	_ =	swait.ge [sflag:s24], $0x1  }
0x1b: {  	[sflag:s24] =	ssyncset.done $0x0  }
0x1c: {  	s26 =	simm.s32 $0x1B8E;
	s25 =	sld [smem:$0x3FFE];
	[sflag:s24] =	ssyncadd.s32 $0xFFFFFFFF  }
0x1d: {  	s27 =	simm.s32 $execute0_lowered;
	[smem:$0x3FD2] =	sst s26  }
0x1e: {  	s5 =	sshll.u32 s27, $0x1;
	_ =	strace $0x80000046;
	[dreg:$0x1] =	wrdreg $0xFFFFFFFF  }
0x1f: {  	s28 =	simm.s32 $_size_execute0_lowered;
	s3 =	sadd.s32 s3, s5;
	[dreg:$0x0] =	wrdreg $0x0  }
0x20: {  	s5 =	sshll.u32 s28, $0x1;
	[dreg:$0x2] =	wrdreg s3  }
0x21: {  	[dreg:$0x3] =	wrdreg s5  }
0x22: {  	[dreg:$0x4] =	wrdreg $0xC0  }
0x23: {  	_ =	task [dreg:s7], $0x5FFFF  }
0x24: {  	[dreg:$0x1] =	wrdreg $0xFFFFFFFF  }
0x25: {  	[dreg:$0x0] =	wrdreg $0x60  }
0x26: {  	[dreg:$0x2] =	wrdreg s2  }
0x27: {  	[dreg:$0x3] =	wrdreg s25  }
0x28: {  	[dreg:$0x4] =	wrdreg $0x9  }
0x29: {  	_ =	task.clear_ibuf [dreg:s7], $0x5FFFF;
	_ =	strace $0x90000046  }
0x2a: {  	s29 =	simm.s32 $0x9;
	_ =	strace $0x80000048  }
0x2b: {  	_ =	swait.ge [sflag:s29], $0x1  }
0x2c: {  	[sflag:s29] =	ssyncadd.s32 $0xFFFFFFFF  }
0x2d: {  	_ =	strace $0x90000048  }
0x2e: {  	_ =	sfence  }
0x2f: {  	s30 =	sld [smem:$0x0];
	_ =	sdelay $0x2  }
0x30: {  	s31 =	sshll.u32 s1, $0xD;
	s1 =	sshrl.u32 s1, $0x2  }
0x31: {  	s3 =	sand.u32 $0x4000, s31;
	s1 =	sadd.s32 s1, s30  }
0x32: {  	s0 =	sor.u32 s3, s0;
	s1 =	sshll.u32 s1, $0x11  }
0x33: {  	s0 =	sor.u32 s1, s0  }
0x34: {  	s0 =	sadd.s32 $0x8F2B, s0  }
0x35: {  	[sflag:s0] =	ssyncadd.remote.s32 $0x1  }
0x36: {  	_ =	sfence.sel $0xFFFF  }
0x37: {  	[dreg:$0x0] =	wrdreg $0xFFFFFFFF;
	(pc) =	sbr.abs _section_cstart, $3  }
0x38: {  	[dreg:$0x1] =	wrdreg $0xFFFFFFFF  }
0x39: {  	_ =	task.clear_ibuf [dreg:s7], $0x2FFFF;
	_ =	strace $0x9FFFFFFF  }
0x3a: {  	(tm) =	ssettm $0x7FFFFFFF  }
0x3b: {  	_ =	shalt  }
tec
execute0_lowered:
.L_overlay_start_1:
0x0: {  	(tag) =	ssettag $0x1  }
0x1: {  	s0 =	srdreg.scid  }
0x2: {  	s1 =	sshll.u32 s0, $0x4  }
0x3: {  	s2 =	rddreg [dreg:$0x0];
	s0 =	stileid.u32;
	s1 =	sand.u32 $0x10, s1  }
0x4: {  	s4 =	rddreg [dreg:$0x1];
	s7 =	simm.s32 $0x1;
	s1 =	sor.u32 s0, s1  }
0x5: {  	s8 =	simm.s32 $0x2;
	s9 =	simm.s32 $0x0;
	s3 =	sshll.u32 s1, $0x3  }
0x6: {  	s12 =	simm.s32 $0x0;
	s11 =	simm.s32 $0x0;
	s6 =	ssub.s32 $0x1000, s3  }
.Ltmp0:
0x7: {  	s4 =	sadd.s32 $0x2000, s4;
	s5 =	sand.u32 $0xF8, s6;
	(pc) =	sbr.rel .LBB1_1-.Ltmp0, $4  }
0x8: {  	s1 =	rddreg [dreg:$0x2];
	_ =	strace $0x80000047;
	p0 =	sne.s32 s5, $0x0  }
0x9: {  	s6 =	sshrl.u32 s6, $0x8;
	s5 =	simm.s32 $0x1;
	s7 =	simm.s32 @!p0 $0x0  }
0xa: {  	s10 =	smov.u32 s3;
	[sflag:s5] =	ssyncpa.u1 $0x0;
	s6 =	sadd.s32 s7, s6  }
0xb: {  	[sflag:s8] =	ssyncpa.u1 $0x0;
	s8 =	simm.s32 $0x0;
	s7 =	sadd.s32 $0x1, s6  }
.LBB1_9:
0xc: {  	s14 =	sadd.s32 $0x100, s10  }
0xd: {  	p1 =	sgt.s32 s14, $0xFFF  }
0xe: {  	s14 =	smov.u32 @p1 s3;
	p1 =	sne.s32 s11, s7  }
.Ltmp1:
0xf: {  	p0 =	slt.u32 s11, $0x2;
	(pc) =	sbr.rel @!p1 .LBB1_10-.Ltmp1, $4  }
0x10: {  	s13 =	simm.s32 @!p0 $0x2  }
0x11: {  	s15 =	sadd.s32 $0x1, s11;
	_ =	swait.ge @!p0 [sflag:s13], $0x4000  }
0x12: {  	s12 =	smov.u32 s10;
	s9 =	sadd.s32 $0x4000, s9;
	[sflag:s13] =	ssyncset.done @!p0 $0x0  }
0x13: {  	s11 =	smov.u32 s15;
	s10 =	smov.u32 s14;
	[sflag:s13] =	ssyncadd.s32 @!p0 $0xFFFFC000  }
.LBB1_1:
0x14: {  	p0 =	sge.u32 s11, s6  }
0x15: {  	s13 =	sxor.u32 @!p0 $0xFFFFFFFF, s11  }
0x16: {  	s31 =	sadd.s32 $0xFFFFFFFF, s11;
	s14 =	sshll.u32 @!p0 s10, $0x8;
	s13 =	sshll.u32 @!p0 s13, $0xE  }
0x17: {  	s15 =	simm.s32 @!p0 $0x0;
	s14 =	sadd.s32 @!p0 s2, s14;
	s13 =	sand.u32 @!p0 $0x4000, s13  }
0x18: {  	[tilespmem:s13], [sflag:$0x1] =	stream.linear.gather @!p0 [hbm4b:s14+s15], $0x4000, $0x38;
	[tilespmem:$0x10000] =	vst v63  }
0x19: {  	p0 =	sge.u32 s31, s6  }
.Ltmp2:
0x1a: {  	_ = 	snop;
	(pc) =	sbr.rel @p0 .LBB1_9-.Ltmp2, $1  }
0x1b: {  	_ =	sdelay $0x3  }
0x1c: {  	s13 =	sshll.u32 s9, $0x2;
	_ =	swait.ge [sflag:s5], $0x4000;
	s14 =	sshll.u32 s11, $0xE  }
0x1d: {  	s16 =	simm.s32 $0x0;
	s17 =	simm.s32 $0x0;
	s15 =	sand.u32 $0x10000, s13  }
0x1e: {  	[sflag:s5] =	ssyncset.done $0x0;
	s31 =	sand.u32 $0x4000, s14;
	s14 =	sshrl.u32 s15, $0x2  }
0x1f: {  	[sflag:s5] =	ssyncadd.s32 $0xFFFFC000;
	s13 =	sor.u32 $0x8000, s31;
	s15 =	sor.u32 $0x8000, s14  }
.LBB1_3:
0x20: {  	s18 =	sshra.s32 s16, $0x2  }
0x21: {  	v0 =	vmov s18;
	_ =	sdelay $0x3  }
0x22: {  	p1 =	por $0x1, $0x1;
	s18 =	simm.s32 $0x0  }
.LBB1_4:
0x23: {  	_ = 	snop  }
0x24: {  	s19 =	sshll.u32 s18, $0xA  }
0x25: {  	s19 =	sand.u32 $0x3FFFFC00, s19  }
0x26: {  	s19 =	sadd.s32 s19, s14  }
0x27: {  	v5 =	vld.idx.msk [tilespmem:v0+s19+$0x70 ss:$0x1], $0xffff  }
0x28: {  	v6 =	vld.idx.msk [tilespmem:v0+s19+$0x10 ss:$0x1], $0xffff  }
0x29: {  	v7 =	vld.idx.msk [tilespmem:v0+s19+$0x20 ss:$0x1], $0xffff  }
0x2a: {  	s31 =	sshll.u32 s18, $0x7;
	v1 =	vld.idx.msk [tilespmem:v0+s19+$0x30 ss:$0x1], $0xffff  }
0x2b: {  	s18 =	sand.u32 $0x3FFFFF80, s31;
	v2 =	vld.idx.msk [tilespmem:v0+s19+$0x40 ss:$0x1], $0xffff  }
0x2c: {  	s18 =	sadd.s32 s18, s15;
	v3 =	vld.idx.msk [tilespmem:v0+s19+$0x50 ss:$0x1], $0xffff  }
0x2d: {  	v4 =	vld.idx.msk [tilespmem:v0+s19+$0x60 ss:$0x1], $0xffff;
	[tilespmem:v0+s18+$0x70 ss:$0x1] =	vst.idx.msk $0xffff, v5  }
0x2e: {  	v5 =	vld.idx.msk [tilespmem:v0+s19+$0x0 ss:$0x1], $0xffff;
	[tilespmem:v0+s18+$0x10 ss:$0x1] =	vst.idx.msk $0xffff, v6;
	s19 =	sadd.s32 $0x80, s19  }
0x2f: {  	p0 =	por p1, p1;
	s20 =	simm.s32 $0x6;
	[tilespmem:v0+s18+$0x20 ss:$0x1] =	vst.idx.msk $0xffff, v7;
	v6 =	vld.idx.msk [tilespmem:v0+s19+$0x70 ss:$0x1], $0xffff  }
.LBB1_5:
0x30: {  	p1 =	sne.s32 s20, $0x1;
	v7 =	vld.idx.msk [tilespmem:v0+s19+$0x10 ss:$0x1], $0xffff;
	[tilespmem:v0+s18+$0x30 ss:$0x1] =	vst.idx.msk $0xffff, v1  }
0x31: {  	v8 =	vld.idx.msk [tilespmem:v0+s19+$0x20 ss:$0x1], $0xffff;
	[tilespmem:v0+s18+$0x40 ss:$0x1] =	vst.idx.msk $0xffff, v2  }
0x32: {  	v1 =	vld.idx.msk [tilespmem:v0+s19+$0x30 ss:$0x1], $0xffff;
	[tilespmem:v0+s18+$0x50 ss:$0x1] =	vst.idx.msk $0xffff, v3  }
.Ltmp3:
0x33: {  	v2 =	vld.idx.msk [tilespmem:v0+s19+$0x40 ss:$0x1], $0xffff;
	[tilespmem:v0+s18+$0x60 ss:$0x1] =	vst.idx.msk $0xffff, v4;
	(pc) =	sbr.rel @p1 .LBB1_5-.Ltmp3, $4  }
0x34: {  	v3 =	vld.idx.msk [tilespmem:v0+s19+$0x50 ss:$0x1], $0xffff;
	[tilespmem:v0+s18+$0x0 ss:$0x1] =	vst.idx.msk $0xffff, v5;
	s18 =	sadd.s32 $0x100, s18  }
0x35: {  	v4 =	vld.idx.msk [tilespmem:v0+s19+$0x60 ss:$0x1], $0xffff;
	[tilespmem:v0+s18+$0x70 ss:$0x1] =	vst.idx.msk $0xffff, v6  }
0x36: {  	v5 =	vld.idx.msk [tilespmem:v0+s19+$0x0 ss:$0x1], $0xffff;
	[tilespmem:v0+s18+$0x10 ss:$0x1] =	vst.idx.msk $0xffff, v7;
	s19 =	sadd.s32 $0x80, s19  }
0x37: {  	s20 =	sadd.s32 $0xFFFFFFFF, s20;
	v6 =	vld.idx.msk [tilespmem:v0+s19+$0x70 ss:$0x1], $0xffff;
	[tilespmem:v0+s18+$0x20 ss:$0x1] =	vst.idx.msk $0xffff, v8  }
0x38: {  	_ =	sdelay $0x3  }
0x39: {  	[tilespmem:v0+s18+$0x30 ss:$0x1] =	vst.idx.msk $0xffff, v1  }
0x3a: {  	v1 =	vld.idx.msk [tilespmem:v0+s19+$0x10 ss:$0x1], $0xffff;
	[tilespmem:v0+s18+$0x40 ss:$0x1] =	vst.idx.msk $0xffff, v2  }
0x3b: {  	v2 =	vld.idx.msk [tilespmem:v0+s19+$0x20 ss:$0x1], $0xffff;
	[tilespmem:v0+s18+$0x50 ss:$0x1] =	vst.idx.msk $0xffff, v3  }
0x3c: {  	v61 =	vld.idx.msk [tilespmem:v0+s19+$0x40 ss:$0x1], $0xffff;
	[tilespmem:v0+s18+$0x60 ss:$0x1] =	vst.idx.msk $0xffff, v4  }
0x3d: {  	s31 =	sadd.s32 $0x100, s18;
	v62 =	vld.idx.msk [tilespmem:v0+s19+$0x50 ss:$0x1], $0xffff;
	[tilespmem:v0+s18+$0x0 ss:$0x1] =	vst.idx.msk $0xffff, v5  }
0x3e: {  	v63 =	vld.idx.msk [tilespmem:v0+s19+$0x60 ss:$0x1], $0xffff;
	[tilespmem:v0+s31+$0x70 ss:$0x1] =	vst.idx.msk $0xffff, v6  }
0x3f: {  	v3 =	vld.idx.msk [tilespmem:v0+s19+$0x30 ss:$0x1], $0xffff;
	[tilespmem:v0+s31+$0x10 ss:$0x1] =	vst.idx.msk $0xffff, v1  }
0x40: {  	v1 =	vld.idx.msk [tilespmem:v0+s19+$0x0 ss:$0x1], $0xffff;
	[tilespmem:v0+s31+$0x20 ss:$0x1] =	vst.idx.msk $0xffff, v2  }
.Ltmp4:
0x41: {  	[tilespmem:v0+s31+$0x40 ss:$0x1] =	vst.idx.msk $0xffff, v61;
	(pc) =	sbr.rel @p0 .LBB1_4-.Ltmp4, $4  }
0x42: {  	[tilespmem:v0+s31+$0x50 ss:$0x1] =	vst.idx.msk $0xffff, v62  }
0x43: {  	[tilespmem:v0+s31+$0x60 ss:$0x1] =	vst.idx.msk $0xffff, v63  }
0x44: {  	[tilespmem:v0+s31+$0x30 ss:$0x1] =	vst.idx.msk $0xffff, v3  }
0x45: {  	p1 =	por $0x0, $0x0;
	s18 =	simm.s32 $0x1;
	[tilespmem:v0+s31+$0x0 ss:$0x1] =	vst.idx.msk $0xffff, v1  }
0x46: {  	s17 =	sadd.s32 $0x1, s17  }
0x47: {  	p0 =	sne.s32 s17, $0x8  }
.Ltmp5:
0x48: {  	_ = 	snop;
	(pc) =	sbr.rel @p0 .LBB1_3-.Ltmp5, $2  }
0x49: {  	_ =	sdelay $0x2  }
0x4a: {  	s16 =	sadd.s32 $0x2000, s16  }
.Ltmp6:
0x4b: {  	(pc) =	sbr.rel .LBB1_9-.Ltmp6, $4  }
0x4c: {  	_ = 	snop  }
0x4d: {  	s12 =	sshll.u32 s12, $0x8  }
0x4e: {  	s12 =	sadd.s32 s4, s12  }
0x4f: {  	[hbm4b:s12+s8] =	stream.linear.scatter [tilespmem:s13], [sflag:$0x2], $0x4000, $0x38;
	[tilespmem:$0x10000] =	vst v63  }
.LBB1_10:
0x50: {  	_ =	sfence.sel $0x180000  }
0x51: {  	s2 =	simm.s32 $0x1;
	[bflag:$0x0] =	sbarrier.arrive $0xFFFF  }
0x52: {  	s31 =	simm.s32 $0x2;
	[sflag:s2] =	ssyncpa.u1 $0x1  }
0x53: {  	[sflag:s31] =	ssyncpa.u1 $0x1  }
0x54: {  	p0 =	sne.s32 s0, $0x0;
	_ =	strace $0x90000047  }
0x55: {  	s0 =	sadd.s32 @!p0 $0x100000, s1;
	[bflag:$0x2] =	sbarrier.arrive $0xFFFF  }
0x56: {  	[sflag:s0] =	ssyncadd.tile.s32 @!p0 $0x1;
	_ =	shalt  }
.Lfunc_end1:
_tile_overlayer_lowered:
.L_overlay_start_2:
0x57: {  	(tag) =	ssettag $0x2  }
0x58: {  	s0 =	rddreg [dreg:$0x0];
	s2 =	stileid.u32  }
0x59: {  	s1 =	rddreg [dreg:$0x1];
	p0 =	sne.s32 s2, $0x0  }
0x5a: {  	s3 =	rddreg [dreg:$0x2];
	[bflag:$0x3] =	sbarrier.arrive $0xFFFF;
	s2 =	simm.s32 @!p0 $0x1C01  }
0x5b: {  	[timem:s3], [sflag:s2] =	dma.local @!p0 [hbm:s0], s1  }
0x5c: {  	s0 =	simm.s32 @!p0 $0x1  }
0x5d: {  	_ =	swait.ge @!p0 [sflag:s0], s1  }
0x5e: {  	s1 =	ssub.s32 @!p0 $0x0, s1;
	[sflag:s0] =	ssyncset.done @!p0 $0x0  }
0x5f: {  	[sflag:s0] =	ssyncadd.s32 @!p0 s1  }
0x60: {  	[bflag:$0x3] =	sbarrier.arrive $0xFFFF  }
0x61: {  	_ =	shalt  }

</sc_bundles>
